<compile_context>
chip_gen: v7x
topology: tpu7x:2x2x1
jax: 0.10.2.dev20260603
libtpu: 0.0.44.dev20260713+nightly
codegen_flags: <defaults>
</compile_context>

<pallas_src>
import functools

import jax
import jax.numpy as jnp
from jax import lax
from jax.experimental import pallas as pl
from jax.experimental.pallas import tpu as pltpu
from jax.experimental.pallas import tpu_sc as plsc

VOCAB = 1_000_000
EMBED_DIM = 32
NBUF = 2
LANE = 16


@functools.lru_cache(maxsize=None)
def _build_fmt(vocab_pad: int):
    info = plsc.get_sparse_core_info()
    nc, ns = info.num_cores, info.num_subcores
    nw = nc * ns
    nj = vocab_pad // 128
    ncomp8 = EMBED_DIM // 8
    jblk = 4
    nbuf = 3
    nfetch = -(-(-(-nj // jblk)) // nw)
    nfetch += (-nfetch) % nbuf
    n_groups = nfetch // nbuf
    toks = jblk * 128

    mesh = plsc.VectorSubcoreMesh(core_axis_name="c", subcore_axis_name="s")

    @functools.partial(
        pl.kernel,
        mesh=mesh,
        out_type=jax.ShapeDtypeStruct((vocab_pad, EMBED_DIM), jnp.float32),
        scratch_types=[
            pltpu.VMEM((nbuf, ncomp8, jblk + 1, 8, 129), jnp.float32),
            pltpu.VMEM((nbuf, toks, EMBED_DIM), jnp.float32),
            pltpu.SemaphoreType.DMA((nbuf,)),
            pltpu.SemaphoreType.DMA((nbuf,)),
        ],
        compiler_params=pltpu.CompilerParams(
            use_tc_tiling_on_sc=False, needs_layout_passes=False),
    )
    def fmt(w4_hbm, out_hbm, bin_v, obuf, isem, osem):
        wid = lax.axis_index("s") * nc + lax.axis_index("c")
        iota16 = jax.lax.iota(jnp.int32, LANE)

        def j_of(i):
            return jnp.minimum((wid * nfetch + i) * jblk, nj - jblk)

        def fetch(i, slot):
            return pltpu.make_async_copy(
                w4_hbm.at[:, pl.ds(j_of(i), jblk)],
                bin_v.at[slot, :, pl.ds(0, jblk), :, pl.ds(0, 128)],
                isem.at[slot])

        def writeback(i, slot):
            return pltpu.make_async_copy(
                obuf.at[slot],
                out_hbm.at[pl.ds(j_of(i) * 128, toks)],
                osem.at[slot])

        s_vec = iota16 % 8
        a_vecs = [iota16 // 8 + 2 * half for half in range(2)]

        def transpose(slot):
            src = bin_v.at[slot]

            @plsc.parallel_loop(0, toks, 1, unroll=8)
            def _(t):
                jl_vec = jnp.full((LANE,), t // 128, jnp.int32)
                l_vec = jnp.full((LANE,), t % 128, jnp.int32)
                for half in range(2):
                    vals = plsc.load_gather(
                        src, [a_vecs[half], jl_vec, s_vec, l_vec])
                    obuf[slot, t, pl.ds(half * LANE, LANE)] = vals

        for slot in range(nbuf):
            fetch(slot, slot).start()

        def group(g, _):
            for slot in range(nbuf):
                i = g * nbuf + slot
                fetch(i, slot).wait()

                @pl.when(i >= nbuf)
                def _():
                    writeback(i, slot).wait()

                transpose(slot)
                fetch(i + nbuf, slot).start()
                writeback(i, slot).start()
            return 0

        lax.fori_loop(0, n_groups - 1, group, 0)

        for slot in range(nbuf):
            i = (n_groups - 1) * nbuf + slot
            fetch(i, slot).wait()
            writeback(i, slot).wait()
            transpose(slot)
            writeback(i, slot).start()
        for slot in range(nbuf):
            writeback(0, slot).wait()

    return fmt


@functools.lru_cache(maxsize=None)
def _build(batch: int, hist: int, vocab_pad: int):
    info = plsc.get_sparse_core_info()
    nc, ns = info.num_cores, info.num_subcores
    nw = nc * ns
    bpw = batch // nw
    assert batch % (nw * 128) == 0 and bpw % 128 == 0
    ntile = bpw // 128
    ncomp8 = EMBED_DIM // 8
    nblk = bpw // LANE
    assert hist % NBUF == 0
    n_groups = hist // NBUF

    mesh = plsc.VectorSubcoreMesh(core_axis_name="c", subcore_axis_name="s")

    @functools.partial(
        pl.kernel,
        mesh=mesh,
        out_type=jax.ShapeDtypeStruct(
            (hist, ncomp8, batch // 128, 8, 128), jnp.float32),
        scratch_types=[
            pltpu.VMEM((hist, bpw), jnp.int32),
            pltpu.VMEM((NBUF, bpw, EMBED_DIM), jnp.float32),
            pltpu.VMEM((NBUF, ncomp8, ntile + 1, 8, 129), jnp.float32),
            pltpu.SemaphoreType.DMA((NBUF,)),
            pltpu.SemaphoreType.DMA((NBUF,)),
        ],
        compiler_params=pltpu.CompilerParams(
            use_tc_tiling_on_sc=False, needs_layout_passes=False),
    )
    def grab(table_hbm, idxt_hbm, out_hbm, idx_v, rows_v, tbuf, gsem, osem):
        wid = lax.axis_index("s") * nc + lax.axis_index("c")
        b0 = wid * bpw
        bj0 = wid * ntile
        pltpu.sync_copy(idxt_hbm.at[:, pl.ds(b0, bpw)], idx_v)

        def gather(h, slot):
            return pltpu.make_async_copy(
                table_hbm.at[idx_v.at[h]], rows_v.at[slot], gsem.at[slot])

        def writeback(h, slot):
            return pltpu.make_async_copy(
                tbuf.at[slot, :, pl.ds(0, ntile), :, pl.ds(0, 128)],
                out_hbm.at[h, :, pl.ds(bj0, ntile)],
                osem.at[slot])

        iota16 = jax.lax.iota(jnp.int32, LANE)
        cs_vec = iota16 % 8
        c8_vecs = [iota16 // 8 + 2 * half for half in range(2)]

        def transpose(slot):
            rows = rows_v.at[slot]
            tb = tbuf.at[slot]

            @plsc.parallel_loop(0, bpw, 1, unroll=8)
            def _(t):
                bjj_vec = jnp.full((LANE,), t // 128, jnp.int32)
                bl_vec = jnp.full((LANE,), t % 128, jnp.int32)
                for half in range(2):
                    vals = rows[t, pl.ds(half * LANE, LANE)]
                    plsc.store_scatter(
                        tb, [c8_vecs[half], bjj_vec, cs_vec, bl_vec], vals)

        for slot in range(NBUF):
            gather(slot, slot).start()

        def group(g, _):
            for slot in range(NBUF):
                h = g * NBUF + slot
                gather(h, slot).wait()

                @pl.when(h >= NBUF)
                def _():
                    writeback(h, slot).wait()

                transpose(slot)
                gather(h + NBUF, slot).start()
                writeback(h, slot).start()
            return 0

        lax.fori_loop(0, n_groups - 1, group, 0)

        for slot in range(NBUF):
            h = (n_groups - 1) * NBUF + slot
            gather(h, slot).wait()
            writeback(h, slot).wait()
            transpose(slot)
            writeback(h, slot).start()
        for slot in range(NBUF):
            writeback(0, slot).wait()

    return grab


def kernel(input, weight):
    b, h = input.shape
    vocab, d = weight.shape
    vocab_pad = -(-vocab // 128) * 128
    nj = vocab_pad // 128
    w4 = jnp.pad(weight, ((0, vocab_pad - vocab), (0, 0))).T.reshape(
        d // 8, 8, nj, 128).transpose(0, 2, 1, 3)
    wfmt = _build_fmt(vocab_pad)(w4)
    out5 = _build(b, h, vocab_pad)(wfmt, input.astype(jnp.int32).T)
    out = out5.transpose(2, 4, 0, 1, 3).reshape(b, h, EMBED_DIM)
    return out

# --- scband reference (transcript-rebuilt; emitter-appended) ---
"""Pipeline reference for scband-embedding-layer-44521630990885 (READ-ONLY COPY).

The authoritative reference and input builder live on the scoring server;
editing this copy changes nothing except your own understanding.
"""

import jax, jax.numpy as jnp
import numpy as np

VOCAB = 1000000
EMBED_DIM = 32
BATCH = 16384
HIST_LEN = 50

def setup_inputs(seed: int = 0) -> dict:
    key = jax.random.key(seed)
    k_idx, k_w = jax.random.split(key)
    input_ids = jax.random.randint(k_idx, (BATCH, HIST_LEN), 0, VOCAB, dtype=jnp.int64 if jax.config.jax_enable_x64 else jnp.int32)
    weight = jax.random.normal(k_w, (VOCAB, EMBED_DIM), dtype=jnp.float32) * 0.02
    return {"input": input_ids, "weight": weight}

def reference(input, weight):
    # Faithful translation of F.embedding(input, self.weight)
    return jnp.take(weight, input, axis=0)

if __name__ == "__main__":
    import jax
    _d = setup_inputs()
    print(jax.jit(kernel)(*tuple(_d.values())))

</pallas_src>

<mosaic_0001>
#map = affine_map<(d0, d1) -> (0, 0, 0, 0)>
#map1 = affine_map<(d0, d1) -> (0, 0)>
module attributes {stable_mosaic.version = 14 : i64} {
  func.func @fmt(%arg0: i32, %arg1: i32, %arg2: memref<4x7813x8x128xf32, #tpu.memory_space<hbm>>, %arg3: memref<1000064x32xf32, #tpu.memory_space<hbm>>, %arg4: memref<3x4x5x8x129xf32, #tpu.memory_space<vmem>>, %arg5: memref<3x512x32xf32, #tpu.memory_space<vmem>>, %arg6: memref<3x!tpu.dma_semaphore, #tpu.memory_space<semaphore_mem>>, %arg7: memref<3x!tpu.dma_semaphore, #tpu.memory_space<semaphore_mem>>) attributes {dimension_semantics = [#tpu.dimension_semantics<core_parallel>, #tpu.dimension_semantics<subcore_parallel>], iteration_bounds = array<i64: 2, 16>, scalar_prefetch = 0 : i64, scratch_operands = 4 : i64, tpu.core_type = #tpu.core_type<sc_vector_subcore>, window_params = [{transform_indices = #map}, {transform_indices = #map1}]} {
    %mul3A = arith.constant 2 : i32
    %mul3A_0 = arith.muli %arg1, %mul3A : i32
    %add3A = arith.addi %mul3A_0, %arg0 : i32
    %iota3A = tpu.iota {dimensions = array<i32: 0>} : vector<16xi32>
    %jit3A = arith.constant 8 : i32
    %eq3A = arith.constant 0 : i32
    %eq3A_1 = arith.cmpi eq, %jit3A, %eq3A : i32
    %jit3A_2 = arith.constant 1 : i32
    %select_n3A = arith.select %eq3A_1, %jit3A_2, %jit3A : i32
    %rem3A = vector.broadcast %select_n3A : i32 to vector<16xi32>
    %rem3A_3 = arith.remsi %iota3A, %rem3A : vector<16xi32>
    %ne3A = arith.constant 0 : i32
    %ne3A_4 = vector.broadcast %ne3A : i32 to vector<16xi32>
    %ne3A_5 = arith.cmpi ne, %rem3A_3, %ne3A_4 : vector<16xi32>
    %lt3A = arith.constant 0 : i32
    %lt3A_6 = vector.broadcast %lt3A : i32 to vector<16xi32>
    %lt3A_7 = arith.cmpi slt, %rem3A_3, %lt3A_6 : vector<16xi32>
    %lt3A_8 = arith.constant 0 : i32
    %lt3A_9 = arith.cmpi slt, %select_n3A, %lt3A_8 : i32
    %ne3A_10 = vector.broadcast %lt3A_9 : i1 to vector<16xi1>
    %ne3A_11 = vector.broadcast %ne3A_10 : vector<16xi1> to vector<16xi1>
    %ne3A_12 = arith.xori %lt3A_7, %ne3A_11 : vector<16xi1>
    %and3A = arith.andi %ne3A_12, %ne3A_5 : vector<16xi1>
    %add3A_13 = vector.broadcast %select_n3A : i32 to vector<16xi32>
    %add3A_14 = arith.addi %rem3A_3, %add3A_13 : vector<16xi32>
    %select_n3A_15 = arith.select %and3A, %add3A_14, %rem3A_3 : vector<16xi1>, vector<16xi32>
    %jit3A_16 = arith.constant 8 : i32
    %div3A = vector.broadcast %jit3A_16 : i32 to vector<16xi32>
    %div3A_17 = arith.divsi %iota3A, %div3A : vector<16xi32>
    %sign3A = arith.constant 0 : i32
    %sign3A_18 = vector.broadcast %sign3A : i32 to vector<16xi32>
    %sign3A_19 = arith.cmpi sgt, %iota3A, %sign3A_18 : vector<16xi32>
    %sign3A_20 = arith.extui %sign3A_19 : vector<16xi1> to vector<16xi32>
    %sign3A_21 = arith.constant 0 : i32
    %sign3A_22 = vector.broadcast %sign3A_21 : i32 to vector<16xi32>
    %sign3A_23 = arith.cmpi slt, %iota3A, %sign3A_22 : vector<16xi32>
    %sign3A_24 = arith.extui %sign3A_23 : vector<16xi1> to vector<16xi32>
    %sign3A_25 = arith.subi %sign3A_20, %sign3A_24 : vector<16xi32>
    %sign3A_26 = arith.constant 0 : i32
    %sign3A_27 = arith.cmpi sgt, %jit3A_16, %sign3A_26 : i32
    %sign3A_28 = arith.extui %sign3A_27 : i1 to i32
    %sign3A_29 = arith.constant 0 : i32
    %sign3A_30 = arith.cmpi slt, %jit3A_16, %sign3A_29 : i32
    %sign3A_31 = arith.extui %sign3A_30 : i1 to i32
    %sign3A_32 = arith.subi %sign3A_28, %sign3A_31 : i32
    %ne3A_33 = vector.broadcast %sign3A_32 : i32 to vector<16xi32>
    %ne3A_34 = arith.cmpi ne, %sign3A_25, %ne3A_33 : vector<16xi32>
    %rem3A_35 = vector.broadcast %jit3A_16 : i32 to vector<16xi32>
    %rem3A_36 = arith.remsi %iota3A, %rem3A_35 : vector<16xi32>
    %ne3A_37 = arith.constant 0 : i32
    %ne3A_38 = vector.broadcast %ne3A_37 : i32 to vector<16xi32>
    %ne3A_39 = arith.cmpi ne, %rem3A_36, %ne3A_38 : vector<16xi32>
    %and3A_40 = arith.andi %ne3A_34, %ne3A_39 : vector<16xi1>
    %sub3A = arith.constant 1 : i32
    %sub3A_41 = vector.broadcast %sub3A : i32 to vector<16xi32>
    %sub3A_42 = arith.subi %div3A_17, %sub3A_41 : vector<16xi32>
    %select_n3A_43 = arith.select %and3A_40, %sub3A_42, %div3A_17 : vector<16xi1>, vector<16xi32>
    %add3A_44 = arith.constant 0 : i32
    %add3A_45 = vector.broadcast %add3A_44 : i32 to vector<16xi32>
    %add3A_46 = arith.addi %select_n3A_43, %add3A_45 : vector<16xi32>
    %jit3A_47 = arith.constant 8 : i32
    %div3A_48 = vector.broadcast %jit3A_47 : i32 to vector<16xi32>
    %div3A_49 = arith.divsi %iota3A, %div3A_48 : vector<16xi32>
    %sign3A_50 = arith.constant 0 : i32
    %sign3A_51 = vector.broadcast %sign3A_50 : i32 to vector<16xi32>
    %sign3A_52 = arith.cmpi sgt, %iota3A, %sign3A_51 : vector<16xi32>
    %sign3A_53 = arith.extui %sign3A_52 : vector<16xi1> to vector<16xi32>
    %sign3A_54 = arith.constant 0 : i32
    %sign3A_55 = vector.broadcast %sign3A_54 : i32 to vector<16xi32>
    %sign3A_56 = arith.cmpi slt, %iota3A, %sign3A_55 : vector<16xi32>
    %sign3A_57 = arith.extui %sign3A_56 : vector<16xi1> to vector<16xi32>
    %sign3A_58 = arith.subi %sign3A_53, %sign3A_57 : vector<16xi32>
    %sign3A_59 = arith.constant 0 : i32
    %sign3A_60 = arith.cmpi sgt, %jit3A_47, %sign3A_59 : i32
    %sign3A_61 = arith.extui %sign3A_60 : i1 to i32
    %sign3A_62 = arith.constant 0 : i32
    %sign3A_63 = arith.cmpi slt, %jit3A_47, %sign3A_62 : i32
    %sign3A_64 = arith.extui %sign3A_63 : i1 to i32
    %sign3A_65 = arith.subi %sign3A_61, %sign3A_64 : i32
    %ne3A_66 = vector.broadcast %sign3A_65 : i32 to vector<16xi32>
    %ne3A_67 = arith.cmpi ne, %sign3A_58, %ne3A_66 : vector<16xi32>
    %rem3A_68 = vector.broadcast %jit3A_47 : i32 to vector<16xi32>
    %rem3A_69 = arith.remsi %iota3A, %rem3A_68 : vector<16xi32>
    %ne3A_70 = arith.constant 0 : i32
    %ne3A_71 = vector.broadcast %ne3A_70 : i32 to vector<16xi32>
    %ne3A_72 = arith.cmpi ne, %rem3A_69, %ne3A_71 : vector<16xi32>
    %and3A_73 = arith.andi %ne3A_67, %ne3A_72 : vector<16xi1>
    %sub3A_74 = arith.constant 1 : i32
    %sub3A_75 = vector.broadcast %sub3A_74 : i32 to vector<16xi32>
    %sub3A_76 = arith.subi %div3A_49, %sub3A_75 : vector<16xi32>
    %select_n3A_77 = arith.select %and3A_73, %sub3A_76, %div3A_49 : vector<16xi1>, vector<16xi32>
    %add3A_78 = arith.constant 2 : i32
    %add3A_79 = vector.broadcast %add3A_78 : i32 to vector<16xi32>
    %add3A_80 = arith.addi %select_n3A_77, %add3A_79 : vector<16xi32>
    %mul3A_81 = arith.constant 63 : i32
    %mul3A_82 = arith.muli %add3A, %mul3A_81 : i32
    %add3A_83 = arith.constant 0 : i32
    %add3A_84 = arith.addi %mul3A_82, %add3A_83 : i32
    %mul3A_85 = arith.constant 4 : i32
    %mul3A_86 = arith.muli %add3A_84, %mul3A_85 : i32
    %min3A = arith.constant 7809 : i32
    %min3A_87 = arith.minsi %mul3A_86, %min3A : i32
    %dma_start3A = arith.constant 0 : i32
    %dma_start3A_88 = arith.constant 0 : i32
    %dma_start3A_89 = arith.constant 0 : i32
    %dma_start3A_90 = arith.constant 0 : i32
    %dma_start3A_91 = arith.constant 0 : i32
    %dma_start3A_92 = arith.constant 0 : i32
    %dma_start3A_93 = tpu.memref_slice %arg4[%dma_start3A, %dma_start3A_89, %dma_start3A_90, %dma_start3A_91, %dma_start3A_92] : memref<3x4x5x8x129xf32, #tpu.memory_space<vmem>> -> memref<1x4x4x8x128xf32, #tpu.memory_space<vmem>>
    %dma_start3A_94 = tpu.memref_squeeze %dma_start3A_93 : memref<1x4x4x8x128xf32, #tpu.memory_space<vmem>> -> memref<4x4x8x128xf32, #tpu.memory_space<vmem>>
    %dma_start3A_95 = arith.constant 0 : i32
    %dma_start3A_96 = arith.constant 0 : i32
    %dma_start3A_97 = arith.constant 0 : i32
    %dma_start3A_98 = tpu.memref_slice %arg2[%dma_start3A_95, %min3A_87, %dma_start3A_96, %dma_start3A_97] : memref<4x7813x8x128xf32, #tpu.memory_space<hbm>> -> memref<4x4x8x128xf32, #tpu.memory_space<hbm>>
    %dma_start3A_99 = tpu.memref_slice %arg6[%dma_start3A_88] : memref<3x!tpu.dma_semaphore, #tpu.memory_space<semaphore_mem>> -> memref<1x!tpu.dma_semaphore, #tpu.memory_space<semaphore_mem>>
    %dma_start3A_100 = tpu.memref_squeeze %dma_start3A_99 : memref<1x!tpu.dma_semaphore, #tpu.memory_space<semaphore_mem>> -> memref<!tpu.dma_semaphore, #tpu.memory_space<semaphore_mem>>
    %dma_start3A_101 = arith.constant 0 : i32
    %dma_start3A_102 = arith.constant 0 : i32
    %dma_start3A_103 = arith.constant 0 : i32
    %dma_start3A_104 = arith.constant 0 : i32
    %dma_start3A_105 = tpu.memref_slice %arg4[%dma_start3A, %dma_start3A_101, %dma_start3A_102, %dma_start3A_103, %dma_start3A_104] : memref<3x4x5x8x129xf32, #tpu.memory_space<vmem>> -> memref<1x4x4x8x128xf32, #tpu.memory_space<vmem>>
    %dma_start3A_106 = tpu.memref_squeeze %dma_start3A_105 : memref<1x4x4x8x128xf32, #tpu.memory_space<vmem>> -> memref<4x4x8x128xf32, #tpu.memory_space<vmem>>
    %dma_start3A_107 = arith.constant 0 : i32
    %dma_start3A_108 = arith.constant 0 : i32
    %dma_start3A_109 = arith.constant 0 : i32
    %dma_start3A_110 = tpu.memref_slice %arg2[%dma_start3A_107, %min3A_87, %dma_start3A_108, %dma_start3A_109] : memref<4x7813x8x128xf32, #tpu.memory_space<hbm>> -> memref<4x4x8x128xf32, #tpu.memory_space<hbm>>
    tpu.enqueue_dma source(%dma_start3A_110 : memref<4x4x8x128xf32, #tpu.memory_space<hbm>>) target(%dma_start3A_106 : memref<4x4x8x128xf32, #tpu.memory_space<vmem>>) target_semaphore(%dma_start3A_100 : memref<!tpu.dma_semaphore, #tpu.memory_space<semaphore_mem>>)
    %mul3A_111 = arith.constant 63 : i32
    %mul3A_112 = arith.muli %add3A, %mul3A_111 : i32
    %add3A_113 = arith.constant 1 : i32
    %add3A_114 = arith.addi %mul3A_112, %add3A_113 : i32
    %mul3A_115 = arith.constant 4 : i32
    %mul3A_116 = arith.muli %add3A_114, %mul3A_115 : i32
    %min3A_117 = arith.constant 7809 : i32
    %min3A_118 = arith.minsi %mul3A_116, %min3A_117 : i32
    %dma_start3A_119 = arith.constant 1 : i32
    %dma_start3A_120 = arith.constant 1 : i32
    %dma_start3A_121 = arith.constant 0 : i32
    %dma_start3A_122 = arith.constant 0 : i32
    %dma_start3A_123 = arith.constant 0 : i32
    %dma_start3A_124 = arith.constant 0 : i32
    %dma_start3A_125 = tpu.memref_slice %arg4[%dma_start3A_119, %dma_start3A_121, %dma_start3A_122, %dma_start3A_123, %dma_start3A_124] : memref<3x4x5x8x129xf32, #tpu.memory_space<vmem>> -> memref<1x4x4x8x128xf32, #tpu.memory_space<vmem>>
    %dma_start3A_126 = tpu.memref_squeeze %dma_start3A_125 : memref<1x4x4x8x128xf32, #tpu.memory_space<vmem>> -> memref<4x4x8x128xf32, #tpu.memory_space<vmem>>
    %dma_start3A_127 = arith.constant 0 : i32
    %dma_start3A_128 = arith.constant 0 : i32
    %dma_start3A_129 = arith.constant 0 : i32
    %dma_start3A_130 = tpu.memref_slice %arg2[%dma_start3A_127, %min3A_118, %dma_start3A_128, %dma_start3A_129] : memref<4x7813x8x128xf32, #tpu.memory_space<hbm>> -> memref<4x4x8x128xf32, #tpu.memory_space<hbm>>
    %dma_start3A_131 = tpu.memref_slice %arg6[%dma_start3A_120] : memref<3x!tpu.dma_semaphore, #tpu.memory_space<semaphore_mem>> -> memref<1x!tpu.dma_semaphore, #tpu.memory_space<semaphore_mem>>
    %dma_start3A_132 = tpu.memref_squeeze %dma_start3A_131 : memref<1x!tpu.dma_semaphore, #tpu.memory_space<semaphore_mem>> -> memref<!tpu.dma_semaphore, #tpu.memory_space<semaphore_mem>>
    %dma_start3A_133 = arith.constant 0 : i32
    %dma_start3A_134 = arith.constant 0 : i32
    %dma_start3A_135 = arith.constant 0 : i32
    %dma_start3A_136 = arith.constant 0 : i32
    %dma_start3A_137 = tpu.memref_slice %arg4[%dma_start3A_119, %dma_start3A_133, %dma_start3A_134, %dma_start3A_135, %dma_start3A_136] : memref<3x4x5x8x129xf32, #tpu.memory_space<vmem>> -> memref<1x4x4x8x128xf32, #tpu.memory_space<vmem>>
    %dma_start3A_138 = tpu.memref_squeeze %dma_start3A_137 : memref<1x4x4x8x128xf32, #tpu.memory_space<vmem>> -> memref<4x4x8x128xf32, #tpu.memory_space<vmem>>
    %dma_start3A_139 = arith.constant 0 : i32
    %dma_start3A_140 = arith.constant 0 : i32
    %dma_start3A_141 = arith.constant 0 : i32
    %dma_start3A_142 = tpu.memref_slice %arg2[%dma_start3A_139, %min3A_118, %dma_start3A_140, %dma_start3A_141] : memref<4x7813x8x128xf32, #tpu.memory_space<hbm>> -> memref<4x4x8x128xf32, #tpu.memory_space<hbm>>
    tpu.enqueue_dma source(%dma_start3A_142 : memref<4x4x8x128xf32, #tpu.memory_space<hbm>>) target(%dma_start3A_138 : memref<4x4x8x128xf32, #tpu.memory_space<vmem>>) target_semaphore(%dma_start3A_132 : memref<!tpu.dma_semaphore, #tpu.memory_space<semaphore_mem>>)
    %mul3A_143 = arith.constant 63 : i32
    %mul3A_144 = arith.muli %add3A, %mul3A_143 : i32
    %add3A_145 = arith.constant 2 : i32
    %add3A_146 = arith.addi %mul3A_144, %add3A_145 : i32
    %mul3A_147 = arith.constant 4 : i32
    %mul3A_148 = arith.muli %add3A_146, %mul3A_147 : i32
    %min3A_149 = arith.constant 7809 : i32
    %min3A_150 = arith.minsi %mul3A_148, %min3A_149 : i32
    %dma_start3A_151 = arith.constant 2 : i32
    %dma_start3A_152 = arith.constant 2 : i32
    %dma_start3A_153 = arith.constant 0 : i32
    %dma_start3A_154 = arith.constant 0 : i32
    %dma_start3A_155 = arith.constant 0 : i32
    %dma_start3A_156 = arith.constant 0 : i32
    %dma_start3A_157 = tpu.memref_slice %arg4[%dma_start3A_151, %dma_start3A_153, %dma_start3A_154, %dma_start3A_155, %dma_start3A_156] : memref<3x4x5x8x129xf32, #tpu.memory_space<vmem>> -> memref<1x4x4x8x128xf32, #tpu.memory_space<vmem>>
    %dma_start3A_158 = tpu.memref_squeeze %dma_start3A_157 : memref<1x4x4x8x128xf32, #tpu.memory_space<vmem>> -> memref<4x4x8x128xf32, #tpu.memory_space<vmem>>
    %dma_start3A_159 = arith.constant 0 : i32
    %dma_start3A_160 = arith.constant 0 : i32
    %dma_start3A_161 = arith.constant 0 : i32
    %dma_start3A_162 = tpu.memref_slice %arg2[%dma_start3A_159, %min3A_150, %dma_start3A_160, %dma_start3A_161] : memref<4x7813x8x128xf32, #tpu.memory_space<hbm>> -> memref<4x4x8x128xf32, #tpu.memory_space<hbm>>
    %dma_start3A_163 = tpu.memref_slice %arg6[%dma_start3A_152] : memref<3x!tpu.dma_semaphore, #tpu.memory_space<semaphore_mem>> -> memref<1x!tpu.dma_semaphore, #tpu.memory_space<semaphore_mem>>
    %dma_start3A_164 = tpu.memref_squeeze %dma_start3A_163 : memref<1x!tpu.dma_semaphore, #tpu.memory_space<semaphore_mem>> -> memref<!tpu.dma_semaphore, #tpu.memory_space<semaphore_mem>>
    %dma_start3A_165 = arith.constant 0 : i32
    %dma_start3A_166 = arith.constant 0 : i32
    %dma_start3A_167 = arith.constant 0 : i32
    %dma_start3A_168 = arith.constant 0 : i32
    %dma_start3A_169 = tpu.memref_slice %arg4[%dma_start3A_151, %dma_start3A_165, %dma_start3A_166, %dma_start3A_167, %dma_start3A_168] : memref<3x4x5x8x129xf32, #tpu.memory_space<vmem>> -> memref<1x4x4x8x128xf32, #tpu.memory_space<vmem>>
    %dma_start3A_170 = tpu.memref_squeeze %dma_start3A_169 : memref<1x4x4x8x128xf32, #tpu.memory_space<vmem>> -> memref<4x4x8x128xf32, #tpu.memory_space<vmem>>
    %dma_start3A_171 = arith.constant 0 : i32
    %dma_start3A_172 = arith.constant 0 : i32
    %dma_start3A_173 = arith.constant 0 : i32
    %dma_start3A_174 = tpu.memref_slice %arg2[%dma_start3A_171, %min3A_150, %dma_start3A_172, %dma_start3A_173] : memref<4x7813x8x128xf32, #tpu.memory_space<hbm>> -> memref<4x4x8x128xf32, #tpu.memory_space<hbm>>
    tpu.enqueue_dma source(%dma_start3A_174 : memref<4x4x8x128xf32, #tpu.memory_space<hbm>>) target(%dma_start3A_170 : memref<4x4x8x128xf32, #tpu.memory_space<vmem>>) target_semaphore(%dma_start3A_164 : memref<!tpu.dma_semaphore, #tpu.memory_space<semaphore_mem>>)
    %scan3A = arith.constant 0 : i32
    %scan3A_175 = arith.constant 0 : i32
    %scan3A_176 = arith.constant 20 : i32
    %scan3A_177 = arith.addi %scan3A_175, %scan3A_176 : i32
    %scan3A_178 = arith.constant 1 : i32
    %scan3A_179 = scf.for %scan3A_521 = %scan3A_175 to %scan3A_177 step %scan3A_178 iter_args(%scan3A_522 = %scan3A) -> (i32)  : i32 {
      %mul3A_523 = arith.constant 3 : i32
      %mul3A_524 = arith.muli %scan3A_521, %mul3A_523 : i32
      %add3A_525 = arith.constant 0 : i32
      %add3A_526 = arith.addi %mul3A_524, %add3A_525 : i32
      %mul3A_527 = arith.constant 63 : i32
      %mul3A_528 = arith.muli %add3A, %mul3A_527 : i32
      %add3A_529 = arith.addi %mul3A_528, %add3A_526 : i32
      %mul3A_530 = arith.constant 4 : i32
      %mul3A_531 = arith.muli %add3A_529, %mul3A_530 : i32
      %min3A_532 = arith.constant 7809 : i32
      %min3A_533 = arith.minsi %mul3A_531, %min3A_532 : i32
      %dma_wait3A_534 = arith.constant 0 : i32
      %dma_wait3A_535 = arith.constant 0 : i32
      %dma_wait3A_536 = arith.constant 0 : i32
      %dma_wait3A_537 = arith.constant 0 : i32
      %dma_wait3A_538 = arith.constant 0 : i32
      %dma_wait3A_539 = arith.constant 0 : i32
      %dma_wait3A_540 = tpu.memref_slice %arg4[%dma_wait3A_534, %dma_wait3A_536, %dma_wait3A_537, %dma_wait3A_538, %dma_wait3A_539] : memref<3x4x5x8x129xf32, #tpu.memory_space<vmem>> -> memref<1x4x4x8x128xf32, #tpu.memory_space<vmem>>
      %dma_wait3A_541 = tpu.memref_squeeze %dma_wait3A_540 : memref<1x4x4x8x128xf32, #tpu.memory_space<vmem>> -> memref<4x4x8x128xf32, #tpu.memory_space<vmem>>
      %dma_wait3A_542 = arith.constant 0 : i32
      %dma_wait3A_543 = arith.constant 0 : i32
      %dma_wait3A_544 = arith.constant 0 : i32
      %dma_wait3A_545 = tpu.memref_slice %arg2[%dma_wait3A_542, %min3A_533, %dma_wait3A_543, %dma_wait3A_544] : memref<4x7813x8x128xf32, #tpu.memory_space<hbm>> -> memref<4x4x8x128xf32, #tpu.memory_space<hbm>>
      %dma_wait3A_546 = tpu.memref_slice %arg6[%dma_wait3A_535] : memref<3x!tpu.dma_semaphore, #tpu.memory_space<semaphore_mem>> -> memref<1x!tpu.dma_semaphore, #tpu.memory_space<semaphore_mem>>
      %dma_wait3A_547 = tpu.memref_squeeze %dma_wait3A_546 : memref<1x!tpu.dma_semaphore, #tpu.memory_space<semaphore_mem>> -> memref<!tpu.dma_semaphore, #tpu.memory_space<semaphore_mem>>
      %dma_wait3A_548 = arith.constant 0 : i32
      %dma_wait3A_549 = arith.constant 0 : i32
      %dma_wait3A_550 = arith.constant 0 : i32
      %dma_wait3A_551 = arith.constant 0 : i32
      %dma_wait3A_552 = tpu.memref_slice %arg4[%dma_wait3A_534, %dma_wait3A_548, %dma_wait3A_549, %dma_wait3A_550, %dma_wait3A_551] : memref<3x4x5x8x129xf32, #tpu.memory_space<vmem>> -> memref<1x4x4x8x128xf32, #tpu.memory_space<vmem>>
      %dma_wait3A_553 = tpu.memref_squeeze %dma_wait3A_552 : memref<1x4x4x8x128xf32, #tpu.memory_space<vmem>> -> memref<4x4x8x128xf32, #tpu.memory_space<vmem>>
      %dma_wait3A_554 = arith.constant 0 : i32
      %dma_wait3A_555 = arith.constant 0 : i32
      %dma_wait3A_556 = arith.constant 0 : i32
      %dma_wait3A_557 = tpu.memref_slice %arg2[%dma_wait3A_554, %min3A_533, %dma_wait3A_555, %dma_wait3A_556] : memref<4x7813x8x128xf32, #tpu.memory_space<hbm>> -> memref<4x4x8x128xf32, #tpu.memory_space<hbm>>
      tpu.wait_dma2 semaphore(%dma_wait3A_547 : memref<!tpu.dma_semaphore, #tpu.memory_space<semaphore_mem>>) src(%dma_wait3A_557 : memref<4x4x8x128xf32, #tpu.memory_space<hbm>>) dst(%dma_wait3A_553 : memref<4x4x8x128xf32, #tpu.memory_space<vmem>>)
      %ge3A = arith.constant 3 : i32
      %ge3A_558 = arith.cmpi sge, %add3A_526, %ge3A : i32
      %convert_element_type3A = arith.extui %ge3A_558 : i1 to i32
      %cond3A = arith.constant 0 : i32
      %cond3A_559 = arith.cmpi ne, %convert_element_type3A, %cond3A : i32
      scf.if %cond3A_559 {
        %mul3A_827 = arith.constant 63 : i32
        %mul3A_828 = arith.muli %add3A, %mul3A_827 : i32
        %add3A_829 = arith.addi %mul3A_828, %add3A_526 : i32
        %mul3A_830 = arith.constant 4 : i32
        %mul3A_831 = arith.muli %add3A_829, %mul3A_830 : i32
        %min3A_832 = arith.constant 7809 : i32
        %min3A_833 = arith.minsi %mul3A_831, %min3A_832 : i32
        %mul3A_834 = arith.constant 128 : i32
        %mul3A_835 = arith.muli %min3A_833, %mul3A_834 : i32
        %dma_wait3A_836 = arith.constant 0 : i32
        %dma_wait3A_837 = arith.constant 0 : i32
        %dma_wait3A_838 = arith.constant 0 : i32
        %dma_wait3A_839 = arith.constant 0 : i32
        %dma_wait3A_840 = tpu.memref_slice %arg5[%dma_wait3A_836, %dma_wait3A_838, %dma_wait3A_839] : memref<3x512x32xf32, #tpu.memory_space<vmem>> -> memref<1x512x32xf32, #tpu.memory_space<vmem>>
        %dma_wait3A_841 = tpu.memref_squeeze %dma_wait3A_840 : memref<1x512x32xf32, #tpu.memory_space<vmem>> -> memref<512x32xf32, #tpu.memory_space<vmem>>
        %dma_wait3A_842 = arith.constant 0 : i32
        %dma_wait3A_843 = tpu.memref_slice %arg3[%mul3A_835, %dma_wait3A_842] : memref<1000064x32xf32, #tpu.memory_space<hbm>> -> memref<512x32xf32, #tpu.memory_space<hbm>>
        %dma_wait3A_844 = tpu.memref_slice %arg7[%dma_wait3A_837] : memref<3x!tpu.dma_semaphore, #tpu.memory_space<semaphore_mem>> -> memref<1x!tpu.dma_semaphore, #tpu.memory_space<semaphore_mem>>
        %dma_wait3A_845 = tpu.memref_squeeze %dma_wait3A_844 : memref<1x!tpu.dma_semaphore, #tpu.memory_space<semaphore_mem>> -> memref<!tpu.dma_semaphore, #tpu.memory_space<semaphore_mem>>
        %dma_wait3A_846 = arith.constant 0 : i32
        %dma_wait3A_847 = tpu.memref_slice %arg3[%mul3A_835, %dma_wait3A_846] : memref<1000064x32xf32, #tpu.memory_space<hbm>> -> memref<512x32xf32, #tpu.memory_space<hbm>>
        %dma_wait3A_848 = arith.constant 0 : i32
        %dma_wait3A_849 = arith.constant 0 : i32
        %dma_wait3A_850 = tpu.memref_slice %arg5[%dma_wait3A_836, %dma_wait3A_848, %dma_wait3A_849] : memref<3x512x32xf32, #tpu.memory_space<vmem>> -> memref<1x512x32xf32, #tpu.memory_space<vmem>>
        %dma_wait3A_851 = tpu.memref_squeeze %dma_wait3A_850 : memref<1x512x32xf32, #tpu.memory_space<vmem>> -> memref<512x32xf32, #tpu.memory_space<vmem>>
        tpu.wait_dma2 semaphore(%dma_wait3A_845 : memref<!tpu.dma_semaphore, #tpu.memory_space<semaphore_mem>>) src(%dma_wait3A_851 : memref<512x32xf32, #tpu.memory_space<vmem>>) dst(%dma_wait3A_847 : memref<512x32xf32, #tpu.memory_space<hbm>>)
      } else {
      }
      %parallel_loop3A_560 = arith.constant 0 : i32
      %parallel_loop3A_561 = arith.constant 512 : i32
      %parallel_loop3A_562 = arith.constant 1 : i32
      %parallel_loop3A_563 = arith.constant 0 : i32
      scf.for %parallel_loop3A_827 = %parallel_loop3A_560 to %parallel_loop3A_561 step %parallel_loop3A_562  : i32 {
        %parallel_loop3A_828 = arith.constant 128 : i32
        %parallel_loop3A_829 = arith.divsi %parallel_loop3A_827, %parallel_loop3A_828 : i32
        %parallel_loop3A_830 = arith.constant 0 : i32
        %parallel_loop3A_831 = arith.cmpi sgt, %parallel_loop3A_827, %parallel_loop3A_830 : i32
        %parallel_loop3A_832 = arith.extui %parallel_loop3A_831 : i1 to i32
        %parallel_loop3A_833 = arith.constant 0 : i32
        %parallel_loop3A_834 = arith.cmpi slt, %parallel_loop3A_827, %parallel_loop3A_833 : i32
        %parallel_loop3A_835 = arith.extui %parallel_loop3A_834 : i1 to i32
        %parallel_loop3A_836 = arith.subi %parallel_loop3A_832, %parallel_loop3A_835 : i32
        %parallel_loop3A_837 = arith.constant 0 : i32
        %parallel_loop3A_838 = arith.cmpi sgt, %parallel_loop3A_828, %parallel_loop3A_837 : i32
        %parallel_loop3A_839 = arith.extui %parallel_loop3A_838 : i1 to i32
        %parallel_loop3A_840 = arith.constant 0 : i32
        %parallel_loop3A_841 = arith.cmpi slt, %parallel_loop3A_828, %parallel_loop3A_840 : i32
        %parallel_loop3A_842 = arith.extui %parallel_loop3A_841 : i1 to i32
        %parallel_loop3A_843 = arith.subi %parallel_loop3A_839, %parallel_loop3A_842 : i32
        %parallel_loop3A_844 = arith.cmpi ne, %parallel_loop3A_836, %parallel_loop3A_843 : i32
        %parallel_loop3A_845 = arith.remsi %parallel_loop3A_827, %parallel_loop3A_828 : i32
        %parallel_loop3A_846 = arith.constant 0 : i32
        %parallel_loop3A_847 = arith.cmpi ne, %parallel_loop3A_845, %parallel_loop3A_846 : i32
        %parallel_loop3A_848 = arith.andi %parallel_loop3A_844, %parallel_loop3A_847 : i1
        %parallel_loop3A_849 = arith.constant 1 : i32
        %parallel_loop3A_850 = arith.subi %parallel_loop3A_829, %parallel_loop3A_849 : i32
        %parallel_loop3A_851 = arith.select %parallel_loop3A_848, %parallel_loop3A_850, %parallel_loop3A_829 : i32
        %parallel_loop3A_852 = vector.broadcast %parallel_loop3A_851 : i32 to vector<16xi32>
        %parallel_loop3A_853 = arith.constant 128 : i32
        %parallel_loop3A_854 = arith.constant 0 : i32
        %parallel_loop3A_855 = arith.cmpi eq, %parallel_loop3A_853, %parallel_loop3A_854 : i32
        %parallel_loop3A_856 = arith.constant 1 : i32
        %parallel_loop3A_857 = arith.select %parallel_loop3A_855, %parallel_loop3A_856, %parallel_loop3A_853 : i32
        %parallel_loop3A_858 = arith.remsi %parallel_loop3A_827, %parallel_loop3A_857 : i32
        %parallel_loop3A_859 = arith.constant 0 : i32
        %parallel_loop3A_860 = arith.cmpi ne, %parallel_loop3A_858, %parallel_loop3A_859 : i32
        %parallel_loop3A_861 = arith.constant 0 : i32
        %parallel_loop3A_862 = arith.cmpi slt, %parallel_loop3A_858, %parallel_loop3A_861 : i32
        %parallel_loop3A_863 = arith.constant 0 : i32
        %parallel_loop3A_864 = arith.cmpi slt, %parallel_loop3A_857, %parallel_loop3A_863 : i32
        %parallel_loop3A_865 = arith.xori %parallel_loop3A_862, %parallel_loop3A_864 : i1
        %parallel_loop3A_866 = arith.andi %parallel_loop3A_865, %parallel_loop3A_860 : i1
        %parallel_loop3A_867 = arith.addi %parallel_loop3A_858, %parallel_loop3A_857 : i32
        %parallel_loop3A_868 = arith.select %parallel_loop3A_866, %parallel_loop3A_867, %parallel_loop3A_858 : i32
        %parallel_loop3A_869 = vector.broadcast %parallel_loop3A_868 : i32 to vector<16xi32>
        %parallel_loop3A_870 = arith.constant 0 : i32
        %parallel_loop3A_871 = arith.constant 0 : i32
        %parallel_loop3A_872 = arith.constant 0 : i32
        %parallel_loop3A_873 = arith.constant 0 : i32
        %parallel_loop3A_874 = tpu.memref_slice %arg4[%parallel_loop3A_563, %parallel_loop3A_870, %parallel_loop3A_871, %parallel_loop3A_872, %parallel_loop3A_873] : memref<3x4x5x8x129xf32, #tpu.memory_space<vmem>> -> memref<1x4x5x8x129xf32, #tpu.memory_space<vmem>>
        %parallel_loop3A_875 = tpu.memref_squeeze %parallel_loop3A_874 : memref<1x4x5x8x129xf32, #tpu.memory_space<vmem>> -> memref<4x5x8x129xf32, #tpu.memory_space<vmem>>
        %parallel_loop3A_876 = tpu.vector_load_idx %parallel_loop3A_875[%add3A_46, %parallel_loop3A_852, %select_n3A_15, %parallel_loop3A_869] : memref<4x5x8x129xf32, #tpu.memory_space<vmem>>[vector<16xi32>, vector<16xi32>, vector<16xi32>, vector<16xi32>], vector<16xf32>,
        %parallel_loop3A_877 = arith.constant 0 : i32
        %parallel_loop3A_878 = arith.index_cast %parallel_loop3A_877 : i32 to index
        %parallel_loop3A_879 = arith.index_cast %parallel_loop3A_827 : i32 to index
        %parallel_loop3A_880 = arith.constant 0 : index
        %parallel_loop3A_881 = tpu.vector_load %arg5[%parallel_loop3A_878, %parallel_loop3A_879, %parallel_loop3A_880] {strides = array<i32>} : memref<3x512x32xf32, #tpu.memory_space<vmem>>, vector<16xf32>,
        tpu.vector_store %arg5[%parallel_loop3A_878, %parallel_loop3A_879, %parallel_loop3A_880], %parallel_loop3A_876 {strides = array<i32>} : memref<3x512x32xf32, #tpu.memory_space<vmem>>, vector<16xf32>,
        %parallel_loop3A_882 = arith.constant 0 : i32
        %parallel_loop3A_883 = arith.constant 0 : i32
        %parallel_loop3A_884 = arith.constant 0 : i32
        %parallel_loop3A_885 = arith.constant 0 : i32
        %parallel_loop3A_886 = tpu.memref_slice %arg4[%parallel_loop3A_563, %parallel_loop3A_882, %parallel_loop3A_883, %parallel_loop3A_884, %parallel_loop3A_885] : memref<3x4x5x8x129xf32, #tpu.memory_space<vmem>> -> memref<1x4x5x8x129xf32, #tpu.memory_space<vmem>>
        %parallel_loop3A_887 = tpu.memref_squeeze %parallel_loop3A_886 : memref<1x4x5x8x129xf32, #tpu.memory_space<vmem>> -> memref<4x5x8x129xf32, #tpu.memory_space<vmem>>
        %parallel_loop3A_888 = tpu.vector_load_idx %parallel_loop3A_887[%add3A_80, %parallel_loop3A_852, %select_n3A_15, %parallel_loop3A_869] : memref<4x5x8x129xf32, #tpu.memory_space<vmem>>[vector<16xi32>, vector<16xi32>, vector<16xi32>, vector<16xi32>], vector<16xf32>,
        %parallel_loop3A_889 = arith.constant 0 : i32
        %parallel_loop3A_890 = arith.index_cast %parallel_loop3A_889 : i32 to index
        %parallel_loop3A_891 = arith.index_cast %parallel_loop3A_827 : i32 to index
        %parallel_loop3A_892 = arith.constant 16 : index
        %parallel_loop3A_893 = tpu.vector_load %arg5[%parallel_loop3A_890, %parallel_loop3A_891, %parallel_loop3A_892] {strides = array<i32>} : memref<3x512x32xf32, #tpu.memory_space<vmem>>, vector<16xf32>,
        tpu.vector_store %arg5[%parallel_loop3A_890, %parallel_loop3A_891, %parallel_loop3A_892], %parallel_loop3A_888 {strides = array<i32>} : memref<3x512x32xf32, #tpu.memory_space<vmem>>, vector<16xf32>,
      } {sc.loop_unroll_factor = 8 : i64, sc.parallel_access}
      %add3A_564 = arith.constant 3 : i32
      %add3A_565 = arith.addi %add3A_526, %add3A_564 : i32
      %mul3A_566 = arith.constant 63 : i32
      %mul3A_567 = arith.muli %add3A, %mul3A_566 : i32
      %add3A_568 = arith.addi %mul3A_567, %add3A_565 : i32
      %mul3A_569 = arith.constant 4 : i32
      %mul3A_570 = arith.muli %add3A_568, %mul3A_569 : i32
      %min3A_571 = arith.constant 7809 : i32
      %min3A_572 = arith.minsi %mul3A_570, %min3A_571 : i32
      %dma_start3A_573 = arith.constant 0 : i32
      %dma_start3A_574 = arith.constant 0 : i32
      %dma_start3A_575 = arith.constant 0 : i32
      %dma_start3A_576 = arith.constant 0 : i32
      %dma_start3A_577 = arith.constant 0 : i32
      %dma_start3A_578 = arith.constant 0 : i32
      %dma_start3A_579 = tpu.memref_slice %arg4[%dma_start3A_573, %dma_start3A_575, %dma_start3A_576, %dma_start3A_577, %dma_start3A_578] : memref<3x4x5x8x129xf32, #tpu.memory_space<vmem>> -> memref<1x4x4x8x128xf32, #tpu.memory_space<vmem>>
      %dma_start3A_580 = tpu.memref_squeeze %dma_start3A_579 : memref<1x4x4x8x128xf32, #tpu.memory_space<vmem>> -> memref<4x4x8x128xf32, #tpu.memory_space<vmem>>
      %dma_start3A_581 = arith.constant 0 : i32
      %dma_start3A_582 = arith.constant 0 : i32
      %dma_start3A_583 = arith.constant 0 : i32
      %dma_start3A_584 = tpu.memref_slice %arg2[%dma_start3A_581, %min3A_572, %dma_start3A_582, %dma_start3A_583] : memref<4x7813x8x128xf32, #tpu.memory_space<hbm>> -> memref<4x4x8x128xf32, #tpu.memory_space<hbm>>
      %dma_start3A_585 = tpu.memref_slice %arg6[%dma_start3A_574] : memref<3x!tpu.dma_semaphore, #tpu.memory_space<semaphore_mem>> -> memref<1x!tpu.dma_semaphore, #tpu.memory_space<semaphore_mem>>
      %dma_start3A_586 = tpu.memref_squeeze %dma_start3A_585 : memref<1x!tpu.dma_semaphore, #tpu.memory_space<semaphore_mem>> -> memref<!tpu.dma_semaphore, #tpu.memory_space<semaphore_mem>>
      %dma_start3A_587 = arith.constant 0 : i32
      %dma_start3A_588 = arith.constant 0 : i32
      %dma_start3A_589 = arith.constant 0 : i32
      %dma_start3A_590 = arith.constant 0 : i32
      %dma_start3A_591 = tpu.memref_slice %arg4[%dma_start3A_573, %dma_start3A_587, %dma_start3A_588, %dma_start3A_589, %dma_start3A_590] : memref<3x4x5x8x129xf32, #tpu.memory_space<vmem>> -> memref<1x4x4x8x128xf32, #tpu.memory_space<vmem>>
      %dma_start3A_592 = tpu.memref_squeeze %dma_start3A_591 : memref<1x4x4x8x128xf32, #tpu.memory_space<vmem>> -> memref<4x4x8x128xf32, #tpu.memory_space<vmem>>
      %dma_start3A_593 = arith.constant 0 : i32
      %dma_start3A_594 = arith.constant 0 : i32
      %dma_start3A_595 = arith.constant 0 : i32
      %dma_start3A_596 = tpu.memref_slice %arg2[%dma_start3A_593, %min3A_572, %dma_start3A_594, %dma_start3A_595] : memref<4x7813x8x128xf32, #tpu.memory_space<hbm>> -> memref<4x4x8x128xf32, #tpu.memory_space<hbm>>
      tpu.enqueue_dma source(%dma_start3A_596 : memref<4x4x8x128xf32, #tpu.memory_space<hbm>>) target(%dma_start3A_592 : memref<4x4x8x128xf32, #tpu.memory_space<vmem>>) target_semaphore(%dma_start3A_586 : memref<!tpu.dma_semaphore, #tpu.memory_space<semaphore_mem>>)
      %mul3A_597 = arith.constant 63 : i32
      %mul3A_598 = arith.muli %add3A, %mul3A_597 : i32
      %add3A_599 = arith.addi %mul3A_598, %add3A_526 : i32
      %mul3A_600 = arith.constant 4 : i32
      %mul3A_601 = arith.muli %add3A_599, %mul3A_600 : i32
      %min3A_602 = arith.constant 7809 : i32
      %min3A_603 = arith.minsi %mul3A_601, %min3A_602 : i32
      %mul3A_604 = arith.constant 128 : i32
      %mul3A_605 = arith.muli %min3A_603, %mul3A_604 : i32
      %dma_start3A_606 = arith.constant 0 : i32
      %dma_start3A_607 = arith.constant 0 : i32
      %dma_start3A_608 = arith.constant 0 : i32
      %dma_start3A_609 = arith.constant 0 : i32
      %dma_start3A_610 = tpu.memref_slice %arg5[%dma_start3A_606, %dma_start3A_608, %dma_start3A_609] : memref<3x512x32xf32, #tpu.memory_space<vmem>> -> memref<1x512x32xf32, #tpu.memory_space<vmem>>
      %dma_start3A_611 = tpu.memref_squeeze %dma_start3A_610 : memref<1x512x32xf32, #tpu.memory_space<vmem>> -> memref<512x32xf32, #tpu.memory_space<vmem>>
      %dma_start3A_612 = arith.constant 0 : i32
      %dma_start3A_613 = tpu.memref_slice %arg3[%mul3A_605, %dma_start3A_612] : memref<1000064x32xf32, #tpu.memory_space<hbm>> -> memref<512x32xf32, #tpu.memory_space<hbm>>
      %dma_start3A_614 = tpu.memref_slice %arg7[%dma_start3A_607] : memref<3x!tpu.dma_semaphore, #tpu.memory_space<semaphore_mem>> -> memref<1x!tpu.dma_semaphore, #tpu.memory_space<semaphore_mem>>
      %dma_start3A_615 = tpu.memref_squeeze %dma_start3A_614 : memref<1x!tpu.dma_semaphore, #tpu.memory_space<semaphore_mem>> -> memref<!tpu.dma_semaphore, #tpu.memory_space<semaphore_mem>>
      %dma_start3A_616 = arith.constant 0 : i32
      %dma_start3A_617 = tpu.memref_slice %arg3[%mul3A_605, %dma_start3A_616] : memref<1000064x32xf32, #tpu.memory_space<hbm>> -> memref<512x32xf32, #tpu.memory_space<hbm>>
      %dma_start3A_618 = arith.constant 0 : i32
      %dma_start3A_619 = arith.constant 0 : i32
      %dma_start3A_620 = tpu.memref_slice %arg5[%dma_start3A_606, %dma_start3A_618, %dma_start3A_619] : memref<3x512x32xf32, #tpu.memory_space<vmem>> -> memref<1x512x32xf32, #tpu.memory_space<vmem>>
      %dma_start3A_621 = tpu.memref_squeeze %dma_start3A_620 : memref<1x512x32xf32, #tpu.memory_space<vmem>> -> memref<512x32xf32, #tpu.memory_space<vmem>>
      tpu.enqueue_dma source(%dma_start3A_621 : memref<512x32xf32, #tpu.memory_space<vmem>>) target(%dma_start3A_617 : memref<512x32xf32, #tpu.memory_space<hbm>>) target_semaphore(%dma_start3A_615 : memref<!tpu.dma_semaphore, #tpu.memory_space<semaphore_mem>>)
      %mul3A_622 = arith.constant 3 : i32
      %mul3A_623 = arith.muli %scan3A_521, %mul3A_622 : i32
      %add3A_624 = arith.constant 1 : i32
      %add3A_625 = arith.addi %mul3A_623, %add3A_624 : i32
      %mul3A_626 = arith.constant 63 : i32
      %mul3A_627 = arith.muli %add3A, %mul3A_626 : i32
      %add3A_628 = arith.addi %mul3A_627, %add3A_625 : i32
      %mul3A_629 = arith.constant 4 : i32
      %mul3A_630 = arith.muli %add3A_628, %mul3A_629 : i32
      %min3A_631 = arith.constant 7809 : i32
      %min3A_632 = arith.minsi %mul3A_630, %min3A_631 : i32
      %dma_wait3A_633 = arith.constant 1 : i32
      %dma_wait3A_634 = arith.constant 1 : i32
      %dma_wait3A_635 = arith.constant 0 : i32
      %dma_wait3A_636 = arith.constant 0 : i32
      %dma_wait3A_637 = arith.constant 0 : i32
      %dma_wait3A_638 = arith.constant 0 : i32
      %dma_wait3A_639 = tpu.memref_slice %arg4[%dma_wait3A_633, %dma_wait3A_635, %dma_wait3A_636, %dma_wait3A_637, %dma_wait3A_638] : memref<3x4x5x8x129xf32, #tpu.memory_space<vmem>> -> memref<1x4x4x8x128xf32, #tpu.memory_space<vmem>>
      %dma_wait3A_640 = tpu.memref_squeeze %dma_wait3A_639 : memref<1x4x4x8x128xf32, #tpu.memory_space<vmem>> -> memref<4x4x8x128xf32, #tpu.memory_space<vmem>>
      %dma_wait3A_641 = arith.constant 0 : i32
      %dma_wait3A_642 = arith.constant 0 : i32
      %dma_wait3A_643 = arith.constant 0 : i32
      %dma_wait3A_644 = tpu.memref_slice %arg2[%dma_wait3A_641, %min3A_632, %dma_wait3A_642, %dma_wait3A_643] : memref<4x7813x8x128xf32, #tpu.memory_space<hbm>> -> memref<4x4x8x128xf32, #tpu.memory_space<hbm>>
      %dma_wait3A_645 = tpu.memref_slice %arg6[%dma_wait3A_634] : memref<3x!tpu.dma_semaphore, #tpu.memory_space<semaphore_mem>> -> memref<1x!tpu.dma_semaphore, #tpu.memory_space<semaphore_mem>>
      %dma_wait3A_646 = tpu.memref_squeeze %dma_wait3A_645 : memref<1x!tpu.dma_semaphore, #tpu.memory_space<semaphore_mem>> -> memref<!tpu.dma_semaphore, #tpu.memory_space<semaphore_mem>>
      %dma_wait3A_647 = arith.constant 0 : i32
      %dma_wait3A_648 = arith.constant 0 : i32
      %dma_wait3A_649 = arith.constant 0 : i32
      %dma_wait3A_650 = arith.constant 0 : i32
      %dma_wait3A_651 = tpu.memref_slice %arg4[%dma_wait3A_633, %dma_wait3A_647, %dma_wait3A_648, %dma_wait3A_649, %dma_wait3A_650] : memref<3x4x5x8x129xf32, #tpu.memory_space<vmem>> -> memref<1x4x4x8x128xf32, #tpu.memory_space<vmem>>
      %dma_wait3A_652 = tpu.memref_squeeze %dma_wait3A_651 : memref<1x4x4x8x128xf32, #tpu.memory_space<vmem>> -> memref<4x4x8x128xf32, #tpu.memory_space<vmem>>
      %dma_wait3A_653 = arith.constant 0 : i32
      %dma_wait3A_654 = arith.constant 0 : i32
      %dma_wait3A_655 = arith.constant 0 : i32
      %dma_wait3A_656 = tpu.memref_slice %arg2[%dma_wait3A_653, %min3A_632, %dma_wait3A_654, %dma_wait3A_655] : memref<4x7813x8x128xf32, #tpu.memory_space<hbm>> -> memref<4x4x8x128xf32, #tpu.memory_space<hbm>>
      tpu.wait_dma2 semaphore(%dma_wait3A_646 : memref<!tpu.dma_semaphore, #tpu.memory_space<semaphore_mem>>) src(%dma_wait3A_656 : memref<4x4x8x128xf32, #tpu.memory_space<hbm>>) dst(%dma_wait3A_652 : memref<4x4x8x128xf32, #tpu.memory_space<vmem>>)
      %ge3A_657 = arith.constant 3 : i32
      %ge3A_658 = arith.cmpi sge, %add3A_625, %ge3A_657 : i32
      %convert_element_type3A_659 = arith.extui %ge3A_658 : i1 to i32
      %cond3A_660 = arith.constant 0 : i32
      %cond3A_661 = arith.cmpi ne, %convert_element_type3A_659, %cond3A_660 : i32
      scf.if %cond3A_661 {
        %mul3A_827 = arith.constant 63 : i32
        %mul3A_828 = arith.muli %add3A, %mul3A_827 : i32
        %add3A_829 = arith.addi %mul3A_828, %add3A_625 : i32
        %mul3A_830 = arith.constant 4 : i32
        %mul3A_831 = arith.muli %add3A_829, %mul3A_830 : i32
        %min3A_832 = arith.constant 7809 : i32
        %min3A_833 = arith.minsi %mul3A_831, %min3A_832 : i32
        %mul3A_834 = arith.constant 128 : i32
        %mul3A_835 = arith.muli %min3A_833, %mul3A_834 : i32
        %dma_wait3A_836 = arith.constant 1 : i32
        %dma_wait3A_837 = arith.constant 1 : i32
        %dma_wait3A_838 = arith.constant 0 : i32
        %dma_wait3A_839 = arith.constant 0 : i32
        %dma_wait3A_840 = tpu.memref_slice %arg5[%dma_wait3A_836, %dma_wait3A_838, %dma_wait3A_839] : memref<3x512x32xf32, #tpu.memory_space<vmem>> -> memref<1x512x32xf32, #tpu.memory_space<vmem>>
        %dma_wait3A_841 = tpu.memref_squeeze %dma_wait3A_840 : memref<1x512x32xf32, #tpu.memory_space<vmem>> -> memref<512x32xf32, #tpu.memory_space<vmem>>
        %dma_wait3A_842 = arith.constant 0 : i32
        %dma_wait3A_843 = tpu.memref_slice %arg3[%mul3A_835, %dma_wait3A_842] : memref<1000064x32xf32, #tpu.memory_space<hbm>> -> memref<512x32xf32, #tpu.memory_space<hbm>>
        %dma_wait3A_844 = tpu.memref_slice %arg7[%dma_wait3A_837] : memref<3x!tpu.dma_semaphore, #tpu.memory_space<semaphore_mem>> -> memref<1x!tpu.dma_semaphore, #tpu.memory_space<semaphore_mem>>
        %dma_wait3A_845 = tpu.memref_squeeze %dma_wait3A_844 : memref<1x!tpu.dma_semaphore, #tpu.memory_space<semaphore_mem>> -> memref<!tpu.dma_semaphore, #tpu.memory_space<semaphore_mem>>
        %dma_wait3A_846 = arith.constant 0 : i32
        %dma_wait3A_847 = tpu.memref_slice %arg3[%mul3A_835, %dma_wait3A_846] : memref<1000064x32xf32, #tpu.memory_space<hbm>> -> memref<512x32xf32, #tpu.memory_space<hbm>>
        %dma_wait3A_848 = arith.constant 0 : i32
        %dma_wait3A_849 = arith.constant 0 : i32
        %dma_wait3A_850 = tpu.memref_slice %arg5[%dma_wait3A_836, %dma_wait3A_848, %dma_wait3A_849] : memref<3x512x32xf32, #tpu.memory_space<vmem>> -> memref<1x512x32xf32, #tpu.memory_space<vmem>>
        %dma_wait3A_851 = tpu.memref_squeeze %dma_wait3A_850 : memref<1x512x32xf32, #tpu.memory_space<vmem>> -> memref<512x32xf32, #tpu.memory_space<vmem>>
        tpu.wait_dma2 semaphore(%dma_wait3A_845 : memref<!tpu.dma_semaphore, #tpu.memory_space<semaphore_mem>>) src(%dma_wait3A_851 : memref<512x32xf32, #tpu.memory_space<vmem>>) dst(%dma_wait3A_847 : memref<512x32xf32, #tpu.memory_space<hbm>>)
      } else {
      }
      %parallel_loop3A_662 = arith.constant 0 : i32
      %parallel_loop3A_663 = arith.constant 512 : i32
      %parallel_loop3A_664 = arith.constant 1 : i32
      %parallel_loop3A_665 = arith.constant 1 : i32
      scf.for %parallel_loop3A_827 = %parallel_loop3A_662 to %parallel_loop3A_663 step %parallel_loop3A_664  : i32 {
        %parallel_loop3A_828 = arith.constant 128 : i32
        %parallel_loop3A_829 = arith.divsi %parallel_loop3A_827, %parallel_loop3A_828 : i32
        %parallel_loop3A_830 = arith.constant 0 : i32
        %parallel_loop3A_831 = arith.cmpi sgt, %parallel_loop3A_827, %parallel_loop3A_830 : i32
        %parallel_loop3A_832 = arith.extui %parallel_loop3A_831 : i1 to i32
        %parallel_loop3A_833 = arith.constant 0 : i32
        %parallel_loop3A_834 = arith.cmpi slt, %parallel_loop3A_827, %parallel_loop3A_833 : i32
        %parallel_loop3A_835 = arith.extui %parallel_loop3A_834 : i1 to i32
        %parallel_loop3A_836 = arith.subi %parallel_loop3A_832, %parallel_loop3A_835 : i32
        %parallel_loop3A_837 = arith.constant 0 : i32
        %parallel_loop3A_838 = arith.cmpi sgt, %parallel_loop3A_828, %parallel_loop3A_837 : i32
        %parallel_loop3A_839 = arith.extui %parallel_loop3A_838 : i1 to i32
        %parallel_loop3A_840 = arith.constant 0 : i32
        %parallel_loop3A_841 = arith.cmpi slt, %parallel_loop3A_828, %parallel_loop3A_840 : i32
        %parallel_loop3A_842 = arith.extui %parallel_loop3A_841 : i1 to i32
        %parallel_loop3A_843 = arith.subi %parallel_loop3A_839, %parallel_loop3A_842 : i32
        %parallel_loop3A_844 = arith.cmpi ne, %parallel_loop3A_836, %parallel_loop3A_843 : i32
        %parallel_loop3A_845 = arith.remsi %parallel_loop3A_827, %parallel_loop3A_828 : i32
        %parallel_loop3A_846 = arith.constant 0 : i32
        %parallel_loop3A_847 = arith.cmpi ne, %parallel_loop3A_845, %parallel_loop3A_846 : i32
        %parallel_loop3A_848 = arith.andi %parallel_loop3A_844, %parallel_loop3A_847 : i1
        %parallel_loop3A_849 = arith.constant 1 : i32
        %parallel_loop3A_850 = arith.subi %parallel_loop3A_829, %parallel_loop3A_849 : i32
        %parallel_loop3A_851 = arith.select %parallel_loop3A_848, %parallel_loop3A_850, %parallel_loop3A_829 : i32
        %parallel_loop3A_852 = vector.broadcast %parallel_loop3A_851 : i32 to vector<16xi32>
        %parallel_loop3A_853 = arith.constant 128 : i32
        %parallel_loop3A_854 = arith.constant 0 : i32
        %parallel_loop3A_855 = arith.cmpi eq, %parallel_loop3A_853, %parallel_loop3A_854 : i32
        %parallel_loop3A_856 = arith.constant 1 : i32
        %parallel_loop3A_857 = arith.select %parallel_loop3A_855, %parallel_loop3A_856, %parallel_loop3A_853 : i32
        %parallel_loop3A_858 = arith.remsi %parallel_loop3A_827, %parallel_loop3A_857 : i32
        %parallel_loop3A_859 = arith.constant 0 : i32
        %parallel_loop3A_860 = arith.cmpi ne, %parallel_loop3A_858, %parallel_loop3A_859 : i32
        %parallel_loop3A_861 = arith.constant 0 : i32
        %parallel_loop3A_862 = arith.cmpi slt, %parallel_loop3A_858, %parallel_loop3A_861 : i32
        %parallel_loop3A_863 = arith.constant 0 : i32
        %parallel_loop3A_864 = arith.cmpi slt, %parallel_loop3A_857, %parallel_loop3A_863 : i32
        %parallel_loop3A_865 = arith.xori %parallel_loop3A_862, %parallel_loop3A_864 : i1
        %parallel_loop3A_866 = arith.andi %parallel_loop3A_865, %parallel_loop3A_860 : i1
        %parallel_loop3A_867 = arith.addi %parallel_loop3A_858, %parallel_loop3A_857 : i32
        %parallel_loop3A_868 = arith.select %parallel_loop3A_866, %parallel_loop3A_867, %parallel_loop3A_858 : i32
        %parallel_loop3A_869 = vector.broadcast %parallel_loop3A_868 : i32 to vector<16xi32>
        %parallel_loop3A_870 = arith.constant 0 : i32
        %parallel_loop3A_871 = arith.constant 0 : i32
        %parallel_loop3A_872 = arith.constant 0 : i32
        %parallel_loop3A_873 = arith.constant 0 : i32
        %parallel_loop3A_874 = tpu.memref_slice %arg4[%parallel_loop3A_665, %parallel_loop3A_870, %parallel_loop3A_871, %parallel_loop3A_872, %parallel_loop3A_873] : memref<3x4x5x8x129xf32, #tpu.memory_space<vmem>> -> memref<1x4x5x8x129xf32, #tpu.memory_space<vmem>>
        %parallel_loop3A_875 = tpu.memref_squeeze %parallel_loop3A_874 : memref<1x4x5x8x129xf32, #tpu.memory_space<vmem>> -> memref<4x5x8x129xf32, #tpu.memory_space<vmem>>
        %parallel_loop3A_876 = tpu.vector_load_idx %parallel_loop3A_875[%add3A_46, %parallel_loop3A_852, %select_n3A_15, %parallel_loop3A_869] : memref<4x5x8x129xf32, #tpu.memory_space<vmem>>[vector<16xi32>, vector<16xi32>, vector<16xi32>, vector<16xi32>], vector<16xf32>,
        %parallel_loop3A_877 = arith.constant 1 : i32
        %parallel_loop3A_878 = arith.index_cast %parallel_loop3A_877 : i32 to index
        %parallel_loop3A_879 = arith.index_cast %parallel_loop3A_827 : i32 to index
        %parallel_loop3A_880 = arith.constant 0 : index
        %parallel_loop3A_881 = tpu.vector_load %arg5[%parallel_loop3A_878, %parallel_loop3A_879, %parallel_loop3A_880] {strides = array<i32>} : memref<3x512x32xf32, #tpu.memory_space<vmem>>, vector<16xf32>,
        tpu.vector_store %arg5[%parallel_loop3A_878, %parallel_loop3A_879, %parallel_loop3A_880], %parallel_loop3A_876 {strides = array<i32>} : memref<3x512x32xf32, #tpu.memory_space<vmem>>, vector<16xf32>,
        %parallel_loop3A_882 = arith.constant 0 : i32
        %parallel_loop3A_883 = arith.constant 0 : i32
        %parallel_loop3A_884 = arith.constant 0 : i32
        %parallel_loop3A_885 = arith.constant 0 : i32
        %parallel_loop3A_886 = tpu.memref_slice %arg4[%parallel_loop3A_665, %parallel_loop3A_882, %parallel_loop3A_883, %parallel_loop3A_884, %parallel_loop3A_885] : memref<3x4x5x8x129xf32, #tpu.memory_space<vmem>> -> memref<1x4x5x8x129xf32, #tpu.memory_space<vmem>>
        %parallel_loop3A_887 = tpu.memref_squeeze %parallel_loop3A_886 : memref<1x4x5x8x129xf32, #tpu.memory_space<vmem>> -> memref<4x5x8x129xf32, #tpu.memory_space<vmem>>
        %parallel_loop3A_888 = tpu.vector_load_idx %parallel_loop3A_887[%add3A_80, %parallel_loop3A_852, %select_n3A_15, %parallel_loop3A_869] : memref<4x5x8x129xf32, #tpu.memory_space<vmem>>[vector<16xi32>, vector<16xi32>, vector<16xi32>, vector<16xi32>], vector<16xf32>,
        %parallel_loop3A_889 = arith.constant 1 : i32
        %parallel_loop3A_890 = arith.index_cast %parallel_loop3A_889 : i32 to index
        %parallel_loop3A_891 = arith.index_cast %parallel_loop3A_827 : i32 to index
        %parallel_loop3A_892 = arith.constant 16 : index
        %parallel_loop3A_893 = tpu.vector_load %arg5[%parallel_loop3A_890, %parallel_loop3A_891, %parallel_loop3A_892] {strides = array<i32>} : memref<3x512x32xf32, #tpu.memory_space<vmem>>, vector<16xf32>,
        tpu.vector_store %arg5[%parallel_loop3A_890, %parallel_loop3A_891, %parallel_loop3A_892], %parallel_loop3A_888 {strides = array<i32>} : memref<3x512x32xf32, #tpu.memory_space<vmem>>, vector<16xf32>,
      } {sc.loop_unroll_factor = 8 : i64, sc.parallel_access}
      %add3A_666 = arith.constant 3 : i32
      %add3A_667 = arith.addi %add3A_625, %add3A_666 : i32
      %mul3A_668 = arith.constant 63 : i32
      %mul3A_669 = arith.muli %add3A, %mul3A_668 : i32
      %add3A_670 = arith.addi %mul3A_669, %add3A_667 : i32
      %mul3A_671 = arith.constant 4 : i32
      %mul3A_672 = arith.muli %add3A_670, %mul3A_671 : i32
      %min3A_673 = arith.constant 7809 : i32
      %min3A_674 = arith.minsi %mul3A_672, %min3A_673 : i32
      %dma_start3A_675 = arith.constant 1 : i32
      %dma_start3A_676 = arith.constant 1 : i32
      %dma_start3A_677 = arith.constant 0 : i32
      %dma_start3A_678 = arith.constant 0 : i32
      %dma_start3A_679 = arith.constant 0 : i32
      %dma_start3A_680 = arith.constant 0 : i32
      %dma_start3A_681 = tpu.memref_slice %arg4[%dma_start3A_675, %dma_start3A_677, %dma_start3A_678, %dma_start3A_679, %dma_start3A_680] : memref<3x4x5x8x129xf32, #tpu.memory_space<vmem>> -> memref<1x4x4x8x128xf32, #tpu.memory_space<vmem>>
      %dma_start3A_682 = tpu.memref_squeeze %dma_start3A_681 : memref<1x4x4x8x128xf32, #tpu.memory_space<vmem>> -> memref<4x4x8x128xf32, #tpu.memory_space<vmem>>
      %dma_start3A_683 = arith.constant 0 : i32
      %dma_start3A_684 = arith.constant 0 : i32
      %dma_start3A_685 = arith.constant 0 : i32
      %dma_start3A_686 = tpu.memref_slice %arg2[%dma_start3A_683, %min3A_674, %dma_start3A_684, %dma_start3A_685] : memref<4x7813x8x128xf32, #tpu.memory_space<hbm>> -> memref<4x4x8x128xf32, #tpu.memory_space<hbm>>
      %dma_start3A_687 = tpu.memref_slice %arg6[%dma_start3A_676] : memref<3x!tpu.dma_semaphore, #tpu.memory_space<semaphore_mem>> -> memref<1x!tpu.dma_semaphore, #tpu.memory_space<semaphore_mem>>
      %dma_start3A_688 = tpu.memref_squeeze %dma_start3A_687 : memref<1x!tpu.dma_semaphore, #tpu.memory_space<semaphore_mem>> -> memref<!tpu.dma_semaphore, #tpu.memory_space<semaphore_mem>>
      %dma_start3A_689 = arith.constant 0 : i32
      %dma_start3A_690 = arith.constant 0 : i32
      %dma_start3A_691 = arith.constant 0 : i32
      %dma_start3A_692 = arith.constant 0 : i32
      %dma_start3A_693 = tpu.memref_slice %arg4[%dma_start3A_675, %dma_start3A_689, %dma_start3A_690, %dma_start3A_691, %dma_start3A_692] : memref<3x4x5x8x129xf32, #tpu.memory_space<vmem>> -> memref<1x4x4x8x128xf32, #tpu.memory_space<vmem>>
      %dma_start3A_694 = tpu.memref_squeeze %dma_start3A_693 : memref<1x4x4x8x128xf32, #tpu.memory_space<vmem>> -> memref<4x4x8x128xf32, #tpu.memory_space<vmem>>
      %dma_start3A_695 = arith.constant 0 : i32
      %dma_start3A_696 = arith.constant 0 : i32
      %dma_start3A_697 = arith.constant 0 : i32
      %dma_start3A_698 = tpu.memref_slice %arg2[%dma_start3A_695, %min3A_674, %dma_start3A_696, %dma_start3A_697] : memref<4x7813x8x128xf32, #tpu.memory_space<hbm>> -> memref<4x4x8x128xf32, #tpu.memory_space<hbm>>
      tpu.enqueue_dma source(%dma_start3A_698 : memref<4x4x8x128xf32, #tpu.memory_space<hbm>>) target(%dma_start3A_694 : memref<4x4x8x128xf32, #tpu.memory_space<vmem>>) target_semaphore(%dma_start3A_688 : memref<!tpu.dma_semaphore, #tpu.memory_space<semaphore_mem>>)
      %mul3A_699 = arith.constant 63 : i32
      %mul3A_700 = arith.muli %add3A, %mul3A_699 : i32
      %add3A_701 = arith.addi %mul3A_700, %add3A_625 : i32
      %mul3A_702 = arith.constant 4 : i32
      %mul3A_703 = arith.muli %add3A_701, %mul3A_702 : i32
      %min3A_704 = arith.constant 7809 : i32
      %min3A_705 = arith.minsi %mul3A_703, %min3A_704 : i32
      %mul3A_706 = arith.constant 128 : i32
      %mul3A_707 = arith.muli %min3A_705, %mul3A_706 : i32
      %dma_start3A_708 = arith.constant 1 : i32
      %dma_start3A_709 = arith.constant 1 : i32
      %dma_start3A_710 = arith.constant 0 : i32
      %dma_start3A_711 = arith.constant 0 : i32
      %dma_start3A_712 = tpu.memref_slice %arg5[%dma_start3A_708, %dma_start3A_710, %dma_start3A_711] : memref<3x512x32xf32, #tpu.memory_space<vmem>> -> memref<1x512x32xf32, #tpu.memory_space<vmem>>
      %dma_start3A_713 = tpu.memref_squeeze %dma_start3A_712 : memref<1x512x32xf32, #tpu.memory_space<vmem>> -> memref<512x32xf32, #tpu.memory_space<vmem>>
      %dma_start3A_714 = arith.constant 0 : i32
      %dma_start3A_715 = tpu.memref_slice %arg3[%mul3A_707, %dma_start3A_714] : memref<1000064x32xf32, #tpu.memory_space<hbm>> -> memref<512x32xf32, #tpu.memory_space<hbm>>
      %dma_start3A_716 = tpu.memref_slice %arg7[%dma_start3A_709] : memref<3x!tpu.dma_semaphore, #tpu.memory_space<semaphore_mem>> -> memref<1x!tpu.dma_semaphore, #tpu.memory_space<semaphore_mem>>
      %dma_start3A_717 = tpu.memref_squeeze %dma_start3A_716 : memref<1x!tpu.dma_semaphore, #tpu.memory_space<semaphore_mem>> -> memref<!tpu.dma_semaphore, #tpu.memory_space<semaphore_mem>>
      %dma_start3A_718 = arith.constant 0 : i32
      %dma_start3A_719 = tpu.memref_slice %arg3[%mul3A_707, %dma_start3A_718] : memref<1000064x32xf32, #tpu.memory_space<hbm>> -> memref<512x32xf32, #tpu.memory_space<hbm>>
      %dma_start3A_720 = arith.constant 0 : i32
      %dma_start3A_721 = arith.constant 0 : i32
      %dma_start3A_722 = tpu.memref_slice %arg5[%dma_start3A_708, %dma_start3A_720, %dma_start3A_721] : memref<3x512x32xf32, #tpu.memory_space<vmem>> -> memref<1x512x32xf32, #tpu.memory_space<vmem>>
      %dma_start3A_723 = tpu.memref_squeeze %dma_start3A_722 : memref<1x512x32xf32, #tpu.memory_space<vmem>> -> memref<512x32xf32, #tpu.memory_space<vmem>>
      tpu.enqueue_dma source(%dma_start3A_723 : memref<512x32xf32, #tpu.memory_space<vmem>>) target(%dma_start3A_719 : memref<512x32xf32, #tpu.memory_space<hbm>>) target_semaphore(%dma_start3A_717 : memref<!tpu.dma_semaphore, #tpu.memory_space<semaphore_mem>>)
      %mul3A_724 = arith.constant 3 : i32
      %mul3A_725 = arith.muli %scan3A_521, %mul3A_724 : i32
      %add3A_726 = arith.constant 2 : i32
      %add3A_727 = arith.addi %mul3A_725, %add3A_726 : i32
      %mul3A_728 = arith.constant 63 : i32
      %mul3A_729 = arith.muli %add3A, %mul3A_728 : i32
      %add3A_730 = arith.addi %mul3A_729, %add3A_727 : i32
      %mul3A_731 = arith.constant 4 : i32
      %mul3A_732 = arith.muli %add3A_730, %mul3A_731 : i32
      %min3A_733 = arith.constant 7809 : i32
      %min3A_734 = arith.minsi %mul3A_732, %min3A_733 : i32
      %dma_wait3A_735 = arith.constant 2 : i32
      %dma_wait3A_736 = arith.constant 2 : i32
      %dma_wait3A_737 = arith.constant 0 : i32
      %dma_wait3A_738 = arith.constant 0 : i32
      %dma_wait3A_739 = arith.constant 0 : i32
      %dma_wait3A_740 = arith.constant 0 : i32
      %dma_wait3A_741 = tpu.memref_slice %arg4[%dma_wait3A_735, %dma_wait3A_737, %dma_wait3A_738, %dma_wait3A_739, %dma_wait3A_740] : memref<3x4x5x8x129xf32, #tpu.memory_space<vmem>> -> memref<1x4x4x8x128xf32, #tpu.memory_space<vmem>>
      %dma_wait3A_742 = tpu.memref_squeeze %dma_wait3A_741 : memref<1x4x4x8x128xf32, #tpu.memory_space<vmem>> -> memref<4x4x8x128xf32, #tpu.memory_space<vmem>>
      %dma_wait3A_743 = arith.constant 0 : i32
      %dma_wait3A_744 = arith.constant 0 : i32
      %dma_wait3A_745 = arith.constant 0 : i32
      %dma_wait3A_746 = tpu.memref_slice %arg2[%dma_wait3A_743, %min3A_734, %dma_wait3A_744, %dma_wait3A_745] : memref<4x7813x8x128xf32, #tpu.memory_space<hbm>> -> memref<4x4x8x128xf32, #tpu.memory_space<hbm>>
      %dma_wait3A_747 = tpu.memref_slice %arg6[%dma_wait3A_736] : memref<3x!tpu.dma_semaphore, #tpu.memory_space<semaphore_mem>> -> memref<1x!tpu.dma_semaphore, #tpu.memory_space<semaphore_mem>>
      %dma_wait3A_748 = tpu.memref_squeeze %dma_wait3A_747 : memref<1x!tpu.dma_semaphore, #tpu.memory_space<semaphore_mem>> -> memref<!tpu.dma_semaphore, #tpu.memory_space<semaphore_mem>>
      %dma_wait3A_749 = arith.constant 0 : i32
      %dma_wait3A_750 = arith.constant 0 : i32
      %dma_wait3A_751 = arith.constant 0 : i32
      %dma_wait3A_752 = arith.constant 0 : i32
      %dma_wait3A_753 = tpu.memref_slice %arg4[%dma_wait3A_735, %dma_wait3A_749, %dma_wait3A_750, %dma_wait3A_751, %dma_wait3A_752] : memref<3x4x5x8x129xf32, #tpu.memory_space<vmem>> -> memref<1x4x4x8x128xf32, #tpu.memory_space<vmem>>
      %dma_wait3A_754 = tpu.memref_squeeze %dma_wait3A_753 : memref<1x4x4x8x128xf32, #tpu.memory_space<vmem>> -> memref<4x4x8x128xf32, #tpu.memory_space<vmem>>
      %dma_wait3A_755 = arith.constant 0 : i32
      %dma_wait3A_756 = arith.constant 0 : i32
      %dma_wait3A_757 = arith.constant 0 : i32
      %dma_wait3A_758 = tpu.memref_slice %arg2[%dma_wait3A_755, %min3A_734, %dma_wait3A_756, %dma_wait3A_757] : memref<4x7813x8x128xf32, #tpu.memory_space<hbm>> -> memref<4x4x8x128xf32, #tpu.memory_space<hbm>>
      tpu.wait_dma2 semaphore(%dma_wait3A_748 : memref<!tpu.dma_semaphore, #tpu.memory_space<semaphore_mem>>) src(%dma_wait3A_758 : memref<4x4x8x128xf32, #tpu.memory_space<hbm>>) dst(%dma_wait3A_754 : memref<4x4x8x128xf32, #tpu.memory_space<vmem>>)
      %ge3A_759 = arith.constant 3 : i32
      %ge3A_760 = arith.cmpi sge, %add3A_727, %ge3A_759 : i32
      %convert_element_type3A_761 = arith.extui %ge3A_760 : i1 to i32
      %cond3A_762 = arith.constant 0 : i32
      %cond3A_763 = arith.cmpi ne, %convert_element_type3A_761, %cond3A_762 : i32
      scf.if %cond3A_763 {
        %mul3A_827 = arith.constant 63 : i32
        %mul3A_828 = arith.muli %add3A, %mul3A_827 : i32
        %add3A_829 = arith.addi %mul3A_828, %add3A_727 : i32
        %mul3A_830 = arith.constant 4 : i32
        %mul3A_831 = arith.muli %add3A_829, %mul3A_830 : i32
        %min3A_832 = arith.constant 7809 : i32
        %min3A_833 = arith.minsi %mul3A_831, %min3A_832 : i32
        %mul3A_834 = arith.constant 128 : i32
        %mul3A_835 = arith.muli %min3A_833, %mul3A_834 : i32
        %dma_wait3A_836 = arith.constant 2 : i32
        %dma_wait3A_837 = arith.constant 2 : i32
        %dma_wait3A_838 = arith.constant 0 : i32
        %dma_wait3A_839 = arith.constant 0 : i32
        %dma_wait3A_840 = tpu.memref_slice %arg5[%dma_wait3A_836, %dma_wait3A_838, %dma_wait3A_839] : memref<3x512x32xf32, #tpu.memory_space<vmem>> -> memref<1x512x32xf32, #tpu.memory_space<vmem>>
        %dma_wait3A_841 = tpu.memref_squeeze %dma_wait3A_840 : memref<1x512x32xf32, #tpu.memory_space<vmem>> -> memref<512x32xf32, #tpu.memory_space<vmem>>
        %dma_wait3A_842 = arith.constant 0 : i32
        %dma_wait3A_843 = tpu.memref_slice %arg3[%mul3A_835, %dma_wait3A_842] : memref<1000064x32xf32, #tpu.memory_space<hbm>> -> memref<512x32xf32, #tpu.memory_space<hbm>>
        %dma_wait3A_844 = tpu.memref_slice %arg7[%dma_wait3A_837] : memref<3x!tpu.dma_semaphore, #tpu.memory_space<semaphore_mem>> -> memref<1x!tpu.dma_semaphore, #tpu.memory_space<semaphore_mem>>
        %dma_wait3A_845 = tpu.memref_squeeze %dma_wait3A_844 : memref<1x!tpu.dma_semaphore, #tpu.memory_space<semaphore_mem>> -> memref<!tpu.dma_semaphore, #tpu.memory_space<semaphore_mem>>
        %dma_wait3A_846 = arith.constant 0 : i32
        %dma_wait3A_847 = tpu.memref_slice %arg3[%mul3A_835, %dma_wait3A_846] : memref<1000064x32xf32, #tpu.memory_space<hbm>> -> memref<512x32xf32, #tpu.memory_space<hbm>>
        %dma_wait3A_848 = arith.constant 0 : i32
        %dma_wait3A_849 = arith.constant 0 : i32
        %dma_wait3A_850 = tpu.memref_slice %arg5[%dma_wait3A_836, %dma_wait3A_848, %dma_wait3A_849] : memref<3x512x32xf32, #tpu.memory_space<vmem>> -> memref<1x512x32xf32, #tpu.memory_space<vmem>>
        %dma_wait3A_851 = tpu.memref_squeeze %dma_wait3A_850 : memref<1x512x32xf32, #tpu.memory_space<vmem>> -> memref<512x32xf32, #tpu.memory_space<vmem>>
        tpu.wait_dma2 semaphore(%dma_wait3A_845 : memref<!tpu.dma_semaphore, #tpu.memory_space<semaphore_mem>>) src(%dma_wait3A_851 : memref<512x32xf32, #tpu.memory_space<vmem>>) dst(%dma_wait3A_847 : memref<512x32xf32, #tpu.memory_space<hbm>>)
      } else {
      }
      %parallel_loop3A_764 = arith.constant 0 : i32
      %parallel_loop3A_765 = arith.constant 512 : i32
      %parallel_loop3A_766 = arith.constant 1 : i32
      %parallel_loop3A_767 = arith.constant 2 : i32
      scf.for %parallel_loop3A_827 = %parallel_loop3A_764 to %parallel_loop3A_765 step %parallel_loop3A_766  : i32 {
        %parallel_loop3A_828 = arith.constant 128 : i32
        %parallel_loop3A_829 = arith.divsi %parallel_loop3A_827, %parallel_loop3A_828 : i32
        %parallel_loop3A_830 = arith.constant 0 : i32
        %parallel_loop3A_831 = arith.cmpi sgt, %parallel_loop3A_827, %parallel_loop3A_830 : i32
        %parallel_loop3A_832 = arith.extui %parallel_loop3A_831 : i1 to i32
        %parallel_loop3A_833 = arith.constant 0 : i32
        %parallel_loop3A_834 = arith.cmpi slt, %parallel_loop3A_827, %parallel_loop3A_833 : i32
        %parallel_loop3A_835 = arith.extui %parallel_loop3A_834 : i1 to i32
        %parallel_loop3A_836 = arith.subi %parallel_loop3A_832, %parallel_loop3A_835 : i32
        %parallel_loop3A_837 = arith.constant 0 : i32
        %parallel_loop3A_838 = arith.cmpi sgt, %parallel_loop3A_828, %parallel_loop3A_837 : i32
        %parallel_loop3A_839 = arith.extui %parallel_loop3A_838 : i1 to i32
        %parallel_loop3A_840 = arith.constant 0 : i32
        %parallel_loop3A_841 = arith.cmpi slt, %parallel_loop3A_828, %parallel_loop3A_840 : i32
        %parallel_loop3A_842 = arith.extui %parallel_loop3A_841 : i1 to i32
        %parallel_loop3A_843 = arith.subi %parallel_loop3A_839, %parallel_loop3A_842 : i32
        %parallel_loop3A_844 = arith.cmpi ne, %parallel_loop3A_836, %parallel_loop3A_843 : i32
        %parallel_loop3A_845 = arith.remsi %parallel_loop3A_827, %parallel_loop3A_828 : i32
        %parallel_loop3A_846 = arith.constant 0 : i32
        %parallel_loop3A_847 = arith.cmpi ne, %parallel_loop3A_845, %parallel_loop3A_846 : i32
        %parallel_loop3A_848 = arith.andi %parallel_loop3A_844, %parallel_loop3A_847 : i1
        %parallel_loop3A_849 = arith.constant 1 : i32
        %parallel_loop3A_850 = arith.subi %parallel_loop3A_829, %parallel_loop3A_849 : i32
        %parallel_loop3A_851 = arith.select %parallel_loop3A_848, %parallel_loop3A_850, %parallel_loop3A_829 : i32
        %parallel_loop3A_852 = vector.broadcast %parallel_loop3A_851 : i32 to vector<16xi32>
        %parallel_loop3A_853 = arith.constant 128 : i32
        %parallel_loop3A_854 = arith.constant 0 : i32
        %parallel_loop3A_855 = arith.cmpi eq, %parallel_loop3A_853, %parallel_loop3A_854 : i32
        %parallel_loop3A_856 = arith.constant 1 : i32
        %parallel_loop3A_857 = arith.select %parallel_loop3A_855, %parallel_loop3A_856, %parallel_loop3A_853 : i32
        %parallel_loop3A_858 = arith.remsi %parallel_loop3A_827, %parallel_loop3A_857 : i32
        %parallel_loop3A_859 = arith.constant 0 : i32
        %parallel_loop3A_860 = arith.cmpi ne, %parallel_loop3A_858, %parallel_loop3A_859 : i32
        %parallel_loop3A_861 = arith.constant 0 : i32
        %parallel_loop3A_862 = arith.cmpi slt, %parallel_loop3A_858, %parallel_loop3A_861 : i32
        %parallel_loop3A_863 = arith.constant 0 : i32
        %parallel_loop3A_864 = arith.cmpi slt, %parallel_loop3A_857, %parallel_loop3A_863 : i32
        %parallel_loop3A_865 = arith.xori %parallel_loop3A_862, %parallel_loop3A_864 : i1
        %parallel_loop3A_866 = arith.andi %parallel_loop3A_865, %parallel_loop3A_860 : i1
        %parallel_loop3A_867 = arith.addi %parallel_loop3A_858, %parallel_loop3A_857 : i32
        %parallel_loop3A_868 = arith.select %parallel_loop3A_866, %parallel_loop3A_867, %parallel_loop3A_858 : i32
        %parallel_loop3A_869 = vector.broadcast %parallel_loop3A_868 : i32 to vector<16xi32>
        %parallel_loop3A_870 = arith.constant 0 : i32
        %parallel_loop3A_871 = arith.constant 0 : i32
        %parallel_loop3A_872 = arith.constant 0 : i32
        %parallel_loop3A_873 = arith.constant 0 : i32
        %parallel_loop3A_874 = tpu.memref_slice %arg4[%parallel_loop3A_767, %parallel_loop3A_870, %parallel_loop3A_871, %parallel_loop3A_872, %parallel_loop3A_873] : memref<3x4x5x8x129xf32, #tpu.memory_space<vmem>> -> memref<1x4x5x8x129xf32, #tpu.memory_space<vmem>>
        %parallel_loop3A_875 = tpu.memref_squeeze %parallel_loop3A_874 : memref<1x4x5x8x129xf32, #tpu.memory_space<vmem>> -> memref<4x5x8x129xf32, #tpu.memory_space<vmem>>
        %parallel_loop3A_876 = tpu.vector_load_idx %parallel_loop3A_875[%add3A_46, %parallel_loop3A_852, %select_n3A_15, %parallel_loop3A_869] : memref<4x5x8x129xf32, #tpu.memory_space<vmem>>[vector<16xi32>, vector<16xi32>, vector<16xi32>, vector<16xi32>], vector<16xf32>,
        %parallel_loop3A_877 = arith.constant 2 : i32
        %parallel_loop3A_878 = arith.index_cast %parallel_loop3A_877 : i32 to index
        %parallel_loop3A_879 = arith.index_cast %parallel_loop3A_827 : i32 to index
        %parallel_loop3A_880 = arith.constant 0 : index
        %parallel_loop3A_881 = tpu.vector_load %arg5[%parallel_loop3A_878, %parallel_loop3A_879, %parallel_loop3A_880] {strides = array<i32>} : memref<3x512x32xf32, #tpu.memory_space<vmem>>, vector<16xf32>,
        tpu.vector_store %arg5[%parallel_loop3A_878, %parallel_loop3A_879, %parallel_loop3A_880], %parallel_loop3A_876 {strides = array<i32>} : memref<3x512x32xf32, #tpu.memory_space<vmem>>, vector<16xf32>,
        %parallel_loop3A_882 = arith.constant 0 : i32
        %parallel_loop3A_883 = arith.constant 0 : i32
        %parallel_loop3A_884 = arith.constant 0 : i32
        %parallel_loop3A_885 = arith.constant 0 : i32
        %parallel_loop3A_886 = tpu.memref_slice %arg4[%parallel_loop3A_767, %parallel_loop3A_882, %parallel_loop3A_883, %parallel_loop3A_884, %parallel_loop3A_885] : memref<3x4x5x8x129xf32, #tpu.memory_space<vmem>> -> memref<1x4x5x8x129xf32, #tpu.memory_space<vmem>>
        %parallel_loop3A_887 = tpu.memref_squeeze %parallel_loop3A_886 : memref<1x4x5x8x129xf32, #tpu.memory_space<vmem>> -> memref<4x5x8x129xf32, #tpu.memory_space<vmem>>
        %parallel_loop3A_888 = tpu.vector_load_idx %parallel_loop3A_887[%add3A_80, %parallel_loop3A_852, %select_n3A_15, %parallel_loop3A_869] : memref<4x5x8x129xf32, #tpu.memory_space<vmem>>[vector<16xi32>, vector<16xi32>, vector<16xi32>, vector<16xi32>], vector<16xf32>,
        %parallel_loop3A_889 = arith.constant 2 : i32
        %parallel_loop3A_890 = arith.index_cast %parallel_loop3A_889 : i32 to index
        %parallel_loop3A_891 = arith.index_cast %parallel_loop3A_827 : i32 to index
        %parallel_loop3A_892 = arith.constant 16 : index
        %parallel_loop3A_893 = tpu.vector_load %arg5[%parallel_loop3A_890, %parallel_loop3A_891, %parallel_loop3A_892] {strides = array<i32>} : memref<3x512x32xf32, #tpu.memory_space<vmem>>, vector<16xf32>,
        tpu.vector_store %arg5[%parallel_loop3A_890, %parallel_loop3A_891, %parallel_loop3A_892], %parallel_loop3A_888 {strides = array<i32>} : memref<3x512x32xf32, #tpu.memory_space<vmem>>, vector<16xf32>,
      } {sc.loop_unroll_factor = 8 : i64, sc.parallel_access}
      %add3A_768 = arith.constant 3 : i32
      %add3A_769 = arith.addi %add3A_727, %add3A_768 : i32
      %mul3A_770 = arith.constant 63 : i32
      %mul3A_771 = arith.muli %add3A, %mul3A_770 : i32
      %add3A_772 = arith.addi %mul3A_771, %add3A_769 : i32
      %mul3A_773 = arith.constant 4 : i32
      %mul3A_774 = arith.muli %add3A_772, %mul3A_773 : i32
      %min3A_775 = arith.constant 7809 : i32
      %min3A_776 = arith.minsi %mul3A_774, %min3A_775 : i32
      %dma_start3A_777 = arith.constant 2 : i32
      %dma_start3A_778 = arith.constant 2 : i32
      %dma_start3A_779 = arith.constant 0 : i32
      %dma_start3A_780 = arith.constant 0 : i32
      %dma_start3A_781 = arith.constant 0 : i32
      %dma_start3A_782 = arith.constant 0 : i32
      %dma_start3A_783 = tpu.memref_slice %arg4[%dma_start3A_777, %dma_start3A_779, %dma_start3A_780, %dma_start3A_781, %dma_start3A_782] : memref<3x4x5x8x129xf32, #tpu.memory_space<vmem>> -> memref<1x4x4x8x128xf32, #tpu.memory_space<vmem>>
      %dma_start3A_784 = tpu.memref_squeeze %dma_start3A_783 : memref<1x4x4x8x128xf32, #tpu.memory_space<vmem>> -> memref<4x4x8x128xf32, #tpu.memory_space<vmem>>
      %dma_start3A_785 = arith.constant 0 : i32
      %dma_start3A_786 = arith.constant 0 : i32
      %dma_start3A_787 = arith.constant 0 : i32
      %dma_start3A_788 = tpu.memref_slice %arg2[%dma_start3A_785, %min3A_776, %dma_start3A_786, %dma_start3A_787] : memref<4x7813x8x128xf32, #tpu.memory_space<hbm>> -> memref<4x4x8x128xf32, #tpu.memory_space<hbm>>
      %dma_start3A_789 = tpu.memref_slice %arg6[%dma_start3A_778] : memref<3x!tpu.dma_semaphore, #tpu.memory_space<semaphore_mem>> -> memref<1x!tpu.dma_semaphore, #tpu.memory_space<semaphore_mem>>
      %dma_start3A_790 = tpu.memref_squeeze %dma_start3A_789 : memref<1x!tpu.dma_semaphore, #tpu.memory_space<semaphore_mem>> -> memref<!tpu.dma_semaphore, #tpu.memory_space<semaphore_mem>>
      %dma_start3A_791 = arith.constant 0 : i32
      %dma_start3A_792 = arith.constant 0 : i32
      %dma_start3A_793 = arith.constant 0 : i32
      %dma_start3A_794 = arith.constant 0 : i32
      %dma_start3A_795 = tpu.memref_slice %arg4[%dma_start3A_777, %dma_start3A_791, %dma_start3A_792, %dma_start3A_793, %dma_start3A_794] : memref<3x4x5x8x129xf32, #tpu.memory_space<vmem>> -> memref<1x4x4x8x128xf32, #tpu.memory_space<vmem>>
      %dma_start3A_796 = tpu.memref_squeeze %dma_start3A_795 : memref<1x4x4x8x128xf32, #tpu.memory_space<vmem>> -> memref<4x4x8x128xf32, #tpu.memory_space<vmem>>
      %dma_start3A_797 = arith.constant 0 : i32
      %dma_start3A_798 = arith.constant 0 : i32
      %dma_start3A_799 = arith.constant 0 : i32
      %dma_start3A_800 = tpu.memref_slice %arg2[%dma_start3A_797, %min3A_776, %dma_start3A_798, %dma_start3A_799] : memref<4x7813x8x128xf32, #tpu.memory_space<hbm>> -> memref<4x4x8x128xf32, #tpu.memory_space<hbm>>
      tpu.enqueue_dma source(%dma_start3A_800 : memref<4x4x8x128xf32, #tpu.memory_space<hbm>>) target(%dma_start3A_796 : memref<4x4x8x128xf32, #tpu.memory_space<vmem>>) target_semaphore(%dma_start3A_790 : memref<!tpu.dma_semaphore, #tpu.memory_space<semaphore_mem>>)
      %mul3A_801 = arith.constant 63 : i32
      %mul3A_802 = arith.muli %add3A, %mul3A_801 : i32
      %add3A_803 = arith.addi %mul3A_802, %add3A_727 : i32
      %mul3A_804 = arith.constant 4 : i32
      %mul3A_805 = arith.muli %add3A_803, %mul3A_804 : i32
      %min3A_806 = arith.constant 7809 : i32
      %min3A_807 = arith.minsi %mul3A_805, %min3A_806 : i32
      %mul3A_808 = arith.constant 128 : i32
      %mul3A_809 = arith.muli %min3A_807, %mul3A_808 : i32
      %dma_start3A_810 = arith.constant 2 : i32
      %dma_start3A_811 = arith.constant 2 : i32
      %dma_start3A_812 = arith.constant 0 : i32
      %dma_start3A_813 = arith.constant 0 : i32
      %dma_start3A_814 = tpu.memref_slice %arg5[%dma_start3A_810, %dma_start3A_812, %dma_start3A_813] : memref<3x512x32xf32, #tpu.memory_space<vmem>> -> memref<1x512x32xf32, #tpu.memory_space<vmem>>
      %dma_start3A_815 = tpu.memref_squeeze %dma_start3A_814 : memref<1x512x32xf32, #tpu.memory_space<vmem>> -> memref<512x32xf32, #tpu.memory_space<vmem>>
      %dma_start3A_816 = arith.constant 0 : i32
      %dma_start3A_817 = tpu.memref_slice %arg3[%mul3A_809, %dma_start3A_816] : memref<1000064x32xf32, #tpu.memory_space<hbm>> -> memref<512x32xf32, #tpu.memory_space<hbm>>
      %dma_start3A_818 = tpu.memref_slice %arg7[%dma_start3A_811] : memref<3x!tpu.dma_semaphore, #tpu.memory_space<semaphore_mem>> -> memref<1x!tpu.dma_semaphore, #tpu.memory_space<semaphore_mem>>
      %dma_start3A_819 = tpu.memref_squeeze %dma_start3A_818 : memref<1x!tpu.dma_semaphore, #tpu.memory_space<semaphore_mem>> -> memref<!tpu.dma_semaphore, #tpu.memory_space<semaphore_mem>>
      %dma_start3A_820 = arith.constant 0 : i32
      %dma_start3A_821 = tpu.memref_slice %arg3[%mul3A_809, %dma_start3A_820] : memref<1000064x32xf32, #tpu.memory_space<hbm>> -> memref<512x32xf32, #tpu.memory_space<hbm>>
      %dma_start3A_822 = arith.constant 0 : i32
      %dma_start3A_823 = arith.constant 0 : i32
      %dma_start3A_824 = tpu.memref_slice %arg5[%dma_start3A_810, %dma_start3A_822, %dma_start3A_823] : memref<3x512x32xf32, #tpu.memory_space<vmem>> -> memref<1x512x32xf32, #tpu.memory_space<vmem>>
      %dma_start3A_825 = tpu.memref_squeeze %dma_start3A_824 : memref<1x512x32xf32, #tpu.memory_space<vmem>> -> memref<512x32xf32, #tpu.memory_space<vmem>>
      tpu.enqueue_dma source(%dma_start3A_825 : memref<512x32xf32, #tpu.memory_space<vmem>>) target(%dma_start3A_821 : memref<512x32xf32, #tpu.memory_space<hbm>>) target_semaphore(%dma_start3A_819 : memref<!tpu.dma_semaphore, #tpu.memory_space<semaphore_mem>>)
      %scan3A_826 = arith.constant 0 : i32
      scf.yield %scan3A_826 : i32
    }
    %scan3A_180 = arith.constant 20 : i32
    %mul3A_181 = arith.constant 63 : i32
    %mul3A_182 = arith.muli %add3A, %mul3A_181 : i32
    %add3A_183 = arith.constant 60 : i32
    %add3A_184 = arith.addi %mul3A_182, %add3A_183 : i32
    %mul3A_185 = arith.constant 4 : i32
    %mul3A_186 = arith.muli %add3A_184, %mul3A_185 : i32
    %min3A_187 = arith.constant 7809 : i32
    %min3A_188 = arith.minsi %mul3A_186, %min3A_187 : i32
    %dma_wait3A = arith.constant 0 : i32
    %dma_wait3A_189 = arith.constant 0 : i32
    %dma_wait3A_190 = arith.constant 0 : i32
    %dma_wait3A_191 = arith.constant 0 : i32
    %dma_wait3A_192 = arith.constant 0 : i32
    %dma_wait3A_193 = arith.constant 0 : i32
    %dma_wait3A_194 = tpu.memref_slice %arg4[%dma_wait3A, %dma_wait3A_190, %dma_wait3A_191, %dma_wait3A_192, %dma_wait3A_193] : memref<3x4x5x8x129xf32, #tpu.memory_space<vmem>> -> memref<1x4x4x8x128xf32, #tpu.memory_space<vmem>>
    %dma_wait3A_195 = tpu.memref_squeeze %dma_wait3A_194 : memref<1x4x4x8x128xf32, #tpu.memory_space<vmem>> -> memref<4x4x8x128xf32, #tpu.memory_space<vmem>>
    %dma_wait3A_196 = arith.constant 0 : i32
    %dma_wait3A_197 = arith.constant 0 : i32
    %dma_wait3A_198 = arith.constant 0 : i32
    %dma_wait3A_199 = tpu.memref_slice %arg2[%dma_wait3A_196, %min3A_188, %dma_wait3A_197, %dma_wait3A_198] : memref<4x7813x8x128xf32, #tpu.memory_space<hbm>> -> memref<4x4x8x128xf32, #tpu.memory_space<hbm>>
    %dma_wait3A_200 = tpu.memref_slice %arg6[%dma_wait3A_189] : memref<3x!tpu.dma_semaphore, #tpu.memory_space<semaphore_mem>> -> memref<1x!tpu.dma_semaphore, #tpu.memory_space<semaphore_mem>>
    %dma_wait3A_201 = tpu.memref_squeeze %dma_wait3A_200 : memref<1x!tpu.dma_semaphore, #tpu.memory_space<semaphore_mem>> -> memref<!tpu.dma_semaphore, #tpu.memory_space<semaphore_mem>>
    %dma_wait3A_202 = arith.constant 0 : i32
    %dma_wait3A_203 = arith.constant 0 : i32
    %dma_wait3A_204 = arith.constant 0 : i32
    %dma_wait3A_205 = arith.constant 0 : i32
    %dma_wait3A_206 = tpu.memref_slice %arg4[%dma_wait3A, %dma_wait3A_202, %dma_wait3A_203, %dma_wait3A_204, %dma_wait3A_205] : memref<3x4x5x8x129xf32, #tpu.memory_space<vmem>> -> memref<1x4x4x8x128xf32, #tpu.memory_space<vmem>>
    %dma_wait3A_207 = tpu.memref_squeeze %dma_wait3A_206 : memref<1x4x4x8x128xf32, #tpu.memory_space<vmem>> -> memref<4x4x8x128xf32, #tpu.memory_space<vmem>>
    %dma_wait3A_208 = arith.constant 0 : i32
    %dma_wait3A_209 = arith.constant 0 : i32
    %dma_wait3A_210 = arith.constant 0 : i32
    %dma_wait3A_211 = tpu.memref_slice %arg2[%dma_wait3A_208, %min3A_188, %dma_wait3A_209, %dma_wait3A_210] : memref<4x7813x8x128xf32, #tpu.memory_space<hbm>> -> memref<4x4x8x128xf32, #tpu.memory_space<hbm>>
    tpu.wait_dma2 semaphore(%dma_wait3A_201 : memref<!tpu.dma_semaphore, #tpu.memory_space<semaphore_mem>>) src(%dma_wait3A_211 : memref<4x4x8x128xf32, #tpu.memory_space<hbm>>) dst(%dma_wait3A_207 : memref<4x4x8x128xf32, #tpu.memory_space<vmem>>)
    %mul3A_212 = arith.constant 63 : i32
    %mul3A_213 = arith.muli %add3A, %mul3A_212 : i32
    %add3A_214 = arith.constant 60 : i32
    %add3A_215 = arith.addi %mul3A_213, %add3A_214 : i32
    %mul3A_216 = arith.constant 4 : i32
    %mul3A_217 = arith.muli %add3A_215, %mul3A_216 : i32
    %min3A_218 = arith.constant 7809 : i32
    %min3A_219 = arith.minsi %mul3A_217, %min3A_218 : i32
    %mul3A_220 = arith.constant 128 : i32
    %mul3A_221 = arith.muli %min3A_219, %mul3A_220 : i32
    %dma_wait3A_222 = arith.constant 0 : i32
    %dma_wait3A_223 = arith.constant 0 : i32
    %dma_wait3A_224 = arith.constant 0 : i32
    %dma_wait3A_225 = arith.constant 0 : i32
    %dma_wait3A_226 = tpu.memref_slice %arg5[%dma_wait3A_222, %dma_wait3A_224, %dma_wait3A_225] : memref<3x512x32xf32, #tpu.memory_space<vmem>> -> memref<1x512x32xf32, #tpu.memory_space<vmem>>
    %dma_wait3A_227 = tpu.memref_squeeze %dma_wait3A_226 : memref<1x512x32xf32, #tpu.memory_space<vmem>> -> memref<512x32xf32, #tpu.memory_space<vmem>>
    %dma_wait3A_228 = arith.constant 0 : i32
    %dma_wait3A_229 = tpu.memref_slice %arg3[%mul3A_221, %dma_wait3A_228] : memref<1000064x32xf32, #tpu.memory_space<hbm>> -> memref<512x32xf32, #tpu.memory_space<hbm>>
    %dma_wait3A_230 = tpu.memref_slice %arg7[%dma_wait3A_223] : memref<3x!tpu.dma_semaphore, #tpu.memory_space<semaphore_mem>> -> memref<1x!tpu.dma_semaphore, #tpu.memory_space<semaphore_mem>>
    %dma_wait3A_231 = tpu.memref_squeeze %dma_wait3A_230 : memref<1x!tpu.dma_semaphore, #tpu.memory_space<semaphore_mem>> -> memref<!tpu.dma_semaphore, #tpu.memory_space<semaphore_mem>>
    %dma_wait3A_232 = arith.constant 0 : i32
    %dma_wait3A_233 = tpu.memref_slice %arg3[%mul3A_221, %dma_wait3A_232] : memref<1000064x32xf32, #tpu.memory_space<hbm>> -> memref<512x32xf32, #tpu.memory_space<hbm>>
    %dma_wait3A_234 = arith.constant 0 : i32
    %dma_wait3A_235 = arith.constant 0 : i32
    %dma_wait3A_236 = tpu.memref_slice %arg5[%dma_wait3A_222, %dma_wait3A_234, %dma_wait3A_235] : memref<3x512x32xf32, #tpu.memory_space<vmem>> -> memref<1x512x32xf32, #tpu.memory_space<vmem>>
    %dma_wait3A_237 = tpu.memref_squeeze %dma_wait3A_236 : memref<1x512x32xf32, #tpu.memory_space<vmem>> -> memref<512x32xf32, #tpu.memory_space<vmem>>
    tpu.wait_dma2 semaphore(%dma_wait3A_231 : memref<!tpu.dma_semaphore, #tpu.memory_space<semaphore_mem>>) src(%dma_wait3A_237 : memref<512x32xf32, #tpu.memory_space<vmem>>) dst(%dma_wait3A_233 : memref<512x32xf32, #tpu.memory_space<hbm>>)
    %parallel_loop3A = arith.constant 0 : i32
    %parallel_loop3A_238 = arith.constant 512 : i32
    %parallel_loop3A_239 = arith.constant 1 : i32
    %parallel_loop3A_240 = arith.constant 0 : i32
    scf.for %parallel_loop3A_521 = %parallel_loop3A to %parallel_loop3A_238 step %parallel_loop3A_239  : i32 {
      %parallel_loop3A_522 = arith.constant 128 : i32
      %parallel_loop3A_523 = arith.divsi %parallel_loop3A_521, %parallel_loop3A_522 : i32
      %parallel_loop3A_524 = arith.constant 0 : i32
      %parallel_loop3A_525 = arith.cmpi sgt, %parallel_loop3A_521, %parallel_loop3A_524 : i32
      %parallel_loop3A_526 = arith.extui %parallel_loop3A_525 : i1 to i32
      %parallel_loop3A_527 = arith.constant 0 : i32
      %parallel_loop3A_528 = arith.cmpi slt, %parallel_loop3A_521, %parallel_loop3A_527 : i32
      %parallel_loop3A_529 = arith.extui %parallel_loop3A_528 : i1 to i32
      %parallel_loop3A_530 = arith.subi %parallel_loop3A_526, %parallel_loop3A_529 : i32
      %parallel_loop3A_531 = arith.constant 0 : i32
      %parallel_loop3A_532 = arith.cmpi sgt, %parallel_loop3A_522, %parallel_loop3A_531 : i32
      %parallel_loop3A_533 = arith.extui %parallel_loop3A_532 : i1 to i32
      %parallel_loop3A_534 = arith.constant 0 : i32
      %parallel_loop3A_535 = arith.cmpi slt, %parallel_loop3A_522, %parallel_loop3A_534 : i32
      %parallel_loop3A_536 = arith.extui %parallel_loop3A_535 : i1 to i32
      %parallel_loop3A_537 = arith.subi %parallel_loop3A_533, %parallel_loop3A_536 : i32
      %parallel_loop3A_538 = arith.cmpi ne, %parallel_loop3A_530, %parallel_loop3A_537 : i32
      %parallel_loop3A_539 = arith.remsi %parallel_loop3A_521, %parallel_loop3A_522 : i32
      %parallel_loop3A_540 = arith.constant 0 : i32
      %parallel_loop3A_541 = arith.cmpi ne, %parallel_loop3A_539, %parallel_loop3A_540 : i32
      %parallel_loop3A_542 = arith.andi %parallel_loop3A_538, %parallel_loop3A_541 : i1
      %parallel_loop3A_543 = arith.constant 1 : i32
      %parallel_loop3A_544 = arith.subi %parallel_loop3A_523, %parallel_loop3A_543 : i32
      %parallel_loop3A_545 = arith.select %parallel_loop3A_542, %parallel_loop3A_544, %parallel_loop3A_523 : i32
      %parallel_loop3A_546 = vector.broadcast %parallel_loop3A_545 : i32 to vector<16xi32>
      %parallel_loop3A_547 = arith.constant 128 : i32
      %parallel_loop3A_548 = arith.constant 0 : i32
      %parallel_loop3A_549 = arith.cmpi eq, %parallel_loop3A_547, %parallel_loop3A_548 : i32
      %parallel_loop3A_550 = arith.constant 1 : i32
      %parallel_loop3A_551 = arith.select %parallel_loop3A_549, %parallel_loop3A_550, %parallel_loop3A_547 : i32
      %parallel_loop3A_552 = arith.remsi %parallel_loop3A_521, %parallel_loop3A_551 : i32
      %parallel_loop3A_553 = arith.constant 0 : i32
      %parallel_loop3A_554 = arith.cmpi ne, %parallel_loop3A_552, %parallel_loop3A_553 : i32
      %parallel_loop3A_555 = arith.constant 0 : i32
      %parallel_loop3A_556 = arith.cmpi slt, %parallel_loop3A_552, %parallel_loop3A_555 : i32
      %parallel_loop3A_557 = arith.constant 0 : i32
      %parallel_loop3A_558 = arith.cmpi slt, %parallel_loop3A_551, %parallel_loop3A_557 : i32
      %parallel_loop3A_559 = arith.xori %parallel_loop3A_556, %parallel_loop3A_558 : i1
      %parallel_loop3A_560 = arith.andi %parallel_loop3A_559, %parallel_loop3A_554 : i1
      %parallel_loop3A_561 = arith.addi %parallel_loop3A_552, %parallel_loop3A_551 : i32
      %parallel_loop3A_562 = arith.select %parallel_loop3A_560, %parallel_loop3A_561, %parallel_loop3A_552 : i32
      %parallel_loop3A_563 = vector.broadcast %parallel_loop3A_562 : i32 to vector<16xi32>
      %parallel_loop3A_564 = arith.constant 0 : i32
      %parallel_loop3A_565 = arith.constant 0 : i32
      %parallel_loop3A_566 = arith.constant 0 : i32
      %parallel_loop3A_567 = arith.constant 0 : i32
      %parallel_loop3A_568 = tpu.memref_slice %arg4[%parallel_loop3A_240, %parallel_loop3A_564, %parallel_loop3A_565, %parallel_loop3A_566, %parallel_loop3A_567] : memref<3x4x5x8x129xf32, #tpu.memory_space<vmem>> -> memref<1x4x5x8x129xf32, #tpu.memory_space<vmem>>
      %parallel_loop3A_569 = tpu.memref_squeeze %parallel_loop3A_568 : memref<1x4x5x8x129xf32, #tpu.memory_space<vmem>> -> memref<4x5x8x129xf32, #tpu.memory_space<vmem>>
      %parallel_loop3A_570 = tpu.vector_load_idx %parallel_loop3A_569[%add3A_46, %parallel_loop3A_546, %select_n3A_15, %parallel_loop3A_563] : memref<4x5x8x129xf32, #tpu.memory_space<vmem>>[vector<16xi32>, vector<16xi32>, vector<16xi32>, vector<16xi32>], vector<16xf32>,
      %parallel_loop3A_571 = arith.constant 0 : i32
      %parallel_loop3A_572 = arith.index_cast %parallel_loop3A_571 : i32 to index
      %parallel_loop3A_573 = arith.index_cast %parallel_loop3A_521 : i32 to index
      %parallel_loop3A_574 = arith.constant 0 : index
      %parallel_loop3A_575 = tpu.vector_load %arg5[%parallel_loop3A_572, %parallel_loop3A_573, %parallel_loop3A_574] {strides = array<i32>} : memref<3x512x32xf32, #tpu.memory_space<vmem>>, vector<16xf32>,
      tpu.vector_store %arg5[%parallel_loop3A_572, %parallel_loop3A_573, %parallel_loop3A_574], %parallel_loop3A_570 {strides = array<i32>} : memref<3x512x32xf32, #tpu.memory_space<vmem>>, vector<16xf32>,
      %parallel_loop3A_576 = arith.constant 0 : i32
      %parallel_loop3A_577 = arith.constant 0 : i32
      %parallel_loop3A_578 = arith.constant 0 : i32
      %parallel_loop3A_579 = arith.constant 0 : i32
      %parallel_loop3A_580 = tpu.memref_slice %arg4[%parallel_loop3A_240, %parallel_loop3A_576, %parallel_loop3A_577, %parallel_loop3A_578, %parallel_loop3A_579] : memref<3x4x5x8x129xf32, #tpu.memory_space<vmem>> -> memref<1x4x5x8x129xf32, #tpu.memory_space<vmem>>
      %parallel_loop3A_581 = tpu.memref_squeeze %parallel_loop3A_580 : memref<1x4x5x8x129xf32, #tpu.memory_space<vmem>> -> memref<4x5x8x129xf32, #tpu.memory_space<vmem>>
      %parallel_loop3A_582 = tpu.vector_load_idx %parallel_loop3A_581[%add3A_80, %parallel_loop3A_546, %select_n3A_15, %parallel_loop3A_563] : memref<4x5x8x129xf32, #tpu.memory_space<vmem>>[vector<16xi32>, vector<16xi32>, vector<16xi32>, vector<16xi32>], vector<16xf32>,
      %parallel_loop3A_583 = arith.constant 0 : i32
      %parallel_loop3A_584 = arith.index_cast %parallel_loop3A_583 : i32 to index
      %parallel_loop3A_585 = arith.index_cast %parallel_loop3A_521 : i32 to index
      %parallel_loop3A_586 = arith.constant 16 : index
      %parallel_loop3A_587 = tpu.vector_load %arg5[%parallel_loop3A_584, %parallel_loop3A_585, %parallel_loop3A_586] {strides = array<i32>} : memref<3x512x32xf32, #tpu.memory_space<vmem>>, vector<16xf32>,
      tpu.vector_store %arg5[%parallel_loop3A_584, %parallel_loop3A_585, %parallel_loop3A_586], %parallel_loop3A_582 {strides = array<i32>} : memref<3x512x32xf32, #tpu.memory_space<vmem>>, vector<16xf32>,
    } {sc.loop_unroll_factor = 8 : i64, sc.parallel_access}
    %mul3A_241 = arith.constant 63 : i32
    %mul3A_242 = arith.muli %add3A, %mul3A_241 : i32
    %add3A_243 = arith.constant 60 : i32
    %add3A_244 = arith.addi %mul3A_242, %add3A_243 : i32
    %mul3A_245 = arith.constant 4 : i32
    %mul3A_246 = arith.muli %add3A_244, %mul3A_245 : i32
    %min3A_247 = arith.constant 7809 : i32
    %min3A_248 = arith.minsi %mul3A_246, %min3A_247 : i32
    %mul3A_249 = arith.constant 128 : i32
    %mul3A_250 = arith.muli %min3A_248, %mul3A_249 : i32
    %dma_start3A_251 = arith.constant 0 : i32
    %dma_start3A_252 = arith.constant 0 : i32
    %dma_start3A_253 = arith.constant 0 : i32
    %dma_start3A_254 = arith.constant 0 : i32
    %dma_start3A_255 = tpu.memref_slice %arg5[%dma_start3A_251, %dma_start3A_253, %dma_start3A_254] : memref<3x512x32xf32, #tpu.memory_space<vmem>> -> memref<1x512x32xf32, #tpu.memory_space<vmem>>
    %dma_start3A_256 = tpu.memref_squeeze %dma_start3A_255 : memref<1x512x32xf32, #tpu.memory_space<vmem>> -> memref<512x32xf32, #tpu.memory_space<vmem>>
    %dma_start3A_257 = arith.constant 0 : i32
    %dma_start3A_258 = tpu.memref_slice %arg3[%mul3A_250, %dma_start3A_257] : memref<1000064x32xf32, #tpu.memory_space<hbm>> -> memref<512x32xf32, #tpu.memory_space<hbm>>
    %dma_start3A_259 = tpu.memref_slice %arg7[%dma_start3A_252] : memref<3x!tpu.dma_semaphore, #tpu.memory_space<semaphore_mem>> -> memref<1x!tpu.dma_semaphore, #tpu.memory_space<semaphore_mem>>
    %dma_start3A_260 = tpu.memref_squeeze %dma_start3A_259 : memref<1x!tpu.dma_semaphore, #tpu.memory_space<semaphore_mem>> -> memref<!tpu.dma_semaphore, #tpu.memory_space<semaphore_mem>>
    %dma_start3A_261 = arith.constant 0 : i32
    %dma_start3A_262 = tpu.memref_slice %arg3[%mul3A_250, %dma_start3A_261] : memref<1000064x32xf32, #tpu.memory_space<hbm>> -> memref<512x32xf32, #tpu.memory_space<hbm>>
    %dma_start3A_263 = arith.constant 0 : i32
    %dma_start3A_264 = arith.constant 0 : i32
    %dma_start3A_265 = tpu.memref_slice %arg5[%dma_start3A_251, %dma_start3A_263, %dma_start3A_264] : memref<3x512x32xf32, #tpu.memory_space<vmem>> -> memref<1x512x32xf32, #tpu.memory_space<vmem>>
    %dma_start3A_266 = tpu.memref_squeeze %dma_start3A_265 : memref<1x512x32xf32, #tpu.memory_space<vmem>> -> memref<512x32xf32, #tpu.memory_space<vmem>>
    tpu.enqueue_dma source(%dma_start3A_266 : memref<512x32xf32, #tpu.memory_space<vmem>>) target(%dma_start3A_262 : memref<512x32xf32, #tpu.memory_space<hbm>>) target_semaphore(%dma_start3A_260 : memref<!tpu.dma_semaphore, #tpu.memory_space<semaphore_mem>>)
    %mul3A_267 = arith.constant 63 : i32
    %mul3A_268 = arith.muli %add3A, %mul3A_267 : i32
    %add3A_269 = arith.constant 61 : i32
    %add3A_270 = arith.addi %mul3A_268, %add3A_269 : i32
    %mul3A_271 = arith.constant 4 : i32
    %mul3A_272 = arith.muli %add3A_270, %mul3A_271 : i32
    %min3A_273 = arith.constant 7809 : i32
    %min3A_274 = arith.minsi %mul3A_272, %min3A_273 : i32
    %dma_wait3A_275 = arith.constant 1 : i32
    %dma_wait3A_276 = arith.constant 1 : i32
    %dma_wait3A_277 = arith.constant 0 : i32
    %dma_wait3A_278 = arith.constant 0 : i32
    %dma_wait3A_279 = arith.constant 0 : i32
    %dma_wait3A_280 = arith.constant 0 : i32
    %dma_wait3A_281 = tpu.memref_slice %arg4[%dma_wait3A_275, %dma_wait3A_277, %dma_wait3A_278, %dma_wait3A_279, %dma_wait3A_280] : memref<3x4x5x8x129xf32, #tpu.memory_space<vmem>> -> memref<1x4x4x8x128xf32, #tpu.memory_space<vmem>>
    %dma_wait3A_282 = tpu.memref_squeeze %dma_wait3A_281 : memref<1x4x4x8x128xf32, #tpu.memory_space<vmem>> -> memref<4x4x8x128xf32, #tpu.memory_space<vmem>>
    %dma_wait3A_283 = arith.constant 0 : i32
    %dma_wait3A_284 = arith.constant 0 : i32
    %dma_wait3A_285 = arith.constant 0 : i32
    %dma_wait3A_286 = tpu.memref_slice %arg2[%dma_wait3A_283, %min3A_274, %dma_wait3A_284, %dma_wait3A_285] : memref<4x7813x8x128xf32, #tpu.memory_space<hbm>> -> memref<4x4x8x128xf32, #tpu.memory_space<hbm>>
    %dma_wait3A_287 = tpu.memref_slice %arg6[%dma_wait3A_276] : memref<3x!tpu.dma_semaphore, #tpu.memory_space<semaphore_mem>> -> memref<1x!tpu.dma_semaphore, #tpu.memory_space<semaphore_mem>>
    %dma_wait3A_288 = tpu.memref_squeeze %dma_wait3A_287 : memref<1x!tpu.dma_semaphore, #tpu.memory_space<semaphore_mem>> -> memref<!tpu.dma_semaphore, #tpu.memory_space<semaphore_mem>>
    %dma_wait3A_289 = arith.constant 0 : i32
    %dma_wait3A_290 = arith.constant 0 : i32
    %dma_wait3A_291 = arith.constant 0 : i32
    %dma_wait3A_292 = arith.constant 0 : i32
    %dma_wait3A_293 = tpu.memref_slice %arg4[%dma_wait3A_275, %dma_wait3A_289, %dma_wait3A_290, %dma_wait3A_291, %dma_wait3A_292] : memref<3x4x5x8x129xf32, #tpu.memory_space<vmem>> -> memref<1x4x4x8x128xf32, #tpu.memory_space<vmem>>
    %dma_wait3A_294 = tpu.memref_squeeze %dma_wait3A_293 : memref<1x4x4x8x128xf32, #tpu.memory_space<vmem>> -> memref<4x4x8x128xf32, #tpu.memory_space<vmem>>
    %dma_wait3A_295 = arith.constant 0 : i32
    %dma_wait3A_296 = arith.constant 0 : i32
    %dma_wait3A_297 = arith.constant 0 : i32
    %dma_wait3A_298 = tpu.memref_slice %arg2[%dma_wait3A_295, %min3A_274, %dma_wait3A_296, %dma_wait3A_297] : memref<4x7813x8x128xf32, #tpu.memory_space<hbm>> -> memref<4x4x8x128xf32, #tpu.memory_space<hbm>>
    tpu.wait_dma2 semaphore(%dma_wait3A_288 : memref<!tpu.dma_semaphore, #tpu.memory_space<semaphore_mem>>) src(%dma_wait3A_298 : memref<4x4x8x128xf32, #tpu.memory_space<hbm>>) dst(%dma_wait3A_294 : memref<4x4x8x128xf32, #tpu.memory_space<vmem>>)
    %mul3A_299 = arith.constant 63 : i32
    %mul3A_300 = arith.muli %add3A, %mul3A_299 : i32
    %add3A_301 = arith.constant 61 : i32
    %add3A_302 = arith.addi %mul3A_300, %add3A_301 : i32
    %mul3A_303 = arith.constant 4 : i32
    %mul3A_304 = arith.muli %add3A_302, %mul3A_303 : i32
    %min3A_305 = arith.constant 7809 : i32
    %min3A_306 = arith.minsi %mul3A_304, %min3A_305 : i32
    %mul3A_307 = arith.constant 128 : i32
    %mul3A_308 = arith.muli %min3A_306, %mul3A_307 : i32
    %dma_wait3A_309 = arith.constant 1 : i32
    %dma_wait3A_310 = arith.constant 1 : i32
    %dma_wait3A_311 = arith.constant 0 : i32
    %dma_wait3A_312 = arith.constant 0 : i32
    %dma_wait3A_313 = tpu.memref_slice %arg5[%dma_wait3A_309, %dma_wait3A_311, %dma_wait3A_312] : memref<3x512x32xf32, #tpu.memory_space<vmem>> -> memref<1x512x32xf32, #tpu.memory_space<vmem>>
    %dma_wait3A_314 = tpu.memref_squeeze %dma_wait3A_313 : memref<1x512x32xf32, #tpu.memory_space<vmem>> -> memref<512x32xf32, #tpu.memory_space<vmem>>
    %dma_wait3A_315 = arith.constant 0 : i32
    %dma_wait3A_316 = tpu.memref_slice %arg3[%mul3A_308, %dma_wait3A_315] : memref<1000064x32xf32, #tpu.memory_space<hbm>> -> memref<512x32xf32, #tpu.memory_space<hbm>>
    %dma_wait3A_317 = tpu.memref_slice %arg7[%dma_wait3A_310] : memref<3x!tpu.dma_semaphore, #tpu.memory_space<semaphore_mem>> -> memref<1x!tpu.dma_semaphore, #tpu.memory_space<semaphore_mem>>
    %dma_wait3A_318 = tpu.memref_squeeze %dma_wait3A_317 : memref<1x!tpu.dma_semaphore, #tpu.memory_space<semaphore_mem>> -> memref<!tpu.dma_semaphore, #tpu.memory_space<semaphore_mem>>
    %dma_wait3A_319 = arith.constant 0 : i32
    %dma_wait3A_320 = tpu.memref_slice %arg3[%mul3A_308, %dma_wait3A_319] : memref<1000064x32xf32, #tpu.memory_space<hbm>> -> memref<512x32xf32, #tpu.memory_space<hbm>>
    %dma_wait3A_321 = arith.constant 0 : i32
    %dma_wait3A_322 = arith.constant 0 : i32
    %dma_wait3A_323 = tpu.memref_slice %arg5[%dma_wait3A_309, %dma_wait3A_321, %dma_wait3A_322] : memref<3x512x32xf32, #tpu.memory_space<vmem>> -> memref<1x512x32xf32, #tpu.memory_space<vmem>>
    %dma_wait3A_324 = tpu.memref_squeeze %dma_wait3A_323 : memref<1x512x32xf32, #tpu.memory_space<vmem>> -> memref<512x32xf32, #tpu.memory_space<vmem>>
    tpu.wait_dma2 semaphore(%dma_wait3A_318 : memref<!tpu.dma_semaphore, #tpu.memory_space<semaphore_mem>>) src(%dma_wait3A_324 : memref<512x32xf32, #tpu.memory_space<vmem>>) dst(%dma_wait3A_320 : memref<512x32xf32, #tpu.memory_space<hbm>>)
    %parallel_loop3A_325 = arith.constant 0 : i32
    %parallel_loop3A_326 = arith.constant 512 : i32
    %parallel_loop3A_327 = arith.constant 1 : i32
    %parallel_loop3A_328 = arith.constant 1 : i32
    scf.for %parallel_loop3A_521 = %parallel_loop3A_325 to %parallel_loop3A_326 step %parallel_loop3A_327  : i32 {
      %parallel_loop3A_522 = arith.constant 128 : i32
      %parallel_loop3A_523 = arith.divsi %parallel_loop3A_521, %parallel_loop3A_522 : i32
      %parallel_loop3A_524 = arith.constant 0 : i32
      %parallel_loop3A_525 = arith.cmpi sgt, %parallel_loop3A_521, %parallel_loop3A_524 : i32
      %parallel_loop3A_526 = arith.extui %parallel_loop3A_525 : i1 to i32
      %parallel_loop3A_527 = arith.constant 0 : i32
      %parallel_loop3A_528 = arith.cmpi slt, %parallel_loop3A_521, %parallel_loop3A_527 : i32
      %parallel_loop3A_529 = arith.extui %parallel_loop3A_528 : i1 to i32
      %parallel_loop3A_530 = arith.subi %parallel_loop3A_526, %parallel_loop3A_529 : i32
      %parallel_loop3A_531 = arith.constant 0 : i32
      %parallel_loop3A_532 = arith.cmpi sgt, %parallel_loop3A_522, %parallel_loop3A_531 : i32
      %parallel_loop3A_533 = arith.extui %parallel_loop3A_532 : i1 to i32
      %parallel_loop3A_534 = arith.constant 0 : i32
      %parallel_loop3A_535 = arith.cmpi slt, %parallel_loop3A_522, %parallel_loop3A_534 : i32
      %parallel_loop3A_536 = arith.extui %parallel_loop3A_535 : i1 to i32
      %parallel_loop3A_537 = arith.subi %parallel_loop3A_533, %parallel_loop3A_536 : i32
      %parallel_loop3A_538 = arith.cmpi ne, %parallel_loop3A_530, %parallel_loop3A_537 : i32
      %parallel_loop3A_539 = arith.remsi %parallel_loop3A_521, %parallel_loop3A_522 : i32
      %parallel_loop3A_540 = arith.constant 0 : i32
      %parallel_loop3A_541 = arith.cmpi ne, %parallel_loop3A_539, %parallel_loop3A_540 : i32
      %parallel_loop3A_542 = arith.andi %parallel_loop3A_538, %parallel_loop3A_541 : i1
      %parallel_loop3A_543 = arith.constant 1 : i32
      %parallel_loop3A_544 = arith.subi %parallel_loop3A_523, %parallel_loop3A_543 : i32
      %parallel_loop3A_545 = arith.select %parallel_loop3A_542, %parallel_loop3A_544, %parallel_loop3A_523 : i32
      %parallel_loop3A_546 = vector.broadcast %parallel_loop3A_545 : i32 to vector<16xi32>
      %parallel_loop3A_547 = arith.constant 128 : i32
      %parallel_loop3A_548 = arith.constant 0 : i32
      %parallel_loop3A_549 = arith.cmpi eq, %parallel_loop3A_547, %parallel_loop3A_548 : i32
      %parallel_loop3A_550 = arith.constant 1 : i32
      %parallel_loop3A_551 = arith.select %parallel_loop3A_549, %parallel_loop3A_550, %parallel_loop3A_547 : i32
      %parallel_loop3A_552 = arith.remsi %parallel_loop3A_521, %parallel_loop3A_551 : i32
      %parallel_loop3A_553 = arith.constant 0 : i32
      %parallel_loop3A_554 = arith.cmpi ne, %parallel_loop3A_552, %parallel_loop3A_553 : i32
      %parallel_loop3A_555 = arith.constant 0 : i32
      %parallel_loop3A_556 = arith.cmpi slt, %parallel_loop3A_552, %parallel_loop3A_555 : i32
      %parallel_loop3A_557 = arith.constant 0 : i32
      %parallel_loop3A_558 = arith.cmpi slt, %parallel_loop3A_551, %parallel_loop3A_557 : i32
      %parallel_loop3A_559 = arith.xori %parallel_loop3A_556, %parallel_loop3A_558 : i1
      %parallel_loop3A_560 = arith.andi %parallel_loop3A_559, %parallel_loop3A_554 : i1
      %parallel_loop3A_561 = arith.addi %parallel_loop3A_552, %parallel_loop3A_551 : i32
      %parallel_loop3A_562 = arith.select %parallel_loop3A_560, %parallel_loop3A_561, %parallel_loop3A_552 : i32
      %parallel_loop3A_563 = vector.broadcast %parallel_loop3A_562 : i32 to vector<16xi32>
      %parallel_loop3A_564 = arith.constant 0 : i32
      %parallel_loop3A_565 = arith.constant 0 : i32
      %parallel_loop3A_566 = arith.constant 0 : i32
      %parallel_loop3A_567 = arith.constant 0 : i32
      %parallel_loop3A_568 = tpu.memref_slice %arg4[%parallel_loop3A_328, %parallel_loop3A_564, %parallel_loop3A_565, %parallel_loop3A_566, %parallel_loop3A_567] : memref<3x4x5x8x129xf32, #tpu.memory_space<vmem>> -> memref<1x4x5x8x129xf32, #tpu.memory_space<vmem>>
      %parallel_loop3A_569 = tpu.memref_squeeze %parallel_loop3A_568 : memref<1x4x5x8x129xf32, #tpu.memory_space<vmem>> -> memref<4x5x8x129xf32, #tpu.memory_space<vmem>>
      %parallel_loop3A_570 = tpu.vector_load_idx %parallel_loop3A_569[%add3A_46, %parallel_loop3A_546, %select_n3A_15, %parallel_loop3A_563] : memref<4x5x8x129xf32, #tpu.memory_space<vmem>>[vector<16xi32>, vector<16xi32>, vector<16xi32>, vector<16xi32>], vector<16xf32>,
      %parallel_loop3A_571 = arith.constant 1 : i32
      %parallel_loop3A_572 = arith.index_cast %parallel_loop3A_571 : i32 to index
      %parallel_loop3A_573 = arith.index_cast %parallel_loop3A_521 : i32 to index
      %parallel_loop3A_574 = arith.constant 0 : index
      %parallel_loop3A_575 = tpu.vector_load %arg5[%parallel_loop3A_572, %parallel_loop3A_573, %parallel_loop3A_574] {strides = array<i32>} : memref<3x512x32xf32, #tpu.memory_space<vmem>>, vector<16xf32>,
      tpu.vector_store %arg5[%parallel_loop3A_572, %parallel_loop3A_573, %parallel_loop3A_574], %parallel_loop3A_570 {strides = array<i32>} : memref<3x512x32xf32, #tpu.memory_space<vmem>>, vector<16xf32>,
      %parallel_loop3A_576 = arith.constant 0 : i32
      %parallel_loop3A_577 = arith.constant 0 : i32
      %parallel_loop3A_578 = arith.constant 0 : i32
      %parallel_loop3A_579 = arith.constant 0 : i32
      %parallel_loop3A_580 = tpu.memref_slice %arg4[%parallel_loop3A_328, %parallel_loop3A_576, %parallel_loop3A_577, %parallel_loop3A_578, %parallel_loop3A_579] : memref<3x4x5x8x129xf32, #tpu.memory_space<vmem>> -> memref<1x4x5x8x129xf32, #tpu.memory_space<vmem>>
      %parallel_loop3A_581 = tpu.memref_squeeze %parallel_loop3A_580 : memref<1x4x5x8x129xf32, #tpu.memory_space<vmem>> -> memref<4x5x8x129xf32, #tpu.memory_space<vmem>>
      %parallel_loop3A_582 = tpu.vector_load_idx %parallel_loop3A_581[%add3A_80, %parallel_loop3A_546, %select_n3A_15, %parallel_loop3A_563] : memref<4x5x8x129xf32, #tpu.memory_space<vmem>>[vector<16xi32>, vector<16xi32>, vector<16xi32>, vector<16xi32>], vector<16xf32>,
      %parallel_loop3A_583 = arith.constant 1 : i32
      %parallel_loop3A_584 = arith.index_cast %parallel_loop3A_583 : i32 to index
      %parallel_loop3A_585 = arith.index_cast %parallel_loop3A_521 : i32 to index
      %parallel_loop3A_586 = arith.constant 16 : index
      %parallel_loop3A_587 = tpu.vector_load %arg5[%parallel_loop3A_584, %parallel_loop3A_585, %parallel_loop3A_586] {strides = array<i32>} : memref<3x512x32xf32, #tpu.memory_space<vmem>>, vector<16xf32>,
      tpu.vector_store %arg5[%parallel_loop3A_584, %parallel_loop3A_585, %parallel_loop3A_586], %parallel_loop3A_582 {strides = array<i32>} : memref<3x512x32xf32, #tpu.memory_space<vmem>>, vector<16xf32>,
    } {sc.loop_unroll_factor = 8 : i64, sc.parallel_access}
    %mul3A_329 = arith.constant 63 : i32
    %mul3A_330 = arith.muli %add3A, %mul3A_329 : i32
    %add3A_331 = arith.constant 61 : i32
    %add3A_332 = arith.addi %mul3A_330, %add3A_331 : i32
    %mul3A_333 = arith.constant 4 : i32
    %mul3A_334 = arith.muli %add3A_332, %mul3A_333 : i32
    %min3A_335 = arith.constant 7809 : i32
    %min3A_336 = arith.minsi %mul3A_334, %min3A_335 : i32
    %mul3A_337 = arith.constant 128 : i32
    %mul3A_338 = arith.muli %min3A_336, %mul3A_337 : i32
    %dma_start3A_339 = arith.constant 1 : i32
    %dma_start3A_340 = arith.constant 1 : i32
    %dma_start3A_341 = arith.constant 0 : i32
    %dma_start3A_342 = arith.constant 0 : i32
    %dma_start3A_343 = tpu.memref_slice %arg5[%dma_start3A_339, %dma_start3A_341, %dma_start3A_342] : memref<3x512x32xf32, #tpu.memory_space<vmem>> -> memref<1x512x32xf32, #tpu.memory_space<vmem>>
    %dma_start3A_344 = tpu.memref_squeeze %dma_start3A_343 : memref<1x512x32xf32, #tpu.memory_space<vmem>> -> memref<512x32xf32, #tpu.memory_space<vmem>>
    %dma_start3A_345 = arith.constant 0 : i32
    %dma_start3A_346 = tpu.memref_slice %arg3[%mul3A_338, %dma_start3A_345] : memref<1000064x32xf32, #tpu.memory_space<hbm>> -> memref<512x32xf32, #tpu.memory_space<hbm>>
    %dma_start3A_347 = tpu.memref_slice %arg7[%dma_start3A_340] : memref<3x!tpu.dma_semaphore, #tpu.memory_space<semaphore_mem>> -> memref<1x!tpu.dma_semaphore, #tpu.memory_space<semaphore_mem>>
    %dma_start3A_348 = tpu.memref_squeeze %dma_start3A_347 : memref<1x!tpu.dma_semaphore, #tpu.memory_space<semaphore_mem>> -> memref<!tpu.dma_semaphore, #tpu.memory_space<semaphore_mem>>
    %dma_start3A_349 = arith.constant 0 : i32
    %dma_start3A_350 = tpu.memref_slice %arg3[%mul3A_338, %dma_start3A_349] : memref<1000064x32xf32, #tpu.memory_space<hbm>> -> memref<512x32xf32, #tpu.memory_space<hbm>>
    %dma_start3A_351 = arith.constant 0 : i32
    %dma_start3A_352 = arith.constant 0 : i32
    %dma_start3A_353 = tpu.memref_slice %arg5[%dma_start3A_339, %dma_start3A_351, %dma_start3A_352] : memref<3x512x32xf32, #tpu.memory_space<vmem>> -> memref<1x512x32xf32, #tpu.memory_space<vmem>>
    %dma_start3A_354 = tpu.memref_squeeze %dma_start3A_353 : memref<1x512x32xf32, #tpu.memory_space<vmem>> -> memref<512x32xf32, #tpu.memory_space<vmem>>
    tpu.enqueue_dma source(%dma_start3A_354 : memref<512x32xf32, #tpu.memory_space<vmem>>) target(%dma_start3A_350 : memref<512x32xf32, #tpu.memory_space<hbm>>) target_semaphore(%dma_start3A_348 : memref<!tpu.dma_semaphore, #tpu.memory_space<semaphore_mem>>)
    %mul3A_355 = arith.constant 63 : i32
    %mul3A_356 = arith.muli %add3A, %mul3A_355 : i32
    %add3A_357 = arith.constant 62 : i32
    %add3A_358 = arith.addi %mul3A_356, %add3A_357 : i32
    %mul3A_359 = arith.constant 4 : i32
    %mul3A_360 = arith.muli %add3A_358, %mul3A_359 : i32
    %min3A_361 = arith.constant 7809 : i32
    %min3A_362 = arith.minsi %mul3A_360, %min3A_361 : i32
    %dma_wait3A_363 = arith.constant 2 : i32
    %dma_wait3A_364 = arith.constant 2 : i32
    %dma_wait3A_365 = arith.constant 0 : i32
    %dma_wait3A_366 = arith.constant 0 : i32
    %dma_wait3A_367 = arith.constant 0 : i32
    %dma_wait3A_368 = arith.constant 0 : i32
    %dma_wait3A_369 = tpu.memref_slice %arg4[%dma_wait3A_363, %dma_wait3A_365, %dma_wait3A_366, %dma_wait3A_367, %dma_wait3A_368] : memref<3x4x5x8x129xf32, #tpu.memory_space<vmem>> -> memref<1x4x4x8x128xf32, #tpu.memory_space<vmem>>
    %dma_wait3A_370 = tpu.memref_squeeze %dma_wait3A_369 : memref<1x4x4x8x128xf32, #tpu.memory_space<vmem>> -> memref<4x4x8x128xf32, #tpu.memory_space<vmem>>
    %dma_wait3A_371 = arith.constant 0 : i32
    %dma_wait3A_372 = arith.constant 0 : i32
    %dma_wait3A_373 = arith.constant 0 : i32
    %dma_wait3A_374 = tpu.memref_slice %arg2[%dma_wait3A_371, %min3A_362, %dma_wait3A_372, %dma_wait3A_373] : memref<4x7813x8x128xf32, #tpu.memory_space<hbm>> -> memref<4x4x8x128xf32, #tpu.memory_space<hbm>>
    %dma_wait3A_375 = tpu.memref_slice %arg6[%dma_wait3A_364] : memref<3x!tpu.dma_semaphore, #tpu.memory_space<semaphore_mem>> -> memref<1x!tpu.dma_semaphore, #tpu.memory_space<semaphore_mem>>
    %dma_wait3A_376 = tpu.memref_squeeze %dma_wait3A_375 : memref<1x!tpu.dma_semaphore, #tpu.memory_space<semaphore_mem>> -> memref<!tpu.dma_semaphore, #tpu.memory_space<semaphore_mem>>
    %dma_wait3A_377 = arith.constant 0 : i32
    %dma_wait3A_378 = arith.constant 0 : i32
    %dma_wait3A_379 = arith.constant 0 : i32
    %dma_wait3A_380 = arith.constant 0 : i32
    %dma_wait3A_381 = tpu.memref_slice %arg4[%dma_wait3A_363, %dma_wait3A_377, %dma_wait3A_378, %dma_wait3A_379, %dma_wait3A_380] : memref<3x4x5x8x129xf32, #tpu.memory_space<vmem>> -> memref<1x4x4x8x128xf32, #tpu.memory_space<vmem>>
    %dma_wait3A_382 = tpu.memref_squeeze %dma_wait3A_381 : memref<1x4x4x8x128xf32, #tpu.memory_space<vmem>> -> memref<4x4x8x128xf32, #tpu.memory_space<vmem>>
    %dma_wait3A_383 = arith.constant 0 : i32
    %dma_wait3A_384 = arith.constant 0 : i32
    %dma_wait3A_385 = arith.constant 0 : i32
    %dma_wait3A_386 = tpu.memref_slice %arg2[%dma_wait3A_383, %min3A_362, %dma_wait3A_384, %dma_wait3A_385] : memref<4x7813x8x128xf32, #tpu.memory_space<hbm>> -> memref<4x4x8x128xf32, #tpu.memory_space<hbm>>
    tpu.wait_dma2 semaphore(%dma_wait3A_376 : memref<!tpu.dma_semaphore, #tpu.memory_space<semaphore_mem>>) src(%dma_wait3A_386 : memref<4x4x8x128xf32, #tpu.memory_space<hbm>>) dst(%dma_wait3A_382 : memref<4x4x8x128xf32, #tpu.memory_space<vmem>>)
    %mul3A_387 = arith.constant 63 : i32
    %mul3A_388 = arith.muli %add3A, %mul3A_387 : i32
    %add3A_389 = arith.constant 62 : i32
    %add3A_390 = arith.addi %mul3A_388, %add3A_389 : i32
    %mul3A_391 = arith.constant 4 : i32
    %mul3A_392 = arith.muli %add3A_390, %mul3A_391 : i32
    %min3A_393 = arith.constant 7809 : i32
    %min3A_394 = arith.minsi %mul3A_392, %min3A_393 : i32
    %mul3A_395 = arith.constant 128 : i32
    %mul3A_396 = arith.muli %min3A_394, %mul3A_395 : i32
    %dma_wait3A_397 = arith.constant 2 : i32
    %dma_wait3A_398 = arith.constant 2 : i32
    %dma_wait3A_399 = arith.constant 0 : i32
    %dma_wait3A_400 = arith.constant 0 : i32
    %dma_wait3A_401 = tpu.memref_slice %arg5[%dma_wait3A_397, %dma_wait3A_399, %dma_wait3A_400] : memref<3x512x32xf32, #tpu.memory_space<vmem>> -> memref<1x512x32xf32, #tpu.memory_space<vmem>>
    %dma_wait3A_402 = tpu.memref_squeeze %dma_wait3A_401 : memref<1x512x32xf32, #tpu.memory_space<vmem>> -> memref<512x32xf32, #tpu.memory_space<vmem>>
    %dma_wait3A_403 = arith.constant 0 : i32
    %dma_wait3A_404 = tpu.memref_slice %arg3[%mul3A_396, %dma_wait3A_403] : memref<1000064x32xf32, #tpu.memory_space<hbm>> -> memref<512x32xf32, #tpu.memory_space<hbm>>
    %dma_wait3A_405 = tpu.memref_slice %arg7[%dma_wait3A_398] : memref<3x!tpu.dma_semaphore, #tpu.memory_space<semaphore_mem>> -> memref<1x!tpu.dma_semaphore, #tpu.memory_space<semaphore_mem>>
    %dma_wait3A_406 = tpu.memref_squeeze %dma_wait3A_405 : memref<1x!tpu.dma_semaphore, #tpu.memory_space<semaphore_mem>> -> memref<!tpu.dma_semaphore, #tpu.memory_space<semaphore_mem>>
    %dma_wait3A_407 = arith.constant 0 : i32
    %dma_wait3A_408 = tpu.memref_slice %arg3[%mul3A_396, %dma_wait3A_407] : memref<1000064x32xf32, #tpu.memory_space<hbm>> -> memref<512x32xf32, #tpu.memory_space<hbm>>
    %dma_wait3A_409 = arith.constant 0 : i32
    %dma_wait3A_410 = arith.constant 0 : i32
    %dma_wait3A_411 = tpu.memref_slice %arg5[%dma_wait3A_397, %dma_wait3A_409, %dma_wait3A_410] : memref<3x512x32xf32, #tpu.memory_space<vmem>> -> memref<1x512x32xf32, #tpu.memory_space<vmem>>
    %dma_wait3A_412 = tpu.memref_squeeze %dma_wait3A_411 : memref<1x512x32xf32, #tpu.memory_space<vmem>> -> memref<512x32xf32, #tpu.memory_space<vmem>>
    tpu.wait_dma2 semaphore(%dma_wait3A_406 : memref<!tpu.dma_semaphore, #tpu.memory_space<semaphore_mem>>) src(%dma_wait3A_412 : memref<512x32xf32, #tpu.memory_space<vmem>>) dst(%dma_wait3A_408 : memref<512x32xf32, #tpu.memory_space<hbm>>)
    %parallel_loop3A_413 = arith.constant 0 : i32
    %parallel_loop3A_414 = arith.constant 512 : i32
    %parallel_loop3A_415 = arith.constant 1 : i32
    %parallel_loop3A_416 = arith.constant 2 : i32
    scf.for %parallel_loop3A_521 = %parallel_loop3A_413 to %parallel_loop3A_414 step %parallel_loop3A_415  : i32 {
      %parallel_loop3A_522 = arith.constant 128 : i32
      %parallel_loop3A_523 = arith.divsi %parallel_loop3A_521, %parallel_loop3A_522 : i32
      %parallel_loop3A_524 = arith.constant 0 : i32
      %parallel_loop3A_525 = arith.cmpi sgt, %parallel_loop3A_521, %parallel_loop3A_524 : i32
      %parallel_loop3A_526 = arith.extui %parallel_loop3A_525 : i1 to i32
      %parallel_loop3A_527 = arith.constant 0 : i32
      %parallel_loop3A_528 = arith.cmpi slt, %parallel_loop3A_521, %parallel_loop3A_527 : i32
      %parallel_loop3A_529 = arith.extui %parallel_loop3A_528 : i1 to i32
      %parallel_loop3A_530 = arith.subi %parallel_loop3A_526, %parallel_loop3A_529 : i32
      %parallel_loop3A_531 = arith.constant 0 : i32
      %parallel_loop3A_532 = arith.cmpi sgt, %parallel_loop3A_522, %parallel_loop3A_531 : i32
      %parallel_loop3A_533 = arith.extui %parallel_loop3A_532 : i1 to i32
      %parallel_loop3A_534 = arith.constant 0 : i32
      %parallel_loop3A_535 = arith.cmpi slt, %parallel_loop3A_522, %parallel_loop3A_534 : i32
      %parallel_loop3A_536 = arith.extui %parallel_loop3A_535 : i1 to i32
      %parallel_loop3A_537 = arith.subi %parallel_loop3A_533, %parallel_loop3A_536 : i32
      %parallel_loop3A_538 = arith.cmpi ne, %parallel_loop3A_530, %parallel_loop3A_537 : i32
      %parallel_loop3A_539 = arith.remsi %parallel_loop3A_521, %parallel_loop3A_522 : i32
      %parallel_loop3A_540 = arith.constant 0 : i32
      %parallel_loop3A_541 = arith.cmpi ne, %parallel_loop3A_539, %parallel_loop3A_540 : i32
      %parallel_loop3A_542 = arith.andi %parallel_loop3A_538, %parallel_loop3A_541 : i1
      %parallel_loop3A_543 = arith.constant 1 : i32
      %parallel_loop3A_544 = arith.subi %parallel_loop3A_523, %parallel_loop3A_543 : i32
      %parallel_loop3A_545 = arith.select %parallel_loop3A_542, %parallel_loop3A_544, %parallel_loop3A_523 : i32
      %parallel_loop3A_546 = vector.broadcast %parallel_loop3A_545 : i32 to vector<16xi32>
      %parallel_loop3A_547 = arith.constant 128 : i32
      %parallel_loop3A_548 = arith.constant 0 : i32
      %parallel_loop3A_549 = arith.cmpi eq, %parallel_loop3A_547, %parallel_loop3A_548 : i32
      %parallel_loop3A_550 = arith.constant 1 : i32
      %parallel_loop3A_551 = arith.select %parallel_loop3A_549, %parallel_loop3A_550, %parallel_loop3A_547 : i32
      %parallel_loop3A_552 = arith.remsi %parallel_loop3A_521, %parallel_loop3A_551 : i32
      %parallel_loop3A_553 = arith.constant 0 : i32
      %parallel_loop3A_554 = arith.cmpi ne, %parallel_loop3A_552, %parallel_loop3A_553 : i32
      %parallel_loop3A_555 = arith.constant 0 : i32
      %parallel_loop3A_556 = arith.cmpi slt, %parallel_loop3A_552, %parallel_loop3A_555 : i32
      %parallel_loop3A_557 = arith.constant 0 : i32
      %parallel_loop3A_558 = arith.cmpi slt, %parallel_loop3A_551, %parallel_loop3A_557 : i32
      %parallel_loop3A_559 = arith.xori %parallel_loop3A_556, %parallel_loop3A_558 : i1
      %parallel_loop3A_560 = arith.andi %parallel_loop3A_559, %parallel_loop3A_554 : i1
      %parallel_loop3A_561 = arith.addi %parallel_loop3A_552, %parallel_loop3A_551 : i32
      %parallel_loop3A_562 = arith.select %parallel_loop3A_560, %parallel_loop3A_561, %parallel_loop3A_552 : i32
      %parallel_loop3A_563 = vector.broadcast %parallel_loop3A_562 : i32 to vector<16xi32>
      %parallel_loop3A_564 = arith.constant 0 : i32
      %parallel_loop3A_565 = arith.constant 0 : i32
      %parallel_loop3A_566 = arith.constant 0 : i32
      %parallel_loop3A_567 = arith.constant 0 : i32
      %parallel_loop3A_568 = tpu.memref_slice %arg4[%parallel_loop3A_416, %parallel_loop3A_564, %parallel_loop3A_565, %parallel_loop3A_566, %parallel_loop3A_567] : memref<3x4x5x8x129xf32, #tpu.memory_space<vmem>> -> memref<1x4x5x8x129xf32, #tpu.memory_space<vmem>>
      %parallel_loop3A_569 = tpu.memref_squeeze %parallel_loop3A_568 : memref<1x4x5x8x129xf32, #tpu.memory_space<vmem>> -> memref<4x5x8x129xf32, #tpu.memory_space<vmem>>
      %parallel_loop3A_570 = tpu.vector_load_idx %parallel_loop3A_569[%add3A_46, %parallel_loop3A_546, %select_n3A_15, %parallel_loop3A_563] : memref<4x5x8x129xf32, #tpu.memory_space<vmem>>[vector<16xi32>, vector<16xi32>, vector<16xi32>, vector<16xi32>], vector<16xf32>,
      %parallel_loop3A_571 = arith.constant 2 : i32
      %parallel_loop3A_572 = arith.index_cast %parallel_loop3A_571 : i32 to index
      %parallel_loop3A_573 = arith.index_cast %parallel_loop3A_521 : i32 to index
      %parallel_loop3A_574 = arith.constant 0 : index
      %parallel_loop3A_575 = tpu.vector_load %arg5[%parallel_loop3A_572, %parallel_loop3A_573, %parallel_loop3A_574] {strides = array<i32>} : memref<3x512x32xf32, #tpu.memory_space<vmem>>, vector<16xf32>,
      tpu.vector_store %arg5[%parallel_loop3A_572, %parallel_loop3A_573, %parallel_loop3A_574], %parallel_loop3A_570 {strides = array<i32>} : memref<3x512x32xf32, #tpu.memory_space<vmem>>, vector<16xf32>,
      %parallel_loop3A_576 = arith.constant 0 : i32
      %parallel_loop3A_577 = arith.constant 0 : i32
      %parallel_loop3A_578 = arith.constant 0 : i32
      %parallel_loop3A_579 = arith.constant 0 : i32
      %parallel_loop3A_580 = tpu.memref_slice %arg4[%parallel_loop3A_416, %parallel_loop3A_576, %parallel_loop3A_577, %parallel_loop3A_578, %parallel_loop3A_579] : memref<3x4x5x8x129xf32, #tpu.memory_space<vmem>> -> memref<1x4x5x8x129xf32, #tpu.memory_space<vmem>>
      %parallel_loop3A_581 = tpu.memref_squeeze %parallel_loop3A_580 : memref<1x4x5x8x129xf32, #tpu.memory_space<vmem>> -> memref<4x5x8x129xf32, #tpu.memory_space<vmem>>
      %parallel_loop3A_582 = tpu.vector_load_idx %parallel_loop3A_581[%add3A_80, %parallel_loop3A_546, %select_n3A_15, %parallel_loop3A_563] : memref<4x5x8x129xf32, #tpu.memory_space<vmem>>[vector<16xi32>, vector<16xi32>, vector<16xi32>, vector<16xi32>], vector<16xf32>,
      %parallel_loop3A_583 = arith.constant 2 : i32
      %parallel_loop3A_584 = arith.index_cast %parallel_loop3A_583 : i32 to index
      %parallel_loop3A_585 = arith.index_cast %parallel_loop3A_521 : i32 to index
      %parallel_loop3A_586 = arith.constant 16 : index
      %parallel_loop3A_587 = tpu.vector_load %arg5[%parallel_loop3A_584, %parallel_loop3A_585, %parallel_loop3A_586] {strides = array<i32>} : memref<3x512x32xf32, #tpu.memory_space<vmem>>, vector<16xf32>,
      tpu.vector_store %arg5[%parallel_loop3A_584, %parallel_loop3A_585, %parallel_loop3A_586], %parallel_loop3A_582 {strides = array<i32>} : memref<3x512x32xf32, #tpu.memory_space<vmem>>, vector<16xf32>,
    } {sc.loop_unroll_factor = 8 : i64, sc.parallel_access}
    %mul3A_417 = arith.constant 63 : i32
    %mul3A_418 = arith.muli %add3A, %mul3A_417 : i32
    %add3A_419 = arith.constant 62 : i32
    %add3A_420 = arith.addi %mul3A_418, %add3A_419 : i32
    %mul3A_421 = arith.constant 4 : i32
    %mul3A_422 = arith.muli %add3A_420, %mul3A_421 : i32
    %min3A_423 = arith.constant 7809 : i32
    %min3A_424 = arith.minsi %mul3A_422, %min3A_423 : i32
    %mul3A_425 = arith.constant 128 : i32
    %mul3A_426 = arith.muli %min3A_424, %mul3A_425 : i32
    %dma_start3A_427 = arith.constant 2 : i32
    %dma_start3A_428 = arith.constant 2 : i32
    %dma_start3A_429 = arith.constant 0 : i32
    %dma_start3A_430 = arith.constant 0 : i32
    %dma_start3A_431 = tpu.memref_slice %arg5[%dma_start3A_427, %dma_start3A_429, %dma_start3A_430] : memref<3x512x32xf32, #tpu.memory_space<vmem>> -> memref<1x512x32xf32, #tpu.memory_space<vmem>>
    %dma_start3A_432 = tpu.memref_squeeze %dma_start3A_431 : memref<1x512x32xf32, #tpu.memory_space<vmem>> -> memref<512x32xf32, #tpu.memory_space<vmem>>
    %dma_start3A_433 = arith.constant 0 : i32
    %dma_start3A_434 = tpu.memref_slice %arg3[%mul3A_426, %dma_start3A_433] : memref<1000064x32xf32, #tpu.memory_space<hbm>> -> memref<512x32xf32, #tpu.memory_space<hbm>>
    %dma_start3A_435 = tpu.memref_slice %arg7[%dma_start3A_428] : memref<3x!tpu.dma_semaphore, #tpu.memory_space<semaphore_mem>> -> memref<1x!tpu.dma_semaphore, #tpu.memory_space<semaphore_mem>>
    %dma_start3A_436 = tpu.memref_squeeze %dma_start3A_435 : memref<1x!tpu.dma_semaphore, #tpu.memory_space<semaphore_mem>> -> memref<!tpu.dma_semaphore, #tpu.memory_space<semaphore_mem>>
    %dma_start3A_437 = arith.constant 0 : i32
    %dma_start3A_438 = tpu.memref_slice %arg3[%mul3A_426, %dma_start3A_437] : memref<1000064x32xf32, #tpu.memory_space<hbm>> -> memref<512x32xf32, #tpu.memory_space<hbm>>
    %dma_start3A_439 = arith.constant 0 : i32
    %dma_start3A_440 = arith.constant 0 : i32
    %dma_start3A_441 = tpu.memref_slice %arg5[%dma_start3A_427, %dma_start3A_439, %dma_start3A_440] : memref<3x512x32xf32, #tpu.memory_space<vmem>> -> memref<1x512x32xf32, #tpu.memory_space<vmem>>
    %dma_start3A_442 = tpu.memref_squeeze %dma_start3A_441 : memref<1x512x32xf32, #tpu.memory_space<vmem>> -> memref<512x32xf32, #tpu.memory_space<vmem>>
    tpu.enqueue_dma source(%dma_start3A_442 : memref<512x32xf32, #tpu.memory_space<vmem>>) target(%dma_start3A_438 : memref<512x32xf32, #tpu.memory_space<hbm>>) target_semaphore(%dma_start3A_436 : memref<!tpu.dma_semaphore, #tpu.memory_space<semaphore_mem>>)
    %mul3A_443 = arith.constant 63 : i32
    %mul3A_444 = arith.muli %add3A, %mul3A_443 : i32
    %add3A_445 = arith.constant 0 : i32
    %add3A_446 = arith.addi %mul3A_444, %add3A_445 : i32
    %mul3A_447 = arith.constant 4 : i32
    %mul3A_448 = arith.muli %add3A_446, %mul3A_447 : i32
    %min3A_449 = arith.constant 7809 : i32
    %min3A_450 = arith.minsi %mul3A_448, %min3A_449 : i32
    %mul3A_451 = arith.constant 128 : i32
    %mul3A_452 = arith.muli %min3A_450, %mul3A_451 : i32
    %dma_wait3A_453 = arith.constant 0 : i32
    %dma_wait3A_454 = arith.constant 0 : i32
    %dma_wait3A_455 = arith.constant 0 : i32
    %dma_wait3A_456 = arith.constant 0 : i32
    %dma_wait3A_457 = tpu.memref_slice %arg5[%dma_wait3A_453, %dma_wait3A_455, %dma_wait3A_456] : memref<3x512x32xf32, #tpu.memory_space<vmem>> -> memref<1x512x32xf32, #tpu.memory_space<vmem>>
    %dma_wait3A_458 = tpu.memref_squeeze %dma_wait3A_457 : memref<1x512x32xf32, #tpu.memory_space<vmem>> -> memref<512x32xf32, #tpu.memory_space<vmem>>
    %dma_wait3A_459 = arith.constant 0 : i32
    %dma_wait3A_460 = tpu.memref_slice %arg3[%mul3A_452, %dma_wait3A_459] : memref<1000064x32xf32, #tpu.memory_space<hbm>> -> memref<512x32xf32, #tpu.memory_space<hbm>>
    %dma_wait3A_461 = tpu.memref_slice %arg7[%dma_wait3A_454] : memref<3x!tpu.dma_semaphore, #tpu.memory_space<semaphore_mem>> -> memref<1x!tpu.dma_semaphore, #tpu.memory_space<semaphore_mem>>
    %dma_wait3A_462 = tpu.memref_squeeze %dma_wait3A_461 : memref<1x!tpu.dma_semaphore, #tpu.memory_space<semaphore_mem>> -> memref<!tpu.dma_semaphore, #tpu.memory_space<semaphore_mem>>
    %dma_wait3A_463 = arith.constant 0 : i32
    %dma_wait3A_464 = tpu.memref_slice %arg3[%mul3A_452, %dma_wait3A_463] : memref<1000064x32xf32, #tpu.memory_space<hbm>> -> memref<512x32xf32, #tpu.memory_space<hbm>>
    %dma_wait3A_465 = arith.constant 0 : i32
    %dma_wait3A_466 = arith.constant 0 : i32
    %dma_wait3A_467 = tpu.memref_slice %arg5[%dma_wait3A_453, %dma_wait3A_465, %dma_wait3A_466] : memref<3x512x32xf32, #tpu.memory_space<vmem>> -> memref<1x512x32xf32, #tpu.memory_space<vmem>>
    %dma_wait3A_468 = tpu.memref_squeeze %dma_wait3A_467 : memref<1x512x32xf32, #tpu.memory_space<vmem>> -> memref<512x32xf32, #tpu.memory_space<vmem>>
    tpu.wait_dma2 semaphore(%dma_wait3A_462 : memref<!tpu.dma_semaphore, #tpu.memory_space<semaphore_mem>>) src(%dma_wait3A_468 : memref<512x32xf32, #tpu.memory_space<vmem>>) dst(%dma_wait3A_464 : memref<512x32xf32, #tpu.memory_space<hbm>>)
    %mul3A_469 = arith.constant 63 : i32
    %mul3A_470 = arith.muli %add3A, %mul3A_469 : i32
    %add3A_471 = arith.constant 0 : i32
    %add3A_472 = arith.addi %mul3A_470, %add3A_471 : i32
    %mul3A_473 = arith.constant 4 : i32
    %mul3A_474 = arith.muli %add3A_472, %mul3A_473 : i32
    %min3A_475 = arith.constant 7809 : i32
    %min3A_476 = arith.minsi %mul3A_474, %min3A_475 : i32
    %mul3A_477 = arith.constant 128 : i32
    %mul3A_478 = arith.muli %min3A_476, %mul3A_477 : i32
    %dma_wait3A_479 = arith.constant 1 : i32
    %dma_wait3A_480 = arith.constant 1 : i32
    %dma_wait3A_481 = arith.constant 0 : i32
    %dma_wait3A_482 = arith.constant 0 : i32
    %dma_wait3A_483 = tpu.memref_slice %arg5[%dma_wait3A_479, %dma_wait3A_481, %dma_wait3A_482] : memref<3x512x32xf32, #tpu.memory_space<vmem>> -> memref<1x512x32xf32, #tpu.memory_space<vmem>>
    %dma_wait3A_484 = tpu.memref_squeeze %dma_wait3A_483 : memref<1x512x32xf32, #tpu.memory_space<vmem>> -> memref<512x32xf32, #tpu.memory_space<vmem>>
    %dma_wait3A_485 = arith.constant 0 : i32
    %dma_wait3A_486 = tpu.memref_slice %arg3[%mul3A_478, %dma_wait3A_485] : memref<1000064x32xf32, #tpu.memory_space<hbm>> -> memref<512x32xf32, #tpu.memory_space<hbm>>
    %dma_wait3A_487 = tpu.memref_slice %arg7[%dma_wait3A_480] : memref<3x!tpu.dma_semaphore, #tpu.memory_space<semaphore_mem>> -> memref<1x!tpu.dma_semaphore, #tpu.memory_space<semaphore_mem>>
    %dma_wait3A_488 = tpu.memref_squeeze %dma_wait3A_487 : memref<1x!tpu.dma_semaphore, #tpu.memory_space<semaphore_mem>> -> memref<!tpu.dma_semaphore, #tpu.memory_space<semaphore_mem>>
    %dma_wait3A_489 = arith.constant 0 : i32
    %dma_wait3A_490 = tpu.memref_slice %arg3[%mul3A_478, %dma_wait3A_489] : memref<1000064x32xf32, #tpu.memory_space<hbm>> -> memref<512x32xf32, #tpu.memory_space<hbm>>
    %dma_wait3A_491 = arith.constant 0 : i32
    %dma_wait3A_492 = arith.constant 0 : i32
    %dma_wait3A_493 = tpu.memref_slice %arg5[%dma_wait3A_479, %dma_wait3A_491, %dma_wait3A_492] : memref<3x512x32xf32, #tpu.memory_space<vmem>> -> memref<1x512x32xf32, #tpu.memory_space<vmem>>
    %dma_wait3A_494 = tpu.memref_squeeze %dma_wait3A_493 : memref<1x512x32xf32, #tpu.memory_space<vmem>> -> memref<512x32xf32, #tpu.memory_space<vmem>>
    tpu.wait_dma2 semaphore(%dma_wait3A_488 : memref<!tpu.dma_semaphore, #tpu.memory_space<semaphore_mem>>) src(%dma_wait3A_494 : memref<512x32xf32, #tpu.memory_space<vmem>>) dst(%dma_wait3A_490 : memref<512x32xf32, #tpu.memory_space<hbm>>)
    %mul3A_495 = arith.constant 63 : i32
    %mul3A_496 = arith.muli %add3A, %mul3A_495 : i32
    %add3A_497 = arith.constant 0 : i32
    %add3A_498 = arith.addi %mul3A_496, %add3A_497 : i32
    %mul3A_499 = arith.constant 4 : i32
    %mul3A_500 = arith.muli %add3A_498, %mul3A_499 : i32
    %min3A_501 = arith.constant 7809 : i32
    %min3A_502 = arith.minsi %mul3A_500, %min3A_501 : i32
    %mul3A_503 = arith.constant 128 : i32
    %mul3A_504 = arith.muli %min3A_502, %mul3A_503 : i32
    %dma_wait3A_505 = arith.constant 2 : i32
    %dma_wait3A_506 = arith.constant 2 : i32
    %dma_wait3A_507 = arith.constant 0 : i32
    %dma_wait3A_508 = arith.constant 0 : i32
    %dma_wait3A_509 = tpu.memref_slice %arg5[%dma_wait3A_505, %dma_wait3A_507, %dma_wait3A_508] : memref<3x512x32xf32, #tpu.memory_space<vmem>> -> memref<1x512x32xf32, #tpu.memory_space<vmem>>
    %dma_wait3A_510 = tpu.memref_squeeze %dma_wait3A_509 : memref<1x512x32xf32, #tpu.memory_space<vmem>> -> memref<512x32xf32, #tpu.memory_space<vmem>>
    %dma_wait3A_511 = arith.constant 0 : i32
    %dma_wait3A_512 = tpu.memref_slice %arg3[%mul3A_504, %dma_wait3A_511] : memref<1000064x32xf32, #tpu.memory_space<hbm>> -> memref<512x32xf32, #tpu.memory_space<hbm>>
    %dma_wait3A_513 = tpu.memref_slice %arg7[%dma_wait3A_506] : memref<3x!tpu.dma_semaphore, #tpu.memory_space<semaphore_mem>> -> memref<1x!tpu.dma_semaphore, #tpu.memory_space<semaphore_mem>>
    %dma_wait3A_514 = tpu.memref_squeeze %dma_wait3A_513 : memref<1x!tpu.dma_semaphore, #tpu.memory_space<semaphore_mem>> -> memref<!tpu.dma_semaphore, #tpu.memory_space<semaphore_mem>>
    %dma_wait3A_515 = arith.constant 0 : i32
    %dma_wait3A_516 = tpu.memref_slice %arg3[%mul3A_504, %dma_wait3A_515] : memref<1000064x32xf32, #tpu.memory_space<hbm>> -> memref<512x32xf32, #tpu.memory_space<hbm>>
    %dma_wait3A_517 = arith.constant 0 : i32
    %dma_wait3A_518 = arith.constant 0 : i32
    %dma_wait3A_519 = tpu.memref_slice %arg5[%dma_wait3A_505, %dma_wait3A_517, %dma_wait3A_518] : memref<3x512x32xf32, #tpu.memory_space<vmem>> -> memref<1x512x32xf32, #tpu.memory_space<vmem>>
    %dma_wait3A_520 = tpu.memref_squeeze %dma_wait3A_519 : memref<1x512x32xf32, #tpu.memory_space<vmem>> -> memref<512x32xf32, #tpu.memory_space<vmem>>
    tpu.wait_dma2 semaphore(%dma_wait3A_514 : memref<!tpu.dma_semaphore, #tpu.memory_space<semaphore_mem>>) src(%dma_wait3A_520 : memref<512x32xf32, #tpu.memory_space<vmem>>) dst(%dma_wait3A_516 : memref<512x32xf32, #tpu.memory_space<hbm>>)
    return
  }
}

#map = affine_map<(d0, d1) -> (0, 0)>
#map1 = affine_map<(d0, d1) -> (0, 0, 0, 0, 0)>
module attributes {stable_mosaic.version = 14 : i64} {
  func.func @grab(%arg0: i32, %arg1: i32, %arg2: memref<1000064x32xf32, #tpu.memory_space<hbm>>, %arg3: memref<50x16384xi32, #tpu.memory_space<hbm>>, %arg4: memref<50x4x128x8x128xf32, #tpu.memory_space<hbm>>, %arg5: memref<50x512xi32, #tpu.memory_space<vmem>>, %arg6: memref<2x512x32xf32, #tpu.memory_space<vmem>>, %arg7: memref<2x4x5x8x129xf32, #tpu.memory_space<vmem>>, %arg8: memref<2x!tpu.dma_semaphore, #tpu.memory_space<semaphore_mem>>, %arg9: memref<2x!tpu.dma_semaphore, #tpu.memory_space<semaphore_mem>>) attributes {dimension_semantics = [#tpu.dimension_semantics<core_parallel>, #tpu.dimension_semantics<subcore_parallel>], iteration_bounds = array<i64: 2, 16>, scalar_prefetch = 0 : i64, scratch_operands = 5 : i64, tpu.core_type = #tpu.core_type<sc_vector_subcore>, window_params = [{transform_indices = #map}, {transform_indices = #map}, {transform_indices = #map1}]} {
    %mul3A = arith.constant 2 : i32
    %mul3A_0 = arith.muli %arg1, %mul3A : i32
    %add3A = arith.addi %mul3A_0, %arg0 : i32
    %mul3A_1 = arith.constant 512 : i32
    %mul3A_2 = arith.muli %add3A, %mul3A_1 : i32
    %mul3A_3 = arith.constant 4 : i32
    %mul3A_4 = arith.muli %add3A, %mul3A_3 : i32
    "tpu.region"() ({
      %run_scoped3A = tpu.sem_alloc : memref<!tpu.dma_semaphore, #tpu.memory_space<semaphore_mem>>
      %dma_start3A_320 = arith.constant 0 : i32
      %dma_start3A_321 = tpu.memref_slice %arg3[%dma_start3A_320, %mul3A_2] : memref<50x16384xi32, #tpu.memory_space<hbm>> -> memref<50x512xi32, #tpu.memory_space<hbm>>
      %dma_start3A_322 = arith.constant 0 : i32
      %dma_start3A_323 = tpu.memref_slice %arg3[%dma_start3A_322, %mul3A_2] : memref<50x16384xi32, #tpu.memory_space<hbm>> -> memref<50x512xi32, #tpu.memory_space<hbm>>
      tpu.enqueue_dma source(%dma_start3A_323 : memref<50x512xi32, #tpu.memory_space<hbm>>) target(%arg5 : memref<50x512xi32, #tpu.memory_space<vmem>>) target_semaphore(%run_scoped3A : memref<!tpu.dma_semaphore, #tpu.memory_space<semaphore_mem>>)
      %dma_wait3A_324 = arith.constant 0 : i32
      %dma_wait3A_325 = tpu.memref_slice %arg3[%dma_wait3A_324, %mul3A_2] : memref<50x16384xi32, #tpu.memory_space<hbm>> -> memref<50x512xi32, #tpu.memory_space<hbm>>
      %dma_wait3A_326 = arith.constant 0 : i32
      %dma_wait3A_327 = tpu.memref_slice %arg3[%dma_wait3A_326, %mul3A_2] : memref<50x16384xi32, #tpu.memory_space<hbm>> -> memref<50x512xi32, #tpu.memory_space<hbm>>
      tpu.wait_dma2 semaphore(%run_scoped3A : memref<!tpu.dma_semaphore, #tpu.memory_space<semaphore_mem>>) src(%dma_wait3A_327 : memref<50x512xi32, #tpu.memory_space<hbm>>) dst(%arg5 : memref<50x512xi32, #tpu.memory_space<vmem>>)
      tpu.yield
    }) : () -> ()
    %iota3A = tpu.iota {dimensions = array<i32: 0>} : vector<16xi32>
    %jit3A = arith.constant 8 : i32
    %eq3A = arith.constant 0 : i32
    %eq3A_5 = arith.cmpi eq, %jit3A, %eq3A : i32
    %jit3A_6 = arith.constant 1 : i32
    %select_n3A = arith.select %eq3A_5, %jit3A_6, %jit3A : i32
    %rem3A = vector.broadcast %select_n3A : i32 to vector<16xi32>
    %rem3A_7 = arith.remsi %iota3A, %rem3A : vector<16xi32>
    %ne3A = arith.constant 0 : i32
    %ne3A_8 = vector.broadcast %ne3A : i32 to vector<16xi32>
    %ne3A_9 = arith.cmpi ne, %rem3A_7, %ne3A_8 : vector<16xi32>
    %lt3A = arith.constant 0 : i32
    %lt3A_10 = vector.broadcast %lt3A : i32 to vector<16xi32>
    %lt3A_11 = arith.cmpi slt, %rem3A_7, %lt3A_10 : vector<16xi32>
    %lt3A_12 = arith.constant 0 : i32
    %lt3A_13 = arith.cmpi slt, %select_n3A, %lt3A_12 : i32
    %ne3A_14 = vector.broadcast %lt3A_13 : i1 to vector<16xi1>
    %ne3A_15 = vector.broadcast %ne3A_14 : vector<16xi1> to vector<16xi1>
    %ne3A_16 = arith.xori %lt3A_11, %ne3A_15 : vector<16xi1>
    %and3A = arith.andi %ne3A_16, %ne3A_9 : vector<16xi1>
    %add3A_17 = vector.broadcast %select_n3A : i32 to vector<16xi32>
    %add3A_18 = arith.addi %rem3A_7, %add3A_17 : vector<16xi32>
    %select_n3A_19 = arith.select %and3A, %add3A_18, %rem3A_7 : vector<16xi1>, vector<16xi32>
    %jit3A_20 = arith.constant 8 : i32
    %div3A = vector.broadcast %jit3A_20 : i32 to vector<16xi32>
    %div3A_21 = arith.divsi %iota3A, %div3A : vector<16xi32>
    %sign3A = arith.constant 0 : i32
    %sign3A_22 = vector.broadcast %sign3A : i32 to vector<16xi32>
    %sign3A_23 = arith.cmpi sgt, %iota3A, %sign3A_22 : vector<16xi32>
    %sign3A_24 = arith.extui %sign3A_23 : vector<16xi1> to vector<16xi32>
    %sign3A_25 = arith.constant 0 : i32
    %sign3A_26 = vector.broadcast %sign3A_25 : i32 to vector<16xi32>
    %sign3A_27 = arith.cmpi slt, %iota3A, %sign3A_26 : vector<16xi32>
    %sign3A_28 = arith.extui %sign3A_27 : vector<16xi1> to vector<16xi32>
    %sign3A_29 = arith.subi %sign3A_24, %sign3A_28 : vector<16xi32>
    %sign3A_30 = arith.constant 0 : i32
    %sign3A_31 = arith.cmpi sgt, %jit3A_20, %sign3A_30 : i32
    %sign3A_32 = arith.extui %sign3A_31 : i1 to i32
    %sign3A_33 = arith.constant 0 : i32
    %sign3A_34 = arith.cmpi slt, %jit3A_20, %sign3A_33 : i32
    %sign3A_35 = arith.extui %sign3A_34 : i1 to i32
    %sign3A_36 = arith.subi %sign3A_32, %sign3A_35 : i32
    %ne3A_37 = vector.broadcast %sign3A_36 : i32 to vector<16xi32>
    %ne3A_38 = arith.cmpi ne, %sign3A_29, %ne3A_37 : vector<16xi32>
    %rem3A_39 = vector.broadcast %jit3A_20 : i32 to vector<16xi32>
    %rem3A_40 = arith.remsi %iota3A, %rem3A_39 : vector<16xi32>
    %ne3A_41 = arith.constant 0 : i32
    %ne3A_42 = vector.broadcast %ne3A_41 : i32 to vector<16xi32>
    %ne3A_43 = arith.cmpi ne, %rem3A_40, %ne3A_42 : vector<16xi32>
    %and3A_44 = arith.andi %ne3A_38, %ne3A_43 : vector<16xi1>
    %sub3A = arith.constant 1 : i32
    %sub3A_45 = vector.broadcast %sub3A : i32 to vector<16xi32>
    %sub3A_46 = arith.subi %div3A_21, %sub3A_45 : vector<16xi32>
    %select_n3A_47 = arith.select %and3A_44, %sub3A_46, %div3A_21 : vector<16xi1>, vector<16xi32>
    %add3A_48 = arith.constant 0 : i32
    %add3A_49 = vector.broadcast %add3A_48 : i32 to vector<16xi32>
    %add3A_50 = arith.addi %select_n3A_47, %add3A_49 : vector<16xi32>
    %jit3A_51 = arith.constant 8 : i32
    %div3A_52 = vector.broadcast %jit3A_51 : i32 to vector<16xi32>
    %div3A_53 = arith.divsi %iota3A, %div3A_52 : vector<16xi32>
    %sign3A_54 = arith.constant 0 : i32
    %sign3A_55 = vector.broadcast %sign3A_54 : i32 to vector<16xi32>
    %sign3A_56 = arith.cmpi sgt, %iota3A, %sign3A_55 : vector<16xi32>
    %sign3A_57 = arith.extui %sign3A_56 : vector<16xi1> to vector<16xi32>
    %sign3A_58 = arith.constant 0 : i32
    %sign3A_59 = vector.broadcast %sign3A_58 : i32 to vector<16xi32>
    %sign3A_60 = arith.cmpi slt, %iota3A, %sign3A_59 : vector<16xi32>
    %sign3A_61 = arith.extui %sign3A_60 : vector<16xi1> to vector<16xi32>
    %sign3A_62 = arith.subi %sign3A_57, %sign3A_61 : vector<16xi32>
    %sign3A_63 = arith.constant 0 : i32
    %sign3A_64 = arith.cmpi sgt, %jit3A_51, %sign3A_63 : i32
    %sign3A_65 = arith.extui %sign3A_64 : i1 to i32
    %sign3A_66 = arith.constant 0 : i32
    %sign3A_67 = arith.cmpi slt, %jit3A_51, %sign3A_66 : i32
    %sign3A_68 = arith.extui %sign3A_67 : i1 to i32
    %sign3A_69 = arith.subi %sign3A_65, %sign3A_68 : i32
    %ne3A_70 = vector.broadcast %sign3A_69 : i32 to vector<16xi32>
    %ne3A_71 = arith.cmpi ne, %sign3A_62, %ne3A_70 : vector<16xi32>
    %rem3A_72 = vector.broadcast %jit3A_51 : i32 to vector<16xi32>
    %rem3A_73 = arith.remsi %iota3A, %rem3A_72 : vector<16xi32>
    %ne3A_74 = arith.constant 0 : i32
    %ne3A_75 = vector.broadcast %ne3A_74 : i32 to vector<16xi32>
    %ne3A_76 = arith.cmpi ne, %rem3A_73, %ne3A_75 : vector<16xi32>
    %and3A_77 = arith.andi %ne3A_71, %ne3A_76 : vector<16xi1>
    %sub3A_78 = arith.constant 1 : i32
    %sub3A_79 = vector.broadcast %sub3A_78 : i32 to vector<16xi32>
    %sub3A_80 = arith.subi %div3A_53, %sub3A_79 : vector<16xi32>
    %select_n3A_81 = arith.select %and3A_77, %sub3A_80, %div3A_53 : vector<16xi1>, vector<16xi32>
    %add3A_82 = arith.constant 2 : i32
    %add3A_83 = vector.broadcast %add3A_82 : i32 to vector<16xi32>
    %add3A_84 = arith.addi %select_n3A_81, %add3A_83 : vector<16xi32>
    %dma_start3A = arith.constant 0 : i32
    %dma_start3A_85 = arith.constant 0 : i32
    %dma_start3A_86 = arith.constant 0 : i32
    %dma_start3A_87 = arith.constant 0 : i32
    %dma_start3A_88 = arith.constant 0 : i32
    %dma_start3A_89 = tpu.memref_slice %arg6[%dma_start3A_85, %dma_start3A_87, %dma_start3A_88] : memref<2x512x32xf32, #tpu.memory_space<vmem>> -> memref<1x512x32xf32, #tpu.memory_space<vmem>>
    %dma_start3A_90 = tpu.memref_squeeze %dma_start3A_89 : memref<1x512x32xf32, #tpu.memory_space<vmem>> -> memref<512x32xf32, #tpu.memory_space<vmem>>
    %dma_start3A_91 = arith.constant 0 : i32
    %dma_start3A_92 = tpu.memref_slice %arg5[%dma_start3A, %dma_start3A_91] : memref<50x512xi32, #tpu.memory_space<vmem>> -> memref<1x512xi32, #tpu.memory_space<vmem>>
    %dma_start3A_93 = tpu.memref_squeeze %dma_start3A_92 : memref<1x512xi32, #tpu.memory_space<vmem>> -> memref<512xi32, #tpu.memory_space<vmem>>
    %dma_start3A_94 = arith.constant 0 : i32
    %dma_start3A_95 = arith.constant 0 : i32
    %dma_start3A_96 = tpu.memref_slice %arg2[%dma_start3A_94, %dma_start3A_95] : memref<1000064x32xf32, #tpu.memory_space<hbm>> -> memref<1000064x32xf32, #tpu.memory_space<hbm>>
    %dma_start3A_97 = tpu.memref_slice %arg8[%dma_start3A_86] : memref<2x!tpu.dma_semaphore, #tpu.memory_space<semaphore_mem>> -> memref<1x!tpu.dma_semaphore, #tpu.memory_space<semaphore_mem>>
    %dma_start3A_98 = tpu.memref_squeeze %dma_start3A_97 : memref<1x!tpu.dma_semaphore, #tpu.memory_space<semaphore_mem>> -> memref<!tpu.dma_semaphore, #tpu.memory_space<semaphore_mem>>
    tpu.enqueue_indirect_dma source(%dma_start3A_96 : memref<1000064x32xf32, #tpu.memory_space<hbm>>) target(%dma_start3A_90 : memref<512x32xf32, #tpu.memory_space<vmem>>) offsets(%dma_start3A_93 : memref<512xi32, #tpu.memory_space<vmem>>) semaphore(%dma_start3A_98 : memref<!tpu.dma_semaphore, #tpu.memory_space<semaphore_mem>>)
    %dma_start3A_99 = arith.constant 1 : i32
    %dma_start3A_100 = arith.constant 1 : i32
    %dma_start3A_101 = arith.constant 1 : i32
    %dma_start3A_102 = arith.constant 0 : i32
    %dma_start3A_103 = arith.constant 0 : i32
    %dma_start3A_104 = tpu.memref_slice %arg6[%dma_start3A_100, %dma_start3A_102, %dma_start3A_103] : memref<2x512x32xf32, #tpu.memory_space<vmem>> -> memref<1x512x32xf32, #tpu.memory_space<vmem>>
    %dma_start3A_105 = tpu.memref_squeeze %dma_start3A_104 : memref<1x512x32xf32, #tpu.memory_space<vmem>> -> memref<512x32xf32, #tpu.memory_space<vmem>>
    %dma_start3A_106 = arith.constant 0 : i32
    %dma_start3A_107 = tpu.memref_slice %arg5[%dma_start3A_99, %dma_start3A_106] : memref<50x512xi32, #tpu.memory_space<vmem>> -> memref<1x512xi32, #tpu.memory_space<vmem>>
    %dma_start3A_108 = tpu.memref_squeeze %dma_start3A_107 : memref<1x512xi32, #tpu.memory_space<vmem>> -> memref<512xi32, #tpu.memory_space<vmem>>
    %dma_start3A_109 = arith.constant 0 : i32
    %dma_start3A_110 = arith.constant 0 : i32
    %dma_start3A_111 = tpu.memref_slice %arg2[%dma_start3A_109, %dma_start3A_110] : memref<1000064x32xf32, #tpu.memory_space<hbm>> -> memref<1000064x32xf32, #tpu.memory_space<hbm>>
    %dma_start3A_112 = tpu.memref_slice %arg8[%dma_start3A_101] : memref<2x!tpu.dma_semaphore, #tpu.memory_space<semaphore_mem>> -> memref<1x!tpu.dma_semaphore, #tpu.memory_space<semaphore_mem>>
    %dma_start3A_113 = tpu.memref_squeeze %dma_start3A_112 : memref<1x!tpu.dma_semaphore, #tpu.memory_space<semaphore_mem>> -> memref<!tpu.dma_semaphore, #tpu.memory_space<semaphore_mem>>
    tpu.enqueue_indirect_dma source(%dma_start3A_111 : memref<1000064x32xf32, #tpu.memory_space<hbm>>) target(%dma_start3A_105 : memref<512x32xf32, #tpu.memory_space<vmem>>) offsets(%dma_start3A_108 : memref<512xi32, #tpu.memory_space<vmem>>) semaphore(%dma_start3A_113 : memref<!tpu.dma_semaphore, #tpu.memory_space<semaphore_mem>>)
    %scan3A = arith.constant 0 : i32
    %scan3A_114 = arith.constant 0 : i32
    %scan3A_115 = arith.constant 24 : i32
    %scan3A_116 = arith.addi %scan3A_114, %scan3A_115 : i32
    %scan3A_117 = arith.constant 1 : i32
    %scan3A_118 = scf.for %scan3A_320 = %scan3A_114 to %scan3A_116 step %scan3A_117 iter_args(%scan3A_321 = %scan3A) -> (i32)  : i32 {
      %mul3A_322 = arith.constant 2 : i32
      %mul3A_323 = arith.muli %scan3A_320, %mul3A_322 : i32
      %add3A_324 = arith.constant 0 : i32
      %add3A_325 = arith.addi %mul3A_323, %add3A_324 : i32
      %dma_wait3A_326 = arith.constant 0 : i32
      %dma_wait3A_327 = arith.constant 0 : i32
      %dma_wait3A_328 = arith.constant 0 : i32
      %dma_wait3A_329 = arith.constant 0 : i32
      %dma_wait3A_330 = tpu.memref_slice %arg6[%dma_wait3A_326, %dma_wait3A_328, %dma_wait3A_329] : memref<2x512x32xf32, #tpu.memory_space<vmem>> -> memref<1x512x32xf32, #tpu.memory_space<vmem>>
      %dma_wait3A_331 = tpu.memref_squeeze %dma_wait3A_330 : memref<1x512x32xf32, #tpu.memory_space<vmem>> -> memref<512x32xf32, #tpu.memory_space<vmem>>
      %dma_wait3A_332 = arith.constant 0 : i32
      %dma_wait3A_333 = tpu.memref_slice %arg5[%add3A_325, %dma_wait3A_332] : memref<50x512xi32, #tpu.memory_space<vmem>> -> memref<1x512xi32, #tpu.memory_space<vmem>>
      %dma_wait3A_334 = tpu.memref_squeeze %dma_wait3A_333 : memref<1x512xi32, #tpu.memory_space<vmem>> -> memref<512xi32, #tpu.memory_space<vmem>>
      %dma_wait3A_335 = arith.constant 0 : i32
      %dma_wait3A_336 = arith.constant 0 : i32
      %dma_wait3A_337 = tpu.memref_slice %arg2[%dma_wait3A_335, %dma_wait3A_336] : memref<1000064x32xf32, #tpu.memory_space<hbm>> -> memref<1000064x32xf32, #tpu.memory_space<hbm>>
      %dma_wait3A_338 = tpu.memref_slice %arg8[%dma_wait3A_327] : memref<2x!tpu.dma_semaphore, #tpu.memory_space<semaphore_mem>> -> memref<1x!tpu.dma_semaphore, #tpu.memory_space<semaphore_mem>>
      %dma_wait3A_339 = tpu.memref_squeeze %dma_wait3A_338 : memref<1x!tpu.dma_semaphore, #tpu.memory_space<semaphore_mem>> -> memref<!tpu.dma_semaphore, #tpu.memory_space<semaphore_mem>>
      tpu.wait_indirect_dma semaphore(%dma_wait3A_339 : memref<!tpu.dma_semaphore, #tpu.memory_space<semaphore_mem>>) src(%dma_wait3A_337 : memref<1000064x32xf32, #tpu.memory_space<hbm>>) dst(%dma_wait3A_331 : memref<512x32xf32, #tpu.memory_space<vmem>>)
      %ge3A = arith.constant 2 : i32
      %ge3A_340 = arith.cmpi sge, %add3A_325, %ge3A : i32
      %convert_element_type3A = arith.extui %ge3A_340 : i1 to i32
      %cond3A = arith.constant 0 : i32
      %cond3A_341 = arith.cmpi ne, %convert_element_type3A, %cond3A : i32
      scf.if %cond3A_341 {
        %dma_wait3A_460 = arith.constant 0 : i32
        %dma_wait3A_461 = arith.constant 0 : i32
        %dma_wait3A_462 = arith.constant 0 : i32
        %dma_wait3A_463 = arith.constant 0 : i32
        %dma_wait3A_464 = arith.constant 0 : i32
        %dma_wait3A_465 = arith.constant 0 : i32
        %dma_wait3A_466 = tpu.memref_slice %arg7[%dma_wait3A_460, %dma_wait3A_462, %dma_wait3A_463, %dma_wait3A_464, %dma_wait3A_465] : memref<2x4x5x8x129xf32, #tpu.memory_space<vmem>> -> memref<1x4x4x8x128xf32, #tpu.memory_space<vmem>>
        %dma_wait3A_467 = tpu.memref_squeeze %dma_wait3A_466 : memref<1x4x4x8x128xf32, #tpu.memory_space<vmem>> -> memref<4x4x8x128xf32, #tpu.memory_space<vmem>>
        %dma_wait3A_468 = arith.constant 0 : i32
        %dma_wait3A_469 = arith.constant 0 : i32
        %dma_wait3A_470 = arith.constant 0 : i32
        %dma_wait3A_471 = tpu.memref_slice %arg4[%add3A_325, %dma_wait3A_468, %mul3A_4, %dma_wait3A_469, %dma_wait3A_470] : memref<50x4x128x8x128xf32, #tpu.memory_space<hbm>> -> memref<1x4x4x8x128xf32, #tpu.memory_space<hbm>>
        %dma_wait3A_472 = tpu.memref_squeeze %dma_wait3A_471 : memref<1x4x4x8x128xf32, #tpu.memory_space<hbm>> -> memref<4x4x8x128xf32, #tpu.memory_space<hbm>>
        %dma_wait3A_473 = tpu.memref_slice %arg9[%dma_wait3A_461] : memref<2x!tpu.dma_semaphore, #tpu.memory_space<semaphore_mem>> -> memref<1x!tpu.dma_semaphore, #tpu.memory_space<semaphore_mem>>
        %dma_wait3A_474 = tpu.memref_squeeze %dma_wait3A_473 : memref<1x!tpu.dma_semaphore, #tpu.memory_space<semaphore_mem>> -> memref<!tpu.dma_semaphore, #tpu.memory_space<semaphore_mem>>
        %dma_wait3A_475 = arith.constant 0 : i32
        %dma_wait3A_476 = arith.constant 0 : i32
        %dma_wait3A_477 = arith.constant 0 : i32
        %dma_wait3A_478 = tpu.memref_slice %arg4[%add3A_325, %dma_wait3A_475, %mul3A_4, %dma_wait3A_476, %dma_wait3A_477] : memref<50x4x128x8x128xf32, #tpu.memory_space<hbm>> -> memref<1x4x4x8x128xf32, #tpu.memory_space<hbm>>
        %dma_wait3A_479 = tpu.memref_squeeze %dma_wait3A_478 : memref<1x4x4x8x128xf32, #tpu.memory_space<hbm>> -> memref<4x4x8x128xf32, #tpu.memory_space<hbm>>
        %dma_wait3A_480 = arith.constant 0 : i32
        %dma_wait3A_481 = arith.constant 0 : i32
        %dma_wait3A_482 = arith.constant 0 : i32
        %dma_wait3A_483 = arith.constant 0 : i32
        %dma_wait3A_484 = tpu.memref_slice %arg7[%dma_wait3A_460, %dma_wait3A_480, %dma_wait3A_481, %dma_wait3A_482, %dma_wait3A_483] : memref<2x4x5x8x129xf32, #tpu.memory_space<vmem>> -> memref<1x4x4x8x128xf32, #tpu.memory_space<vmem>>
        %dma_wait3A_485 = tpu.memref_squeeze %dma_wait3A_484 : memref<1x4x4x8x128xf32, #tpu.memory_space<vmem>> -> memref<4x4x8x128xf32, #tpu.memory_space<vmem>>
        tpu.wait_dma2 semaphore(%dma_wait3A_474 : memref<!tpu.dma_semaphore, #tpu.memory_space<semaphore_mem>>) src(%dma_wait3A_485 : memref<4x4x8x128xf32, #tpu.memory_space<vmem>>) dst(%dma_wait3A_479 : memref<4x4x8x128xf32, #tpu.memory_space<hbm>>)
      } else {
      }
      %parallel_loop3A_342 = arith.constant 0 : i32
      %parallel_loop3A_343 = arith.constant 512 : i32
      %parallel_loop3A_344 = arith.constant 1 : i32
      %parallel_loop3A_345 = arith.constant 0 : i32
      %parallel_loop3A_346 = arith.constant 0 : i32
      scf.for %parallel_loop3A_460 = %parallel_loop3A_342 to %parallel_loop3A_343 step %parallel_loop3A_344  : i32 {
        %parallel_loop3A_461 = arith.constant 128 : i32
        %parallel_loop3A_462 = arith.divsi %parallel_loop3A_460, %parallel_loop3A_461 : i32
        %parallel_loop3A_463 = arith.constant 0 : i32
        %parallel_loop3A_464 = arith.cmpi sgt, %parallel_loop3A_460, %parallel_loop3A_463 : i32
        %parallel_loop3A_465 = arith.extui %parallel_loop3A_464 : i1 to i32
        %parallel_loop3A_466 = arith.constant 0 : i32
        %parallel_loop3A_467 = arith.cmpi slt, %parallel_loop3A_460, %parallel_loop3A_466 : i32
        %parallel_loop3A_468 = arith.extui %parallel_loop3A_467 : i1 to i32
        %parallel_loop3A_469 = arith.subi %parallel_loop3A_465, %parallel_loop3A_468 : i32
        %parallel_loop3A_470 = arith.constant 0 : i32
        %parallel_loop3A_471 = arith.cmpi sgt, %parallel_loop3A_461, %parallel_loop3A_470 : i32
        %parallel_loop3A_472 = arith.extui %parallel_loop3A_471 : i1 to i32
        %parallel_loop3A_473 = arith.constant 0 : i32
        %parallel_loop3A_474 = arith.cmpi slt, %parallel_loop3A_461, %parallel_loop3A_473 : i32
        %parallel_loop3A_475 = arith.extui %parallel_loop3A_474 : i1 to i32
        %parallel_loop3A_476 = arith.subi %parallel_loop3A_472, %parallel_loop3A_475 : i32
        %parallel_loop3A_477 = arith.cmpi ne, %parallel_loop3A_469, %parallel_loop3A_476 : i32
        %parallel_loop3A_478 = arith.remsi %parallel_loop3A_460, %parallel_loop3A_461 : i32
        %parallel_loop3A_479 = arith.constant 0 : i32
        %parallel_loop3A_480 = arith.cmpi ne, %parallel_loop3A_478, %parallel_loop3A_479 : i32
        %parallel_loop3A_481 = arith.andi %parallel_loop3A_477, %parallel_loop3A_480 : i1
        %parallel_loop3A_482 = arith.constant 1 : i32
        %parallel_loop3A_483 = arith.subi %parallel_loop3A_462, %parallel_loop3A_482 : i32
        %parallel_loop3A_484 = arith.select %parallel_loop3A_481, %parallel_loop3A_483, %parallel_loop3A_462 : i32
        %parallel_loop3A_485 = vector.broadcast %parallel_loop3A_484 : i32 to vector<16xi32>
        %parallel_loop3A_486 = arith.constant 128 : i32
        %parallel_loop3A_487 = arith.constant 0 : i32
        %parallel_loop3A_488 = arith.cmpi eq, %parallel_loop3A_486, %parallel_loop3A_487 : i32
        %parallel_loop3A_489 = arith.constant 1 : i32
        %parallel_loop3A_490 = arith.select %parallel_loop3A_488, %parallel_loop3A_489, %parallel_loop3A_486 : i32
        %parallel_loop3A_491 = arith.remsi %parallel_loop3A_460, %parallel_loop3A_490 : i32
        %parallel_loop3A_492 = arith.constant 0 : i32
        %parallel_loop3A_493 = arith.cmpi ne, %parallel_loop3A_491, %parallel_loop3A_492 : i32
        %parallel_loop3A_494 = arith.constant 0 : i32
        %parallel_loop3A_495 = arith.cmpi slt, %parallel_loop3A_491, %parallel_loop3A_494 : i32
        %parallel_loop3A_496 = arith.constant 0 : i32
        %parallel_loop3A_497 = arith.cmpi slt, %parallel_loop3A_490, %parallel_loop3A_496 : i32
        %parallel_loop3A_498 = arith.xori %parallel_loop3A_495, %parallel_loop3A_497 : i1
        %parallel_loop3A_499 = arith.andi %parallel_loop3A_498, %parallel_loop3A_493 : i1
        %parallel_loop3A_500 = arith.addi %parallel_loop3A_491, %parallel_loop3A_490 : i32
        %parallel_loop3A_501 = arith.select %parallel_loop3A_499, %parallel_loop3A_500, %parallel_loop3A_491 : i32
        %parallel_loop3A_502 = vector.broadcast %parallel_loop3A_501 : i32 to vector<16xi32>
        %parallel_loop3A_503 = arith.constant 0 : i32
        %parallel_loop3A_504 = arith.constant 0 : i32
        %parallel_loop3A_505 = tpu.memref_slice %arg6[%parallel_loop3A_345, %parallel_loop3A_503, %parallel_loop3A_504] : memref<2x512x32xf32, #tpu.memory_space<vmem>> -> memref<1x512x32xf32, #tpu.memory_space<vmem>>
        %parallel_loop3A_506 = tpu.memref_squeeze %parallel_loop3A_505 : memref<1x512x32xf32, #tpu.memory_space<vmem>> -> memref<512x32xf32, #tpu.memory_space<vmem>>
        %parallel_loop3A_507 = arith.index_cast %parallel_loop3A_460 : i32 to index
        %parallel_loop3A_508 = arith.constant 0 : index
        %parallel_loop3A_509 = tpu.vector_load %parallel_loop3A_506[%parallel_loop3A_507, %parallel_loop3A_508] {strides = array<i32>} : memref<512x32xf32, #tpu.memory_space<vmem>>, vector<16xf32>,
        %parallel_loop3A_510 = arith.constant 0 : i32
        %parallel_loop3A_511 = arith.constant 0 : i32
        %parallel_loop3A_512 = arith.constant 0 : i32
        %parallel_loop3A_513 = arith.constant 0 : i32
        %parallel_loop3A_514 = tpu.memref_slice %arg7[%parallel_loop3A_346, %parallel_loop3A_510, %parallel_loop3A_511, %parallel_loop3A_512, %parallel_loop3A_513] : memref<2x4x5x8x129xf32, #tpu.memory_space<vmem>> -> memref<1x4x5x8x129xf32, #tpu.memory_space<vmem>>
        %parallel_loop3A_515 = tpu.memref_squeeze %parallel_loop3A_514 : memref<1x4x5x8x129xf32, #tpu.memory_space<vmem>> -> memref<4x5x8x129xf32, #tpu.memory_space<vmem>>
        tpu.vector_store_idx %parallel_loop3A_515[%add3A_50, %parallel_loop3A_485, %select_n3A_19, %parallel_loop3A_502], %parallel_loop3A_509 : memref<4x5x8x129xf32, #tpu.memory_space<vmem>>[vector<16xi32>, vector<16xi32>, vector<16xi32>, vector<16xi32>], vector<16xf32>,
        %parallel_loop3A_516 = arith.constant 0 : i32
        %parallel_loop3A_517 = arith.constant 0 : i32
        %parallel_loop3A_518 = tpu.memref_slice %arg6[%parallel_loop3A_345, %parallel_loop3A_516, %parallel_loop3A_517] : memref<2x512x32xf32, #tpu.memory_space<vmem>> -> memref<1x512x32xf32, #tpu.memory_space<vmem>>
        %parallel_loop3A_519 = tpu.memref_squeeze %parallel_loop3A_518 : memref<1x512x32xf32, #tpu.memory_space<vmem>> -> memref<512x32xf32, #tpu.memory_space<vmem>>
        %parallel_loop3A_520 = arith.index_cast %parallel_loop3A_460 : i32 to index
        %parallel_loop3A_521 = arith.constant 16 : index
        %parallel_loop3A_522 = tpu.vector_load %parallel_loop3A_519[%parallel_loop3A_520, %parallel_loop3A_521] {strides = array<i32>} : memref<512x32xf32, #tpu.memory_space<vmem>>, vector<16xf32>,
        %parallel_loop3A_523 = arith.constant 0 : i32
        %parallel_loop3A_524 = arith.constant 0 : i32
        %parallel_loop3A_525 = arith.constant 0 : i32
        %parallel_loop3A_526 = arith.constant 0 : i32
        %parallel_loop3A_527 = tpu.memref_slice %arg7[%parallel_loop3A_346, %parallel_loop3A_523, %parallel_loop3A_524, %parallel_loop3A_525, %parallel_loop3A_526] : memref<2x4x5x8x129xf32, #tpu.memory_space<vmem>> -> memref<1x4x5x8x129xf32, #tpu.memory_space<vmem>>
        %parallel_loop3A_528 = tpu.memref_squeeze %parallel_loop3A_527 : memref<1x4x5x8x129xf32, #tpu.memory_space<vmem>> -> memref<4x5x8x129xf32, #tpu.memory_space<vmem>>
        tpu.vector_store_idx %parallel_loop3A_528[%add3A_84, %parallel_loop3A_485, %select_n3A_19, %parallel_loop3A_502], %parallel_loop3A_522 : memref<4x5x8x129xf32, #tpu.memory_space<vmem>>[vector<16xi32>, vector<16xi32>, vector<16xi32>, vector<16xi32>], vector<16xf32>,
      } {sc.loop_unroll_factor = 8 : i64, sc.parallel_access}
      %add3A_347 = arith.constant 2 : i32
      %add3A_348 = arith.addi %add3A_325, %add3A_347 : i32
      %dma_start3A_349 = arith.constant 0 : i32
      %dma_start3A_350 = arith.constant 0 : i32
      %dma_start3A_351 = arith.constant 0 : i32
      %dma_start3A_352 = arith.constant 0 : i32
      %dma_start3A_353 = tpu.memref_slice %arg6[%dma_start3A_349, %dma_start3A_351, %dma_start3A_352] : memref<2x512x32xf32, #tpu.memory_space<vmem>> -> memref<1x512x32xf32, #tpu.memory_space<vmem>>
      %dma_start3A_354 = tpu.memref_squeeze %dma_start3A_353 : memref<1x512x32xf32, #tpu.memory_space<vmem>> -> memref<512x32xf32, #tpu.memory_space<vmem>>
      %dma_start3A_355 = arith.constant 0 : i32
      %dma_start3A_356 = tpu.memref_slice %arg5[%add3A_348, %dma_start3A_355] : memref<50x512xi32, #tpu.memory_space<vmem>> -> memref<1x512xi32, #tpu.memory_space<vmem>>
      %dma_start3A_357 = tpu.memref_squeeze %dma_start3A_356 : memref<1x512xi32, #tpu.memory_space<vmem>> -> memref<512xi32, #tpu.memory_space<vmem>>
      %dma_start3A_358 = arith.constant 0 : i32
      %dma_start3A_359 = arith.constant 0 : i32
      %dma_start3A_360 = tpu.memref_slice %arg2[%dma_start3A_358, %dma_start3A_359] : memref<1000064x32xf32, #tpu.memory_space<hbm>> -> memref<1000064x32xf32, #tpu.memory_space<hbm>>
      %dma_start3A_361 = tpu.memref_slice %arg8[%dma_start3A_350] : memref<2x!tpu.dma_semaphore, #tpu.memory_space<semaphore_mem>> -> memref<1x!tpu.dma_semaphore, #tpu.memory_space<semaphore_mem>>
      %dma_start3A_362 = tpu.memref_squeeze %dma_start3A_361 : memref<1x!tpu.dma_semaphore, #tpu.memory_space<semaphore_mem>> -> memref<!tpu.dma_semaphore, #tpu.memory_space<semaphore_mem>>
      tpu.enqueue_indirect_dma source(%dma_start3A_360 : memref<1000064x32xf32, #tpu.memory_space<hbm>>) target(%dma_start3A_354 : memref<512x32xf32, #tpu.memory_space<vmem>>) offsets(%dma_start3A_357 : memref<512xi32, #tpu.memory_space<vmem>>) semaphore(%dma_start3A_362 : memref<!tpu.dma_semaphore, #tpu.memory_space<semaphore_mem>>)
      %dma_start3A_363 = arith.constant 0 : i32
      %dma_start3A_364 = arith.constant 0 : i32
      %dma_start3A_365 = arith.constant 0 : i32
      %dma_start3A_366 = arith.constant 0 : i32
      %dma_start3A_367 = arith.constant 0 : i32
      %dma_start3A_368 = arith.constant 0 : i32
      %dma_start3A_369 = tpu.memref_slice %arg7[%dma_start3A_363, %dma_start3A_365, %dma_start3A_366, %dma_start3A_367, %dma_start3A_368] : memref<2x4x5x8x129xf32, #tpu.memory_space<vmem>> -> memref<1x4x4x8x128xf32, #tpu.memory_space<vmem>>
      %dma_start3A_370 = tpu.memref_squeeze %dma_start3A_369 : memref<1x4x4x8x128xf32, #tpu.memory_space<vmem>> -> memref<4x4x8x128xf32, #tpu.memory_space<vmem>>
      %dma_start3A_371 = arith.constant 0 : i32
      %dma_start3A_372 = arith.constant 0 : i32
      %dma_start3A_373 = arith.constant 0 : i32
      %dma_start3A_374 = tpu.memref_slice %arg4[%add3A_325, %dma_start3A_371, %mul3A_4, %dma_start3A_372, %dma_start3A_373] : memref<50x4x128x8x128xf32, #tpu.memory_space<hbm>> -> memref<1x4x4x8x128xf32, #tpu.memory_space<hbm>>
      %dma_start3A_375 = tpu.memref_squeeze %dma_start3A_374 : memref<1x4x4x8x128xf32, #tpu.memory_space<hbm>> -> memref<4x4x8x128xf32, #tpu.memory_space<hbm>>
      %dma_start3A_376 = tpu.memref_slice %arg9[%dma_start3A_364] : memref<2x!tpu.dma_semaphore, #tpu.memory_space<semaphore_mem>> -> memref<1x!tpu.dma_semaphore, #tpu.memory_space<semaphore_mem>>
      %dma_start3A_377 = tpu.memref_squeeze %dma_start3A_376 : memref<1x!tpu.dma_semaphore, #tpu.memory_space<semaphore_mem>> -> memref<!tpu.dma_semaphore, #tpu.memory_space<semaphore_mem>>
      %dma_start3A_378 = arith.constant 0 : i32
      %dma_start3A_379 = arith.constant 0 : i32
      %dma_start3A_380 = arith.constant 0 : i32
      %dma_start3A_381 = tpu.memref_slice %arg4[%add3A_325, %dma_start3A_378, %mul3A_4, %dma_start3A_379, %dma_start3A_380] : memref<50x4x128x8x128xf32, #tpu.memory_space<hbm>> -> memref<1x4x4x8x128xf32, #tpu.memory_space<hbm>>
      %dma_start3A_382 = tpu.memref_squeeze %dma_start3A_381 : memref<1x4x4x8x128xf32, #tpu.memory_space<hbm>> -> memref<4x4x8x128xf32, #tpu.memory_space<hbm>>
      %dma_start3A_383 = arith.constant 0 : i32
      %dma_start3A_384 = arith.constant 0 : i32
      %dma_start3A_385 = arith.constant 0 : i32
      %dma_start3A_386 = arith.constant 0 : i32
      %dma_start3A_387 = tpu.memref_slice %arg7[%dma_start3A_363, %dma_start3A_383, %dma_start3A_384, %dma_start3A_385, %dma_start3A_386] : memref<2x4x5x8x129xf32, #tpu.memory_space<vmem>> -> memref<1x4x4x8x128xf32, #tpu.memory_space<vmem>>
      %dma_start3A_388 = tpu.memref_squeeze %dma_start3A_387 : memref<1x4x4x8x128xf32, #tpu.memory_space<vmem>> -> memref<4x4x8x128xf32, #tpu.memory_space<vmem>>
      tpu.enqueue_dma source(%dma_start3A_388 : memref<4x4x8x128xf32, #tpu.memory_space<vmem>>) target(%dma_start3A_382 : memref<4x4x8x128xf32, #tpu.memory_space<hbm>>) target_semaphore(%dma_start3A_377 : memref<!tpu.dma_semaphore, #tpu.memory_space<semaphore_mem>>)
      %mul3A_389 = arith.constant 2 : i32
      %mul3A_390 = arith.muli %scan3A_320, %mul3A_389 : i32
      %add3A_391 = arith.constant 1 : i32
      %add3A_392 = arith.addi %mul3A_390, %add3A_391 : i32
      %dma_wait3A_393 = arith.constant 1 : i32
      %dma_wait3A_394 = arith.constant 1 : i32
      %dma_wait3A_395 = arith.constant 0 : i32
      %dma_wait3A_396 = arith.constant 0 : i32
      %dma_wait3A_397 = tpu.memref_slice %arg6[%dma_wait3A_393, %dma_wait3A_395, %dma_wait3A_396] : memref<2x512x32xf32, #tpu.memory_space<vmem>> -> memref<1x512x32xf32, #tpu.memory_space<vmem>>
      %dma_wait3A_398 = tpu.memref_squeeze %dma_wait3A_397 : memref<1x512x32xf32, #tpu.memory_space<vmem>> -> memref<512x32xf32, #tpu.memory_space<vmem>>
      %dma_wait3A_399 = arith.constant 0 : i32
      %dma_wait3A_400 = tpu.memref_slice %arg5[%add3A_392, %dma_wait3A_399] : memref<50x512xi32, #tpu.memory_space<vmem>> -> memref<1x512xi32, #tpu.memory_space<vmem>>
      %dma_wait3A_401 = tpu.memref_squeeze %dma_wait3A_400 : memref<1x512xi32, #tpu.memory_space<vmem>> -> memref<512xi32, #tpu.memory_space<vmem>>
      %dma_wait3A_402 = arith.constant 0 : i32
      %dma_wait3A_403 = arith.constant 0 : i32
      %dma_wait3A_404 = tpu.memref_slice %arg2[%dma_wait3A_402, %dma_wait3A_403] : memref<1000064x32xf32, #tpu.memory_space<hbm>> -> memref<1000064x32xf32, #tpu.memory_space<hbm>>
      %dma_wait3A_405 = tpu.memref_slice %arg8[%dma_wait3A_394] : memref<2x!tpu.dma_semaphore, #tpu.memory_space<semaphore_mem>> -> memref<1x!tpu.dma_semaphore, #tpu.memory_space<semaphore_mem>>
      %dma_wait3A_406 = tpu.memref_squeeze %dma_wait3A_405 : memref<1x!tpu.dma_semaphore, #tpu.memory_space<semaphore_mem>> -> memref<!tpu.dma_semaphore, #tpu.memory_space<semaphore_mem>>
      tpu.wait_indirect_dma semaphore(%dma_wait3A_406 : memref<!tpu.dma_semaphore, #tpu.memory_space<semaphore_mem>>) src(%dma_wait3A_404 : memref<1000064x32xf32, #tpu.memory_space<hbm>>) dst(%dma_wait3A_398 : memref<512x32xf32, #tpu.memory_space<vmem>>)
      %ge3A_407 = arith.constant 2 : i32
      %ge3A_408 = arith.cmpi sge, %add3A_392, %ge3A_407 : i32
      %convert_element_type3A_409 = arith.extui %ge3A_408 : i1 to i32
      %cond3A_410 = arith.constant 0 : i32
      %cond3A_411 = arith.cmpi ne, %convert_element_type3A_409, %cond3A_410 : i32
      scf.if %cond3A_411 {
        %dma_wait3A_460 = arith.constant 1 : i32
        %dma_wait3A_461 = arith.constant 1 : i32
        %dma_wait3A_462 = arith.constant 0 : i32
        %dma_wait3A_463 = arith.constant 0 : i32
        %dma_wait3A_464 = arith.constant 0 : i32
        %dma_wait3A_465 = arith.constant 0 : i32
        %dma_wait3A_466 = tpu.memref_slice %arg7[%dma_wait3A_460, %dma_wait3A_462, %dma_wait3A_463, %dma_wait3A_464, %dma_wait3A_465] : memref<2x4x5x8x129xf32, #tpu.memory_space<vmem>> -> memref<1x4x4x8x128xf32, #tpu.memory_space<vmem>>
        %dma_wait3A_467 = tpu.memref_squeeze %dma_wait3A_466 : memref<1x4x4x8x128xf32, #tpu.memory_space<vmem>> -> memref<4x4x8x128xf32, #tpu.memory_space<vmem>>
        %dma_wait3A_468 = arith.constant 0 : i32
        %dma_wait3A_469 = arith.constant 0 : i32
        %dma_wait3A_470 = arith.constant 0 : i32
        %dma_wait3A_471 = tpu.memref_slice %arg4[%add3A_392, %dma_wait3A_468, %mul3A_4, %dma_wait3A_469, %dma_wait3A_470] : memref<50x4x128x8x128xf32, #tpu.memory_space<hbm>> -> memref<1x4x4x8x128xf32, #tpu.memory_space<hbm>>
        %dma_wait3A_472 = tpu.memref_squeeze %dma_wait3A_471 : memref<1x4x4x8x128xf32, #tpu.memory_space<hbm>> -> memref<4x4x8x128xf32, #tpu.memory_space<hbm>>
        %dma_wait3A_473 = tpu.memref_slice %arg9[%dma_wait3A_461] : memref<2x!tpu.dma_semaphore, #tpu.memory_space<semaphore_mem>> -> memref<1x!tpu.dma_semaphore, #tpu.memory_space<semaphore_mem>>
        %dma_wait3A_474 = tpu.memref_squeeze %dma_wait3A_473 : memref<1x!tpu.dma_semaphore, #tpu.memory_space<semaphore_mem>> -> memref<!tpu.dma_semaphore, #tpu.memory_space<semaphore_mem>>
        %dma_wait3A_475 = arith.constant 0 : i32
        %dma_wait3A_476 = arith.constant 0 : i32
        %dma_wait3A_477 = arith.constant 0 : i32
        %dma_wait3A_478 = tpu.memref_slice %arg4[%add3A_392, %dma_wait3A_475, %mul3A_4, %dma_wait3A_476, %dma_wait3A_477] : memref<50x4x128x8x128xf32, #tpu.memory_space<hbm>> -> memref<1x4x4x8x128xf32, #tpu.memory_space<hbm>>
        %dma_wait3A_479 = tpu.memref_squeeze %dma_wait3A_478 : memref<1x4x4x8x128xf32, #tpu.memory_space<hbm>> -> memref<4x4x8x128xf32, #tpu.memory_space<hbm>>
        %dma_wait3A_480 = arith.constant 0 : i32
        %dma_wait3A_481 = arith.constant 0 : i32
        %dma_wait3A_482 = arith.constant 0 : i32
        %dma_wait3A_483 = arith.constant 0 : i32
        %dma_wait3A_484 = tpu.memref_slice %arg7[%dma_wait3A_460, %dma_wait3A_480, %dma_wait3A_481, %dma_wait3A_482, %dma_wait3A_483] : memref<2x4x5x8x129xf32, #tpu.memory_space<vmem>> -> memref<1x4x4x8x128xf32, #tpu.memory_space<vmem>>
        %dma_wait3A_485 = tpu.memref_squeeze %dma_wait3A_484 : memref<1x4x4x8x128xf32, #tpu.memory_space<vmem>> -> memref<4x4x8x128xf32, #tpu.memory_space<vmem>>
        tpu.wait_dma2 semaphore(%dma_wait3A_474 : memref<!tpu.dma_semaphore, #tpu.memory_space<semaphore_mem>>) src(%dma_wait3A_485 : memref<4x4x8x128xf32, #tpu.memory_space<vmem>>) dst(%dma_wait3A_479 : memref<4x4x8x128xf32, #tpu.memory_space<hbm>>)
      } else {
      }
      %parallel_loop3A_412 = arith.constant 0 : i32
      %parallel_loop3A_413 = arith.constant 512 : i32
      %parallel_loop3A_414 = arith.constant 1 : i32
      %parallel_loop3A_415 = arith.constant 1 : i32
      %parallel_loop3A_416 = arith.constant 1 : i32
      scf.for %parallel_loop3A_460 = %parallel_loop3A_412 to %parallel_loop3A_413 step %parallel_loop3A_414  : i32 {
        %parallel_loop3A_461 = arith.constant 128 : i32
        %parallel_loop3A_462 = arith.divsi %parallel_loop3A_460, %parallel_loop3A_461 : i32
        %parallel_loop3A_463 = arith.constant 0 : i32
        %parallel_loop3A_464 = arith.cmpi sgt, %parallel_loop3A_460, %parallel_loop3A_463 : i32
        %parallel_loop3A_465 = arith.extui %parallel_loop3A_464 : i1 to i32
        %parallel_loop3A_466 = arith.constant 0 : i32
        %parallel_loop3A_467 = arith.cmpi slt, %parallel_loop3A_460, %parallel_loop3A_466 : i32
        %parallel_loop3A_468 = arith.extui %parallel_loop3A_467 : i1 to i32
        %parallel_loop3A_469 = arith.subi %parallel_loop3A_465, %parallel_loop3A_468 : i32
        %parallel_loop3A_470 = arith.constant 0 : i32
        %parallel_loop3A_471 = arith.cmpi sgt, %parallel_loop3A_461, %parallel_loop3A_470 : i32
        %parallel_loop3A_472 = arith.extui %parallel_loop3A_471 : i1 to i32
        %parallel_loop3A_473 = arith.constant 0 : i32
        %parallel_loop3A_474 = arith.cmpi slt, %parallel_loop3A_461, %parallel_loop3A_473 : i32
        %parallel_loop3A_475 = arith.extui %parallel_loop3A_474 : i1 to i32
        %parallel_loop3A_476 = arith.subi %parallel_loop3A_472, %parallel_loop3A_475 : i32
        %parallel_loop3A_477 = arith.cmpi ne, %parallel_loop3A_469, %parallel_loop3A_476 : i32
        %parallel_loop3A_478 = arith.remsi %parallel_loop3A_460, %parallel_loop3A_461 : i32
        %parallel_loop3A_479 = arith.constant 0 : i32
        %parallel_loop3A_480 = arith.cmpi ne, %parallel_loop3A_478, %parallel_loop3A_479 : i32
        %parallel_loop3A_481 = arith.andi %parallel_loop3A_477, %parallel_loop3A_480 : i1
        %parallel_loop3A_482 = arith.constant 1 : i32
        %parallel_loop3A_483 = arith.subi %parallel_loop3A_462, %parallel_loop3A_482 : i32
        %parallel_loop3A_484 = arith.select %parallel_loop3A_481, %parallel_loop3A_483, %parallel_loop3A_462 : i32
        %parallel_loop3A_485 = vector.broadcast %parallel_loop3A_484 : i32 to vector<16xi32>
        %parallel_loop3A_486 = arith.constant 128 : i32
        %parallel_loop3A_487 = arith.constant 0 : i32
        %parallel_loop3A_488 = arith.cmpi eq, %parallel_loop3A_486, %parallel_loop3A_487 : i32
        %parallel_loop3A_489 = arith.constant 1 : i32
        %parallel_loop3A_490 = arith.select %parallel_loop3A_488, %parallel_loop3A_489, %parallel_loop3A_486 : i32
        %parallel_loop3A_491 = arith.remsi %parallel_loop3A_460, %parallel_loop3A_490 : i32
        %parallel_loop3A_492 = arith.constant 0 : i32
        %parallel_loop3A_493 = arith.cmpi ne, %parallel_loop3A_491, %parallel_loop3A_492 : i32
        %parallel_loop3A_494 = arith.constant 0 : i32
        %parallel_loop3A_495 = arith.cmpi slt, %parallel_loop3A_491, %parallel_loop3A_494 : i32
        %parallel_loop3A_496 = arith.constant 0 : i32
        %parallel_loop3A_497 = arith.cmpi slt, %parallel_loop3A_490, %parallel_loop3A_496 : i32
        %parallel_loop3A_498 = arith.xori %parallel_loop3A_495, %parallel_loop3A_497 : i1
        %parallel_loop3A_499 = arith.andi %parallel_loop3A_498, %parallel_loop3A_493 : i1
        %parallel_loop3A_500 = arith.addi %parallel_loop3A_491, %parallel_loop3A_490 : i32
        %parallel_loop3A_501 = arith.select %parallel_loop3A_499, %parallel_loop3A_500, %parallel_loop3A_491 : i32
        %parallel_loop3A_502 = vector.broadcast %parallel_loop3A_501 : i32 to vector<16xi32>
        %parallel_loop3A_503 = arith.constant 0 : i32
        %parallel_loop3A_504 = arith.constant 0 : i32
        %parallel_loop3A_505 = tpu.memref_slice %arg6[%parallel_loop3A_415, %parallel_loop3A_503, %parallel_loop3A_504] : memref<2x512x32xf32, #tpu.memory_space<vmem>> -> memref<1x512x32xf32, #tpu.memory_space<vmem>>
        %parallel_loop3A_506 = tpu.memref_squeeze %parallel_loop3A_505 : memref<1x512x32xf32, #tpu.memory_space<vmem>> -> memref<512x32xf32, #tpu.memory_space<vmem>>
        %parallel_loop3A_507 = arith.index_cast %parallel_loop3A_460 : i32 to index
        %parallel_loop3A_508 = arith.constant 0 : index
        %parallel_loop3A_509 = tpu.vector_load %parallel_loop3A_506[%parallel_loop3A_507, %parallel_loop3A_508] {strides = array<i32>} : memref<512x32xf32, #tpu.memory_space<vmem>>, vector<16xf32>,
        %parallel_loop3A_510 = arith.constant 0 : i32
        %parallel_loop3A_511 = arith.constant 0 : i32
        %parallel_loop3A_512 = arith.constant 0 : i32
        %parallel_loop3A_513 = arith.constant 0 : i32
        %parallel_loop3A_514 = tpu.memref_slice %arg7[%parallel_loop3A_416, %parallel_loop3A_510, %parallel_loop3A_511, %parallel_loop3A_512, %parallel_loop3A_513] : memref<2x4x5x8x129xf32, #tpu.memory_space<vmem>> -> memref<1x4x5x8x129xf32, #tpu.memory_space<vmem>>
        %parallel_loop3A_515 = tpu.memref_squeeze %parallel_loop3A_514 : memref<1x4x5x8x129xf32, #tpu.memory_space<vmem>> -> memref<4x5x8x129xf32, #tpu.memory_space<vmem>>
        tpu.vector_store_idx %parallel_loop3A_515[%add3A_50, %parallel_loop3A_485, %select_n3A_19, %parallel_loop3A_502], %parallel_loop3A_509 : memref<4x5x8x129xf32, #tpu.memory_space<vmem>>[vector<16xi32>, vector<16xi32>, vector<16xi32>, vector<16xi32>], vector<16xf32>,
        %parallel_loop3A_516 = arith.constant 0 : i32
        %parallel_loop3A_517 = arith.constant 0 : i32
        %parallel_loop3A_518 = tpu.memref_slice %arg6[%parallel_loop3A_415, %parallel_loop3A_516, %parallel_loop3A_517] : memref<2x512x32xf32, #tpu.memory_space<vmem>> -> memref<1x512x32xf32, #tpu.memory_space<vmem>>
        %parallel_loop3A_519 = tpu.memref_squeeze %parallel_loop3A_518 : memref<1x512x32xf32, #tpu.memory_space<vmem>> -> memref<512x32xf32, #tpu.memory_space<vmem>>
        %parallel_loop3A_520 = arith.index_cast %parallel_loop3A_460 : i32 to index
        %parallel_loop3A_521 = arith.constant 16 : index
        %parallel_loop3A_522 = tpu.vector_load %parallel_loop3A_519[%parallel_loop3A_520, %parallel_loop3A_521] {strides = array<i32>} : memref<512x32xf32, #tpu.memory_space<vmem>>, vector<16xf32>,
        %parallel_loop3A_523 = arith.constant 0 : i32
        %parallel_loop3A_524 = arith.constant 0 : i32
        %parallel_loop3A_525 = arith.constant 0 : i32
        %parallel_loop3A_526 = arith.constant 0 : i32
        %parallel_loop3A_527 = tpu.memref_slice %arg7[%parallel_loop3A_416, %parallel_loop3A_523, %parallel_loop3A_524, %parallel_loop3A_525, %parallel_loop3A_526] : memref<2x4x5x8x129xf32, #tpu.memory_space<vmem>> -> memref<1x4x5x8x129xf32, #tpu.memory_space<vmem>>
        %parallel_loop3A_528 = tpu.memref_squeeze %parallel_loop3A_527 : memref<1x4x5x8x129xf32, #tpu.memory_space<vmem>> -> memref<4x5x8x129xf32, #tpu.memory_space<vmem>>
        tpu.vector_store_idx %parallel_loop3A_528[%add3A_84, %parallel_loop3A_485, %select_n3A_19, %parallel_loop3A_502], %parallel_loop3A_522 : memref<4x5x8x129xf32, #tpu.memory_space<vmem>>[vector<16xi32>, vector<16xi32>, vector<16xi32>, vector<16xi32>], vector<16xf32>,
      } {sc.loop_unroll_factor = 8 : i64, sc.parallel_access}
      %add3A_417 = arith.constant 2 : i32
      %add3A_418 = arith.addi %add3A_392, %add3A_417 : i32
      %dma_start3A_419 = arith.constant 1 : i32
      %dma_start3A_420 = arith.constant 1 : i32
      %dma_start3A_421 = arith.constant 0 : i32
      %dma_start3A_422 = arith.constant 0 : i32
      %dma_start3A_423 = tpu.memref_slice %arg6[%dma_start3A_419, %dma_start3A_421, %dma_start3A_422] : memref<2x512x32xf32, #tpu.memory_space<vmem>> -> memref<1x512x32xf32, #tpu.memory_space<vmem>>
      %dma_start3A_424 = tpu.memref_squeeze %dma_start3A_423 : memref<1x512x32xf32, #tpu.memory_space<vmem>> -> memref<512x32xf32, #tpu.memory_space<vmem>>
      %dma_start3A_425 = arith.constant 0 : i32
      %dma_start3A_426 = tpu.memref_slice %arg5[%add3A_418, %dma_start3A_425] : memref<50x512xi32, #tpu.memory_space<vmem>> -> memref<1x512xi32, #tpu.memory_space<vmem>>
      %dma_start3A_427 = tpu.memref_squeeze %dma_start3A_426 : memref<1x512xi32, #tpu.memory_space<vmem>> -> memref<512xi32, #tpu.memory_space<vmem>>
      %dma_start3A_428 = arith.constant 0 : i32
      %dma_start3A_429 = arith.constant 0 : i32
      %dma_start3A_430 = tpu.memref_slice %arg2[%dma_start3A_428, %dma_start3A_429] : memref<1000064x32xf32, #tpu.memory_space<hbm>> -> memref<1000064x32xf32, #tpu.memory_space<hbm>>
      %dma_start3A_431 = tpu.memref_slice %arg8[%dma_start3A_420] : memref<2x!tpu.dma_semaphore, #tpu.memory_space<semaphore_mem>> -> memref<1x!tpu.dma_semaphore, #tpu.memory_space<semaphore_mem>>
      %dma_start3A_432 = tpu.memref_squeeze %dma_start3A_431 : memref<1x!tpu.dma_semaphore, #tpu.memory_space<semaphore_mem>> -> memref<!tpu.dma_semaphore, #tpu.memory_space<semaphore_mem>>
      tpu.enqueue_indirect_dma source(%dma_start3A_430 : memref<1000064x32xf32, #tpu.memory_space<hbm>>) target(%dma_start3A_424 : memref<512x32xf32, #tpu.memory_space<vmem>>) offsets(%dma_start3A_427 : memref<512xi32, #tpu.memory_space<vmem>>) semaphore(%dma_start3A_432 : memref<!tpu.dma_semaphore, #tpu.memory_space<semaphore_mem>>)
      %dma_start3A_433 = arith.constant 1 : i32
      %dma_start3A_434 = arith.constant 1 : i32
      %dma_start3A_435 = arith.constant 0 : i32
      %dma_start3A_436 = arith.constant 0 : i32
      %dma_start3A_437 = arith.constant 0 : i32
      %dma_start3A_438 = arith.constant 0 : i32
      %dma_start3A_439 = tpu.memref_slice %arg7[%dma_start3A_433, %dma_start3A_435, %dma_start3A_436, %dma_start3A_437, %dma_start3A_438] : memref<2x4x5x8x129xf32, #tpu.memory_space<vmem>> -> memref<1x4x4x8x128xf32, #tpu.memory_space<vmem>>
      %dma_start3A_440 = tpu.memref_squeeze %dma_start3A_439 : memref<1x4x4x8x128xf32, #tpu.memory_space<vmem>> -> memref<4x4x8x128xf32, #tpu.memory_space<vmem>>
      %dma_start3A_441 = arith.constant 0 : i32
      %dma_start3A_442 = arith.constant 0 : i32
      %dma_start3A_443 = arith.constant 0 : i32
      %dma_start3A_444 = tpu.memref_slice %arg4[%add3A_392, %dma_start3A_441, %mul3A_4, %dma_start3A_442, %dma_start3A_443] : memref<50x4x128x8x128xf32, #tpu.memory_space<hbm>> -> memref<1x4x4x8x128xf32, #tpu.memory_space<hbm>>
      %dma_start3A_445 = tpu.memref_squeeze %dma_start3A_444 : memref<1x4x4x8x128xf32, #tpu.memory_space<hbm>> -> memref<4x4x8x128xf32, #tpu.memory_space<hbm>>
      %dma_start3A_446 = tpu.memref_slice %arg9[%dma_start3A_434] : memref<2x!tpu.dma_semaphore, #tpu.memory_space<semaphore_mem>> -> memref<1x!tpu.dma_semaphore, #tpu.memory_space<semaphore_mem>>
      %dma_start3A_447 = tpu.memref_squeeze %dma_start3A_446 : memref<1x!tpu.dma_semaphore, #tpu.memory_space<semaphore_mem>> -> memref<!tpu.dma_semaphore, #tpu.memory_space<semaphore_mem>>
      %dma_start3A_448 = arith.constant 0 : i32
      %dma_start3A_449 = arith.constant 0 : i32
      %dma_start3A_450 = arith.constant 0 : i32
      %dma_start3A_451 = tpu.memref_slice %arg4[%add3A_392, %dma_start3A_448, %mul3A_4, %dma_start3A_449, %dma_start3A_450] : memref<50x4x128x8x128xf32, #tpu.memory_space<hbm>> -> memref<1x4x4x8x128xf32, #tpu.memory_space<hbm>>
      %dma_start3A_452 = tpu.memref_squeeze %dma_start3A_451 : memref<1x4x4x8x128xf32, #tpu.memory_space<hbm>> -> memref<4x4x8x128xf32, #tpu.memory_space<hbm>>
      %dma_start3A_453 = arith.constant 0 : i32
      %dma_start3A_454 = arith.constant 0 : i32
      %dma_start3A_455 = arith.constant 0 : i32
      %dma_start3A_456 = arith.constant 0 : i32
      %dma_start3A_457 = tpu.memref_slice %arg7[%dma_start3A_433, %dma_start3A_453, %dma_start3A_454, %dma_start3A_455, %dma_start3A_456] : memref<2x4x5x8x129xf32, #tpu.memory_space<vmem>> -> memref<1x4x4x8x128xf32, #tpu.memory_space<vmem>>
      %dma_start3A_458 = tpu.memref_squeeze %dma_start3A_457 : memref<1x4x4x8x128xf32, #tpu.memory_space<vmem>> -> memref<4x4x8x128xf32, #tpu.memory_space<vmem>>
      tpu.enqueue_dma source(%dma_start3A_458 : memref<4x4x8x128xf32, #tpu.memory_space<vmem>>) target(%dma_start3A_452 : memref<4x4x8x128xf32, #tpu.memory_space<hbm>>) target_semaphore(%dma_start3A_447 : memref<!tpu.dma_semaphore, #tpu.memory_space<semaphore_mem>>)
      %scan3A_459 = arith.constant 0 : i32
      scf.yield %scan3A_459 : i32
    }
    %scan3A_119 = arith.constant 24 : i32
    %dma_wait3A = arith.constant 48 : i32
    %dma_wait3A_120 = arith.constant 0 : i32
    %dma_wait3A_121 = arith.constant 0 : i32
    %dma_wait3A_122 = arith.constant 0 : i32
    %dma_wait3A_123 = arith.constant 0 : i32
    %dma_wait3A_124 = tpu.memref_slice %arg6[%dma_wait3A_120, %dma_wait3A_122, %dma_wait3A_123] : memref<2x512x32xf32, #tpu.memory_space<vmem>> -> memref<1x512x32xf32, #tpu.memory_space<vmem>>
    %dma_wait3A_125 = tpu.memref_squeeze %dma_wait3A_124 : memref<1x512x32xf32, #tpu.memory_space<vmem>> -> memref<512x32xf32, #tpu.memory_space<vmem>>
    %dma_wait3A_126 = arith.constant 0 : i32
    %dma_wait3A_127 = tpu.memref_slice %arg5[%dma_wait3A, %dma_wait3A_126] : memref<50x512xi32, #tpu.memory_space<vmem>> -> memref<1x512xi32, #tpu.memory_space<vmem>>
    %dma_wait3A_128 = tpu.memref_squeeze %dma_wait3A_127 : memref<1x512xi32, #tpu.memory_space<vmem>> -> memref<512xi32, #tpu.memory_space<vmem>>
    %dma_wait3A_129 = arith.constant 0 : i32
    %dma_wait3A_130 = arith.constant 0 : i32
    %dma_wait3A_131 = tpu.memref_slice %arg2[%dma_wait3A_129, %dma_wait3A_130] : memref<1000064x32xf32, #tpu.memory_space<hbm>> -> memref<1000064x32xf32, #tpu.memory_space<hbm>>
    %dma_wait3A_132 = tpu.memref_slice %arg8[%dma_wait3A_121] : memref<2x!tpu.dma_semaphore, #tpu.memory_space<semaphore_mem>> -> memref<1x!tpu.dma_semaphore, #tpu.memory_space<semaphore_mem>>
    %dma_wait3A_133 = tpu.memref_squeeze %dma_wait3A_132 : memref<1x!tpu.dma_semaphore, #tpu.memory_space<semaphore_mem>> -> memref<!tpu.dma_semaphore, #tpu.memory_space<semaphore_mem>>
    tpu.wait_indirect_dma semaphore(%dma_wait3A_133 : memref<!tpu.dma_semaphore, #tpu.memory_space<semaphore_mem>>) src(%dma_wait3A_131 : memref<1000064x32xf32, #tpu.memory_space<hbm>>) dst(%dma_wait3A_125 : memref<512x32xf32, #tpu.memory_space<vmem>>)
    %dma_wait3A_134 = arith.constant 0 : i32
    %dma_wait3A_135 = arith.constant 48 : i32
    %dma_wait3A_136 = arith.constant 0 : i32
    %dma_wait3A_137 = arith.constant 0 : i32
    %dma_wait3A_138 = arith.constant 0 : i32
    %dma_wait3A_139 = arith.constant 0 : i32
    %dma_wait3A_140 = arith.constant 0 : i32
    %dma_wait3A_141 = tpu.memref_slice %arg7[%dma_wait3A_134, %dma_wait3A_137, %dma_wait3A_138, %dma_wait3A_139, %dma_wait3A_140] : memref<2x4x5x8x129xf32, #tpu.memory_space<vmem>> -> memref<1x4x4x8x128xf32, #tpu.memory_space<vmem>>
    %dma_wait3A_142 = tpu.memref_squeeze %dma_wait3A_141 : memref<1x4x4x8x128xf32, #tpu.memory_space<vmem>> -> memref<4x4x8x128xf32, #tpu.memory_space<vmem>>
    %dma_wait3A_143 = arith.constant 0 : i32
    %dma_wait3A_144 = arith.constant 0 : i32
    %dma_wait3A_145 = arith.constant 0 : i32
    %dma_wait3A_146 = tpu.memref_slice %arg4[%dma_wait3A_135, %dma_wait3A_143, %mul3A_4, %dma_wait3A_144, %dma_wait3A_145] : memref<50x4x128x8x128xf32, #tpu.memory_space<hbm>> -> memref<1x4x4x8x128xf32, #tpu.memory_space<hbm>>
    %dma_wait3A_147 = tpu.memref_squeeze %dma_wait3A_146 : memref<1x4x4x8x128xf32, #tpu.memory_space<hbm>> -> memref<4x4x8x128xf32, #tpu.memory_space<hbm>>
    %dma_wait3A_148 = tpu.memref_slice %arg9[%dma_wait3A_136] : memref<2x!tpu.dma_semaphore, #tpu.memory_space<semaphore_mem>> -> memref<1x!tpu.dma_semaphore, #tpu.memory_space<semaphore_mem>>
    %dma_wait3A_149 = tpu.memref_squeeze %dma_wait3A_148 : memref<1x!tpu.dma_semaphore, #tpu.memory_space<semaphore_mem>> -> memref<!tpu.dma_semaphore, #tpu.memory_space<semaphore_mem>>
    %dma_wait3A_150 = arith.constant 0 : i32
    %dma_wait3A_151 = arith.constant 0 : i32
    %dma_wait3A_152 = arith.constant 0 : i32
    %dma_wait3A_153 = tpu.memref_slice %arg4[%dma_wait3A_135, %dma_wait3A_150, %mul3A_4, %dma_wait3A_151, %dma_wait3A_152] : memref<50x4x128x8x128xf32, #tpu.memory_space<hbm>> -> memref<1x4x4x8x128xf32, #tpu.memory_space<hbm>>
    %dma_wait3A_154 = tpu.memref_squeeze %dma_wait3A_153 : memref<1x4x4x8x128xf32, #tpu.memory_space<hbm>> -> memref<4x4x8x128xf32, #tpu.memory_space<hbm>>
    %dma_wait3A_155 = arith.constant 0 : i32
    %dma_wait3A_156 = arith.constant 0 : i32
    %dma_wait3A_157 = arith.constant 0 : i32
    %dma_wait3A_158 = arith.constant 0 : i32
    %dma_wait3A_159 = tpu.memref_slice %arg7[%dma_wait3A_134, %dma_wait3A_155, %dma_wait3A_156, %dma_wait3A_157, %dma_wait3A_158] : memref<2x4x5x8x129xf32, #tpu.memory_space<vmem>> -> memref<1x4x4x8x128xf32, #tpu.memory_space<vmem>>
    %dma_wait3A_160 = tpu.memref_squeeze %dma_wait3A_159 : memref<1x4x4x8x128xf32, #tpu.memory_space<vmem>> -> memref<4x4x8x128xf32, #tpu.memory_space<vmem>>
    tpu.wait_dma2 semaphore(%dma_wait3A_149 : memref<!tpu.dma_semaphore, #tpu.memory_space<semaphore_mem>>) src(%dma_wait3A_160 : memref<4x4x8x128xf32, #tpu.memory_space<vmem>>) dst(%dma_wait3A_154 : memref<4x4x8x128xf32, #tpu.memory_space<hbm>>)
    %parallel_loop3A = arith.constant 0 : i32
    %parallel_loop3A_161 = arith.constant 512 : i32
    %parallel_loop3A_162 = arith.constant 1 : i32
    %parallel_loop3A_163 = arith.constant 0 : i32
    %parallel_loop3A_164 = arith.constant 0 : i32
    scf.for %parallel_loop3A_320 = %parallel_loop3A to %parallel_loop3A_161 step %parallel_loop3A_162  : i32 {
      %parallel_loop3A_321 = arith.constant 128 : i32
      %parallel_loop3A_322 = arith.divsi %parallel_loop3A_320, %parallel_loop3A_321 : i32
      %parallel_loop3A_323 = arith.constant 0 : i32
      %parallel_loop3A_324 = arith.cmpi sgt, %parallel_loop3A_320, %parallel_loop3A_323 : i32
      %parallel_loop3A_325 = arith.extui %parallel_loop3A_324 : i1 to i32
      %parallel_loop3A_326 = arith.constant 0 : i32
      %parallel_loop3A_327 = arith.cmpi slt, %parallel_loop3A_320, %parallel_loop3A_326 : i32
      %parallel_loop3A_328 = arith.extui %parallel_loop3A_327 : i1 to i32
      %parallel_loop3A_329 = arith.subi %parallel_loop3A_325, %parallel_loop3A_328 : i32
      %parallel_loop3A_330 = arith.constant 0 : i32
      %parallel_loop3A_331 = arith.cmpi sgt, %parallel_loop3A_321, %parallel_loop3A_330 : i32
      %parallel_loop3A_332 = arith.extui %parallel_loop3A_331 : i1 to i32
      %parallel_loop3A_333 = arith.constant 0 : i32
      %parallel_loop3A_334 = arith.cmpi slt, %parallel_loop3A_321, %parallel_loop3A_333 : i32
      %parallel_loop3A_335 = arith.extui %parallel_loop3A_334 : i1 to i32
      %parallel_loop3A_336 = arith.subi %parallel_loop3A_332, %parallel_loop3A_335 : i32
      %parallel_loop3A_337 = arith.cmpi ne, %parallel_loop3A_329, %parallel_loop3A_336 : i32
      %parallel_loop3A_338 = arith.remsi %parallel_loop3A_320, %parallel_loop3A_321 : i32
      %parallel_loop3A_339 = arith.constant 0 : i32
      %parallel_loop3A_340 = arith.cmpi ne, %parallel_loop3A_338, %parallel_loop3A_339 : i32
      %parallel_loop3A_341 = arith.andi %parallel_loop3A_337, %parallel_loop3A_340 : i1
      %parallel_loop3A_342 = arith.constant 1 : i32
      %parallel_loop3A_343 = arith.subi %parallel_loop3A_322, %parallel_loop3A_342 : i32
      %parallel_loop3A_344 = arith.select %parallel_loop3A_341, %parallel_loop3A_343, %parallel_loop3A_322 : i32
      %parallel_loop3A_345 = vector.broadcast %parallel_loop3A_344 : i32 to vector<16xi32>
      %parallel_loop3A_346 = arith.constant 128 : i32
      %parallel_loop3A_347 = arith.constant 0 : i32
      %parallel_loop3A_348 = arith.cmpi eq, %parallel_loop3A_346, %parallel_loop3A_347 : i32
      %parallel_loop3A_349 = arith.constant 1 : i32
      %parallel_loop3A_350 = arith.select %parallel_loop3A_348, %parallel_loop3A_349, %parallel_loop3A_346 : i32
      %parallel_loop3A_351 = arith.remsi %parallel_loop3A_320, %parallel_loop3A_350 : i32
      %parallel_loop3A_352 = arith.constant 0 : i32
      %parallel_loop3A_353 = arith.cmpi ne, %parallel_loop3A_351, %parallel_loop3A_352 : i32
      %parallel_loop3A_354 = arith.constant 0 : i32
      %parallel_loop3A_355 = arith.cmpi slt, %parallel_loop3A_351, %parallel_loop3A_354 : i32
      %parallel_loop3A_356 = arith.constant 0 : i32
      %parallel_loop3A_357 = arith.cmpi slt, %parallel_loop3A_350, %parallel_loop3A_356 : i32
      %parallel_loop3A_358 = arith.xori %parallel_loop3A_355, %parallel_loop3A_357 : i1
      %parallel_loop3A_359 = arith.andi %parallel_loop3A_358, %parallel_loop3A_353 : i1
      %parallel_loop3A_360 = arith.addi %parallel_loop3A_351, %parallel_loop3A_350 : i32
      %parallel_loop3A_361 = arith.select %parallel_loop3A_359, %parallel_loop3A_360, %parallel_loop3A_351 : i32
      %parallel_loop3A_362 = vector.broadcast %parallel_loop3A_361 : i32 to vector<16xi32>
      %parallel_loop3A_363 = arith.constant 0 : i32
      %parallel_loop3A_364 = arith.constant 0 : i32
      %parallel_loop3A_365 = tpu.memref_slice %arg6[%parallel_loop3A_163, %parallel_loop3A_363, %parallel_loop3A_364] : memref<2x512x32xf32, #tpu.memory_space<vmem>> -> memref<1x512x32xf32, #tpu.memory_space<vmem>>
      %parallel_loop3A_366 = tpu.memref_squeeze %parallel_loop3A_365 : memref<1x512x32xf32, #tpu.memory_space<vmem>> -> memref<512x32xf32, #tpu.memory_space<vmem>>
      %parallel_loop3A_367 = arith.index_cast %parallel_loop3A_320 : i32 to index
      %parallel_loop3A_368 = arith.constant 0 : index
      %parallel_loop3A_369 = tpu.vector_load %parallel_loop3A_366[%parallel_loop3A_367, %parallel_loop3A_368] {strides = array<i32>} : memref<512x32xf32, #tpu.memory_space<vmem>>, vector<16xf32>,
      %parallel_loop3A_370 = arith.constant 0 : i32
      %parallel_loop3A_371 = arith.constant 0 : i32
      %parallel_loop3A_372 = arith.constant 0 : i32
      %parallel_loop3A_373 = arith.constant 0 : i32
      %parallel_loop3A_374 = tpu.memref_slice %arg7[%parallel_loop3A_164, %parallel_loop3A_370, %parallel_loop3A_371, %parallel_loop3A_372, %parallel_loop3A_373] : memref<2x4x5x8x129xf32, #tpu.memory_space<vmem>> -> memref<1x4x5x8x129xf32, #tpu.memory_space<vmem>>
      %parallel_loop3A_375 = tpu.memref_squeeze %parallel_loop3A_374 : memref<1x4x5x8x129xf32, #tpu.memory_space<vmem>> -> memref<4x5x8x129xf32, #tpu.memory_space<vmem>>
      tpu.vector_store_idx %parallel_loop3A_375[%add3A_50, %parallel_loop3A_345, %select_n3A_19, %parallel_loop3A_362], %parallel_loop3A_369 : memref<4x5x8x129xf32, #tpu.memory_space<vmem>>[vector<16xi32>, vector<16xi32>, vector<16xi32>, vector<16xi32>], vector<16xf32>,
      %parallel_loop3A_376 = arith.constant 0 : i32
      %parallel_loop3A_377 = arith.constant 0 : i32
      %parallel_loop3A_378 = tpu.memref_slice %arg6[%parallel_loop3A_163, %parallel_loop3A_376, %parallel_loop3A_377] : memref<2x512x32xf32, #tpu.memory_space<vmem>> -> memref<1x512x32xf32, #tpu.memory_space<vmem>>
      %parallel_loop3A_379 = tpu.memref_squeeze %parallel_loop3A_378 : memref<1x512x32xf32, #tpu.memory_space<vmem>> -> memref<512x32xf32, #tpu.memory_space<vmem>>
      %parallel_loop3A_380 = arith.index_cast %parallel_loop3A_320 : i32 to index
      %parallel_loop3A_381 = arith.constant 16 : index
      %parallel_loop3A_382 = tpu.vector_load %parallel_loop3A_379[%parallel_loop3A_380, %parallel_loop3A_381] {strides = array<i32>} : memref<512x32xf32, #tpu.memory_space<vmem>>, vector<16xf32>,
      %parallel_loop3A_383 = arith.constant 0 : i32
      %parallel_loop3A_384 = arith.constant 0 : i32
      %parallel_loop3A_385 = arith.constant 0 : i32
      %parallel_loop3A_386 = arith.constant 0 : i32
      %parallel_loop3A_387 = tpu.memref_slice %arg7[%parallel_loop3A_164, %parallel_loop3A_383, %parallel_loop3A_384, %parallel_loop3A_385, %parallel_loop3A_386] : memref<2x4x5x8x129xf32, #tpu.memory_space<vmem>> -> memref<1x4x5x8x129xf32, #tpu.memory_space<vmem>>
      %parallel_loop3A_388 = tpu.memref_squeeze %parallel_loop3A_387 : memref<1x4x5x8x129xf32, #tpu.memory_space<vmem>> -> memref<4x5x8x129xf32, #tpu.memory_space<vmem>>
      tpu.vector_store_idx %parallel_loop3A_388[%add3A_84, %parallel_loop3A_345, %select_n3A_19, %parallel_loop3A_362], %parallel_loop3A_382 : memref<4x5x8x129xf32, #tpu.memory_space<vmem>>[vector<16xi32>, vector<16xi32>, vector<16xi32>, vector<16xi32>], vector<16xf32>,
    } {sc.loop_unroll_factor = 8 : i64, sc.parallel_access}
    %dma_start3A_165 = arith.constant 0 : i32
    %dma_start3A_166 = arith.constant 48 : i32
    %dma_start3A_167 = arith.constant 0 : i32
    %dma_start3A_168 = arith.constant 0 : i32
    %dma_start3A_169 = arith.constant 0 : i32
    %dma_start3A_170 = arith.constant 0 : i32
    %dma_start3A_171 = arith.constant 0 : i32
    %dma_start3A_172 = tpu.memref_slice %arg7[%dma_start3A_165, %dma_start3A_168, %dma_start3A_169, %dma_start3A_170, %dma_start3A_171] : memref<2x4x5x8x129xf32, #tpu.memory_space<vmem>> -> memref<1x4x4x8x128xf32, #tpu.memory_space<vmem>>
    %dma_start3A_173 = tpu.memref_squeeze %dma_start3A_172 : memref<1x4x4x8x128xf32, #tpu.memory_space<vmem>> -> memref<4x4x8x128xf32, #tpu.memory_space<vmem>>
    %dma_start3A_174 = arith.constant 0 : i32
    %dma_start3A_175 = arith.constant 0 : i32
    %dma_start3A_176 = arith.constant 0 : i32
    %dma_start3A_177 = tpu.memref_slice %arg4[%dma_start3A_166, %dma_start3A_174, %mul3A_4, %dma_start3A_175, %dma_start3A_176] : memref<50x4x128x8x128xf32, #tpu.memory_space<hbm>> -> memref<1x4x4x8x128xf32, #tpu.memory_space<hbm>>
    %dma_start3A_178 = tpu.memref_squeeze %dma_start3A_177 : memref<1x4x4x8x128xf32, #tpu.memory_space<hbm>> -> memref<4x4x8x128xf32, #tpu.memory_space<hbm>>
    %dma_start3A_179 = tpu.memref_slice %arg9[%dma_start3A_167] : memref<2x!tpu.dma_semaphore, #tpu.memory_space<semaphore_mem>> -> memref<1x!tpu.dma_semaphore, #tpu.memory_space<semaphore_mem>>
    %dma_start3A_180 = tpu.memref_squeeze %dma_start3A_179 : memref<1x!tpu.dma_semaphore, #tpu.memory_space<semaphore_mem>> -> memref<!tpu.dma_semaphore, #tpu.memory_space<semaphore_mem>>
    %dma_start3A_181 = arith.constant 0 : i32
    %dma_start3A_182 = arith.constant 0 : i32
    %dma_start3A_183 = arith.constant 0 : i32
    %dma_start3A_184 = tpu.memref_slice %arg4[%dma_start3A_166, %dma_start3A_181, %mul3A_4, %dma_start3A_182, %dma_start3A_183] : memref<50x4x128x8x128xf32, #tpu.memory_space<hbm>> -> memref<1x4x4x8x128xf32, #tpu.memory_space<hbm>>
    %dma_start3A_185 = tpu.memref_squeeze %dma_start3A_184 : memref<1x4x4x8x128xf32, #tpu.memory_space<hbm>> -> memref<4x4x8x128xf32, #tpu.memory_space<hbm>>
    %dma_start3A_186 = arith.constant 0 : i32
    %dma_start3A_187 = arith.constant 0 : i32
    %dma_start3A_188 = arith.constant 0 : i32
    %dma_start3A_189 = arith.constant 0 : i32
    %dma_start3A_190 = tpu.memref_slice %arg7[%dma_start3A_165, %dma_start3A_186, %dma_start3A_187, %dma_start3A_188, %dma_start3A_189] : memref<2x4x5x8x129xf32, #tpu.memory_space<vmem>> -> memref<1x4x4x8x128xf32, #tpu.memory_space<vmem>>
    %dma_start3A_191 = tpu.memref_squeeze %dma_start3A_190 : memref<1x4x4x8x128xf32, #tpu.memory_space<vmem>> -> memref<4x4x8x128xf32, #tpu.memory_space<vmem>>
    tpu.enqueue_dma source(%dma_start3A_191 : memref<4x4x8x128xf32, #tpu.memory_space<vmem>>) target(%dma_start3A_185 : memref<4x4x8x128xf32, #tpu.memory_space<hbm>>) target_semaphore(%dma_start3A_180 : memref<!tpu.dma_semaphore, #tpu.memory_space<semaphore_mem>>)
    %dma_wait3A_192 = arith.constant 49 : i32
    %dma_wait3A_193 = arith.constant 1 : i32
    %dma_wait3A_194 = arith.constant 1 : i32
    %dma_wait3A_195 = arith.constant 0 : i32
    %dma_wait3A_196 = arith.constant 0 : i32
    %dma_wait3A_197 = tpu.memref_slice %arg6[%dma_wait3A_193, %dma_wait3A_195, %dma_wait3A_196] : memref<2x512x32xf32, #tpu.memory_space<vmem>> -> memref<1x512x32xf32, #tpu.memory_space<vmem>>
    %dma_wait3A_198 = tpu.memref_squeeze %dma_wait3A_197 : memref<1x512x32xf32, #tpu.memory_space<vmem>> -> memref<512x32xf32, #tpu.memory_space<vmem>>
    %dma_wait3A_199 = arith.constant 0 : i32
    %dma_wait3A_200 = tpu.memref_slice %arg5[%dma_wait3A_192, %dma_wait3A_199] : memref<50x512xi32, #tpu.memory_space<vmem>> -> memref<1x512xi32, #tpu.memory_space<vmem>>
    %dma_wait3A_201 = tpu.memref_squeeze %dma_wait3A_200 : memref<1x512xi32, #tpu.memory_space<vmem>> -> memref<512xi32, #tpu.memory_space<vmem>>
    %dma_wait3A_202 = arith.constant 0 : i32
    %dma_wait3A_203 = arith.constant 0 : i32
    %dma_wait3A_204 = tpu.memref_slice %arg2[%dma_wait3A_202, %dma_wait3A_203] : memref<1000064x32xf32, #tpu.memory_space<hbm>> -> memref<1000064x32xf32, #tpu.memory_space<hbm>>
    %dma_wait3A_205 = tpu.memref_slice %arg8[%dma_wait3A_194] : memref<2x!tpu.dma_semaphore, #tpu.memory_space<semaphore_mem>> -> memref<1x!tpu.dma_semaphore, #tpu.memory_space<semaphore_mem>>
    %dma_wait3A_206 = tpu.memref_squeeze %dma_wait3A_205 : memref<1x!tpu.dma_semaphore, #tpu.memory_space<semaphore_mem>> -> memref<!tpu.dma_semaphore, #tpu.memory_space<semaphore_mem>>
    tpu.wait_indirect_dma semaphore(%dma_wait3A_206 : memref<!tpu.dma_semaphore, #tpu.memory_space<semaphore_mem>>) src(%dma_wait3A_204 : memref<1000064x32xf32, #tpu.memory_space<hbm>>) dst(%dma_wait3A_198 : memref<512x32xf32, #tpu.memory_space<vmem>>)
    %dma_wait3A_207 = arith.constant 1 : i32
    %dma_wait3A_208 = arith.constant 49 : i32
    %dma_wait3A_209 = arith.constant 1 : i32
    %dma_wait3A_210 = arith.constant 0 : i32
    %dma_wait3A_211 = arith.constant 0 : i32
    %dma_wait3A_212 = arith.constant 0 : i32
    %dma_wait3A_213 = arith.constant 0 : i32
    %dma_wait3A_214 = tpu.memref_slice %arg7[%dma_wait3A_207, %dma_wait3A_210, %dma_wait3A_211, %dma_wait3A_212, %dma_wait3A_213] : memref<2x4x5x8x129xf32, #tpu.memory_space<vmem>> -> memref<1x4x4x8x128xf32, #tpu.memory_space<vmem>>
    %dma_wait3A_215 = tpu.memref_squeeze %dma_wait3A_214 : memref<1x4x4x8x128xf32, #tpu.memory_space<vmem>> -> memref<4x4x8x128xf32, #tpu.memory_space<vmem>>
    %dma_wait3A_216 = arith.constant 0 : i32
    %dma_wait3A_217 = arith.constant 0 : i32
    %dma_wait3A_218 = arith.constant 0 : i32
    %dma_wait3A_219 = tpu.memref_slice %arg4[%dma_wait3A_208, %dma_wait3A_216, %mul3A_4, %dma_wait3A_217, %dma_wait3A_218] : memref<50x4x128x8x128xf32, #tpu.memory_space<hbm>> -> memref<1x4x4x8x128xf32, #tpu.memory_space<hbm>>
    %dma_wait3A_220 = tpu.memref_squeeze %dma_wait3A_219 : memref<1x4x4x8x128xf32, #tpu.memory_space<hbm>> -> memref<4x4x8x128xf32, #tpu.memory_space<hbm>>
    %dma_wait3A_221 = tpu.memref_slice %arg9[%dma_wait3A_209] : memref<2x!tpu.dma_semaphore, #tpu.memory_space<semaphore_mem>> -> memref<1x!tpu.dma_semaphore, #tpu.memory_space<semaphore_mem>>
    %dma_wait3A_222 = tpu.memref_squeeze %dma_wait3A_221 : memref<1x!tpu.dma_semaphore, #tpu.memory_space<semaphore_mem>> -> memref<!tpu.dma_semaphore, #tpu.memory_space<semaphore_mem>>
    %dma_wait3A_223 = arith.constant 0 : i32
    %dma_wait3A_224 = arith.constant 0 : i32
    %dma_wait3A_225 = arith.constant 0 : i32
    %dma_wait3A_226 = tpu.memref_slice %arg4[%dma_wait3A_208, %dma_wait3A_223, %mul3A_4, %dma_wait3A_224, %dma_wait3A_225] : memref<50x4x128x8x128xf32, #tpu.memory_space<hbm>> -> memref<1x4x4x8x128xf32, #tpu.memory_space<hbm>>
    %dma_wait3A_227 = tpu.memref_squeeze %dma_wait3A_226 : memref<1x4x4x8x128xf32, #tpu.memory_space<hbm>> -> memref<4x4x8x128xf32, #tpu.memory_space<hbm>>
    %dma_wait3A_228 = arith.constant 0 : i32
    %dma_wait3A_229 = arith.constant 0 : i32
    %dma_wait3A_230 = arith.constant 0 : i32
    %dma_wait3A_231 = arith.constant 0 : i32
    %dma_wait3A_232 = tpu.memref_slice %arg7[%dma_wait3A_207, %dma_wait3A_228, %dma_wait3A_229, %dma_wait3A_230, %dma_wait3A_231] : memref<2x4x5x8x129xf32, #tpu.memory_space<vmem>> -> memref<1x4x4x8x128xf32, #tpu.memory_space<vmem>>
    %dma_wait3A_233 = tpu.memref_squeeze %dma_wait3A_232 : memref<1x4x4x8x128xf32, #tpu.memory_space<vmem>> -> memref<4x4x8x128xf32, #tpu.memory_space<vmem>>
    tpu.wait_dma2 semaphore(%dma_wait3A_222 : memref<!tpu.dma_semaphore, #tpu.memory_space<semaphore_mem>>) src(%dma_wait3A_233 : memref<4x4x8x128xf32, #tpu.memory_space<vmem>>) dst(%dma_wait3A_227 : memref<4x4x8x128xf32, #tpu.memory_space<hbm>>)
    %parallel_loop3A_234 = arith.constant 0 : i32
    %parallel_loop3A_235 = arith.constant 512 : i32
    %parallel_loop3A_236 = arith.constant 1 : i32
    %parallel_loop3A_237 = arith.constant 1 : i32
    %parallel_loop3A_238 = arith.constant 1 : i32
    scf.for %parallel_loop3A_320 = %parallel_loop3A_234 to %parallel_loop3A_235 step %parallel_loop3A_236  : i32 {
      %parallel_loop3A_321 = arith.constant 128 : i32
      %parallel_loop3A_322 = arith.divsi %parallel_loop3A_320, %parallel_loop3A_321 : i32
      %parallel_loop3A_323 = arith.constant 0 : i32
      %parallel_loop3A_324 = arith.cmpi sgt, %parallel_loop3A_320, %parallel_loop3A_323 : i32
      %parallel_loop3A_325 = arith.extui %parallel_loop3A_324 : i1 to i32
      %parallel_loop3A_326 = arith.constant 0 : i32
      %parallel_loop3A_327 = arith.cmpi slt, %parallel_loop3A_320, %parallel_loop3A_326 : i32
      %parallel_loop3A_328 = arith.extui %parallel_loop3A_327 : i1 to i32
      %parallel_loop3A_329 = arith.subi %parallel_loop3A_325, %parallel_loop3A_328 : i32
      %parallel_loop3A_330 = arith.constant 0 : i32
      %parallel_loop3A_331 = arith.cmpi sgt, %parallel_loop3A_321, %parallel_loop3A_330 : i32
      %parallel_loop3A_332 = arith.extui %parallel_loop3A_331 : i1 to i32
      %parallel_loop3A_333 = arith.constant 0 : i32
      %parallel_loop3A_334 = arith.cmpi slt, %parallel_loop3A_321, %parallel_loop3A_333 : i32
      %parallel_loop3A_335 = arith.extui %parallel_loop3A_334 : i1 to i32
      %parallel_loop3A_336 = arith.subi %parallel_loop3A_332, %parallel_loop3A_335 : i32
      %parallel_loop3A_337 = arith.cmpi ne, %parallel_loop3A_329, %parallel_loop3A_336 : i32
      %parallel_loop3A_338 = arith.remsi %parallel_loop3A_320, %parallel_loop3A_321 : i32
      %parallel_loop3A_339 = arith.constant 0 : i32
      %parallel_loop3A_340 = arith.cmpi ne, %parallel_loop3A_338, %parallel_loop3A_339 : i32
      %parallel_loop3A_341 = arith.andi %parallel_loop3A_337, %parallel_loop3A_340 : i1
      %parallel_loop3A_342 = arith.constant 1 : i32
      %parallel_loop3A_343 = arith.subi %parallel_loop3A_322, %parallel_loop3A_342 : i32
      %parallel_loop3A_344 = arith.select %parallel_loop3A_341, %parallel_loop3A_343, %parallel_loop3A_322 : i32
      %parallel_loop3A_345 = vector.broadcast %parallel_loop3A_344 : i32 to vector<16xi32>
      %parallel_loop3A_346 = arith.constant 128 : i32
      %parallel_loop3A_347 = arith.constant 0 : i32
      %parallel_loop3A_348 = arith.cmpi eq, %parallel_loop3A_346, %parallel_loop3A_347 : i32
      %parallel_loop3A_349 = arith.constant 1 : i32
      %parallel_loop3A_350 = arith.select %parallel_loop3A_348, %parallel_loop3A_349, %parallel_loop3A_346 : i32
      %parallel_loop3A_351 = arith.remsi %parallel_loop3A_320, %parallel_loop3A_350 : i32
      %parallel_loop3A_352 = arith.constant 0 : i32
      %parallel_loop3A_353 = arith.cmpi ne, %parallel_loop3A_351, %parallel_loop3A_352 : i32
      %parallel_loop3A_354 = arith.constant 0 : i32
      %parallel_loop3A_355 = arith.cmpi slt, %parallel_loop3A_351, %parallel_loop3A_354 : i32
      %parallel_loop3A_356 = arith.constant 0 : i32
      %parallel_loop3A_357 = arith.cmpi slt, %parallel_loop3A_350, %parallel_loop3A_356 : i32
      %parallel_loop3A_358 = arith.xori %parallel_loop3A_355, %parallel_loop3A_357 : i1
      %parallel_loop3A_359 = arith.andi %parallel_loop3A_358, %parallel_loop3A_353 : i1
      %parallel_loop3A_360 = arith.addi %parallel_loop3A_351, %parallel_loop3A_350 : i32
      %parallel_loop3A_361 = arith.select %parallel_loop3A_359, %parallel_loop3A_360, %parallel_loop3A_351 : i32
      %parallel_loop3A_362 = vector.broadcast %parallel_loop3A_361 : i32 to vector<16xi32>
      %parallel_loop3A_363 = arith.constant 0 : i32
      %parallel_loop3A_364 = arith.constant 0 : i32
      %parallel_loop3A_365 = tpu.memref_slice %arg6[%parallel_loop3A_237, %parallel_loop3A_363, %parallel_loop3A_364] : memref<2x512x32xf32, #tpu.memory_space<vmem>> -> memref<1x512x32xf32, #tpu.memory_space<vmem>>
      %parallel_loop3A_366 = tpu.memref_squeeze %parallel_loop3A_365 : memref<1x512x32xf32, #tpu.memory_space<vmem>> -> memref<512x32xf32, #tpu.memory_space<vmem>>
      %parallel_loop3A_367 = arith.index_cast %parallel_loop3A_320 : i32 to index
      %parallel_loop3A_368 = arith.constant 0 : index
      %parallel_loop3A_369 = tpu.vector_load %parallel_loop3A_366[%parallel_loop3A_367, %parallel_loop3A_368] {strides = array<i32>} : memref<512x32xf32, #tpu.memory_space<vmem>>, vector<16xf32>,
      %parallel_loop3A_370 = arith.constant 0 : i32
      %parallel_loop3A_371 = arith.constant 0 : i32
      %parallel_loop3A_372 = arith.constant 0 : i32
      %parallel_loop3A_373 = arith.constant 0 : i32
      %parallel_loop3A_374 = tpu.memref_slice %arg7[%parallel_loop3A_238, %parallel_loop3A_370, %parallel_loop3A_371, %parallel_loop3A_372, %parallel_loop3A_373] : memref<2x4x5x8x129xf32, #tpu.memory_space<vmem>> -> memref<1x4x5x8x129xf32, #tpu.memory_space<vmem>>
      %parallel_loop3A_375 = tpu.memref_squeeze %parallel_loop3A_374 : memref<1x4x5x8x129xf32, #tpu.memory_space<vmem>> -> memref<4x5x8x129xf32, #tpu.memory_space<vmem>>
      tpu.vector_store_idx %parallel_loop3A_375[%add3A_50, %parallel_loop3A_345, %select_n3A_19, %parallel_loop3A_362], %parallel_loop3A_369 : memref<4x5x8x129xf32, #tpu.memory_space<vmem>>[vector<16xi32>, vector<16xi32>, vector<16xi32>, vector<16xi32>], vector<16xf32>,
      %parallel_loop3A_376 = arith.constant 0 : i32
      %parallel_loop3A_377 = arith.constant 0 : i32
      %parallel_loop3A_378 = tpu.memref_slice %arg6[%parallel_loop3A_237, %parallel_loop3A_376, %parallel_loop3A_377] : memref<2x512x32xf32, #tpu.memory_space<vmem>> -> memref<1x512x32xf32, #tpu.memory_space<vmem>>
      %parallel_loop3A_379 = tpu.memref_squeeze %parallel_loop3A_378 : memref<1x512x32xf32, #tpu.memory_space<vmem>> -> memref<512x32xf32, #tpu.memory_space<vmem>>
      %parallel_loop3A_380 = arith.index_cast %parallel_loop3A_320 : i32 to index
      %parallel_loop3A_381 = arith.constant 16 : index
      %parallel_loop3A_382 = tpu.vector_load %parallel_loop3A_379[%parallel_loop3A_380, %parallel_loop3A_381] {strides = array<i32>} : memref<512x32xf32, #tpu.memory_space<vmem>>, vector<16xf32>,
      %parallel_loop3A_383 = arith.constant 0 : i32
      %parallel_loop3A_384 = arith.constant 0 : i32
      %parallel_loop3A_385 = arith.constant 0 : i32
      %parallel_loop3A_386 = arith.constant 0 : i32
      %parallel_loop3A_387 = tpu.memref_slice %arg7[%parallel_loop3A_238, %parallel_loop3A_383, %parallel_loop3A_384, %parallel_loop3A_385, %parallel_loop3A_386] : memref<2x4x5x8x129xf32, #tpu.memory_space<vmem>> -> memref<1x4x5x8x129xf32, #tpu.memory_space<vmem>>
      %parallel_loop3A_388 = tpu.memref_squeeze %parallel_loop3A_387 : memref<1x4x5x8x129xf32, #tpu.memory_space<vmem>> -> memref<4x5x8x129xf32, #tpu.memory_space<vmem>>
      tpu.vector_store_idx %parallel_loop3A_388[%add3A_84, %parallel_loop3A_345, %select_n3A_19, %parallel_loop3A_362], %parallel_loop3A_382 : memref<4x5x8x129xf32, #tpu.memory_space<vmem>>[vector<16xi32>, vector<16xi32>, vector<16xi32>, vector<16xi32>], vector<16xf32>,
    } {sc.loop_unroll_factor = 8 : i64, sc.parallel_access}
    %dma_start3A_239 = arith.constant 1 : i32
    %dma_start3A_240 = arith.constant 49 : i32
    %dma_start3A_241 = arith.constant 1 : i32
    %dma_start3A_242 = arith.constant 0 : i32
    %dma_start3A_243 = arith.constant 0 : i32
    %dma_start3A_244 = arith.constant 0 : i32
    %dma_start3A_245 = arith.constant 0 : i32
    %dma_start3A_246 = tpu.memref_slice %arg7[%dma_start3A_239, %dma_start3A_242, %dma_start3A_243, %dma_start3A_244, %dma_start3A_245] : memref<2x4x5x8x129xf32, #tpu.memory_space<vmem>> -> memref<1x4x4x8x128xf32, #tpu.memory_space<vmem>>
    %dma_start3A_247 = tpu.memref_squeeze %dma_start3A_246 : memref<1x4x4x8x128xf32, #tpu.memory_space<vmem>> -> memref<4x4x8x128xf32, #tpu.memory_space<vmem>>
    %dma_start3A_248 = arith.constant 0 : i32
    %dma_start3A_249 = arith.constant 0 : i32
    %dma_start3A_250 = arith.constant 0 : i32
    %dma_start3A_251 = tpu.memref_slice %arg4[%dma_start3A_240, %dma_start3A_248, %mul3A_4, %dma_start3A_249, %dma_start3A_250] : memref<50x4x128x8x128xf32, #tpu.memory_space<hbm>> -> memref<1x4x4x8x128xf32, #tpu.memory_space<hbm>>
    %dma_start3A_252 = tpu.memref_squeeze %dma_start3A_251 : memref<1x4x4x8x128xf32, #tpu.memory_space<hbm>> -> memref<4x4x8x128xf32, #tpu.memory_space<hbm>>
    %dma_start3A_253 = tpu.memref_slice %arg9[%dma_start3A_241] : memref<2x!tpu.dma_semaphore, #tpu.memory_space<semaphore_mem>> -> memref<1x!tpu.dma_semaphore, #tpu.memory_space<semaphore_mem>>
    %dma_start3A_254 = tpu.memref_squeeze %dma_start3A_253 : memref<1x!tpu.dma_semaphore, #tpu.memory_space<semaphore_mem>> -> memref<!tpu.dma_semaphore, #tpu.memory_space<semaphore_mem>>
    %dma_start3A_255 = arith.constant 0 : i32
    %dma_start3A_256 = arith.constant 0 : i32
    %dma_start3A_257 = arith.constant 0 : i32
    %dma_start3A_258 = tpu.memref_slice %arg4[%dma_start3A_240, %dma_start3A_255, %mul3A_4, %dma_start3A_256, %dma_start3A_257] : memref<50x4x128x8x128xf32, #tpu.memory_space<hbm>> -> memref<1x4x4x8x128xf32, #tpu.memory_space<hbm>>
    %dma_start3A_259 = tpu.memref_squeeze %dma_start3A_258 : memref<1x4x4x8x128xf32, #tpu.memory_space<hbm>> -> memref<4x4x8x128xf32, #tpu.memory_space<hbm>>
    %dma_start3A_260 = arith.constant 0 : i32
    %dma_start3A_261 = arith.constant 0 : i32
    %dma_start3A_262 = arith.constant 0 : i32
    %dma_start3A_263 = arith.constant 0 : i32
    %dma_start3A_264 = tpu.memref_slice %arg7[%dma_start3A_239, %dma_start3A_260, %dma_start3A_261, %dma_start3A_262, %dma_start3A_263] : memref<2x4x5x8x129xf32, #tpu.memory_space<vmem>> -> memref<1x4x4x8x128xf32, #tpu.memory_space<vmem>>
    %dma_start3A_265 = tpu.memref_squeeze %dma_start3A_264 : memref<1x4x4x8x128xf32, #tpu.memory_space<vmem>> -> memref<4x4x8x128xf32, #tpu.memory_space<vmem>>
    tpu.enqueue_dma source(%dma_start3A_265 : memref<4x4x8x128xf32, #tpu.memory_space<vmem>>) target(%dma_start3A_259 : memref<4x4x8x128xf32, #tpu.memory_space<hbm>>) target_semaphore(%dma_start3A_254 : memref<!tpu.dma_semaphore, #tpu.memory_space<semaphore_mem>>)
    %dma_wait3A_266 = arith.constant 0 : i32
    %dma_wait3A_267 = arith.constant 0 : i32
    %dma_wait3A_268 = arith.constant 0 : i32
    %dma_wait3A_269 = arith.constant 0 : i32
    %dma_wait3A_270 = arith.constant 0 : i32
    %dma_wait3A_271 = arith.constant 0 : i32
    %dma_wait3A_272 = arith.constant 0 : i32
    %dma_wait3A_273 = tpu.memref_slice %arg7[%dma_wait3A_266, %dma_wait3A_269, %dma_wait3A_270, %dma_wait3A_271, %dma_wait3A_272] : memref<2x4x5x8x129xf32, #tpu.memory_space<vmem>> -> memref<1x4x4x8x128xf32, #tpu.memory_space<vmem>>
    %dma_wait3A_274 = tpu.memref_squeeze %dma_wait3A_273 : memref<1x4x4x8x128xf32, #tpu.memory_space<vmem>> -> memref<4x4x8x128xf32, #tpu.memory_space<vmem>>
    %dma_wait3A_275 = arith.constant 0 : i32
    %dma_wait3A_276 = arith.constant 0 : i32
    %dma_wait3A_277 = arith.constant 0 : i32
    %dma_wait3A_278 = tpu.memref_slice %arg4[%dma_wait3A_267, %dma_wait3A_275, %mul3A_4, %dma_wait3A_276, %dma_wait3A_277] : memref<50x4x128x8x128xf32, #tpu.memory_space<hbm>> -> memref<1x4x4x8x128xf32, #tpu.memory_space<hbm>>
    %dma_wait3A_279 = tpu.memref_squeeze %dma_wait3A_278 : memref<1x4x4x8x128xf32, #tpu.memory_space<hbm>> -> memref<4x4x8x128xf32, #tpu.memory_space<hbm>>
    %dma_wait3A_280 = tpu.memref_slice %arg9[%dma_wait3A_268] : memref<2x!tpu.dma_semaphore, #tpu.memory_space<semaphore_mem>> -> memref<1x!tpu.dma_semaphore, #tpu.memory_space<semaphore_mem>>
    %dma_wait3A_281 = tpu.memref_squeeze %dma_wait3A_280 : memref<1x!tpu.dma_semaphore, #tpu.memory_space<semaphore_mem>> -> memref<!tpu.dma_semaphore, #tpu.memory_space<semaphore_mem>>
    %dma_wait3A_282 = arith.constant 0 : i32
    %dma_wait3A_283 = arith.constant 0 : i32
    %dma_wait3A_284 = arith.constant 0 : i32
    %dma_wait3A_285 = tpu.memref_slice %arg4[%dma_wait3A_267, %dma_wait3A_282, %mul3A_4, %dma_wait3A_283, %dma_wait3A_284] : memref<50x4x128x8x128xf32, #tpu.memory_space<hbm>> -> memref<1x4x4x8x128xf32, #tpu.memory_space<hbm>>
    %dma_wait3A_286 = tpu.memref_squeeze %dma_wait3A_285 : memref<1x4x4x8x128xf32, #tpu.memory_space<hbm>> -> memref<4x4x8x128xf32, #tpu.memory_space<hbm>>
    %dma_wait3A_287 = arith.constant 0 : i32
    %dma_wait3A_288 = arith.constant 0 : i32
    %dma_wait3A_289 = arith.constant 0 : i32
    %dma_wait3A_290 = arith.constant 0 : i32
    %dma_wait3A_291 = tpu.memref_slice %arg7[%dma_wait3A_266, %dma_wait3A_287, %dma_wait3A_288, %dma_wait3A_289, %dma_wait3A_290] : memref<2x4x5x8x129xf32, #tpu.memory_space<vmem>> -> memref<1x4x4x8x128xf32, #tpu.memory_space<vmem>>
    %dma_wait3A_292 = tpu.memref_squeeze %dma_wait3A_291 : memref<1x4x4x8x128xf32, #tpu.memory_space<vmem>> -> memref<4x4x8x128xf32, #tpu.memory_space<vmem>>
    tpu.wait_dma2 semaphore(%dma_wait3A_281 : memref<!tpu.dma_semaphore, #tpu.memory_space<semaphore_mem>>) src(%dma_wait3A_292 : memref<4x4x8x128xf32, #tpu.memory_space<vmem>>) dst(%dma_wait3A_286 : memref<4x4x8x128xf32, #tpu.memory_space<hbm>>)
    %dma_wait3A_293 = arith.constant 1 : i32
    %dma_wait3A_294 = arith.constant 0 : i32
    %dma_wait3A_295 = arith.constant 1 : i32
    %dma_wait3A_296 = arith.constant 0 : i32
    %dma_wait3A_297 = arith.constant 0 : i32
    %dma_wait3A_298 = arith.constant 0 : i32
    %dma_wait3A_299 = arith.constant 0 : i32
    %dma_wait3A_300 = tpu.memref_slice %arg7[%dma_wait3A_293, %dma_wait3A_296, %dma_wait3A_297, %dma_wait3A_298, %dma_wait3A_299] : memref<2x4x5x8x129xf32, #tpu.memory_space<vmem>> -> memref<1x4x4x8x128xf32, #tpu.memory_space<vmem>>
    %dma_wait3A_301 = tpu.memref_squeeze %dma_wait3A_300 : memref<1x4x4x8x128xf32, #tpu.memory_space<vmem>> -> memref<4x4x8x128xf32, #tpu.memory_space<vmem>>
    %dma_wait3A_302 = arith.constant 0 : i32
    %dma_wait3A_303 = arith.constant 0 : i32
    %dma_wait3A_304 = arith.constant 0 : i32
    %dma_wait3A_305 = tpu.memref_slice %arg4[%dma_wait3A_294, %dma_wait3A_302, %mul3A_4, %dma_wait3A_303, %dma_wait3A_304] : memref<50x4x128x8x128xf32, #tpu.memory_space<hbm>> -> memref<1x4x4x8x128xf32, #tpu.memory_space<hbm>>
    %dma_wait3A_306 = tpu.memref_squeeze %dma_wait3A_305 : memref<1x4x4x8x128xf32, #tpu.memory_space<hbm>> -> memref<4x4x8x128xf32, #tpu.memory_space<hbm>>
    %dma_wait3A_307 = tpu.memref_slice %arg9[%dma_wait3A_295] : memref<2x!tpu.dma_semaphore, #tpu.memory_space<semaphore_mem>> -> memref<1x!tpu.dma_semaphore, #tpu.memory_space<semaphore_mem>>
    %dma_wait3A_308 = tpu.memref_squeeze %dma_wait3A_307 : memref<1x!tpu.dma_semaphore, #tpu.memory_space<semaphore_mem>> -> memref<!tpu.dma_semaphore, #tpu.memory_space<semaphore_mem>>
    %dma_wait3A_309 = arith.constant 0 : i32
    %dma_wait3A_310 = arith.constant 0 : i32
    %dma_wait3A_311 = arith.constant 0 : i32
    %dma_wait3A_312 = tpu.memref_slice %arg4[%dma_wait3A_294, %dma_wait3A_309, %mul3A_4, %dma_wait3A_310, %dma_wait3A_311] : memref<50x4x128x8x128xf32, #tpu.memory_space<hbm>> -> memref<1x4x4x8x128xf32, #tpu.memory_space<hbm>>
    %dma_wait3A_313 = tpu.memref_squeeze %dma_wait3A_312 : memref<1x4x4x8x128xf32, #tpu.memory_space<hbm>> -> memref<4x4x8x128xf32, #tpu.memory_space<hbm>>
    %dma_wait3A_314 = arith.constant 0 : i32
    %dma_wait3A_315 = arith.constant 0 : i32
    %dma_wait3A_316 = arith.constant 0 : i32
    %dma_wait3A_317 = arith.constant 0 : i32
    %dma_wait3A_318 = tpu.memref_slice %arg7[%dma_wait3A_293, %dma_wait3A_314, %dma_wait3A_315, %dma_wait3A_316, %dma_wait3A_317] : memref<2x4x5x8x129xf32, #tpu.memory_space<vmem>> -> memref<1x4x4x8x128xf32, #tpu.memory_space<vmem>>
    %dma_wait3A_319 = tpu.memref_squeeze %dma_wait3A_318 : memref<1x4x4x8x128xf32, #tpu.memory_space<vmem>> -> memref<4x4x8x128xf32, #tpu.memory_space<vmem>>
    tpu.wait_dma2 semaphore(%dma_wait3A_308 : memref<!tpu.dma_semaphore, #tpu.memory_space<semaphore_mem>>) src(%dma_wait3A_319 : memref<4x4x8x128xf32, #tpu.memory_space<vmem>>) dst(%dma_wait3A_313 : memref<4x4x8x128xf32, #tpu.memory_space<hbm>>)
    return
  }
}

</mosaic_0001>

<sc_bundles>
// kernel: kernel.4.cloned.1.call-start
scs
__scs_entry_jumppad:
0x0: {  	(pc) =	sbr.rel $0x88, $3  }
0x1: {  	(tag) =	ssettag $0x0;
	lr =	simm.s32 $0x1  }
0x2: {  	[smem:$0x3F9F] =	sst lr;
	_ =	strace $0xD0000000  }
0x3: {  	_ = 	snop  }
0x4: {  	_ = 	snop  }
0x5: {  	_ = 	snop  }
0x6: {  	_ = 	snop  }
0x7: {  	_ = 	snop  }
__scs_overlays_trampoline_lowered:
0x8: {  	[smem:$0x3FAE] =	sst s0  }
0x9: {  	[smem:$0x3FAF] =	sst s1  }
0xa: {  	[smem:$0x3FB0] =	sst s2  }
0xb: {  	[smem:$0x3FB1] =	sst s3  }
0xc: {  	[smem:$0x3FB2] =	sst s4  }
0xd: {  	[smem:$0x3FB3] =	sst s5  }
0xe: {  	[smem:$0x3FB4] =	sst s6  }
0xf: {  	[smem:$0x3FB5] =	sst s7  }
0x10: {  	[smem:$0x3FB6] =	sst s8  }
0x11: {  	[smem:$0x3FB7] =	sst s9;
	s0 =	simm.s32 @!p0 $0x0  }
0x12: {  	s1 =	sld [smem:$0x3F9D];
	s0 =	simm.s32 @p0 $0x1  }
0x13: {  	[smem:$0x3FB8] =	sst s0;
	s0 =	simm.s32 @!p1 $0x0  }
0x14: {  	s2 =	sld [smem:$0x3F9C];
	s0 =	simm.s32 @p1 $0x1  }
0x15: {  	[smem:$0x3FB9] =	sst s0;
	s0 =	simm.s32 @!p2 $0x0  }
0x16: {  	s3 =	sld [smem:$0x3FDB];
	s0 =	simm.s32 @p2 $0x1  }
0x17: {  	s4 =	simm.s32 $0x1BF5;
	[smem:$0x3FBB] =	sst s0  }
0x18: {  	s0 =	sld [smem:$0x3F9E];
	_ =	swait.ge [sflag:s4], $0x0  }
0x19: {  	s7 =	sld [smem:$0x3F9F]  }
0x1a: {  	s8 =	sadd.s32 $0xFFFFE003, lr  }
0x1b: {  	s9 =	sadd.s32 $0xFFFFFEF7, lr;
	s5 =	simm.s32 $0xFFFFFFFF;
	p2 =	slt.u32 s8, $0xFFFFF086  }
0x1c: {  	p1 =	slt.u32 s9, $0xF7A;
	s5 =	simm.s32 @!p2 $0x0  }
0x1d: {  	s5 =	simm.s32 @p1 $0x1;
	p0 =	seq.s32 s7, s2  }
0x1e: {  	s7 =	smul.u32 @!p0 $0xF7A, s2;
	p2 =	seq.s32 @!p0 s5, $0x0  }
0x1f: {  	s9 =	smul.u32 $0xF7A, s1;
	s8 =	simm.s32 @!p0 $0x1BF5;
	p2 =	por !p2, p0  }
0x20: {  	[sflag:s8] =	ssyncset.s32 @!p0 $0xFFFFF086;
	s6 =	sadd.s32 @!p0 s3, s7;
	s7 =	simm.s32 @!p0 $0x108  }
0x21: {  	s3 =	sadd.s32 s3, s9;
	s6 =	sadd.s32 @!p0 $0x88, s6;
	s7 =	simm.s32 @p2 $0x1082  }
0x22: {  	[simem:s7], [sflag:s8] =	dma.local @!p0 [hbm:s6], $0xF7A  }
0x23: {  	s9 =	sor.u32 $0xD0000000, s2;
	s6 =	simm.s32 $0x108;
	_ =	swait.ge @!p0 [sflag:s8], $0x0  }
0x24: {  	s3 =	sadd.s32 $0x88, s3;
	s6 =	simm.s32 @!p1 $0x1082;
	[sflag:s4] =	ssyncset.s32 $0xFFFFF086  }
0x25: {  	[simem:s6], [sflag:s4] =	dma.local [hbm:s3], $0xF7A  }
0x26: {  	[smem:$0x3F9F] =	sst s1;
	(tag) =	ssettag s2;
	_ =	strace s9  }
0x27: {  	s1 =	sld [smem:$0x3FAF]  }
0x28: {  	s2 =	sld [smem:$0x3FB0]  }
0x29: {  	s4 =	sld [smem:$0x3FB2]  }
0x2a: {  	p0 =	seq.s32 s5, $0x0;
	s5 =	sld [smem:$0x3FB3]  }
0x2b: {  	s6 =	sld [smem:$0x3FB4]  }
0x2c: {  	s7 =	sld [smem:$0x3FB5]  }
0x2d: {  	s3 =	simm.s32 $0x108;
	s8 =	sld [smem:$0x3FB6]  }
0x2e: {  	s3 =	simm.s32 @!p0 $0x1082;
	s9 =	sld [smem:$0x3FB7]  }
0x2f: {  	lr =	sadd.s32 s0, s3;
	s0 =	sld [smem:$0x3FAE]  }
0x30: {  	s3 =	sld [smem:$0x3FB1]  }
0x31: {  	[smem:$0x3FBA] =	sst s10  }
0x32: {  	s10 =	sld [smem:$0x3FB8];
	_ =	sdelay $0x3  }
0x33: {  	p0 =	seq.s32 s10, $0x1;
	s10 =	sld [smem:$0x3FBA];
	_ =	sdelay $0x3  }
0x34: {  	[smem:$0x3FBA] =	sst s10  }
0x35: {  	s10 =	sld [smem:$0x3FB9];
	_ =	sdelay $0x3  }
0x36: {  	p1 =	seq.s32 s10, $0x1;
	s10 =	sld [smem:$0x3FBA];
	_ =	sdelay $0x3  }
0x37: {  	[smem:$0x3FBA] =	sst s10  }
0x38: {  	s10 =	sld [smem:$0x3FBB]  }
0x39: {  	_ = 	snop;
	(pc) =	sbr.ind lr, $3  }
0x3a: {  	_ = 	snop  }
0x3b: {  	_ = 	snop  }
0x3c: {  	p2 =	seq.s32 s10, $0x1;
	s10 =	sld [smem:$0x3FBA]  }
0x3d: {  	_ =	shalt  }
0x3e: {  	_ =	shalt  }
0x3f: {  	_ =	shalt  }
0x40: {  	_ =	shalt  }
0x41: {  	_ =	shalt  }
0x42: {  	_ =	shalt  }
0x43: {  	_ =	shalt  }
0x44: {  	_ =	shalt  }
0x45: {  	_ =	shalt  }
0x46: {  	_ =	shalt  }
0x47: {  	_ =	shalt  }
0x48: {  	_ =	shalt  }
0x49: {  	_ =	shalt  }
0x4a: {  	_ =	shalt  }
0x4b: {  	_ =	shalt  }
0x4c: {  	_ =	shalt  }
0x4d: {  	_ =	shalt  }
0x4e: {  	_ =	shalt  }
0x4f: {  	_ =	shalt  }
0x50: {  	_ =	shalt  }
0x51: {  	_ =	shalt  }
0x52: {  	_ =	shalt  }
0x53: {  	_ =	shalt  }
0x54: {  	_ =	shalt  }
0x55: {  	_ =	shalt  }
0x56: {  	_ =	shalt  }
0x57: {  	_ =	shalt  }
0x58: {  	_ =	shalt  }
0x59: {  	_ =	shalt  }
0x5a: {  	_ =	shalt  }
0x5b: {  	_ =	shalt  }
0x5c: {  	_ =	shalt  }
0x5d: {  	_ =	shalt  }
0x5e: {  	_ =	shalt  }
0x5f: {  	_ =	shalt  }
0x60: {  	_ =	shalt  }
0x61: {  	_ =	shalt  }
0x62: {  	_ =	shalt  }
0x63: {  	_ =	shalt  }
0x64: {  	_ =	shalt  }
0x65: {  	_ =	shalt  }
0x66: {  	_ =	shalt  }
0x67: {  	_ =	shalt  }
0x68: {  	_ =	shalt  }
0x69: {  	_ =	shalt  }
0x6a: {  	_ =	shalt  }
0x6b: {  	_ =	shalt  }
0x6c: {  	_ =	shalt  }
0x6d: {  	_ =	shalt  }
0x6e: {  	_ =	shalt  }
0x6f: {  	_ =	shalt  }
0x70: {  	_ =	shalt  }
0x71: {  	_ =	shalt  }
0x72: {  	_ =	shalt  }
0x73: {  	_ =	shalt  }
0x74: {  	_ =	shalt  }
0x75: {  	_ =	shalt  }
0x76: {  	_ =	shalt  }
0x77: {  	_ =	shalt  }
0x78: {  	_ =	shalt  }
0x79: {  	_ =	shalt  }
0x7a: {  	_ =	shalt  }
0x7b: {  	_ =	shalt  }
0x7c: {  	_ =	shalt  }
0x7d: {  	_ =	shalt  }
0x7e: {  	_ =	shalt  }
0x7f: {  	_ =	shalt  }
0x80: {  	_ =	shalt  }
0x81: {  	_ =	shalt  }
0x82: {  	_ =	shalt  }
0x83: {  	_ =	shalt  }
0x84: {  	_ =	shalt  }
0x85: {  	_ =	shalt  }
0x86: {  	_ =	shalt  }
0x87: {  	_ =	shalt  }
.Lfunc_end0:
.L_simem_size_0:
called_computation_lowered:
.L_overlay_start_0:
0x88: {  	s2 =	sld [smem:$0x3FD9]  }
0x89: {  	s3 =	sld [smem:$0x3FFE];
	_ =	sdelay $0x1  }
0x8a: {  	s1 =	srdreg.scid  }
0x8b: {  	s0 =	sand.u32 $0x1, s1  }
0x8c: {  	s16 =	sshll.u32 s0, $0xA;
	s2 =	sadd.s32 s3, s2  }
0x8d: {  	s2 =	sadd.s32 s2, s16  }
0x8e: {  	[smem:$0x3FC6] =	sst s2  }
0x8f: {  	_ = 	snop  }
0x90: {  	(tm) =	ssettm $0x1  }
0x91: {  	s17 =	sld [smem:$0x3FFB];
	_ =	sdelay $0x3  }
0x92: {  	_ =	strace s17  }
0x93: {  	s2 =	sld [smem:$0x3FFC];
	_ =	sdelay $0x3  }
0x94: {  	_ =	strace s2  }
0x95: {  	s2 =	sld [smem:$0x3FFD];
	_ =	sdelay $0x3  }
0x96: {  	_ =	strace s2  }
0x97: {  	_ =	strace $0x8FFFFFFF  }
0x98: {  	s18 =	sld [smem:$0x3FDB];
	_ =	sdelay $0x1  }
0x99: {  	s19 =	simm.s32 $_scs_section_size  }
0x9a: {  	s4 =	simm.s32 $_size__tile_overlayer_lowered;
	s5 =	simm.s32 $_tile_overlayer_lowered  }
0x9b: {  	s22 =	simm.s32 $0x1BFF;
	s21 =	sshll.u32 s5, $0x1;
	s2 =	sadd.s32 s19, s18  }
0x9c: {  	s6 =	simm.s32 $0x0;
	s20 =	sshll.u32 s4, $0x1;
	s4 =	sadd.s32 s21, s2  }
0x9d: {  	[timem:s6], [sflag:s22] =	dma.local [hbm:s4], s20  }
0x9e: {  	_ =	swait.ge [sflag:s22], s20  }
0x9f: {  	s3 =	ssub.s32 $0x0, s20;
	[sflag:s22] =	ssyncset.done $0x0  }
0xa0: {  	[sflag:s22] =	ssyncadd.s32 s3;
	_ =	sdelay $0x1  }
0xa1: {  	s23 =	simm.s32 $0x1B8B  }
0xa2: {  	_ =	swait.ge [sflag:s23], $0x1  }
0xa3: {  	[sflag:s23] =	ssyncset.done $0x0  }
0xa4: {  	s25 =	simm.s32 $0x1B8E;
	s24 =	sld [smem:$0x3FFE];
	[sflag:s23] =	ssyncadd.s32 $0xFFFFFFFF  }
0xa5: {  	s26 =	simm.s32 $execute0_lowered;
	[smem:$0x3FD2] =	sst s25  }
0xa6: {  	s4 =	sshll.u32 s26, $0x1;
	_ =	strace $0x80000046;
	[dreg:$0x1] =	wrdreg $0xFFFFFFFF  }
0xa7: {  	s28 =	simm.s32 $_size_execute0_lowered;
	s2 =	sadd.s32 s2, s4;
	[dreg:$0x0] =	wrdreg $0x0  }
0xa8: {  	s4 =	sshll.u32 s28, $0x1;
	[dreg:$0x2] =	wrdreg s2  }
0xa9: {  	[dreg:$0x3] =	wrdreg s4  }
0xaa: {  	[dreg:$0x4] =	wrdreg $0xC0  }
0xab: {  	_ =	task [dreg:s6], $0x5FFFF  }
0xac: {  	[dreg:$0x1] =	wrdreg $0xFFFFFFFF  }
0xad: {  	[dreg:$0x0] =	wrdreg $0x60  }
0xae: {  	[dreg:$0x2] =	wrdreg s24  }
0xaf: {  	[dreg:$0x3] =	wrdreg $0x9  }
0xb0: {  	_ =	task.clear_ibuf [dreg:s6], $0x4FFFF;
	_ =	strace $0x90000046  }
0xb1: {  	s29 =	simm.s32 $0x9;
	_ =	strace $0x80000048  }
0xb2: {  	_ =	swait.ge [sflag:s29], $0x1  }
0xb3: {  	[sflag:s29] =	ssyncadd.s32 $0xFFFFFFFF  }
0xb4: {  	_ =	strace $0x90000048  }
0xb5: {  	_ =	sfence  }
0xb6: {  	s30 =	sld [smem:$0x0];
	_ =	sdelay $0x2  }
0xb7: {  	s31 =	sshll.u32 s1, $0xD;
	s1 =	sshrl.u32 s1, $0x2  }
0xb8: {  	s3 =	sand.u32 $0x4000, s31;
	s1 =	sadd.s32 s1, s30  }
0xb9: {  	s0 =	sor.u32 s3, s0;
	s1 =	sshll.u32 s1, $0x11  }
0xba: {  	s0 =	sor.u32 s1, s0  }
0xbb: {  	s0 =	sadd.s32 $0x8F2B, s0  }
0xbc: {  	[sflag:s0] =	ssyncadd.remote.s32 $0x1  }
0xbd: {  	_ =	sfence.sel $0xFFFF  }
0xbe: {  	[dreg:$0x0] =	wrdreg $0xFFFFFFFF;
	(pc) =	sbr.abs _section_cstart, $3  }
0xbf: {  	[dreg:$0x1] =	wrdreg $0xFFFFFFFF  }
0xc0: {  	_ =	task.clear_ibuf [dreg:s6], $0x2FFFF;
	_ =	strace $0x9FFFFFFF  }
0xc1: {  	(tm) =	ssettm $0x7FFFFFFF  }
tec
execute0_lowered:
.L_overlay_start_1:
0x0: {  	(tag) =	ssettag $0x1  }
0x1: {  	s0 =	rddreg [dreg:$0x0]  }
0x2: {  	s1 =	srdreg.scid;
	s3 =	stileid.u32;
	s2 =	simm.s32 $0x0  }
0x3: {  	s21 =	simm.s32 $0x1;
	s1 =	sand.u32 $0x1, s1;
	s3 =	sshll.u32 s3, $0x1  }
0x4: {  	v0 =	vimm.s32 $0x18F8;
	vm0 =	vcmask $0x300;
	s28 =	simm.s32 $0xAA00;
	s5 =	ssub.s32 $0x2, s1;
	s1 =	sor.u32 s1, s3  }
0x5: {  	vm1 =	vcmask $0x704;
	v1 =	vimm.s32 $0x4378;
	[smem:$0x7FF] =	sst s2;
	s4 =	sadd.s32 $0x3D1400, s0;
	s13 =	smul.u32 $0xFC, s1  }
0x6: {  	vm2 =	vcmask $0xB08;
	v0 =	vsel vm0, $0x0, v0;
	v1 =	vsel vm0, $0x2A80, v1;
	_ =	strace $0x80000047;
	s3 =	sadd.s32 $0xA00, s0;
	s6 =	sshrl.u32 s5, $0x1  }
0x7: {  	vm3 =	vcmask $0xF0C;
	v0 =	vsel vm1, $0x88, v0;
	v1 =	vsel vm1, $0x2B08, v1;
	s23 =	ssub.s32 s5, s6;
	s5 =	smul.u32 $0x3F, s1;
	s24 =	smin.u32 s13, $0x1E81  }
0x8: {  	vm15 =	vcmask $0x1310;
	v0 =	vsel vm2, $0x110, v0;
	v1 =	vsel vm2, $0x2B90, v1;
	s25 =	smin.u32 s13, $0x1E7D;
	s7 =	smin.u32 s13, $0x1E79;
	s29 =	smin.u32 s13, $0x1D91  }
0x9: {  	vm6 =	vcmask $0x1714;
	v0 =	vsel vm3, $0x198, v0;
	v1 =	vsel vm3, $0x2C18, v1;
	s14 =	smin.u32 s13, $0x1D8D;
	s13 =	smin.u32 s13, $0x1D89;
	s0 =	smax.u32 s23, $0x1  }
0xa: {  	vm7 =	vcmask $0x1B18;
	v0 =	vsel vm15, $0x220, v0;
	v1 =	vsel vm15, $0x2CA0, v1;
	s23 =	simm.s32 $0x2;
	s8 =	sshll.u32 s24, $0x7;
	s6 =	sshll.u32 s25, $0x7  }
0xb: {  	vm8 =	vcmask $0x1F1C;
	s7 =	sshll.u32 s7, $0x7;
	s10 =	sadd.s32 $0x1, s5;
	s11 =	sadd.s32 $0x4, s5;
	v0 =	vsel vm6, $0x2A8, v0;
	v1 =	vsel vm6, $0x2D28, v1  }
0xc: {  	vm9 =	vcmask $0x2320;
	s12 =	sadd.s32 $0x2, s5;
	s1 =	sshll.u32 s29, $0x9;
	s14 =	sshll.u32 s14, $0x9;
	v0 =	vsel vm7, $0x330, v0;
	v1 =	vsel vm7, $0x2DB0, v1  }
0xd: {  	vm10 =	vcmask $0x2724;
	s13 =	sshll.u32 s13, $0x9;
	s15 =	sadd.s32 $0x5, s5;
	[dreg:$0x5] =	wrdreg s0;
	v0 =	vsel vm8, $0x3B8, v0;
	v1 =	vsel vm8, $0x2E38, v1  }
0xe: {  	vm11 =	vcmask $0x2B28;
	s24 =	simm.s32 $0x5500;
	s26 =	sadd.s32 s6, s3;
	s9 =	sadd.s32 s7, s3;
	v0 =	vsel vm9, $0x1540, v0;
	v1 =	vsel vm9, $0x3FC0, v1  }
0xf: {  	vm12 =	vcmask $0x2F2C;
	s6 =	sadd.s32 s3, s8;
	s1 =	sadd.s32 s1, s4;
	s14 =	sadd.s32 s14, s4;
	v0 =	vsel vm10, $0x15C8, v0;
	v1 =	vsel vm10, $0x4048, v1  }
0x10: {  	vm13 =	vcmask $0x3330;
	s31 =	sadd.s32 s13, s4;
	s13 =	simm.s32 $0x0;
	s7 =	sadd.s32 $0x200, s26;
	v0 =	vsel vm11, $0x1650, v0;
	v1 =	vsel vm11, $0x40D0, v1  }
0x11: {  	vm14 =	vcmask $0x3734;
	s8 =	sadd.s32 $0x400, s9;
	s9 =	sadd.s32 $0x3, s5;
	s1 =	sadd.s32 $0x1E000, s1;
	v0 =	vsel vm12, $0x16D8, v0;
	v1 =	vsel vm12, $0x4158, v1  }
0x12: {  	v2 =	vimm.s32 $0x0;
	s30 =	sadd.s32 $0x1E800, s14;
	s17 =	sadd.s32 $0x1E8500, s6;
	[dreg:$0x2] =	wrdreg s1;
	v0 =	vsel vm13, $0x1760, v0;
	v1 =	vsel vm13, $0x41E0, v1  }
0x13: {  	vm15 =	vcmask $0x3B38;
	s19 =	sadd.s32 $0xF4280, s6;
	[dreg:$0x3] =	wrdreg s30;
	s1 =	sadd.s32 $0x1F000, s31;
	v0 =	vsel vm14, $0x17E8, v0;
	v3 =	vsel vm14, $0x4268, v1  }
0x14: {  	s20 =	sadd.s32 $0x2DC780, s6;
	s26 =	simm.s32 $0x3;
	[dreg:$0x4] =	wrdreg s1;
	v1 =	vsel vm0, $0x3, v2;
	v0 =	vsel vm15, $0x1870, v0;
	v2 =	vsel vm15, $0x42F0, v3  }
.LBB2_1:
0x15: {  	[dreg:$0x6] =	wrdreg s13;
	s13 =	simm.s32 $0x10  }
0x16: {  	s14 =	sadd.s32 $0x0, s6;
	s0 =	simm.s32 $0x88;
	s1 =	simm.s32 $0x0  }
.LBB2_2:
0x17: {  	[tilespmem:s1], [sflag:$0x1] =	stream.linear.gather [hbm4b:s14+s2], $0x80, $0x38;
	[tilespmem:$0x1BF00] =	vst v63  }
0x18: {  	s14 =	smov.u32 s13;
	s1 =	smov.u32 s0;
	p0 =	sne.s32 s13, $0x1F0  }
.Ltmp0:
0x19: {  	s13 =	sadd.s32 $0x10, s13;
	(pc) =	sbr.rel @p0 .LBB2_2-.Ltmp0, $2  }
0x1a: {  	_ =	sdelay $0x2  }
0x1b: {  	s0 =	sadd.s32 $0x88, s0;
	s14 =	sadd.s32 s14, s6  }
0x1c: {  	[tilespmem:s1], [sflag:$0x1] =	stream.linear.gather [hbm4b:s14+s2], $0x80, $0x38;
	[tilespmem:$0x1BF00] =	vst v63  }
0x1d: {  	s13 =	simm.s32 $0x1540  }
0x1e: {  	s14 =	simm.s32 $0x10;
	s1 =	sadd.s32 $0x0, s19;
	s0 =	simm.s32 $0x15C8  }
.LBB2_4:
0x1f: {  	[tilespmem:s13], [sflag:$0x1] =	stream.linear.gather [hbm4b:s1+s2], $0x80, $0x38;
	[tilespmem:$0x1BF00] =	vst v63  }
0x20: {  	s1 =	smov.u32 s14;
	s13 =	smov.u32 s0;
	p0 =	sne.s32 s14, $0x1F0  }
.Ltmp1:
0x21: {  	s14 =	sadd.s32 $0x10, s14;
	(pc) =	sbr.rel @p0 .LBB2_4-.Ltmp1, $2  }
0x22: {  	_ =	sdelay $0x2  }
0x23: {  	s0 =	sadd.s32 $0x88, s0;
	s1 =	sadd.s32 s1, s19  }
0x24: {  	[tilespmem:s13], [sflag:$0x1] =	stream.linear.gather [hbm4b:s1+s2], $0x80, $0x38;
	[tilespmem:$0x1BF00] =	vst v63  }
0x25: {  	s13 =	simm.s32 $0x2A80  }
0x26: {  	s14 =	simm.s32 $0x10;
	s1 =	sadd.s32 $0x0, s17;
	s0 =	simm.s32 $0x2B08  }
.LBB2_6:
0x27: {  	[tilespmem:s13], [sflag:$0x1] =	stream.linear.gather [hbm4b:s1+s2], $0x80, $0x38;
	[tilespmem:$0x1BF00] =	vst v63  }
0x28: {  	s1 =	smov.u32 s14;
	s13 =	smov.u32 s0;
	p0 =	sne.s32 s14, $0x1F0  }
.Ltmp2:
0x29: {  	s14 =	sadd.s32 $0x10, s14;
	(pc) =	sbr.rel @p0 .LBB2_6-.Ltmp2, $2  }
0x2a: {  	_ =	sdelay $0x2  }
0x2b: {  	s0 =	sadd.s32 $0x88, s0;
	s1 =	sadd.s32 s1, s17  }
0x2c: {  	[tilespmem:s13], [sflag:$0x1] =	stream.linear.gather [hbm4b:s1+s2], $0x80, $0x38;
	[tilespmem:$0x1BF00] =	vst v63  }
0x2d: {  	s13 =	simm.s32 $0x3FC0  }
0x2e: {  	s14 =	simm.s32 $0x10;
	s1 =	sadd.s32 $0x0, s20;
	s0 =	simm.s32 $0x4048  }
.LBB2_8:
0x2f: {  	[tilespmem:s13], [sflag:$0x1] =	stream.linear.gather [hbm4b:s1+s2], $0x80, $0x38;
	[tilespmem:$0x1BF00] =	vst v63  }
0x30: {  	s1 =	smov.u32 s14;
	s13 =	smov.u32 s0;
	p0 =	sne.s32 s14, $0x1F0  }
.Ltmp3:
0x31: {  	s14 =	sadd.s32 $0x10, s14;
	(pc) =	sbr.rel @p0 .LBB2_8-.Ltmp3, $2  }
0x32: {  	_ =	sdelay $0x2  }
0x33: {  	s0 =	sadd.s32 $0x88, s0;
	s1 =	sadd.s32 s1, s20  }
0x34: {  	[tilespmem:s13], [sflag:$0x1] =	stream.linear.gather [hbm4b:s1+s2], $0x80, $0x38;
	[tilespmem:$0x1BF00] =	vst v63  }
0x35: {  	s13 =	simm.s32 $0x5500  }
0x36: {  	s14 =	simm.s32 $0x10;
	s1 =	sadd.s32 $0x0, s7;
	s0 =	simm.s32 $0x5588  }
.LBB2_10:
0x37: {  	[tilespmem:s13], [sflag:$0x2] =	stream.linear.gather [hbm4b:s1+s2], $0x80, $0x38;
	[tilespmem:$0x1BF00] =	vst v63  }
0x38: {  	s1 =	smov.u32 s14;
	s13 =	smov.u32 s0;
	p0 =	sne.s32 s14, $0x1F0  }
.Ltmp4:
0x39: {  	s14 =	sadd.s32 $0x10, s14;
	(pc) =	sbr.rel @p0 .LBB2_10-.Ltmp4, $2  }
0x3a: {  	_ =	sdelay $0x2  }
0x3b: {  	s0 =	sadd.s32 $0x88, s0;
	s1 =	sadd.s32 s1, s7  }
0x3c: {  	[tilespmem:s13], [sflag:$0x2] =	stream.linear.gather [hbm4b:s1+s2], $0x80, $0x38;
	[tilespmem:$0x1BF00] =	vst v63  }
0x3d: {  	s13 =	sadd.s32 $0xF4280, s7;
	s14 =	simm.s32 $0x6A40  }
0x3e: {  	s16 =	simm.s32 $0x10;
	s0 =	simm.s32 $0x6AC8;
	s1 =	sadd.s32 $0x0, s13  }
.LBB2_12:
0x3f: {  	[tilespmem:s14], [sflag:$0x2] =	stream.linear.gather [hbm4b:s1+s2], $0x80, $0x38;
	[tilespmem:$0x1BF00] =	vst v63  }
0x40: {  	s1 =	smov.u32 s16;
	s14 =	smov.u32 s0;
	p0 =	sne.s32 s16, $0x1F0  }
.Ltmp5:
0x41: {  	s16 =	sadd.s32 $0x10, s16;
	(pc) =	sbr.rel @p0 .LBB2_12-.Ltmp5, $2  }
0x42: {  	_ =	sdelay $0x2  }
0x43: {  	s0 =	sadd.s32 $0x88, s0;
	s1 =	sadd.s32 s1, s13  }
0x44: {  	[tilespmem:s14], [sflag:$0x2] =	stream.linear.gather [hbm4b:s1+s2], $0x80, $0x38;
	[tilespmem:$0x1BF00] =	vst v63  }
0x45: {  	s13 =	sadd.s32 $0x1E8500, s7;
	s14 =	simm.s32 $0x7F80  }
0x46: {  	s16 =	simm.s32 $0x10;
	s0 =	simm.s32 $0x8008;
	s1 =	sadd.s32 $0x0, s13  }
.LBB2_14:
0x47: {  	[tilespmem:s14], [sflag:$0x2] =	stream.linear.gather [hbm4b:s1+s2], $0x80, $0x38;
	[tilespmem:$0x1BF00] =	vst v63  }
0x48: {  	s1 =	smov.u32 s16;
	s14 =	smov.u32 s0;
	p0 =	sne.s32 s16, $0x1F0  }
.Ltmp6:
0x49: {  	s16 =	sadd.s32 $0x10, s16;
	(pc) =	sbr.rel @p0 .LBB2_14-.Ltmp6, $2  }
0x4a: {  	_ =	sdelay $0x2  }
0x4b: {  	s0 =	sadd.s32 $0x88, s0;
	s1 =	sadd.s32 s1, s13  }
0x4c: {  	[tilespmem:s14], [sflag:$0x2] =	stream.linear.gather [hbm4b:s1+s2], $0x80, $0x38;
	[tilespmem:$0x1BF00] =	vst v63  }
0x4d: {  	s13 =	sadd.s32 $0x2DC780, s7;
	s14 =	simm.s32 $0x94C0  }
0x4e: {  	s16 =	simm.s32 $0x10;
	s0 =	simm.s32 $0x9548;
	s1 =	sadd.s32 $0x0, s13  }
.LBB2_16:
0x4f: {  	[tilespmem:s14], [sflag:$0x2] =	stream.linear.gather [hbm4b:s1+s2], $0x80, $0x38;
	[tilespmem:$0x1BF00] =	vst v63  }
0x50: {  	s1 =	smov.u32 s16;
	s14 =	smov.u32 s0;
	p0 =	sne.s32 s16, $0x1F0  }
.Ltmp7:
0x51: {  	s16 =	sadd.s32 $0x10, s16;
	(pc) =	sbr.rel @p0 .LBB2_16-.Ltmp7, $2  }
0x52: {  	_ =	sdelay $0x2  }
0x53: {  	s0 =	sadd.s32 $0x88, s0;
	s1 =	sadd.s32 s1, s13  }
0x54: {  	[tilespmem:s14], [sflag:$0x2] =	stream.linear.gather [hbm4b:s1+s2], $0x80, $0x38;
	[tilespmem:$0x1BF00] =	vst v63  }
0x55: {  	s13 =	simm.s32 $0xAA00  }
0x56: {  	s14 =	simm.s32 $0x10;
	s1 =	sadd.s32 $0x0, s8;
	s0 =	simm.s32 $0xAA88  }
.LBB2_18:
0x57: {  	[tilespmem:s13], [sflag:$0x3] =	stream.linear.gather [hbm4b:s1+s2], $0x80, $0x38;
	[tilespmem:$0x1BF00] =	vst v63  }
0x58: {  	s1 =	smov.u32 s14;
	s13 =	smov.u32 s0;
	p0 =	sne.s32 s14, $0x1F0  }
.Ltmp8:
0x59: {  	s14 =	sadd.s32 $0x10, s14;
	(pc) =	sbr.rel @p0 .LBB2_18-.Ltmp8, $2  }
0x5a: {  	_ =	sdelay $0x2  }
0x5b: {  	s0 =	sadd.s32 $0x88, s0;
	s1 =	sadd.s32 s1, s8  }
0x5c: {  	[tilespmem:s13], [sflag:$0x3] =	stream.linear.gather [hbm4b:s1+s2], $0x80, $0x38;
	[tilespmem:$0x1BF00] =	vst v63  }
0x5d: {  	s13 =	sadd.s32 $0xF4280, s8;
	s14 =	simm.s32 $0xBF40  }
0x5e: {  	s16 =	simm.s32 $0x10;
	s0 =	simm.s32 $0xBFC8;
	s1 =	sadd.s32 $0x0, s13  }
.LBB2_20:
0x5f: {  	[tilespmem:s14], [sflag:$0x3] =	stream.linear.gather [hbm4b:s1+s2], $0x80, $0x38;
	[tilespmem:$0x1BF00] =	vst v63  }
0x60: {  	s1 =	smov.u32 s16;
	s14 =	smov.u32 s0;
	p0 =	sne.s32 s16, $0x1F0  }
.Ltmp9:
0x61: {  	s16 =	sadd.s32 $0x10, s16;
	(pc) =	sbr.rel @p0 .LBB2_20-.Ltmp9, $2  }
0x62: {  	_ =	sdelay $0x2  }
0x63: {  	s0 =	sadd.s32 $0x88, s0;
	s1 =	sadd.s32 s1, s13  }
0x64: {  	[tilespmem:s14], [sflag:$0x3] =	stream.linear.gather [hbm4b:s1+s2], $0x80, $0x38;
	[tilespmem:$0x1BF00] =	vst v63  }
0x65: {  	s13 =	sadd.s32 $0x1E8500, s8;
	s14 =	simm.s32 $0xD480  }
0x66: {  	s16 =	simm.s32 $0x10;
	s0 =	simm.s32 $0xD508;
	s1 =	sadd.s32 $0x0, s13  }
.LBB2_22:
0x67: {  	[tilespmem:s14], [sflag:$0x3] =	stream.linear.gather [hbm4b:s1+s2], $0x80, $0x38;
	[tilespmem:$0x1BF00] =	vst v63  }
0x68: {  	s1 =	smov.u32 s16;
	s14 =	smov.u32 s0;
	p0 =	sne.s32 s16, $0x1F0  }
.Ltmp10:
0x69: {  	s16 =	sadd.s32 $0x10, s16;
	(pc) =	sbr.rel @p0 .LBB2_22-.Ltmp10, $2  }
0x6a: {  	_ =	sdelay $0x2  }
0x6b: {  	s0 =	sadd.s32 $0x88, s0;
	s1 =	sadd.s32 s1, s13  }
0x6c: {  	[tilespmem:s14], [sflag:$0x3] =	stream.linear.gather [hbm4b:s1+s2], $0x80, $0x38;
	[tilespmem:$0x1BF00] =	vst v63  }
0x6d: {  	s14 =	sadd.s32 $0x2DC780, s8;
	s13 =	simm.s32 $0x0;
	s16 =	simm.s32 $0xE9C0  }
0x6e: {  	s18 =	simm.s32 $0x10;
	s0 =	simm.s32 $0xEA48;
	s1 =	sadd.s32 $0x0, s14  }
.LBB2_24:
0x6f: {  	[tilespmem:s16], [sflag:$0x3] =	stream.linear.gather [hbm4b:s1+s13], $0x80, $0x38;
	[tilespmem:$0x1BF00] =	vst v63  }
0x70: {  	s1 =	smov.u32 s18;
	s16 =	smov.u32 s0;
	p0 =	sne.s32 s18, $0x1F0  }
.Ltmp11:
0x71: {  	s18 =	sadd.s32 $0x10, s18;
	(pc) =	sbr.rel @p0 .LBB2_24-.Ltmp11, $2  }
0x72: {  	_ =	sdelay $0x2  }
0x73: {  	s0 =	sadd.s32 $0x88, s0;
	s1 =	sadd.s32 s1, s14  }
0x74: {  	[tilespmem:s16], [sflag:$0x3] =	stream.linear.gather [hbm4b:s1+s13], $0x80, $0x38;
	[tilespmem:$0x1BF00] =	vst v63  }
.LBB2_26:
0x75: {  	s0 =	simm.s32 $0x6;
	s1 =	simm.s32 $0x1;
	s14 =	simm.s32 $0x3  }
0x76: {  	s25 =	simm.s32 $0x4;
	s31 =	simm.s32 $0x0;
	s18 =	simm.s32 $0x5  }
0x77: {  	s0 =	sand.u32 $0x78, s0;
	s1 =	sand.u32 $0x78, s1;
	s14 =	sand.u32 $0x78, s14;
	v8 =	vmov s31  }
0x78: {  	s29 =	simm.s32 $0x7;
	s22 =	sand.u32 $0x78, s18;
	s18 =	simm.s32 $0x0;
	v3 =	vmov s0;
	v4 =	vmov s1;
	v5 =	vmov s14  }
0x79: {  	s0 =	sand.u32 $0x78, s25;
	s1 =	sand.u32 $0x78, s29;
	s25 =	sand.u32 $0x78, s18;
	v3 =	vshrl.u32 v3, $0x3;
	v4 =	vshrl.u32 v4, $0x3;
	v5 =	vshrl.u32 v5, $0x3  }
0x7a: {  	v6 =	vmov s0;
	v7 =	vmov s1;
	v9 =	vmov s25  }
0x7b: {  	v3 =	vshll.u32 v3, v1;
	v5 =	vshll.u32 v5, v1;
	v4 =	vshll.u32 v4, v1  }
0x7c: {  	v6 =	vshrl.u32 v6, $0x3;
	v13 =	vbroadcast v5, $0x0;
	v5 =	vshrl.u32 v7, $0x3  }
0x7d: {  	s16 =	simm.s32 $0x2;
	v17 =	vbroadcast v3, $0x0;
	v4 =	vbroadcast v4, $0x0;
	v7 =	vmul.u32 $0x440, v8  }
0x7e: {  	s0 =	sand.u32 $0x78, s16;
	v8 =	vmov s22;
	v6 =	vshll.u32 v6, v1;
	v3 =	vshll.u32 v5, v1  }
0x7f: {  	v5 =	vmov s0;
	v8 =	vshrl.u32 v8, $0x3;
	v16 =	vbroadcast v6, $0x0  }
0x80: {  	v5 =	vshrl.u32 v5, $0x3;
	v7 =	vbroadcast v7, $0x0;
	v8 =	vshll.u32 v8, v1  }
0x81: {  	v3 =	vbroadcast v3, $0x0;
	v5 =	vshll.u32 v5, v1;
	v18 =	vbroadcast v8, $0x0  }
0x82: {  	v14 =	vbroadcast v5, $0x0;
	v5 =	vshrl.u32 v9, $0x3;
	v10 =	vadd.s32 v0, v7  }
0x83: {  	v9 =	vadd.s32 v2, v7;
	v7 =	vadd.s32 v10, v4;
	v6 =	vadd.s32 v10, v18  }
0x84: {  	_ =	swait.ge [sflag:s21], $0x4000;
	v5 =	vshll.u32 v5, v1;
	v8 =	vadd.s32 v10, v17;
	v11 =	vadd.s32 v10, v3  }
0x85: {  	p0 =	seq.s32 s13, $0x0;
	[sflag:s21] =	ssyncset.done $0x0;
	v12 =	vadd.s32 v10, v13;
	v19 =	vadd.s32 v9, v13;
	v20 =	vor.u32 $0x5, v6  }
0x86: {  	[sflag:s21] =	ssyncadd.s32 $0xFFFFC000;
	s0 =	simm.s32 @!p0 $0x4;
	v18 =	vadd.s32 v9, v18;
	v17 =	vadd.s32 v9, v17;
	v21 =	vor.u32 $0x3, v12  }
0x87: {  	s14 =	smul.u32 $0x3, s13;
	_ =	swait.ge @!p0 [sflag:s0], $0x4000;
	v15 =	vadd.s32 v10, v14;
	v8 =	vor.u32 $0x6, v8;
	v12 =	vor.u32 $0x7, v11  }
0x88: {  	[sflag:s0] =	ssyncset.done @!p0 $0x0;
	v5 =	vbroadcast v5, $0x0;
	v6 =	vor.u32 $0x2, v15;
	v15 =	vadd.s32 v10, v16  }
0x89: {  	s29 =	sadd.s32 s5, s14;
	[sflag:s0] =	ssyncadd.s32 @!p0 $0xFFFFC000;
	v11 =	vor.u32 $0x1, v7;
	v7 =	vadd.s32 v9, v16;
	v15 =	vor.u32 $0x4, v15  }
0x8a: {  	s31 =	sshll.u32 s29, $0x2;
	v7 =	vor.u32 $0x4, v7;
	v16 =	vadd.s32 v9, v4;
	v4 =	vadd.s32 v9, v14;
	v13 =	vld.idx.msk [tilespmem:v20+s2+$0x0], $0xffff  }
0x8b: {  	s30 =	simm.s32 $0xFF80;
	s16 =	smin.u32 s31, $0x1E81;
	v10 =	vadd.s32 v5, v10;
	v5 =	vadd.s32 v5, v9;
	v4 =	vor.u32 $0x2, v4;
	v14 =	vld.idx.msk [tilespmem:v21+s2+$0x0], $0xffff  }
.LBB2_27:
0x8c: {  	s0 =	sadd.s32 $0x9, s18  }
0x8d: {  	s1 =	sadd.s32 $0xC, s18;
	s22 =	sadd.s32 $0xE, s18;
	v19 =	vor.u32 $0x3, v19;
	v12 =	vld.idx.msk [tilespmem:v12+s2+$0x0], $0xffff;
	v3 =	vadd.s32 v9, v3;
	s31 =	smov.u32 s18  }
0x8e: {  	s25 =	sadd.s32 $0xA, s18;
	s29 =	sadd.s32 $0xB, s18;
	v9 =	vor.u32 $0x1, v16;
	s22 =	sand.u32 $0x78, s22;
	v15 =	vld.idx.msk [tilespmem:v15+s2+$0x0], $0xffff;
	v16 =	vor.u32 $0x7, v3  }
0x8f: {  	v18 =	vor.u32 $0x5, v18;
	v17 =	vor.u32 $0x6, v17;
	s0 =	sand.u32 $0x78, s0;
	s29 =	sand.u32 $0x78, s29;
	s1 =	sand.u32 $0x78, s1;
	v3 =	vmov s22;
	v11 =	vld.idx.msk [tilespmem:v11+s2+$0x0], $0xffff  }
0x90: {  	s18 =	sadd.s32 $0x8, s18;
	v20 =	vmov s0;
	s0 =	sand.u32 $0x78, s25;
	v21 =	vmov s29;
	s22 =	sadd.s32 $0xF, s31;
	v3 =	vshrl.u32 v3, $0x3;
	v10 =	vld.idx.msk [tilespmem:v10+s2+$0x0], $0xffff  }
0x91: {  	p1 =	slt.u32 s18, $0x1F8;
	s25 =	sshrl.u32 s18, $0x7;
	v20 =	vshrl.u32 v20, $0x3;
	v21 =	vshrl.u32 v21, $0x3;
	s22 =	sand.u32 $0x78, s22;
	v3 =	vshll.u32 v3, v1;
	[tilespmem:s30+$0x20] =	vst v13  }
0x92: {  	v13 =	vshll.u32 v21, v1;
	v21 =	vmov s1;
	v22 =	vmov s22;
	[tilespmem:s30+$0xFFFFFFE0] =	vst v14;
	v8 =	vld.idx.msk [tilespmem:v8+s2+$0x0], $0xffff  }
0x93: {  	v14 =	vmov s25;
	v13 =	vbroadcast v13, $0x0;
	v22 =	vshrl.u32 v22, $0x3;
	v19 =	vld.idx.msk [tilespmem:v19+s2+$0x0], $0xffff;
	[tilespmem:s30+$0x60] =	vst v12  }
0x94: {  	s1 =	sadd.s32 $0xD, s31;
	v12 =	vshll.u32 v20, v1;
	v20 =	vbroadcast v3, $0x0;
	v3 =	vshll.u32 v22, v1;
	[tilespmem:s30+$0x0] =	vst v15;
	v15 =	vld.idx.msk [tilespmem:v18+s2+$0x0], $0xffff  }
0x95: {  	v18 =	vbroadcast v12, $0x0;
	v12 =	vmov s0;
	s0 =	sand.u32 $0x78, s1;
	v3 =	vbroadcast v3, $0x0;
	[tilespmem:s30+$0xFFFFFFA0] =	vst v11;
	v6 =	vld.idx.msk [tilespmem:v6+s2+$0x0], $0xffff  }
0x96: {  	v11 =	vmul.u32 $0x440, v14;
	v12 =	vshrl.u32 v12, $0x3;
	v14 =	vmov s0;
	[tilespmem:s30+$0xFFFFFF80] =	vst v10;
	v7 =	vld.idx.msk [tilespmem:v7+s2+$0x0], $0xffff  }
0x97: {  	v10 =	vshll.u32 v12, v1;
	v12 =	vshrl.u32 v21, $0x3;
	v14 =	vshrl.u32 v14, $0x3;
	v21 =	vld.idx.msk [tilespmem:v9+s2+$0x0], $0xffff  }
0x98: {  	s0 =	sand.u32 $0x78, s18;
	v9 =	vbroadcast v11, $0x0;
	v11 =	vshll.u32 v12, v1;
	v12 =	vshll.u32 v14, v1;
	v5 =	vld.idx.msk [tilespmem:v5+s2+$0x0], $0xffff;
	[tilespmem:s30+$0x40] =	vst v8  }
0x99: {  	v14 =	vbroadcast v10, $0x0;
	v8 =	vmov s0;
	v22 =	vbroadcast v12, $0x0;
	[tilespmem:s30+$0xFFFFFFF0] =	vst v19;
	v10 =	vld.idx.msk [tilespmem:v17+s2+$0x0], $0xffff  }
0x9a: {  	v8 =	vshrl.u32 v8, $0x3;
	v17 =	vadd.s32 v0, v9;
	v19 =	vbroadcast v11, $0x0;
	[tilespmem:s30+$0x30] =	vst v15;
	v16 =	vld.idx.msk [tilespmem:v16+s2+$0x0], $0xffff  }
0x9b: {  	v9 =	vadd.s32 v2, v9;
	v11 =	vadd.s32 v17, v18;
	v12 =	vadd.s32 v17, v22;
	[tilespmem:s30+$0xFFFFFFC0] =	vst v6  }
0x9c: {  	v15 =	vadd.s32 v17, v3;
	v6 =	vshll.u32 v8, v1;
	v8 =	vadd.s32 v17, v20;
	[tilespmem:s30+$0x10] =	vst v7  }
0x9d: {  	v23 =	vadd.s32 v17, v13;
	v24 =	vor.u32 $0x5, v12;
	v7 =	vadd.s32 v17, v14;
	[tilespmem:s30+$0xFFFFFFB0] =	vst v21;
	v21 =	vld.idx.msk [tilespmem:v4+s2+$0x0], $0xffff  }
0x9e: {  	v23 =	vor.u32 $0x3, v23;
	v12 =	vor.u32 $0x7, v15;
	v8 =	vor.u32 $0x6, v8;
	[tilespmem:s30+$0xFFFFFF90] =	vst v5  }
.Ltmp12:
0x9f: {  	v4 =	vbroadcast v6, $0x0;
	v6 =	vor.u32 $0x2, v7;
	v5 =	vadd.s32 v17, v19;
	[tilespmem:s30+$0x50] =	vst v10;
	(pc) =	sbr.rel @p1 .LBB2_27-.Ltmp12, $4  }
0xa0: {  	v11 =	vor.u32 $0x1, v11;
	v7 =	vadd.s32 v9, v19;
	v15 =	vor.u32 $0x4, v5;
	[tilespmem:s30+$0x70] =	vst v16  }
0xa1: {  	v7 =	vor.u32 $0x4, v7;
	v10 =	vadd.s32 v4, v17;
	v5 =	vadd.s32 v4, v9  }
0xa2: {  	v19 =	vadd.s32 v9, v13;
	v4 =	vadd.s32 v9, v14;
	v16 =	vadd.s32 v9, v18;
	v13 =	vld.idx.msk [tilespmem:v24+s2+$0x0], $0xffff  }
0xa3: {  	v17 =	vadd.s32 v9, v20;
	v4 =	vor.u32 $0x2, v4;
	v18 =	vadd.s32 v9, v22;
	v14 =	vld.idx.msk [tilespmem:v23+s2+$0x0], $0xffff;
	[tilespmem:s30+$0xFFFFFFD0] =	vst v21;
	s30 =	sadd.s32 $0x100, s30  }
0xa4: {  	_ =	sdelay $0x3  }
0xa5: {  	v12 =	vld.idx.msk [tilespmem:v12+s2+$0x0], $0xffff  }
0xa6: {  	v19 =	vor.u32 $0x3, v19;
	v15 =	vld.idx.msk [tilespmem:v15+s2+$0x0], $0xffff  }
0xa7: {  	v18 =	vor.u32 $0x5, v18;
	v11 =	vld.idx.msk [tilespmem:v11+s2+$0x0], $0xffff  }
0xa8: {  	v10 =	vld.idx.msk [tilespmem:v10+s2+$0x0], $0xffff;
	[tilespmem:s30+$0x20] =	vst v13  }
0xa9: {  	v60 =	vor.u32 $0x1, v16;
	v8 =	vld.idx.msk [tilespmem:v8+s2+$0x0], $0xffff;
	[tilespmem:s30+$0xFFFFFFE0] =	vst v14  }
0xaa: {  	v6 =	vld.idx.msk [tilespmem:v6+s2+$0x0], $0xffff;
	[tilespmem:s30+$0x60] =	vst v12  }
0xab: {  	v3 =	vadd.s32 v9, v3;
	v61 =	vor.u32 $0x6, v17;
	v14 =	vld.idx.msk [tilespmem:v19+s2+$0x0], $0xffff;
	[tilespmem:s30+$0x0] =	vst v15  }
0xac: {  	v3 =	vor.u32 $0x7, v3;
	v62 =	vld.idx.msk [tilespmem:v18+s2+$0x0], $0xffff;
	[tilespmem:s30+$0xFFFFFFA0] =	vst v11  }
0xad: {  	[tilespmem:s30+$0xFFFFFF80] =	vst v10;
	v7 =	vld.idx.msk [tilespmem:v7+s2+$0x0], $0xffff  }
0xae: {  	[tilespmem:s30+$0x40] =	vst v8;
	v63 =	vld.idx.msk [tilespmem:v60+s2+$0x0], $0xffff  }
0xaf: {  	[tilespmem:s30+$0xFFFFFFC0] =	vst v6;
	v5 =	vld.idx.msk [tilespmem:v5+s2+$0x0], $0xffff  }
0xb0: {  	v8 =	vld.idx.msk [tilespmem:v61+s2+$0x0], $0xffff;
	[tilespmem:s30+$0xFFFFFFF0] =	vst v14  }
0xb1: {  	v3 =	vld.idx.msk [tilespmem:v3+s2+$0x0], $0xffff;
	[tilespmem:s30+$0x30] =	vst v62  }
0xb2: {  	s0 =	sadd.s32 s14, s9;
	v4 =	vld.idx.msk [tilespmem:v4+s2+$0x0], $0xffff;
	[tilespmem:s30+$0x10] =	vst v7  }
0xb3: {  	s0 =	sshll.u32 s0, $0x2;
	[tilespmem:s30+$0xFFFFFFB0] =	vst v63  }
0xb4: {  	s0 =	smin.u32 s0, $0x1E81;
	[tilespmem:s30+$0xFFFFFF90] =	vst v5  }
0xb5: {  	s0 =	sshll.u32 s0, $0x7;
	[tilespmem:s30+$0x50] =	vst v8  }
0xb6: {  	s31 =	simm.s32 $0x0;
	s18 =	sadd.s32 s3, s0;
	[tilespmem:s30+$0x70] =	vst v3  }
0xb7: {  	s0 =	simm.s32 $0x88;
	s1 =	sadd.s32 $0x0, s18;
	[tilespmem:s30+$0xFFFFFFD0] =	vst v4;
	s30 =	simm.s32 $0x10  }
.LBB2_29:
0xb8: {  	[tilespmem:s31], [sflag:$0x1] =	stream.linear.gather [hbm4b:s1+s2], $0x80, $0x38;
	[tilespmem:$0x1BF00] =	vst v63  }
0xb9: {  	s1 =	smov.u32 s30;
	s31 =	smov.u32 s0;
	p1 =	sne.s32 s30, $0x1F0  }
.Ltmp13:
0xba: {  	s30 =	sadd.s32 $0x10, s30;
	(pc) =	sbr.rel @p1 .LBB2_29-.Ltmp13, $2  }
0xbb: {  	_ =	sdelay $0x2  }
0xbc: {  	s0 =	sadd.s32 $0x88, s0;
	s1 =	sadd.s32 s1, s18  }
0xbd: {  	[tilespmem:s31], [sflag:$0x1] =	stream.linear.gather [hbm4b:s1+s2], $0x80, $0x38;
	[tilespmem:$0x1BF00] =	vst v63  }
0xbe: {  	s30 =	sadd.s32 $0xF4280, s18;
	s31 =	simm.s32 $0x1540  }
0xbf: {  	s0 =	simm.s32 $0x10;
	s1 =	simm.s32 $0x15C8;
	s22 =	sadd.s32 $0x0, s30  }
.LBB2_31:
0xc0: {  	[tilespmem:s31], [sflag:$0x1] =	stream.linear.gather [hbm4b:s22+s2], $0x80, $0x38;
	[tilespmem:$0x1BF00] =	vst v63  }
0xc1: {  	s22 =	smov.u32 s0;
	s31 =	smov.u32 s1;
	p1 =	sne.s32 s0, $0x1F0  }
.Ltmp14:
0xc2: {  	s0 =	sadd.s32 $0x10, s0;
	(pc) =	sbr.rel @p1 .LBB2_31-.Ltmp14, $2  }
0xc3: {  	_ =	sdelay $0x2  }
0xc4: {  	s1 =	sadd.s32 $0x88, s1;
	s22 =	sadd.s32 s22, s30  }
0xc5: {  	[tilespmem:s31], [sflag:$0x1] =	stream.linear.gather [hbm4b:s22+s2], $0x80, $0x38;
	[tilespmem:$0x1BF00] =	vst v63  }
0xc6: {  	s30 =	sadd.s32 $0x1E8500, s18;
	s31 =	simm.s32 $0x2A80  }
0xc7: {  	s0 =	simm.s32 $0x10;
	s1 =	simm.s32 $0x2B08;
	s22 =	sadd.s32 $0x0, s30  }
.LBB2_33:
0xc8: {  	[tilespmem:s31], [sflag:$0x1] =	stream.linear.gather [hbm4b:s22+s2], $0x80, $0x38;
	[tilespmem:$0x1BF00] =	vst v63  }
0xc9: {  	s22 =	smov.u32 s0;
	s31 =	smov.u32 s1;
	p1 =	sne.s32 s0, $0x1F0  }
.Ltmp15:
0xca: {  	s0 =	sadd.s32 $0x10, s0;
	(pc) =	sbr.rel @p1 .LBB2_33-.Ltmp15, $2  }
0xcb: {  	_ =	sdelay $0x2  }
0xcc: {  	s1 =	sadd.s32 $0x88, s1;
	s22 =	sadd.s32 s22, s30  }
0xcd: {  	[tilespmem:s31], [sflag:$0x1] =	stream.linear.gather [hbm4b:s22+s2], $0x80, $0x38;
	[tilespmem:$0x1BF00] =	vst v63  }
0xce: {  	s31 =	sadd.s32 $0x2DC780, s18;
	s18 =	simm.s32 $0x3FC0  }
0xcf: {  	s0 =	simm.s32 $0x10;
	s1 =	simm.s32 $0x4048;
	s30 =	sadd.s32 $0x0, s31  }
.LBB2_35:
0xd0: {  	[tilespmem:s18], [sflag:$0x1] =	stream.linear.gather [hbm4b:s30+s2], $0x80, $0x38;
	[tilespmem:$0x1BF00] =	vst v63  }
0xd1: {  	s22 =	smov.u32 s0;
	s18 =	smov.u32 s1;
	p1 =	sne.s32 s0, $0x1F0  }
.Ltmp16:
0xd2: {  	s0 =	sadd.s32 $0x10, s0;
	(pc) =	sbr.rel @p1 .LBB2_35-.Ltmp16, $2  }
0xd3: {  	_ =	sdelay $0x2  }
0xd4: {  	s1 =	sadd.s32 $0x88, s1;
	s30 =	sadd.s32 s22, s31  }
0xd5: {  	s0 =	simm.s32 $0x6;
	s1 =	simm.s32 $0x1;
	s22 =	simm.s32 $0x3  }
0xd6: {  	s25 =	simm.s32 $0x4;
	s29 =	simm.s32 $0x7;
	s31 =	simm.s32 $0x0  }
0xd7: {  	s0 =	sand.u32 $0x78, s0;
	s1 =	sand.u32 $0x78, s1;
	s22 =	sand.u32 $0x78, s22;
	v8 =	vmov s31  }
0xd8: {  	[tilespmem:s18], [sflag:$0x1] =	stream.linear.gather [hbm4b:s30+s2], $0x80, $0x38;
	v3 =	vmov s0;
	v4 =	vmov s1;
	v5 =	vmov s22;
	[tilespmem:$0x1BF00] =	vst v63  }
0xd9: {  	s0 =	sand.u32 $0x78, s25;
	s1 =	sand.u32 $0x78, s29;
	v3 =	vshrl.u32 v3, $0x3;
	v4 =	vshrl.u32 v4, $0x3;
	v5 =	vshrl.u32 v5, $0x3  }
0xda: {  	s18 =	simm.s32 $0x0;
	v6 =	vmov s0;
	v7 =	vmov s1;
	v3 =	vshll.u32 v3, v1  }
0xdb: {  	s1 =	sand.u32 $0x78, s18;
	v5 =	vshll.u32 v5, v1;
	v4 =	vshll.u32 v4, v1;
	v6 =	vshrl.u32 v6, $0x3  }
0xdc: {  	s29 =	simm.s32 $0x5;
	v9 =	vmov s1;
	v13 =	vbroadcast v5, $0x0;
	v5 =	vshrl.u32 v7, $0x3  }
0xdd: {  	s25 =	simm.s32 $0x2;
	s31 =	sand.u32 $0x78, s29;
	v17 =	vbroadcast v3, $0x0;
	v4 =	vbroadcast v4, $0x0;
	v7 =	vmul.u32 $0x440, v8  }
0xde: {  	s0 =	sand.u32 $0x78, s25;
	v8 =	vmov s31;
	v6 =	vshll.u32 v6, v1;
	v3 =	vshll.u32 v5, v1  }
0xdf: {  	v5 =	vmov s0;
	v8 =	vshrl.u32 v8, $0x3;
	v16 =	vbroadcast v6, $0x0  }
0xe0: {  	v5 =	vshrl.u32 v5, $0x3;
	v7 =	vbroadcast v7, $0x0;
	v8 =	vshll.u32 v8, v1  }
0xe1: {  	s16 =	sshll.u32 s16, $0x9;
	v3 =	vbroadcast v3, $0x0;
	v5 =	vshll.u32 v5, v1;
	v18 =	vbroadcast v8, $0x0  }
0xe2: {  	s22 =	sadd.s32 s4, s16;
	s25 =	simm.s32 $0xFF00;
	v14 =	vbroadcast v5, $0x0;
	v5 =	vshrl.u32 v9, $0x3;
	v10 =	vadd.s32 v0, v7  }
0xe3: {  	[hbm4b:s22+s2] =	stream.linear.scatter [tilespmem:s25], [sflag:$0x4], $0x4000, $0x38;
	v9 =	vadd.s32 v2, v7;
	v7 =	vadd.s32 v10, v4;
	v6 =	vadd.s32 v10, v18;
	[tilespmem:$0x1BF00] =	vst v63  }
0xe4: {  	_ =	swait.ge [sflag:s23], $0x4000;
	v5 =	vshll.u32 v5, v1;
	v8 =	vadd.s32 v10, v17;
	v11 =	vadd.s32 v10, v3  }
0xe5: {  	[sflag:s23] =	ssyncset.done $0x0;
	v12 =	vadd.s32 v10, v13;
	v19 =	vadd.s32 v9, v13;
	v20 =	vor.u32 $0x5, v6  }
0xe6: {  	s0 =	simm.s32 @!p0 $0x5;
	[sflag:s23] =	ssyncadd.s32 $0xFFFFC000;
	v18 =	vadd.s32 v9, v18;
	v17 =	vadd.s32 v9, v17;
	v21 =	vor.u32 $0x3, v12  }
0xe7: {  	_ =	swait.ge @!p0 [sflag:s0], $0x4000;
	v15 =	vadd.s32 v10, v14;
	v8 =	vor.u32 $0x6, v8;
	v12 =	vor.u32 $0x7, v11  }
0xe8: {  	[sflag:s0] =	ssyncset.done @!p0 $0x0;
	v5 =	vbroadcast v5, $0x0;
	v6 =	vor.u32 $0x2, v15;
	v15 =	vadd.s32 v10, v16  }
0xe9: {  	s29 =	sadd.s32 s14, s10;
	[sflag:s0] =	ssyncadd.s32 @!p0 $0xFFFFC000;
	v11 =	vor.u32 $0x1, v7;
	v7 =	vadd.s32 v9, v16;
	v15 =	vor.u32 $0x4, v15  }
0xea: {  	s31 =	sshll.u32 s29, $0x2;
	v7 =	vor.u32 $0x4, v7;
	v16 =	vadd.s32 v9, v4;
	v4 =	vadd.s32 v9, v14;
	v13 =	vld.idx.msk [tilespmem:v20+s24+$0x0], $0xffff  }
0xeb: {  	s30 =	simm.s32 $0x13FF0;
	s16 =	smin.u32 s31, $0x1E81;
	v10 =	vadd.s32 v5, v10;
	v5 =	vadd.s32 v5, v9;
	v4 =	vor.u32 $0x2, v4;
	v14 =	vld.idx.msk [tilespmem:v21+s24+$0x0], $0xffff  }
.LBB2_37:
0xec: {  	s0 =	sadd.s32 $0x9, s18  }
0xed: {  	s1 =	sadd.s32 $0xC, s18;
	s22 =	sadd.s32 $0xE, s18;
	v19 =	vor.u32 $0x3, v19;
	v12 =	vld.idx.msk [tilespmem:v12+s24+$0x0], $0xffff;
	v3 =	vadd.s32 v9, v3;
	s25 =	smov.u32 s18  }
0xee: {  	s29 =	sadd.s32 $0xA, s18;
	s31 =	sadd.s32 $0xB, s18;
	v9 =	vor.u32 $0x1, v16;
	s22 =	sand.u32 $0x78, s22;
	v15 =	vld.idx.msk [tilespmem:v15+s24+$0x0], $0xffff;
	v16 =	vor.u32 $0x7, v3  }
0xef: {  	v18 =	vor.u32 $0x5, v18;
	v17 =	vor.u32 $0x6, v17;
	s0 =	sand.u32 $0x78, s0;
	s31 =	sand.u32 $0x78, s31;
	s1 =	sand.u32 $0x78, s1;
	v3 =	vmov s22;
	v11 =	vld.idx.msk [tilespmem:v11+s24+$0x0], $0xffff  }
0xf0: {  	s18 =	sadd.s32 $0x8, s18;
	v20 =	vmov s0;
	s0 =	sand.u32 $0x78, s29;
	v21 =	vmov s31;
	s22 =	sadd.s32 $0xF, s25;
	v3 =	vshrl.u32 v3, $0x3;
	v10 =	vld.idx.msk [tilespmem:v10+s24+$0x0], $0xffff  }
0xf1: {  	p1 =	slt.u32 s18, $0x1F8;
	s29 =	sshrl.u32 s18, $0x7;
	v20 =	vshrl.u32 v20, $0x3;
	v21 =	vshrl.u32 v21, $0x3;
	s22 =	sand.u32 $0x78, s22;
	v3 =	vshll.u32 v3, v1;
	[tilespmem:s30+$0xFFFFFFB0] =	vst v13  }
0xf2: {  	v13 =	vshll.u32 v21, v1;
	v21 =	vmov s1;
	v22 =	vmov s22;
	[tilespmem:s30+$0xFFFFFF70] =	vst v14;
	v8 =	vld.idx.msk [tilespmem:v8+s24+$0x0], $0xffff  }
0xf3: {  	v14 =	vmov s29;
	v13 =	vbroadcast v13, $0x0;
	v22 =	vshrl.u32 v22, $0x3;
	v19 =	vld.idx.msk [tilespmem:v19+s24+$0x0], $0xffff;
	[tilespmem:s30+$0xFFFFFFF0] =	vst v12  }
0xf4: {  	s1 =	sadd.s32 $0xD, s25;
	v12 =	vshll.u32 v20, v1;
	v20 =	vbroadcast v3, $0x0;
	v3 =	vshll.u32 v22, v1;
	[tilespmem:s30+$0xFFFFFF90] =	vst v15;
	v15 =	vld.idx.msk [tilespmem:v18+s24+$0x0], $0xffff  }
0xf5: {  	v18 =	vbroadcast v12, $0x0;
	v12 =	vmov s0;
	s0 =	sand.u32 $0x78, s1;
	v3 =	vbroadcast v3, $0x0;
	[tilespmem:s30+$0xFFFFFF30] =	vst v11;
	v6 =	vld.idx.msk [tilespmem:v6+s24+$0x0], $0xffff  }
0xf6: {  	v11 =	vmul.u32 $0x440, v14;
	v12 =	vshrl.u32 v12, $0x3;
	v14 =	vmov s0;
	[tilespmem:s30+$0xFFFFFF10] =	vst v10;
	v7 =	vld.idx.msk [tilespmem:v7+s24+$0x0], $0xffff  }
0xf7: {  	v10 =	vshll.u32 v12, v1;
	v12 =	vshrl.u32 v21, $0x3;
	v14 =	vshrl.u32 v14, $0x3;
	v21 =	vld.idx.msk [tilespmem:v9+s24+$0x0], $0xffff  }
0xf8: {  	s0 =	sand.u32 $0x78, s18;
	v9 =	vbroadcast v11, $0x0;
	v11 =	vshll.u32 v12, v1;
	v12 =	vshll.u32 v14, v1;
	v5 =	vld.idx.msk [tilespmem:v5+s24+$0x0], $0xffff;
	[tilespmem:s30+$0xFFFFFFD0] =	vst v8  }
0xf9: {  	v14 =	vbroadcast v10, $0x0;
	v8 =	vmov s0;
	v22 =	vbroadcast v12, $0x0;
	[tilespmem:s30+$0xFFFFFF80] =	vst v19;
	v10 =	vld.idx.msk [tilespmem:v17+s24+$0x0], $0xffff  }
0xfa: {  	v8 =	vshrl.u32 v8, $0x3;
	v17 =	vadd.s32 v0, v9;
	v19 =	vbroadcast v11, $0x0;
	[tilespmem:s30+$0xFFFFFFC0] =	vst v15;
	v16 =	vld.idx.msk [tilespmem:v16+s24+$0x0], $0xffff  }
0xfb: {  	v9 =	vadd.s32 v2, v9;
	v11 =	vadd.s32 v17, v18;
	v12 =	vadd.s32 v17, v22;
	[tilespmem:s30+$0xFFFFFF50] =	vst v6  }
0xfc: {  	v15 =	vadd.s32 v17, v3;
	v6 =	vshll.u32 v8, v1;
	v8 =	vadd.s32 v17, v20;
	[tilespmem:s30+$0xFFFFFFA0] =	vst v7  }
0xfd: {  	v23 =	vadd.s32 v17, v13;
	v24 =	vor.u32 $0x5, v12;
	v7 =	vadd.s32 v17, v14;
	[tilespmem:s30+$0xFFFFFF40] =	vst v21;
	v21 =	vld.idx.msk [tilespmem:v4+s24+$0x0], $0xffff  }
0xfe: {  	v23 =	vor.u32 $0x3, v23;
	v12 =	vor.u32 $0x7, v15;
	v8 =	vor.u32 $0x6, v8;
	[tilespmem:s30+$0xFFFFFF20] =	vst v5  }
.Ltmp17:
0xff: {  	v4 =	vbroadcast v6, $0x0;
	v6 =	vor.u32 $0x2, v7;
	v5 =	vadd.s32 v17, v19;
	[tilespmem:s30+$0xFFFFFFE0] =	vst v10;
	(pc) =	sbr.rel @p1 .LBB2_37-.Ltmp17, $4  }
0x100: {  	v11 =	vor.u32 $0x1, v11;
	v7 =	vadd.s32 v9, v19;
	v15 =	vor.u32 $0x4, v5;
	[tilespmem:s30+$0x0] =	vst v16  }
0x101: {  	v7 =	vor.u32 $0x4, v7;
	v10 =	vadd.s32 v4, v17;
	v5 =	vadd.s32 v4, v9  }
0x102: {  	v19 =	vadd.s32 v9, v13;
	v4 =	vadd.s32 v9, v14;
	v16 =	vadd.s32 v9, v18;
	v13 =	vld.idx.msk [tilespmem:v24+s24+$0x0], $0xffff  }
0x103: {  	v17 =	vadd.s32 v9, v20;
	v4 =	vor.u32 $0x2, v4;
	v18 =	vadd.s32 v9, v22;
	v14 =	vld.idx.msk [tilespmem:v23+s24+$0x0], $0xffff;
	[tilespmem:s30+$0xFFFFFF60] =	vst v21;
	s30 =	sadd.s32 $0x100, s30  }
0x104: {  	_ =	sdelay $0x3  }
0x105: {  	v12 =	vld.idx.msk [tilespmem:v12+s24+$0x0], $0xffff  }
0x106: {  	v19 =	vor.u32 $0x3, v19;
	v15 =	vld.idx.msk [tilespmem:v15+s24+$0x0], $0xffff  }
0x107: {  	v18 =	vor.u32 $0x5, v18;
	v11 =	vld.idx.msk [tilespmem:v11+s24+$0x0], $0xffff  }
0x108: {  	v10 =	vld.idx.msk [tilespmem:v10+s24+$0x0], $0xffff;
	[tilespmem:s30+$0xFFFFFFB0] =	vst v13  }
0x109: {  	v60 =	vor.u32 $0x1, v16;
	v8 =	vld.idx.msk [tilespmem:v8+s24+$0x0], $0xffff;
	[tilespmem:s30+$0xFFFFFF70] =	vst v14  }
0x10a: {  	v6 =	vld.idx.msk [tilespmem:v6+s24+$0x0], $0xffff;
	[tilespmem:s30+$0xFFFFFFF0] =	vst v12  }
0x10b: {  	v3 =	vadd.s32 v9, v3;
	v61 =	vor.u32 $0x6, v17;
	v14 =	vld.idx.msk [tilespmem:v19+s24+$0x0], $0xffff;
	[tilespmem:s30+$0xFFFFFF90] =	vst v15  }
0x10c: {  	v3 =	vor.u32 $0x7, v3;
	v62 =	vld.idx.msk [tilespmem:v18+s24+$0x0], $0xffff;
	[tilespmem:s30+$0xFFFFFF30] =	vst v11  }
0x10d: {  	[tilespmem:s30+$0xFFFFFF10] =	vst v10;
	v7 =	vld.idx.msk [tilespmem:v7+s24+$0x0], $0xffff  }
0x10e: {  	[tilespmem:s30+$0xFFFFFFD0] =	vst v8;
	v63 =	vld.idx.msk [tilespmem:v60+s24+$0x0], $0xffff  }
0x10f: {  	[tilespmem:s30+$0xFFFFFF50] =	vst v6;
	v5 =	vld.idx.msk [tilespmem:v5+s24+$0x0], $0xffff  }
0x110: {  	v8 =	vld.idx.msk [tilespmem:v61+s24+$0x0], $0xffff;
	[tilespmem:s30+$0xFFFFFF80] =	vst v14  }
0x111: {  	v3 =	vld.idx.msk [tilespmem:v3+s24+$0x0], $0xffff;
	[tilespmem:s30+$0xFFFFFFC0] =	vst v62  }
0x112: {  	s0 =	sadd.s32 s14, s11;
	v4 =	vld.idx.msk [tilespmem:v4+s24+$0x0], $0xffff;
	[tilespmem:s30+$0xFFFFFFA0] =	vst v7  }
0x113: {  	s0 =	sshll.u32 s0, $0x2;
	[tilespmem:s30+$0xFFFFFF40] =	vst v63  }
0x114: {  	s0 =	smin.u32 s0, $0x1E81;
	[tilespmem:s30+$0xFFFFFF20] =	vst v5  }
0x115: {  	s0 =	sshll.u32 s0, $0x7;
	[tilespmem:s30+$0xFFFFFFE0] =	vst v8  }
0x116: {  	s31 =	simm.s32 $0x5500;
	s18 =	sadd.s32 s3, s0;
	[tilespmem:s30+$0x0] =	vst v3  }
0x117: {  	s1 =	simm.s32 $0x5588;
	s0 =	simm.s32 $0x10;
	s22 =	sadd.s32 $0x0, s18;
	[tilespmem:s30+$0xFFFFFF60] =	vst v4  }
.LBB2_39:
0x118: {  	[tilespmem:s31], [sflag:$0x2] =	stream.linear.gather [hbm4b:s22+s2], $0x80, $0x38;
	[tilespmem:$0x1BF00] =	vst v63  }
0x119: {  	s22 =	smov.u32 s0;
	s31 =	smov.u32 s1;
	p1 =	sne.s32 s0, $0x1F0  }
.Ltmp18:
0x11a: {  	s0 =	sadd.s32 $0x10, s0;
	(pc) =	sbr.rel @p1 .LBB2_39-.Ltmp18, $2  }
0x11b: {  	_ =	sdelay $0x2  }
0x11c: {  	s1 =	sadd.s32 $0x88, s1;
	s22 =	sadd.s32 s22, s18  }
0x11d: {  	[tilespmem:s31], [sflag:$0x2] =	stream.linear.gather [hbm4b:s22+s2], $0x80, $0x38;
	[tilespmem:$0x1BF00] =	vst v63  }
0x11e: {  	s30 =	sadd.s32 $0xF4280, s18;
	s31 =	simm.s32 $0x6A40  }
0x11f: {  	s0 =	simm.s32 $0x10;
	s1 =	simm.s32 $0x6AC8;
	s22 =	sadd.s32 $0x0, s30  }
.LBB2_41:
0x120: {  	[tilespmem:s31], [sflag:$0x2] =	stream.linear.gather [hbm4b:s22+s2], $0x80, $0x38;
	[tilespmem:$0x1BF00] =	vst v63  }
0x121: {  	s22 =	smov.u32 s0;
	s31 =	smov.u32 s1;
	p1 =	sne.s32 s0, $0x1F0  }
.Ltmp19:
0x122: {  	s0 =	sadd.s32 $0x10, s0;
	(pc) =	sbr.rel @p1 .LBB2_41-.Ltmp19, $2  }
0x123: {  	_ =	sdelay $0x2  }
0x124: {  	s1 =	sadd.s32 $0x88, s1;
	s22 =	sadd.s32 s22, s30  }
0x125: {  	[tilespmem:s31], [sflag:$0x2] =	stream.linear.gather [hbm4b:s22+s2], $0x80, $0x38;
	[tilespmem:$0x1BF00] =	vst v63  }
0x126: {  	s30 =	sadd.s32 $0x1E8500, s18;
	s31 =	simm.s32 $0x7F80  }
0x127: {  	s0 =	simm.s32 $0x10;
	s1 =	simm.s32 $0x8008;
	s22 =	sadd.s32 $0x0, s30  }
.LBB2_43:
0x128: {  	[tilespmem:s31], [sflag:$0x2] =	stream.linear.gather [hbm4b:s22+s2], $0x80, $0x38;
	[tilespmem:$0x1BF00] =	vst v63  }
0x129: {  	s22 =	smov.u32 s0;
	s31 =	smov.u32 s1;
	p1 =	sne.s32 s0, $0x1F0  }
.Ltmp20:
0x12a: {  	s0 =	sadd.s32 $0x10, s0;
	(pc) =	sbr.rel @p1 .LBB2_43-.Ltmp20, $2  }
0x12b: {  	_ =	sdelay $0x2  }
0x12c: {  	s1 =	sadd.s32 $0x88, s1;
	s22 =	sadd.s32 s22, s30  }
0x12d: {  	[tilespmem:s31], [sflag:$0x2] =	stream.linear.gather [hbm4b:s22+s2], $0x80, $0x38;
	[tilespmem:$0x1BF00] =	vst v63  }
0x12e: {  	s31 =	sadd.s32 $0x2DC780, s18;
	s18 =	simm.s32 $0x94C0  }
0x12f: {  	s0 =	simm.s32 $0x10;
	s1 =	simm.s32 $0x9548;
	s30 =	sadd.s32 $0x0, s31  }
.LBB2_45:
0x130: {  	[tilespmem:s18], [sflag:$0x2] =	stream.linear.gather [hbm4b:s30+s2], $0x80, $0x38;
	[tilespmem:$0x1BF00] =	vst v63  }
0x131: {  	s22 =	smov.u32 s0;
	s18 =	smov.u32 s1;
	p1 =	sne.s32 s0, $0x1F0  }
.Ltmp21:
0x132: {  	s0 =	sadd.s32 $0x10, s0;
	(pc) =	sbr.rel @p1 .LBB2_45-.Ltmp21, $2  }
0x133: {  	_ =	sdelay $0x2  }
0x134: {  	s1 =	sadd.s32 $0x88, s1;
	s30 =	sadd.s32 s22, s31  }
0x135: {  	s0 =	simm.s32 $0x6;
	s1 =	simm.s32 $0x1;
	s22 =	simm.s32 $0x3  }
0x136: {  	s25 =	simm.s32 $0x4;
	s29 =	simm.s32 $0x7;
	s31 =	simm.s32 $0x0  }
0x137: {  	s0 =	sand.u32 $0x78, s0;
	s1 =	sand.u32 $0x78, s1;
	s22 =	sand.u32 $0x78, s22;
	v8 =	vmov s31  }
0x138: {  	[tilespmem:s18], [sflag:$0x2] =	stream.linear.gather [hbm4b:s30+s2], $0x80, $0x38;
	v3 =	vmov s0;
	v4 =	vmov s1;
	v5 =	vmov s22;
	[tilespmem:$0x1BF00] =	vst v63  }
0x139: {  	s0 =	sand.u32 $0x78, s25;
	s1 =	sand.u32 $0x78, s29;
	v3 =	vshrl.u32 v3, $0x3;
	v4 =	vshrl.u32 v4, $0x3;
	v5 =	vshrl.u32 v5, $0x3  }
0x13a: {  	s18 =	simm.s32 $0x0;
	v6 =	vmov s0;
	v7 =	vmov s1;
	v3 =	vshll.u32 v3, v1  }
0x13b: {  	s1 =	sand.u32 $0x78, s18;
	v5 =	vshll.u32 v5, v1;
	v4 =	vshll.u32 v4, v1;
	v6 =	vshrl.u32 v6, $0x3  }
0x13c: {  	s29 =	simm.s32 $0x5;
	v9 =	vmov s1;
	v13 =	vbroadcast v5, $0x0;
	v5 =	vshrl.u32 v7, $0x3  }
0x13d: {  	s25 =	simm.s32 $0x2;
	s31 =	sand.u32 $0x78, s29;
	v17 =	vbroadcast v3, $0x0;
	v4 =	vbroadcast v4, $0x0;
	v7 =	vmul.u32 $0x440, v8  }
0x13e: {  	s0 =	sand.u32 $0x78, s25;
	v8 =	vmov s31;
	v6 =	vshll.u32 v6, v1;
	v3 =	vshll.u32 v5, v1  }
0x13f: {  	v5 =	vmov s0;
	v8 =	vshrl.u32 v8, $0x3;
	v16 =	vbroadcast v6, $0x0  }
0x140: {  	v5 =	vshrl.u32 v5, $0x3;
	v7 =	vbroadcast v7, $0x0;
	v8 =	vshll.u32 v8, v1  }
0x141: {  	s16 =	sshll.u32 s16, $0x9;
	v3 =	vbroadcast v3, $0x0;
	v5 =	vshll.u32 v5, v1;
	v18 =	vbroadcast v8, $0x0  }
0x142: {  	s22 =	sadd.s32 s4, s16;
	s25 =	simm.s32 $0x13F00;
	v14 =	vbroadcast v5, $0x0;
	v5 =	vshrl.u32 v9, $0x3;
	v10 =	vadd.s32 v0, v7  }
0x143: {  	[hbm4b:s22+s2] =	stream.linear.scatter [tilespmem:s25], [sflag:$0x5], $0x4000, $0x38;
	v9 =	vadd.s32 v2, v7;
	v7 =	vadd.s32 v10, v4;
	v6 =	vadd.s32 v10, v18;
	[tilespmem:$0x1BF00] =	vst v63  }
0x144: {  	_ =	swait.ge [sflag:s26], $0x4000;
	v5 =	vshll.u32 v5, v1;
	v8 =	vadd.s32 v10, v17;
	v11 =	vadd.s32 v10, v3  }
0x145: {  	[sflag:s26] =	ssyncset.done $0x0;
	v12 =	vadd.s32 v10, v13;
	v19 =	vadd.s32 v9, v13;
	v20 =	vor.u32 $0x5, v6  }
0x146: {  	s0 =	simm.s32 @!p0 $0x6;
	[sflag:s26] =	ssyncadd.s32 $0xFFFFC000;
	v18 =	vadd.s32 v9, v18;
	v17 =	vadd.s32 v9, v17;
	v21 =	vor.u32 $0x3, v12  }
0x147: {  	_ =	swait.ge @!p0 [sflag:s0], $0x4000;
	v15 =	vadd.s32 v10, v14;
	v8 =	vor.u32 $0x6, v8;
	v12 =	vor.u32 $0x7, v11  }
0x148: {  	[sflag:s0] =	ssyncset.done @!p0 $0x0;
	v5 =	vbroadcast v5, $0x0;
	v6 =	vor.u32 $0x2, v15;
	v15 =	vadd.s32 v10, v16  }
0x149: {  	s29 =	sadd.s32 s14, s12;
	[sflag:s0] =	ssyncadd.s32 @!p0 $0xFFFFC000;
	v11 =	vor.u32 $0x1, v7;
	v7 =	vadd.s32 v9, v16;
	v15 =	vor.u32 $0x4, v15  }
0x14a: {  	s31 =	sshll.u32 s29, $0x2;
	v7 =	vor.u32 $0x4, v7;
	v16 =	vadd.s32 v9, v4;
	v4 =	vadd.s32 v9, v14;
	v13 =	vld.idx.msk [tilespmem:v20+s28+$0x0], $0xffff  }
0x14b: {  	s30 =	simm.s32 $0x17FF0;
	s16 =	smin.u32 s31, $0x1E81;
	v10 =	vadd.s32 v5, v10;
	v5 =	vadd.s32 v5, v9;
	v4 =	vor.u32 $0x2, v4;
	v14 =	vld.idx.msk [tilespmem:v21+s28+$0x0], $0xffff  }
.LBB2_47:
0x14c: {  	s0 =	sadd.s32 $0x9, s18  }
0x14d: {  	s1 =	sadd.s32 $0xC, s18;
	s22 =	sadd.s32 $0xE, s18;
	v19 =	vor.u32 $0x3, v19;
	v12 =	vld.idx.msk [tilespmem:v12+s28+$0x0], $0xffff;
	v3 =	vadd.s32 v9, v3;
	s25 =	smov.u32 s18  }
0x14e: {  	s29 =	sadd.s32 $0xA, s18;
	s31 =	sadd.s32 $0xB, s18;
	v9 =	vor.u32 $0x1, v16;
	s22 =	sand.u32 $0x78, s22;
	v15 =	vld.idx.msk [tilespmem:v15+s28+$0x0], $0xffff;
	v16 =	vor.u32 $0x7, v3  }
0x14f: {  	v18 =	vor.u32 $0x5, v18;
	v17 =	vor.u32 $0x6, v17;
	s0 =	sand.u32 $0x78, s0;
	s31 =	sand.u32 $0x78, s31;
	s1 =	sand.u32 $0x78, s1;
	v3 =	vmov s22;
	v11 =	vld.idx.msk [tilespmem:v11+s28+$0x0], $0xffff  }
0x150: {  	s18 =	sadd.s32 $0x8, s18;
	v20 =	vmov s0;
	s0 =	sand.u32 $0x78, s29;
	v21 =	vmov s31;
	s22 =	sadd.s32 $0xF, s25;
	v3 =	vshrl.u32 v3, $0x3;
	v10 =	vld.idx.msk [tilespmem:v10+s28+$0x0], $0xffff  }
0x151: {  	p0 =	slt.u32 s18, $0x1F8;
	s29 =	sshrl.u32 s18, $0x7;
	v20 =	vshrl.u32 v20, $0x3;
	v21 =	vshrl.u32 v21, $0x3;
	s22 =	sand.u32 $0x78, s22;
	v3 =	vshll.u32 v3, v1;
	[tilespmem:s30+$0xFFFFFFB0] =	vst v13  }
0x152: {  	v13 =	vshll.u32 v21, v1;
	v21 =	vmov s1;
	v22 =	vmov s22;
	[tilespmem:s30+$0xFFFFFF70] =	vst v14;
	v8 =	vld.idx.msk [tilespmem:v8+s28+$0x0], $0xffff  }
0x153: {  	v14 =	vmov s29;
	v13 =	vbroadcast v13, $0x0;
	v22 =	vshrl.u32 v22, $0x3;
	v19 =	vld.idx.msk [tilespmem:v19+s28+$0x0], $0xffff;
	[tilespmem:s30+$0xFFFFFFF0] =	vst v12  }
0x154: {  	s1 =	sadd.s32 $0xD, s25;
	v12 =	vshll.u32 v20, v1;
	v20 =	vbroadcast v3, $0x0;
	v3 =	vshll.u32 v22, v1;
	[tilespmem:s30+$0xFFFFFF90] =	vst v15;
	v15 =	vld.idx.msk [tilespmem:v18+s28+$0x0], $0xffff  }
0x155: {  	v18 =	vbroadcast v12, $0x0;
	v12 =	vmov s0;
	s0 =	sand.u32 $0x78, s1;
	v3 =	vbroadcast v3, $0x0;
	[tilespmem:s30+$0xFFFFFF30] =	vst v11;
	v6 =	vld.idx.msk [tilespmem:v6+s28+$0x0], $0xffff  }
0x156: {  	v11 =	vmul.u32 $0x440, v14;
	v12 =	vshrl.u32 v12, $0x3;
	v14 =	vmov s0;
	[tilespmem:s30+$0xFFFFFF10] =	vst v10;
	v7 =	vld.idx.msk [tilespmem:v7+s28+$0x0], $0xffff  }
0x157: {  	v10 =	vshll.u32 v12, v1;
	v12 =	vshrl.u32 v21, $0x3;
	v14 =	vshrl.u32 v14, $0x3;
	v21 =	vld.idx.msk [tilespmem:v9+s28+$0x0], $0xffff  }
0x158: {  	s0 =	sand.u32 $0x78, s18;
	v9 =	vbroadcast v11, $0x0;
	v11 =	vshll.u32 v12, v1;
	v12 =	vshll.u32 v14, v1;
	v5 =	vld.idx.msk [tilespmem:v5+s28+$0x0], $0xffff;
	[tilespmem:s30+$0xFFFFFFD0] =	vst v8  }
0x159: {  	v14 =	vbroadcast v10, $0x0;
	v8 =	vmov s0;
	v22 =	vbroadcast v12, $0x0;
	[tilespmem:s30+$0xFFFFFF80] =	vst v19;
	v10 =	vld.idx.msk [tilespmem:v17+s28+$0x0], $0xffff  }
0x15a: {  	v8 =	vshrl.u32 v8, $0x3;
	v17 =	vadd.s32 v0, v9;
	v19 =	vbroadcast v11, $0x0;
	[tilespmem:s30+$0xFFFFFFC0] =	vst v15;
	v16 =	vld.idx.msk [tilespmem:v16+s28+$0x0], $0xffff  }
0x15b: {  	v9 =	vadd.s32 v2, v9;
	v11 =	vadd.s32 v17, v18;
	v12 =	vadd.s32 v17, v22;
	[tilespmem:s30+$0xFFFFFF50] =	vst v6  }
0x15c: {  	v15 =	vadd.s32 v17, v3;
	v6 =	vshll.u32 v8, v1;
	v8 =	vadd.s32 v17, v20;
	[tilespmem:s30+$0xFFFFFFA0] =	vst v7  }
0x15d: {  	v23 =	vadd.s32 v17, v13;
	v24 =	vor.u32 $0x5, v12;
	v7 =	vadd.s32 v17, v14;
	[tilespmem:s30+$0xFFFFFF40] =	vst v21;
	v21 =	vld.idx.msk [tilespmem:v4+s28+$0x0], $0xffff  }
0x15e: {  	v23 =	vor.u32 $0x3, v23;
	v12 =	vor.u32 $0x7, v15;
	v8 =	vor.u32 $0x6, v8;
	[tilespmem:s30+$0xFFFFFF20] =	vst v5  }
.Ltmp22:
0x15f: {  	v4 =	vbroadcast v6, $0x0;
	v6 =	vor.u32 $0x2, v7;
	v5 =	vadd.s32 v17, v19;
	[tilespmem:s30+$0xFFFFFFE0] =	vst v10;
	(pc) =	sbr.rel @p0 .LBB2_47-.Ltmp22, $4  }
0x160: {  	v11 =	vor.u32 $0x1, v11;
	v7 =	vadd.s32 v9, v19;
	v15 =	vor.u32 $0x4, v5;
	[tilespmem:s30+$0x0] =	vst v16  }
0x161: {  	v7 =	vor.u32 $0x4, v7;
	v10 =	vadd.s32 v4, v17;
	v5 =	vadd.s32 v4, v9  }
0x162: {  	v19 =	vadd.s32 v9, v13;
	v4 =	vadd.s32 v9, v14;
	v16 =	vadd.s32 v9, v18;
	v13 =	vld.idx.msk [tilespmem:v24+s28+$0x0], $0xffff  }
0x163: {  	v17 =	vadd.s32 v9, v20;
	v4 =	vor.u32 $0x2, v4;
	v18 =	vadd.s32 v9, v22;
	v14 =	vld.idx.msk [tilespmem:v23+s28+$0x0], $0xffff;
	[tilespmem:s30+$0xFFFFFF60] =	vst v21;
	s30 =	sadd.s32 $0x100, s30  }
0x164: {  	_ =	sdelay $0x3  }
0x165: {  	v12 =	vld.idx.msk [tilespmem:v12+s28+$0x0], $0xffff  }
0x166: {  	v19 =	vor.u32 $0x3, v19;
	v15 =	vld.idx.msk [tilespmem:v15+s28+$0x0], $0xffff  }
0x167: {  	v18 =	vor.u32 $0x5, v18;
	v11 =	vld.idx.msk [tilespmem:v11+s28+$0x0], $0xffff  }
0x168: {  	v10 =	vld.idx.msk [tilespmem:v10+s28+$0x0], $0xffff;
	[tilespmem:s30+$0xFFFFFFB0] =	vst v13  }
0x169: {  	v60 =	vor.u32 $0x1, v16;
	v8 =	vld.idx.msk [tilespmem:v8+s28+$0x0], $0xffff;
	[tilespmem:s30+$0xFFFFFF70] =	vst v14  }
0x16a: {  	v6 =	vld.idx.msk [tilespmem:v6+s28+$0x0], $0xffff;
	[tilespmem:s30+$0xFFFFFFF0] =	vst v12  }
0x16b: {  	v3 =	vadd.s32 v9, v3;
	v61 =	vor.u32 $0x6, v17;
	v14 =	vld.idx.msk [tilespmem:v19+s28+$0x0], $0xffff;
	[tilespmem:s30+$0xFFFFFF90] =	vst v15  }
0x16c: {  	v3 =	vor.u32 $0x7, v3;
	v62 =	vld.idx.msk [tilespmem:v18+s28+$0x0], $0xffff;
	[tilespmem:s30+$0xFFFFFF30] =	vst v11  }
0x16d: {  	[tilespmem:s30+$0xFFFFFF10] =	vst v10;
	v7 =	vld.idx.msk [tilespmem:v7+s28+$0x0], $0xffff  }
0x16e: {  	[tilespmem:s30+$0xFFFFFFD0] =	vst v8;
	v63 =	vld.idx.msk [tilespmem:v60+s28+$0x0], $0xffff  }
0x16f: {  	[tilespmem:s30+$0xFFFFFF50] =	vst v6;
	v5 =	vld.idx.msk [tilespmem:v5+s28+$0x0], $0xffff  }
0x170: {  	v8 =	vld.idx.msk [tilespmem:v61+s28+$0x0], $0xffff;
	[tilespmem:s30+$0xFFFFFF80] =	vst v14  }
0x171: {  	v3 =	vld.idx.msk [tilespmem:v3+s28+$0x0], $0xffff;
	[tilespmem:s30+$0xFFFFFFC0] =	vst v62  }
0x172: {  	s0 =	sadd.s32 s14, s15;
	v4 =	vld.idx.msk [tilespmem:v4+s28+$0x0], $0xffff;
	[tilespmem:s30+$0xFFFFFFA0] =	vst v7  }
0x173: {  	s0 =	sshll.u32 s0, $0x2;
	[tilespmem:s30+$0xFFFFFF40] =	vst v63  }
0x174: {  	s0 =	smin.u32 s0, $0x1E81;
	[tilespmem:s30+$0xFFFFFF20] =	vst v5  }
0x175: {  	s0 =	sshll.u32 s0, $0x7;
	[tilespmem:s30+$0xFFFFFFE0] =	vst v8  }
0x176: {  	s18 =	simm.s32 $0xAA00;
	s14 =	sadd.s32 s3, s0;
	[tilespmem:s30+$0x0] =	vst v3  }
0x177: {  	s1 =	simm.s32 $0xAA88;
	s0 =	simm.s32 $0x10;
	s22 =	sadd.s32 $0x0, s14;
	[tilespmem:s30+$0xFFFFFF60] =	vst v4  }
.LBB2_49:
0x178: {  	[tilespmem:s18], [sflag:$0x3] =	stream.linear.gather [hbm4b:s22+s2], $0x80, $0x38;
	[tilespmem:$0x1BF00] =	vst v63  }
0x179: {  	s22 =	smov.u32 s0;
	s18 =	smov.u32 s1;
	p0 =	sne.s32 s0, $0x1F0  }
.Ltmp23:
0x17a: {  	s0 =	sadd.s32 $0x10, s0;
	(pc) =	sbr.rel @p0 .LBB2_49-.Ltmp23, $2  }
0x17b: {  	_ =	sdelay $0x2  }
0x17c: {  	s1 =	sadd.s32 $0x88, s1;
	s22 =	sadd.s32 s22, s14  }
0x17d: {  	[tilespmem:s18], [sflag:$0x3] =	stream.linear.gather [hbm4b:s22+s2], $0x80, $0x38;
	[tilespmem:$0x1BF00] =	vst v63  }
0x17e: {  	s18 =	sadd.s32 $0xF4280, s14;
	s30 =	simm.s32 $0xBF40  }
0x17f: {  	s0 =	simm.s32 $0x10;
	s1 =	simm.s32 $0xBFC8;
	s22 =	sadd.s32 $0x0, s18  }
.LBB2_51:
0x180: {  	[tilespmem:s30], [sflag:$0x3] =	stream.linear.gather [hbm4b:s22+s2], $0x80, $0x38;
	[tilespmem:$0x1BF00] =	vst v63  }
0x181: {  	s22 =	smov.u32 s0;
	s30 =	smov.u32 s1;
	p0 =	sne.s32 s0, $0x1F0  }
.Ltmp24:
0x182: {  	s0 =	sadd.s32 $0x10, s0;
	(pc) =	sbr.rel @p0 .LBB2_51-.Ltmp24, $2  }
0x183: {  	_ =	sdelay $0x2  }
0x184: {  	s1 =	sadd.s32 $0x88, s1;
	s22 =	sadd.s32 s22, s18  }
0x185: {  	[tilespmem:s30], [sflag:$0x3] =	stream.linear.gather [hbm4b:s22+s2], $0x80, $0x38;
	[tilespmem:$0x1BF00] =	vst v63  }
0x186: {  	s18 =	sadd.s32 $0x1E8500, s14;
	s30 =	simm.s32 $0xD480  }
0x187: {  	s0 =	simm.s32 $0x10;
	s1 =	simm.s32 $0xD508;
	s22 =	sadd.s32 $0x0, s18  }
.LBB2_53:
0x188: {  	[tilespmem:s30], [sflag:$0x3] =	stream.linear.gather [hbm4b:s22+s2], $0x80, $0x38;
	[tilespmem:$0x1BF00] =	vst v63  }
0x189: {  	s22 =	smov.u32 s0;
	s30 =	smov.u32 s1;
	p0 =	sne.s32 s0, $0x1F0  }
.Ltmp25:
0x18a: {  	s0 =	sadd.s32 $0x10, s0;
	(pc) =	sbr.rel @p0 .LBB2_53-.Ltmp25, $2  }
0x18b: {  	_ =	sdelay $0x2  }
0x18c: {  	s1 =	sadd.s32 $0x88, s1;
	s22 =	sadd.s32 s22, s18  }
0x18d: {  	[tilespmem:s30], [sflag:$0x3] =	stream.linear.gather [hbm4b:s22+s2], $0x80, $0x38;
	[tilespmem:$0x1BF00] =	vst v63  }
0x18e: {  	s14 =	sadd.s32 $0x2DC780, s14;
	s18 =	simm.s32 $0xE9C0  }
0x18f: {  	s0 =	simm.s32 $0x10;
	s1 =	simm.s32 $0xEA48;
	s22 =	sadd.s32 $0x0, s14  }
.LBB2_55:
0x190: {  	[tilespmem:s18], [sflag:$0x3] =	stream.linear.gather [hbm4b:s22+s2], $0x80, $0x38;
	[tilespmem:$0x1BF00] =	vst v63  }
0x191: {  	s22 =	smov.u32 s0;
	s18 =	smov.u32 s1;
	p0 =	sne.s32 s0, $0x1F0  }
.Ltmp26:
0x192: {  	s0 =	sadd.s32 $0x10, s0;
	(pc) =	sbr.rel @p0 .LBB2_55-.Ltmp26, $2  }
0x193: {  	_ =	sdelay $0x2  }
0x194: {  	s1 =	sadd.s32 $0x88, s1;
	s22 =	sadd.s32 s22, s14  }
0x195: {  	s13 =	sadd.s32 $0x1, s13  }
0x196: {  	p0 =	sne.s32 s13, $0x14  }
.Ltmp27:
0x197: {  	_ = 	snop;
	(pc) =	sbr.rel @p0 .LBB2_26-.Ltmp27, $4  }
0x198: {  	[tilespmem:s18], [sflag:$0x3] =	stream.linear.gather [hbm4b:s22+s2], $0x80, $0x38;
	[tilespmem:$0x1BF00] =	vst v63  }
0x199: {  	s0 =	sshll.u32 s16, $0x9  }
0x19a: {  	s1 =	simm.s32 $0x17F00;
	s0 =	sadd.s32 s4, s0  }
0x19b: {  	[hbm4b:s0+s2] =	stream.linear.scatter [tilespmem:s1], [sflag:$0x6], $0x4000, $0x38;
	[tilespmem:$0x1BF00] =	vst v63  }
0x19c: {  	s0 =	simm.s32 $0x6  }
0x19d: {  	s1 =	simm.s32 $0x1;
	s13 =	simm.s32 $0x3;
	s18 =	simm.s32 $0x0  }
0x19e: {  	s0 =	sand.u32 $0x78, s0;
	s1 =	sand.u32 $0x78, s1;
	s13 =	sand.u32 $0x78, s13;
	v8 =	vmov s18  }
0x19f: {  	s14 =	simm.s32 $0x4;
	s16 =	simm.s32 $0x7;
	v3 =	vmov s0;
	v4 =	vmov s1;
	v5 =	vmov s13  }
0x1a0: {  	s0 =	sand.u32 $0x78, s14;
	s1 =	sand.u32 $0x78, s16;
	v3 =	vshrl.u32 v3, $0x3;
	v4 =	vshrl.u32 v4, $0x3;
	v5 =	vshrl.u32 v5, $0x3  }
0x1a1: {  	v6 =	vmov s0;
	v7 =	vmov s1;
	v3 =	vshll.u32 v3, v1  }
0x1a2: {  	s25 =	simm.s32 $0x5;
	v5 =	vshll.u32 v5, v1;
	v4 =	vshll.u32 v4, v1;
	v6 =	vshrl.u32 v6, $0x3  }
0x1a3: {  	s22 =	simm.s32 $0x2;
	s30 =	sand.u32 $0x78, s25;
	v12 =	vbroadcast v5, $0x0;
	v5 =	vshrl.u32 v7, $0x3;
	v16 =	vbroadcast v3, $0x0  }
0x1a4: {  	s0 =	sand.u32 $0x78, s22;
	v13 =	vbroadcast v4, $0x0;
	v7 =	vmov s30;
	v6 =	vshll.u32 v6, v1  }
0x1a5: {  	s14 =	simm.s32 $0x0;
	v3 =	vshll.u32 v5, v1;
	v5 =	vmov s0;
	v7 =	vshrl.u32 v7, $0x3  }
0x1a6: {  	s31 =	sand.u32 $0x78, s14;
	v4 =	vbroadcast v3, $0x0;
	v3 =	vmul.u32 $0x440, v8;
	v5 =	vshrl.u32 v5, $0x3  }
0x1a7: {  	v7 =	vshll.u32 v7, v1;
	v8 =	vmov s31;
	v5 =	vshll.u32 v5, v1  }
0x1a8: {  	v3 =	vbroadcast v3, $0x0;
	v18 =	vbroadcast v5, $0x0;
	v5 =	vshrl.u32 v8, $0x3  }
0x1a9: {  	v10 =	vbroadcast v6, $0x0;
	v20 =	vbroadcast v7, $0x0;
	v5 =	vshll.u32 v5, v1  }
0x1aa: {  	v7 =	vadd.s32 v0, v3;
	v9 =	vadd.s32 v2, v3;
	v5 =	vbroadcast v5, $0x0  }
0x1ab: {  	_ =	swait.ge [sflag:s21], $0x4000;
	v3 =	vadd.s32 v7, v13;
	v6 =	vadd.s32 v7, v20;
	v8 =	vadd.s32 v7, v16  }
0x1ac: {  	[sflag:s21] =	ssyncset.done $0x0;
	v11 =	vadd.s32 v7, v4;
	v14 =	vadd.s32 v7, v12;
	v21 =	vor.u32 $0x5, v6  }
0x1ad: {  	s29 =	simm.s32 $0x4;
	[sflag:s21] =	ssyncadd.s32 $0xFFFFC000;
	v15 =	vadd.s32 v7, v18;
	v17 =	vadd.s32 v9, v13;
	v22 =	vor.u32 $0x3, v14  }
0x1ae: {  	_ =	swait.ge [sflag:s29], $0x4000;
	v19 =	vadd.s32 v9, v12;
	v16 =	vadd.s32 v9, v16;
	v8 =	vor.u32 $0x6, v8  }
0x1af: {  	[sflag:s29] =	ssyncset.done $0x0;
	v14 =	vor.u32 $0x7, v11;
	v6 =	vor.u32 $0x2, v15;
	v15 =	vadd.s32 v7, v10  }
0x1b0: {  	[sflag:s29] =	ssyncadd.s32 $0xFFFFC000;
	v11 =	vor.u32 $0x1, v3;
	v3 =	vadd.s32 v9, v10;
	v15 =	vor.u32 $0x4, v15  }
0x1b1: {  	v10 =	vadd.s32 v5, v7;
	v7 =	vor.u32 $0x4, v3;
	v3 =	vadd.s32 v9, v18;
	v13 =	vld.idx.msk [tilespmem:v21+s2+$0x0], $0xffff  }
0x1b2: {  	s13 =	simm.s32 $0xFF80;
	v5 =	vadd.s32 v5, v9;
	v18 =	vadd.s32 v9, v20;
	v3 =	vor.u32 $0x2, v3;
	v12 =	vld.idx.msk [tilespmem:v22+s2+$0x0], $0xffff  }
.LBB2_58:
0x1b3: {  	s0 =	sadd.s32 $0x9, s14  }
0x1b4: {  	s1 =	sadd.s32 $0xC, s14;
	s16 =	sadd.s32 $0xE, s14;
	v19 =	vor.u32 $0x3, v19;
	v14 =	vld.idx.msk [tilespmem:v14+s2+$0x0], $0xffff;
	v4 =	vadd.s32 v9, v4;
	s18 =	smov.u32 s14  }
0x1b5: {  	s22 =	sadd.s32 $0xA, s14;
	s25 =	sadd.s32 $0xB, s14;
	v9 =	vor.u32 $0x1, v17;
	s16 =	sand.u32 $0x78, s16;
	v15 =	vld.idx.msk [tilespmem:v15+s2+$0x0], $0xffff;
	v17 =	vor.u32 $0x7, v4  }
0x1b6: {  	v18 =	vor.u32 $0x5, v18;
	v16 =	vor.u32 $0x6, v16;
	s0 =	sand.u32 $0x78, s0;
	s25 =	sand.u32 $0x78, s25;
	s1 =	sand.u32 $0x78, s1;
	v4 =	vmov s16;
	v11 =	vld.idx.msk [tilespmem:v11+s2+$0x0], $0xffff  }
0x1b7: {  	s14 =	sadd.s32 $0x8, s14;
	v20 =	vmov s0;
	s0 =	sand.u32 $0x78, s22;
	v21 =	vmov s25;
	s16 =	sadd.s32 $0xF, s18;
	v4 =	vshrl.u32 v4, $0x3;
	v10 =	vld.idx.msk [tilespmem:v10+s2+$0x0], $0xffff  }
0x1b8: {  	p0 =	slt.u32 s14, $0x1F8;
	s22 =	sshrl.u32 s14, $0x7;
	v20 =	vshrl.u32 v20, $0x3;
	v21 =	vshrl.u32 v21, $0x3;
	s16 =	sand.u32 $0x78, s16;
	v4 =	vshll.u32 v4, v1;
	[tilespmem:s13+$0x20] =	vst v13  }
0x1b9: {  	v13 =	vshll.u32 v21, v1;
	v21 =	vmov s1;
	v22 =	vmov s16;
	[tilespmem:s13+$0xFFFFFFE0] =	vst v12;
	v8 =	vld.idx.msk [tilespmem:v8+s2+$0x0], $0xffff  }
0x1ba: {  	v12 =	vmov s22;
	v13 =	vbroadcast v13, $0x0;
	v22 =	vshrl.u32 v22, $0x3;
	v19 =	vld.idx.msk [tilespmem:v19+s2+$0x0], $0xffff;
	[tilespmem:s13+$0x60] =	vst v14  }
0x1bb: {  	s1 =	sadd.s32 $0xD, s18;
	v14 =	vshll.u32 v20, v1;
	v20 =	vbroadcast v4, $0x0;
	v4 =	vshll.u32 v22, v1;
	[tilespmem:s13+$0x0] =	vst v15;
	v15 =	vld.idx.msk [tilespmem:v18+s2+$0x0], $0xffff  }
0x1bc: {  	v18 =	vbroadcast v14, $0x0;
	v14 =	vmov s0;
	s0 =	sand.u32 $0x78, s1;
	v4 =	vbroadcast v4, $0x0;
	[tilespmem:s13+$0xFFFFFFA0] =	vst v11;
	v6 =	vld.idx.msk [tilespmem:v6+s2+$0x0], $0xffff  }
0x1bd: {  	v11 =	vmul.u32 $0x440, v12;
	v12 =	vshrl.u32 v14, $0x3;
	v14 =	vmov s0;
	[tilespmem:s13+$0xFFFFFF80] =	vst v10;
	v7 =	vld.idx.msk [tilespmem:v7+s2+$0x0], $0xffff  }
0x1be: {  	v10 =	vshll.u32 v12, v1;
	v12 =	vshrl.u32 v21, $0x3;
	v14 =	vshrl.u32 v14, $0x3;
	v21 =	vld.idx.msk [tilespmem:v9+s2+$0x0], $0xffff  }
0x1bf: {  	s0 =	sand.u32 $0x78, s14;
	v9 =	vbroadcast v11, $0x0;
	v11 =	vshll.u32 v12, v1;
	v12 =	vshll.u32 v14, v1;
	v5 =	vld.idx.msk [tilespmem:v5+s2+$0x0], $0xffff;
	[tilespmem:s13+$0x40] =	vst v8  }
0x1c0: {  	v22 =	vbroadcast v10, $0x0;
	v8 =	vmov s0;
	v23 =	vbroadcast v12, $0x0;
	[tilespmem:s13+$0xFFFFFFF0] =	vst v19;
	v10 =	vld.idx.msk [tilespmem:v16+s2+$0x0], $0xffff  }
0x1c1: {  	v8 =	vshrl.u32 v8, $0x3;
	v12 =	vadd.s32 v0, v9;
	v16 =	vbroadcast v11, $0x0;
	[tilespmem:s13+$0x30] =	vst v15;
	v17 =	vld.idx.msk [tilespmem:v17+s2+$0x0], $0xffff  }
0x1c2: {  	v9 =	vadd.s32 v2, v9;
	v11 =	vadd.s32 v12, v18;
	v14 =	vadd.s32 v12, v23;
	[tilespmem:s13+$0xFFFFFFC0] =	vst v6  }
0x1c3: {  	v15 =	vadd.s32 v12, v4;
	v6 =	vshll.u32 v8, v1;
	v8 =	vadd.s32 v12, v20;
	[tilespmem:s13+$0x10] =	vst v7  }
0x1c4: {  	v19 =	vadd.s32 v12, v13;
	v24 =	vor.u32 $0x5, v14;
	v7 =	vadd.s32 v12, v22;
	[tilespmem:s13+$0xFFFFFFB0] =	vst v21;
	v21 =	vld.idx.msk [tilespmem:v3+s2+$0x0], $0xffff  }
0x1c5: {  	v25 =	vor.u32 $0x3, v19;
	v14 =	vor.u32 $0x7, v15;
	v8 =	vor.u32 $0x6, v8;
	[tilespmem:s13+$0xFFFFFF90] =	vst v5  }
.Ltmp28:
0x1c6: {  	v3 =	vbroadcast v6, $0x0;
	v6 =	vor.u32 $0x2, v7;
	v5 =	vadd.s32 v12, v16;
	[tilespmem:s13+$0x50] =	vst v10;
	(pc) =	sbr.rel @p0 .LBB2_58-.Ltmp28, $4  }
0x1c7: {  	v11 =	vor.u32 $0x1, v11;
	v7 =	vadd.s32 v9, v16;
	v15 =	vor.u32 $0x4, v5;
	[tilespmem:s13+$0x70] =	vst v17  }
0x1c8: {  	v7 =	vor.u32 $0x4, v7;
	v10 =	vadd.s32 v3, v12;
	v5 =	vadd.s32 v3, v9  }
0x1c9: {  	v19 =	vadd.s32 v9, v13;
	v3 =	vadd.s32 v9, v22;
	v17 =	vadd.s32 v9, v18;
	v13 =	vld.idx.msk [tilespmem:v24+s2+$0x0], $0xffff  }
0x1ca: {  	v16 =	vadd.s32 v9, v20;
	v3 =	vor.u32 $0x2, v3;
	v18 =	vadd.s32 v9, v23;
	v12 =	vld.idx.msk [tilespmem:v25+s2+$0x0], $0xffff;
	[tilespmem:s13+$0xFFFFFFD0] =	vst v21;
	s13 =	sadd.s32 $0x100, s13  }
0x1cb: {  	_ =	sdelay $0x3  }
0x1cc: {  	v14 =	vld.idx.msk [tilespmem:v14+s2+$0x0], $0xffff  }
0x1cd: {  	v19 =	vor.u32 $0x3, v19;
	v15 =	vld.idx.msk [tilespmem:v15+s2+$0x0], $0xffff  }
0x1ce: {  	v18 =	vor.u32 $0x5, v18;
	v11 =	vld.idx.msk [tilespmem:v11+s2+$0x0], $0xffff  }
0x1cf: {  	v10 =	vld.idx.msk [tilespmem:v10+s2+$0x0], $0xffff;
	[tilespmem:s13+$0x20] =	vst v13  }
0x1d0: {  	v8 =	vld.idx.msk [tilespmem:v8+s2+$0x0], $0xffff;
	[tilespmem:s13+$0xFFFFFFE0] =	vst v12  }
0x1d1: {  	v4 =	vadd.s32 v9, v4;
	v9 =	vor.u32 $0x6, v16;
	v6 =	vld.idx.msk [tilespmem:v6+s2+$0x0], $0xffff;
	[tilespmem:s13+$0x60] =	vst v14  }
0x1d2: {  	v12 =	vld.idx.msk [tilespmem:v19+s2+$0x0], $0xffff;
	[tilespmem:s13+$0x0] =	vst v15  }
0x1d3: {  	s1 =	simm.s32 $0x1;
	s14 =	simm.s32 $0x3;
	v13 =	vor.u32 $0x1, v17;
	v14 =	vld.idx.msk [tilespmem:v18+s2+$0x0], $0xffff;
	[tilespmem:s13+$0xFFFFFFA0] =	vst v11  }
0x1d4: {  	s0 =	simm.s32 $0x6;
	v4 =	vor.u32 $0x7, v4;
	s1 =	sand.u32 $0x78, s1;
	s14 =	sand.u32 $0x78, s14;
	[tilespmem:s13+$0xFFFFFF80] =	vst v10;
	v7 =	vld.idx.msk [tilespmem:v7+s2+$0x0], $0xffff  }
0x1d5: {  	s0 =	sand.u32 $0x78, s0;
	v10 =	vmov s1;
	v15 =	vmov s14;
	[tilespmem:s13+$0x40] =	vst v8;
	v5 =	vld.idx.msk [tilespmem:v5+s2+$0x0], $0xffff  }
0x1d6: {  	s25 =	simm.s32 $0x7;
	v11 =	vmov s0;
	[tilespmem:s13+$0xFFFFFFC0] =	vst v6;
	v8 =	vshrl.u32 v10, $0x3;
	v10 =	vshrl.u32 v15, $0x3;
	v9 =	vld.idx.msk [tilespmem:v9+s2+$0x0], $0xffff  }
0x1d7: {  	s1 =	sand.u32 $0x78, s25;
	v11 =	vshrl.u32 v11, $0x3;
	v3 =	vld.idx.msk [tilespmem:v3+s2+$0x0], $0xffff;
	v10 =	vshll.u32 v10, v1  }
0x1d8: {  	s16 =	simm.s32 $0x5;
	v15 =	vmov s1;
	v11 =	vshll.u32 v11, v1;
	v13 =	vld.idx.msk [tilespmem:v13+s2+$0x0], $0xffff;
	v16 =	vbroadcast v10, $0x0;
	[tilespmem:s13+$0xFFFFFFF0] =	vst v12  }
0x1d9: {  	s22 =	simm.s32 $0x4;
	s18 =	sand.u32 $0x78, s16;
	v10 =	vshrl.u32 v15, $0x3;
	v15 =	vld.idx.msk [tilespmem:v4+s2+$0x0], $0xffff;
	v4 =	vshll.u32 v8, v1;
	v20 =	vbroadcast v11, $0x0;
	[tilespmem:s13+$0x30] =	vst v14  }
0x1da: {  	s31 =	simm.s32 $0x0;
	s0 =	sand.u32 $0x78, s22;
	s1 =	simm.s32 $0x2;
	v8 =	vmov s18;
	v6 =	vshll.u32 v10, v1;
	v17 =	vbroadcast v4, $0x0;
	[tilespmem:s13+$0x10] =	vst v7  }
0x1db: {  	s14 =	simm.s32 $0x0;
	v8 =	vshrl.u32 v8, $0x3;
	v12 =	vmov s0;
	v14 =	vmov s31;
	s0 =	sand.u32 $0x78, s1;
	[tilespmem:s13+$0xFFFFFF90] =	vst v5  }
0x1dc: {  	s22 =	sand.u32 $0x78, s14;
	v4 =	vbroadcast v6, $0x0;
	v8 =	vshll.u32 v8, v1;
	v7 =	vmov s0;
	[tilespmem:s13+$0x50] =	vst v9  }
0x1dd: {  	v6 =	vmul.u32 $0x440, v14;
	v9 =	vmov s22;
	[tilespmem:s13+$0xFFFFFFD0] =	vst v3;
	v7 =	vshrl.u32 v7, $0x3  }
0x1de: {  	v18 =	vbroadcast v8, $0x0;
	v3 =	vshrl.u32 v9, $0x3;
	[tilespmem:s13+$0xFFFFFFB0] =	vst v13;
	v5 =	vshll.u32 v7, v1  }
0x1df: {  	v7 =	vshrl.u32 v12, $0x3;
	v6 =	vbroadcast v6, $0x0;
	[tilespmem:s13+$0x70] =	vst v15;
	v3 =	vshll.u32 v3, v1  }
0x1e0: {  	s31 =	simm.s32 $0xFF00;
	v7 =	vshll.u32 v7, v1;
	v12 =	vbroadcast v5, $0x0;
	s25 =	rddreg [dreg:$0x2];
	v3 =	vbroadcast v3, $0x0  }
0x1e1: {  	v5 =	vadd.s32 v0, v6;
	v7 =	vbroadcast v7, $0x0;
	[hbm4b:s25+s2] =	stream.linear.scatter [tilespmem:s31], [sflag:$0x4], $0x4000, $0x38;
	v9 =	vadd.s32 v2, v6;
	[tilespmem:$0x1BF00] =	vst v63  }
0x1e2: {  	v10 =	vadd.s32 v5, v17;
	v6 =	vadd.s32 v5, v18;
	_ =	swait.ge [sflag:s23], $0x4000;
	v8 =	vadd.s32 v5, v20  }
0x1e3: {  	v11 =	vadd.s32 v5, v4;
	v14 =	vadd.s32 v5, v16;
	[sflag:s23] =	ssyncset.done $0x0;
	v21 =	vor.u32 $0x5, v6  }
0x1e4: {  	s30 =	simm.s32 $0x5;
	v13 =	vadd.s32 v5, v12;
	v17 =	vadd.s32 v9, v17;
	v22 =	vor.u32 $0x3, v14;
	[sflag:s23] =	ssyncadd.s32 $0xFFFFC000  }
0x1e5: {  	v19 =	vadd.s32 v9, v16;
	v18 =	vadd.s32 v9, v18;
	v16 =	vadd.s32 v9, v20;
	_ =	swait.ge [sflag:s30], $0x4000  }
0x1e6: {  	v14 =	vor.u32 $0x7, v11;
	v6 =	vor.u32 $0x2, v13;
	v13 =	vadd.s32 v5, v7;
	[sflag:s30] =	ssyncset.done $0x0  }
0x1e7: {  	v11 =	vor.u32 $0x1, v10;
	v7 =	vadd.s32 v9, v7;
	v15 =	vor.u32 $0x4, v13;
	[sflag:s30] =	ssyncadd.s32 $0xFFFFC000  }
0x1e8: {  	v10 =	vadd.s32 v3, v5;
	v5 =	vadd.s32 v3, v9;
	v3 =	vadd.s32 v9, v12;
	v13 =	vld.idx.msk [tilespmem:v21+s24+$0x0], $0xffff  }
0x1e9: {  	s13 =	simm.s32 $0x13FF0;
	v8 =	vor.u32 $0x6, v8;
	v7 =	vor.u32 $0x4, v7;
	v3 =	vor.u32 $0x2, v3;
	v12 =	vld.idx.msk [tilespmem:v22+s24+$0x0], $0xffff  }
.LBB2_60:
0x1ea: {  	s0 =	sadd.s32 $0x9, s14  }
0x1eb: {  	s1 =	sadd.s32 $0xC, s14;
	s16 =	sadd.s32 $0xE, s14;
	v19 =	vor.u32 $0x3, v19;
	v14 =	vld.idx.msk [tilespmem:v14+s24+$0x0], $0xffff;
	v4 =	vadd.s32 v9, v4;
	s18 =	smov.u32 s14  }
0x1ec: {  	s22 =	sadd.s32 $0xA, s14;
	s25 =	sadd.s32 $0xB, s14;
	v9 =	vor.u32 $0x1, v17;
	s16 =	sand.u32 $0x78, s16;
	v15 =	vld.idx.msk [tilespmem:v15+s24+$0x0], $0xffff;
	v17 =	vor.u32 $0x7, v4  }
0x1ed: {  	v18 =	vor.u32 $0x5, v18;
	v16 =	vor.u32 $0x6, v16;
	s0 =	sand.u32 $0x78, s0;
	s25 =	sand.u32 $0x78, s25;
	s1 =	sand.u32 $0x78, s1;
	v4 =	vmov s16;
	v11 =	vld.idx.msk [tilespmem:v11+s24+$0x0], $0xffff  }
0x1ee: {  	s14 =	sadd.s32 $0x8, s14;
	v20 =	vmov s0;
	s0 =	sand.u32 $0x78, s22;
	v21 =	vmov s25;
	s16 =	sadd.s32 $0xF, s18;
	v4 =	vshrl.u32 v4, $0x3;
	v10 =	vld.idx.msk [tilespmem:v10+s24+$0x0], $0xffff  }
0x1ef: {  	p0 =	slt.u32 s14, $0x1F8;
	s22 =	sshrl.u32 s14, $0x7;
	v20 =	vshrl.u32 v20, $0x3;
	v21 =	vshrl.u32 v21, $0x3;
	s16 =	sand.u32 $0x78, s16;
	v4 =	vshll.u32 v4, v1;
	[tilespmem:s13+$0xFFFFFFB0] =	vst v13  }
0x1f0: {  	v13 =	vshll.u32 v21, v1;
	v21 =	vmov s1;
	v22 =	vmov s16;
	[tilespmem:s13+$0xFFFFFF70] =	vst v12;
	v8 =	vld.idx.msk [tilespmem:v8+s24+$0x0], $0xffff  }
0x1f1: {  	v12 =	vmov s22;
	v13 =	vbroadcast v13, $0x0;
	v22 =	vshrl.u32 v22, $0x3;
	v19 =	vld.idx.msk [tilespmem:v19+s24+$0x0], $0xffff;
	[tilespmem:s13+$0xFFFFFFF0] =	vst v14  }
0x1f2: {  	s1 =	sadd.s32 $0xD, s18;
	v14 =	vshll.u32 v20, v1;
	v20 =	vbroadcast v4, $0x0;
	v4 =	vshll.u32 v22, v1;
	[tilespmem:s13+$0xFFFFFF90] =	vst v15;
	v15 =	vld.idx.msk [tilespmem:v18+s24+$0x0], $0xffff  }
0x1f3: {  	v18 =	vbroadcast v14, $0x0;
	v14 =	vmov s0;
	s0 =	sand.u32 $0x78, s1;
	v4 =	vbroadcast v4, $0x0;
	[tilespmem:s13+$0xFFFFFF30] =	vst v11;
	v6 =	vld.idx.msk [tilespmem:v6+s24+$0x0], $0xffff  }
0x1f4: {  	v11 =	vmul.u32 $0x440, v12;
	v12 =	vshrl.u32 v14, $0x3;
	v14 =	vmov s0;
	[tilespmem:s13+$0xFFFFFF10] =	vst v10;
	v7 =	vld.idx.msk [tilespmem:v7+s24+$0x0], $0xffff  }
0x1f5: {  	v10 =	vshll.u32 v12, v1;
	v12 =	vshrl.u32 v21, $0x3;
	v14 =	vshrl.u32 v14, $0x3;
	v21 =	vld.idx.msk [tilespmem:v9+s24+$0x0], $0xffff  }
0x1f6: {  	s0 =	sand.u32 $0x78, s14;
	v9 =	vbroadcast v11, $0x0;
	v11 =	vshll.u32 v12, v1;
	v12 =	vshll.u32 v14, v1;
	v5 =	vld.idx.msk [tilespmem:v5+s24+$0x0], $0xffff;
	[tilespmem:s13+$0xFFFFFFD0] =	vst v8  }
0x1f7: {  	v22 =	vbroadcast v10, $0x0;
	v8 =	vmov s0;
	v23 =	vbroadcast v12, $0x0;
	[tilespmem:s13+$0xFFFFFF80] =	vst v19;
	v10 =	vld.idx.msk [tilespmem:v16+s24+$0x0], $0xffff  }
0x1f8: {  	v8 =	vshrl.u32 v8, $0x3;
	v12 =	vadd.s32 v0, v9;
	v16 =	vbroadcast v11, $0x0;
	[tilespmem:s13+$0xFFFFFFC0] =	vst v15;
	v17 =	vld.idx.msk [tilespmem:v17+s24+$0x0], $0xffff  }
0x1f9: {  	v9 =	vadd.s32 v2, v9;
	v11 =	vadd.s32 v12, v18;
	v14 =	vadd.s32 v12, v23;
	[tilespmem:s13+$0xFFFFFF50] =	vst v6  }
0x1fa: {  	v15 =	vadd.s32 v12, v4;
	v6 =	vshll.u32 v8, v1;
	v8 =	vadd.s32 v12, v20;
	[tilespmem:s13+$0xFFFFFFA0] =	vst v7  }
0x1fb: {  	v19 =	vadd.s32 v12, v13;
	v24 =	vor.u32 $0x5, v14;
	v7 =	vadd.s32 v12, v22;
	[tilespmem:s13+$0xFFFFFF40] =	vst v21;
	v21 =	vld.idx.msk [tilespmem:v3+s24+$0x0], $0xffff  }
0x1fc: {  	v25 =	vor.u32 $0x3, v19;
	v14 =	vor.u32 $0x7, v15;
	v8 =	vor.u32 $0x6, v8;
	[tilespmem:s13+$0xFFFFFF20] =	vst v5  }
.Ltmp29:
0x1fd: {  	v3 =	vbroadcast v6, $0x0;
	v6 =	vor.u32 $0x2, v7;
	v5 =	vadd.s32 v12, v16;
	[tilespmem:s13+$0xFFFFFFE0] =	vst v10;
	(pc) =	sbr.rel @p0 .LBB2_60-.Ltmp29, $4  }
0x1fe: {  	v11 =	vor.u32 $0x1, v11;
	v7 =	vadd.s32 v9, v16;
	v15 =	vor.u32 $0x4, v5;
	[tilespmem:s13+$0x0] =	vst v17  }
0x1ff: {  	v7 =	vor.u32 $0x4, v7;
	v10 =	vadd.s32 v3, v12;
	v5 =	vadd.s32 v3, v9  }
0x200: {  	v19 =	vadd.s32 v9, v13;
	v3 =	vadd.s32 v9, v22;
	v17 =	vadd.s32 v9, v18;
	v13 =	vld.idx.msk [tilespmem:v24+s24+$0x0], $0xffff  }
0x201: {  	v16 =	vadd.s32 v9, v20;
	v3 =	vor.u32 $0x2, v3;
	v18 =	vadd.s32 v9, v23;
	v12 =	vld.idx.msk [tilespmem:v25+s24+$0x0], $0xffff;
	[tilespmem:s13+$0xFFFFFF60] =	vst v21;
	s13 =	sadd.s32 $0x100, s13  }
0x202: {  	_ =	sdelay $0x3  }
0x203: {  	v14 =	vld.idx.msk [tilespmem:v14+s24+$0x0], $0xffff  }
0x204: {  	v19 =	vor.u32 $0x3, v19;
	v15 =	vld.idx.msk [tilespmem:v15+s24+$0x0], $0xffff  }
0x205: {  	v18 =	vor.u32 $0x5, v18;
	v11 =	vld.idx.msk [tilespmem:v11+s24+$0x0], $0xffff  }
0x206: {  	v10 =	vld.idx.msk [tilespmem:v10+s24+$0x0], $0xffff;
	[tilespmem:s13+$0xFFFFFFB0] =	vst v13  }
0x207: {  	v8 =	vld.idx.msk [tilespmem:v8+s24+$0x0], $0xffff;
	[tilespmem:s13+$0xFFFFFF70] =	vst v12  }
0x208: {  	v4 =	vadd.s32 v9, v4;
	v9 =	vor.u32 $0x6, v16;
	v6 =	vld.idx.msk [tilespmem:v6+s24+$0x0], $0xffff;
	[tilespmem:s13+$0xFFFFFFF0] =	vst v14  }
0x209: {  	v4 =	vor.u32 $0x7, v4;
	v12 =	vld.idx.msk [tilespmem:v19+s24+$0x0], $0xffff;
	[tilespmem:s13+$0xFFFFFF90] =	vst v15  }
0x20a: {  	s0 =	simm.s32 $0x6;
	v14 =	vld.idx.msk [tilespmem:v18+s24+$0x0], $0xffff;
	[tilespmem:s13+$0xFFFFFF30] =	vst v11  }
0x20b: {  	s1 =	simm.s32 $0x1;
	s14 =	simm.s32 $0x3;
	s0 =	sand.u32 $0x78, s0;
	v13 =	vor.u32 $0x1, v17;
	[tilespmem:s13+$0xFFFFFF10] =	vst v10;
	v7 =	vld.idx.msk [tilespmem:v7+s24+$0x0], $0xffff  }
0x20c: {  	s25 =	simm.s32 $0x7;
	s1 =	sand.u32 $0x78, s1;
	s14 =	sand.u32 $0x78, s14;
	v11 =	vmov s0;
	[tilespmem:s13+$0xFFFFFFD0] =	vst v8;
	v5 =	vld.idx.msk [tilespmem:v5+s24+$0x0], $0xffff  }
0x20d: {  	v10 =	vmov s1;
	v15 =	vmov s14;
	s1 =	sand.u32 $0x78, s25;
	v11 =	vshrl.u32 v11, $0x3;
	v9 =	vld.idx.msk [tilespmem:v9+s24+$0x0], $0xffff  }
0x20e: {  	[tilespmem:s13+$0xFFFFFF50] =	vst v6;
	v8 =	vshrl.u32 v10, $0x3;
	v10 =	vshrl.u32 v15, $0x3;
	v15 =	vmov s1;
	v4 =	vld.idx.msk [tilespmem:v4+s24+$0x0], $0xffff  }
0x20f: {  	s14 =	simm.s32 $0x5;
	v11 =	vshll.u32 v11, v1;
	v10 =	vshll.u32 v10, v1;
	v6 =	vshll.u32 v8, v1;
	[tilespmem:s13+$0xFFFFFF80] =	vst v12  }
0x210: {  	s22 =	simm.s32 $0x4;
	s16 =	sand.u32 $0x78, s14;
	v13 =	vld.idx.msk [tilespmem:v13+s24+$0x0], $0xffff;
	v17 =	vbroadcast v10, $0x0;
	v10 =	vshrl.u32 v15, $0x3;
	v20 =	vbroadcast v11, $0x0;
	[tilespmem:s13+$0xFFFFFFC0] =	vst v14  }
0x211: {  	s31 =	simm.s32 $0x0;
	s0 =	sand.u32 $0x78, s22;
	s1 =	simm.s32 $0x2;
	v16 =	vbroadcast v6, $0x0;
	v8 =	vshll.u32 v10, v1;
	v10 =	vmov s16;
	[tilespmem:s13+$0xFFFFFFA0] =	vst v7;
	v7 =	vld.idx.msk [tilespmem:v3+s24+$0x0], $0xffff  }
0x212: {  	s14 =	simm.s32 $0x0;
	v12 =	vmov s0;
	v14 =	vmov s31;
	s0 =	sand.u32 $0x78, s1;
	v10 =	vshrl.u32 v10, $0x3;
	[tilespmem:s13+$0xFFFFFF20] =	vst v5  }
0x213: {  	s18 =	sand.u32 $0x78, s14;
	v6 =	vmov s0;
	v3 =	vbroadcast v8, $0x0;
	v8 =	vmul.u32 $0x440, v14;
	[tilespmem:s13+$0xFFFFFFE0] =	vst v9  }
0x214: {  	v9 =	vshll.u32 v10, v1;
	[tilespmem:s13+$0x0] =	vst v4;
	v4 =	vmov s18;
	v6 =	vshrl.u32 v6, $0x3  }
0x215: {  	v18 =	vbroadcast v9, $0x0;
	v4 =	vshrl.u32 v4, $0x3;
	[tilespmem:s13+$0xFFFFFF40] =	vst v13;
	v5 =	vshll.u32 v6, v1  }
0x216: {  	v6 =	vshrl.u32 v12, $0x3;
	v8 =	vbroadcast v8, $0x0;
	v4 =	vshll.u32 v4, v1;
	[tilespmem:s13+$0xFFFFFF60] =	vst v7  }
0x217: {  	s25 =	simm.s32 $0x13F00;
	v6 =	vshll.u32 v6, v1;
	v12 =	vbroadcast v5, $0x0;
	v4 =	vbroadcast v4, $0x0;
	s22 =	rddreg [dreg:$0x3]  }
0x218: {  	v5 =	vadd.s32 v0, v8;
	v9 =	vadd.s32 v2, v8;
	v7 =	vbroadcast v6, $0x0;
	[hbm4b:s22+s2] =	stream.linear.scatter [tilespmem:s25], [sflag:$0x5], $0x4000, $0x38;
	[tilespmem:$0x1BF00] =	vst v63  }
0x219: {  	v10 =	vadd.s32 v5, v16;
	v6 =	vadd.s32 v5, v18;
	v8 =	vadd.s32 v5, v20;
	_ =	swait.ge [sflag:s26], $0x4000  }
0x21a: {  	v11 =	vadd.s32 v5, v3;
	v14 =	vadd.s32 v5, v17;
	v21 =	vor.u32 $0x5, v6;
	[sflag:s26] =	ssyncset.done $0x0  }
0x21b: {  	s31 =	simm.s32 $0x6;
	v13 =	vadd.s32 v5, v12;
	v16 =	vadd.s32 v9, v16;
	v22 =	vor.u32 $0x3, v14;
	[sflag:s26] =	ssyncadd.s32 $0xFFFFC000  }
0x21c: {  	v19 =	vadd.s32 v9, v17;
	v18 =	vadd.s32 v9, v18;
	v17 =	vadd.s32 v9, v20;
	_ =	swait.ge [sflag:s31], $0x4000  }
0x21d: {  	v14 =	vor.u32 $0x7, v11;
	v6 =	vor.u32 $0x2, v13;
	v13 =	vadd.s32 v5, v7;
	[sflag:s31] =	ssyncset.done $0x0  }
0x21e: {  	v11 =	vor.u32 $0x1, v10;
	v10 =	vadd.s32 v4, v5;
	v15 =	vor.u32 $0x4, v13;
	[sflag:s31] =	ssyncadd.s32 $0xFFFFC000  }
0x21f: {  	v7 =	vadd.s32 v9, v7;
	v5 =	vadd.s32 v4, v9;
	v4 =	vadd.s32 v9, v12;
	v13 =	vld.idx.msk [tilespmem:v21+s28+$0x0], $0xffff  }
0x220: {  	s13 =	simm.s32 $0x17FF0;
	v8 =	vor.u32 $0x6, v8;
	v7 =	vor.u32 $0x4, v7;
	v4 =	vor.u32 $0x2, v4;
	v12 =	vld.idx.msk [tilespmem:v22+s28+$0x0], $0xffff  }
.LBB2_62:
0x221: {  	s0 =	sadd.s32 $0x9, s14  }
0x222: {  	s1 =	sadd.s32 $0xC, s14;
	s16 =	sadd.s32 $0xE, s14;
	v19 =	vor.u32 $0x3, v19;
	v14 =	vld.idx.msk [tilespmem:v14+s28+$0x0], $0xffff;
	v3 =	vadd.s32 v9, v3;
	s18 =	smov.u32 s14  }
0x223: {  	s22 =	sadd.s32 $0xA, s14;
	s25 =	sadd.s32 $0xB, s14;
	v9 =	vor.u32 $0x1, v16;
	s16 =	sand.u32 $0x78, s16;
	v15 =	vld.idx.msk [tilespmem:v15+s28+$0x0], $0xffff;
	v16 =	vor.u32 $0x7, v3  }
0x224: {  	v18 =	vor.u32 $0x5, v18;
	v17 =	vor.u32 $0x6, v17;
	s0 =	sand.u32 $0x78, s0;
	s25 =	sand.u32 $0x78, s25;
	s1 =	sand.u32 $0x78, s1;
	v3 =	vmov s16;
	v11 =	vld.idx.msk [tilespmem:v11+s28+$0x0], $0xffff  }
0x225: {  	s14 =	sadd.s32 $0x8, s14;
	v20 =	vmov s0;
	s0 =	sand.u32 $0x78, s22;
	v21 =	vmov s25;
	s16 =	sadd.s32 $0xF, s18;
	v3 =	vshrl.u32 v3, $0x3;
	v10 =	vld.idx.msk [tilespmem:v10+s28+$0x0], $0xffff  }
0x226: {  	p0 =	slt.u32 s14, $0x1F8;
	s22 =	sshrl.u32 s14, $0x7;
	v20 =	vshrl.u32 v20, $0x3;
	v21 =	vshrl.u32 v21, $0x3;
	s16 =	sand.u32 $0x78, s16;
	v3 =	vshll.u32 v3, v1;
	[tilespmem:s13+$0xFFFFFFB0] =	vst v13  }
0x227: {  	v13 =	vshll.u32 v21, v1;
	v21 =	vmov s1;
	v22 =	vmov s16;
	[tilespmem:s13+$0xFFFFFF70] =	vst v12;
	v8 =	vld.idx.msk [tilespmem:v8+s28+$0x0], $0xffff  }
0x228: {  	v12 =	vmov s22;
	v13 =	vbroadcast v13, $0x0;
	v22 =	vshrl.u32 v22, $0x3;
	v19 =	vld.idx.msk [tilespmem:v19+s28+$0x0], $0xffff;
	[tilespmem:s13+$0xFFFFFFF0] =	vst v14  }
0x229: {  	s1 =	sadd.s32 $0xD, s18;
	v14 =	vshll.u32 v20, v1;
	v20 =	vbroadcast v3, $0x0;
	v3 =	vshll.u32 v22, v1;
	[tilespmem:s13+$0xFFFFFF90] =	vst v15;
	v15 =	vld.idx.msk [tilespmem:v18+s28+$0x0], $0xffff  }
0x22a: {  	v18 =	vbroadcast v14, $0x0;
	v14 =	vmov s0;
	s0 =	sand.u32 $0x78, s1;
	v3 =	vbroadcast v3, $0x0;
	[tilespmem:s13+$0xFFFFFF30] =	vst v11;
	v6 =	vld.idx.msk [tilespmem:v6+s28+$0x0], $0xffff  }
0x22b: {  	v11 =	vmul.u32 $0x440, v12;
	v12 =	vshrl.u32 v14, $0x3;
	v14 =	vmov s0;
	[tilespmem:s13+$0xFFFFFF10] =	vst v10;
	v7 =	vld.idx.msk [tilespmem:v7+s28+$0x0], $0xffff  }
0x22c: {  	v10 =	vshll.u32 v12, v1;
	v12 =	vshrl.u32 v21, $0x3;
	v14 =	vshrl.u32 v14, $0x3;
	v21 =	vld.idx.msk [tilespmem:v9+s28+$0x0], $0xffff  }
0x22d: {  	s0 =	sand.u32 $0x78, s14;
	v9 =	vbroadcast v11, $0x0;
	v11 =	vshll.u32 v12, v1;
	v12 =	vshll.u32 v14, v1;
	v5 =	vld.idx.msk [tilespmem:v5+s28+$0x0], $0xffff;
	[tilespmem:s13+$0xFFFFFFD0] =	vst v8  }
0x22e: {  	v22 =	vbroadcast v10, $0x0;
	v8 =	vmov s0;
	v23 =	vbroadcast v12, $0x0;
	[tilespmem:s13+$0xFFFFFF80] =	vst v19;
	v10 =	vld.idx.msk [tilespmem:v17+s28+$0x0], $0xffff  }
0x22f: {  	v8 =	vshrl.u32 v8, $0x3;
	v12 =	vadd.s32 v0, v9;
	v17 =	vbroadcast v11, $0x0;
	[tilespmem:s13+$0xFFFFFFC0] =	vst v15;
	v16 =	vld.idx.msk [tilespmem:v16+s28+$0x0], $0xffff  }
0x230: {  	v9 =	vadd.s32 v2, v9;
	v11 =	vadd.s32 v12, v18;
	v14 =	vadd.s32 v12, v23;
	[tilespmem:s13+$0xFFFFFF50] =	vst v6  }
0x231: {  	v15 =	vadd.s32 v12, v3;
	v6 =	vshll.u32 v8, v1;
	v8 =	vadd.s32 v12, v20;
	[tilespmem:s13+$0xFFFFFFA0] =	vst v7  }
0x232: {  	v19 =	vadd.s32 v12, v13;
	v24 =	vor.u32 $0x5, v14;
	v7 =	vadd.s32 v12, v22;
	[tilespmem:s13+$0xFFFFFF40] =	vst v21;
	v21 =	vld.idx.msk [tilespmem:v4+s28+$0x0], $0xffff  }
0x233: {  	v25 =	vor.u32 $0x3, v19;
	v14 =	vor.u32 $0x7, v15;
	v8 =	vor.u32 $0x6, v8;
	[tilespmem:s13+$0xFFFFFF20] =	vst v5  }
.Ltmp30:
0x234: {  	v4 =	vbroadcast v6, $0x0;
	v6 =	vor.u32 $0x2, v7;
	v5 =	vadd.s32 v12, v17;
	[tilespmem:s13+$0xFFFFFFE0] =	vst v10;
	(pc) =	sbr.rel @p0 .LBB2_62-.Ltmp30, $4  }
0x235: {  	v11 =	vor.u32 $0x1, v11;
	v7 =	vadd.s32 v9, v17;
	v15 =	vor.u32 $0x4, v5;
	[tilespmem:s13+$0x0] =	vst v16  }
0x236: {  	v7 =	vor.u32 $0x4, v7;
	v10 =	vadd.s32 v4, v12;
	v5 =	vadd.s32 v4, v9  }
0x237: {  	v19 =	vadd.s32 v9, v13;
	v4 =	vadd.s32 v9, v22;
	v16 =	vadd.s32 v9, v18;
	v13 =	vld.idx.msk [tilespmem:v24+s28+$0x0], $0xffff  }
0x238: {  	v17 =	vadd.s32 v9, v20;
	v4 =	vor.u32 $0x2, v4;
	v18 =	vadd.s32 v9, v23;
	v12 =	vld.idx.msk [tilespmem:v25+s28+$0x0], $0xffff;
	[tilespmem:s13+$0xFFFFFF60] =	vst v21;
	s13 =	sadd.s32 $0x100, s13  }
0x239: {  	_ =	sdelay $0x3  }
0x23a: {  	v14 =	vld.idx.msk [tilespmem:v14+s28+$0x0], $0xffff  }
0x23b: {  	v19 =	vor.u32 $0x3, v19;
	v15 =	vld.idx.msk [tilespmem:v15+s28+$0x0], $0xffff  }
0x23c: {  	v18 =	vor.u32 $0x5, v18;
	v11 =	vld.idx.msk [tilespmem:v11+s28+$0x0], $0xffff  }
0x23d: {  	v10 =	vld.idx.msk [tilespmem:v10+s28+$0x0], $0xffff;
	[tilespmem:s13+$0xFFFFFFB0] =	vst v13  }
0x23e: {  	v60 =	vor.u32 $0x1, v16;
	v8 =	vld.idx.msk [tilespmem:v8+s28+$0x0], $0xffff;
	[tilespmem:s13+$0xFFFFFF70] =	vst v12  }
0x23f: {  	v6 =	vld.idx.msk [tilespmem:v6+s28+$0x0], $0xffff;
	[tilespmem:s13+$0xFFFFFFF0] =	vst v14  }
0x240: {  	v3 =	vadd.s32 v9, v3;
	v61 =	vor.u32 $0x6, v17;
	v12 =	vld.idx.msk [tilespmem:v19+s28+$0x0], $0xffff;
	[tilespmem:s13+$0xFFFFFF90] =	vst v15  }
0x241: {  	v3 =	vor.u32 $0x7, v3;
	v62 =	vld.idx.msk [tilespmem:v18+s28+$0x0], $0xffff;
	[tilespmem:s13+$0xFFFFFF30] =	vst v11  }
0x242: {  	[tilespmem:s13+$0xFFFFFF10] =	vst v10;
	v7 =	vld.idx.msk [tilespmem:v7+s28+$0x0], $0xffff  }
0x243: {  	[tilespmem:s13+$0xFFFFFFD0] =	vst v8;
	v63 =	vld.idx.msk [tilespmem:v60+s28+$0x0], $0xffff  }
0x244: {  	[tilespmem:s13+$0xFFFFFF50] =	vst v6;
	v5 =	vld.idx.msk [tilespmem:v5+s28+$0x0], $0xffff  }
0x245: {  	v8 =	vld.idx.msk [tilespmem:v61+s28+$0x0], $0xffff;
	[tilespmem:s13+$0xFFFFFF80] =	vst v12  }
0x246: {  	v3 =	vld.idx.msk [tilespmem:v3+s28+$0x0], $0xffff;
	[tilespmem:s13+$0xFFFFFFC0] =	vst v62  }
0x247: {  	v4 =	vld.idx.msk [tilespmem:v4+s28+$0x0], $0xffff;
	[tilespmem:s13+$0xFFFFFFA0] =	vst v7  }
0x248: {  	[tilespmem:s13+$0xFFFFFF40] =	vst v63  }
0x249: {  	[tilespmem:s13+$0xFFFFFF20] =	vst v5  }
0x24a: {  	[tilespmem:s13+$0xFFFFFFE0] =	vst v8  }
0x24b: {  	[tilespmem:s13+$0x0] =	vst v3  }
0x24c: {  	[tilespmem:s13+$0xFFFFFF60] =	vst v4  }
0x24d: {  	s1 =	simm.s32 $0x17F00;
	s0 =	rddreg [dreg:$0x4]  }
0x24e: {  	[hbm4b:s0+s2] =	stream.linear.scatter [tilespmem:s1], [sflag:$0x6], $0x4000, $0x38;
	[tilespmem:$0x1BF00] =	vst v63  }
0x24f: {  	_ =	swait.ge [sflag:s29], $0x4000  }
0x250: {  	[sflag:s29] =	ssyncset.done $0x0  }
0x251: {  	[sflag:s29] =	ssyncadd.s32 $0xFFFFC000  }
0x252: {  	_ =	swait.ge [sflag:s30], $0x4000  }
0x253: {  	[sflag:s30] =	ssyncset.done $0x0  }
0x254: {  	s29 =	simm.s32 $0x6;
	[sflag:s30] =	ssyncadd.s32 $0xFFFFC000  }
0x255: {  	_ =	swait.ge [sflag:s29], $0x4000  }
0x256: {  	s30 =	rddreg [dreg:$0x6]  }
0x257: {  	s31 =	rddreg [dreg:$0x5];
	s13 =	sadd.s32 $0x1, s30  }
0x258: {  	p0 =	sne.s32 s13, s31  }
.Ltmp31:
0x259: {  	_ = 	snop;
	(pc) =	sbr.rel @p0 .LBB2_1-.Ltmp31, $3  }
0x25a: {  	_ =	sdelay $0x1  }
0x25b: {  	[sflag:s29] =	ssyncset.done $0x0  }
0x25c: {  	[sflag:s29] =	ssyncadd.s32 $0xFFFFC000  }
0x25d: {  	_ =	sfence.sel $0x180000  }
0x25e: {  	[bflag:$0x0] =	sbarrier.arrive $0xFFFF  }
0x25f: {  	_ =	strace $0x90000047  }
0x260: {  	s0 =	stileid.u32;
	[bflag:$0x2] =	sbarrier.arrive $0xFFFF  }
0x261: {  	p0 =	sne.s32 s0, $0x0;
	s0 =	rddreg [dreg:$0x1]  }
0x262: {  	s0 =	sadd.s32 @!p0 $0x100000, s0  }
0x263: {  	[sflag:s0] =	ssyncadd.tile.s32 @!p0 $0x1;
	_ =	shalt  }
.Lfunc_end2:
_tile_overlayer_lowered:
.L_overlay_start_2:
0x264: {  	(tag) =	ssettag $0x2  }
0x265: {  	s0 =	rddreg [dreg:$0x0];
	s2 =	stileid.u32  }
0x266: {  	s1 =	rddreg [dreg:$0x1];
	p0 =	sne.s32 s2, $0x0  }
0x267: {  	s3 =	rddreg [dreg:$0x2];
	[bflag:$0x3] =	sbarrier.arrive $0xFFFF;
	s2 =	simm.s32 @!p0 $0x1C07  }
0x268: {  	[timem:s3], [sflag:s2] =	dma.local @!p0 [hbm:s0], s1  }
0x269: {  	s0 =	simm.s32 @!p0 $0x7  }
0x26a: {  	_ =	swait.ge @!p0 [sflag:s0], s1  }
0x26b: {  	s1 =	ssub.s32 @!p0 $0x0, s1;
	[sflag:s0] =	ssyncset.done @!p0 $0x0  }
0x26c: {  	[sflag:s0] =	ssyncadd.s32 @!p0 s1  }
0x26d: {  	[bflag:$0x3] =	sbarrier.arrive $0xFFFF  }
0x26e: {  	_ =	shalt  }

// kernel: kernel.7.cloned.1.call-start
scs
__scs_entry_jumppad:
0x0: {  	(pc) =	sbr.rel $0x88, $3  }
0x1: {  	(tag) =	ssettag $0x0;
	lr =	simm.s32 $0x1  }
0x2: {  	[smem:$0x3F9F] =	sst lr;
	_ =	strace $0xD0000000  }
0x3: {  	_ = 	snop  }
0x4: {  	_ = 	snop  }
0x5: {  	_ = 	snop  }
0x6: {  	_ = 	snop  }
0x7: {  	_ = 	snop  }
__scs_overlays_trampoline_lowered:
0x8: {  	[smem:$0x3FAE] =	sst s0  }
0x9: {  	[smem:$0x3FAF] =	sst s1  }
0xa: {  	[smem:$0x3FB0] =	sst s2  }
0xb: {  	[smem:$0x3FB1] =	sst s3  }
0xc: {  	[smem:$0x3FB2] =	sst s4  }
0xd: {  	[smem:$0x3FB3] =	sst s5  }
0xe: {  	[smem:$0x3FB4] =	sst s6  }
0xf: {  	[smem:$0x3FB5] =	sst s7  }
0x10: {  	[smem:$0x3FB6] =	sst s8  }
0x11: {  	[smem:$0x3FB7] =	sst s9;
	s0 =	simm.s32 @!p0 $0x0  }
0x12: {  	s1 =	sld [smem:$0x3F9D];
	s0 =	simm.s32 @p0 $0x1  }
0x13: {  	[smem:$0x3FB8] =	sst s0;
	s0 =	simm.s32 @!p1 $0x0  }
0x14: {  	s2 =	sld [smem:$0x3F9C];
	s0 =	simm.s32 @p1 $0x1  }
0x15: {  	[smem:$0x3FB9] =	sst s0;
	s0 =	simm.s32 @!p2 $0x0  }
0x16: {  	s3 =	sld [smem:$0x3FDB];
	s0 =	simm.s32 @p2 $0x1  }
0x17: {  	s4 =	simm.s32 $0x1BF5;
	[smem:$0x3FBB] =	sst s0  }
0x18: {  	s0 =	sld [smem:$0x3F9E];
	_ =	swait.ge [sflag:s4], $0x0  }
0x19: {  	s7 =	sld [smem:$0x3F9F]  }
0x1a: {  	s8 =	sadd.s32 $0xFFFFE003, lr  }
0x1b: {  	s9 =	sadd.s32 $0xFFFFFEF7, lr;
	s5 =	simm.s32 $0xFFFFFFFF;
	p2 =	slt.u32 s8, $0xFFFFF086  }
0x1c: {  	p1 =	slt.u32 s9, $0xF7A;
	s5 =	simm.s32 @!p2 $0x0  }
0x1d: {  	s5 =	simm.s32 @p1 $0x1;
	p0 =	seq.s32 s7, s2  }
0x1e: {  	s7 =	smul.u32 @!p0 $0xF7A, s2;
	p2 =	seq.s32 @!p0 s5, $0x0  }
0x1f: {  	s9 =	smul.u32 $0xF7A, s1;
	s8 =	simm.s32 @!p0 $0x1BF5;
	p2 =	por !p2, p0  }
0x20: {  	[sflag:s8] =	ssyncset.s32 @!p0 $0xFFFFF086;
	s6 =	sadd.s32 @!p0 s3, s7;
	s7 =	simm.s32 @!p0 $0x108  }
0x21: {  	s3 =	sadd.s32 s3, s9;
	s6 =	sadd.s32 @!p0 $0x88, s6;
	s7 =	simm.s32 @p2 $0x1082  }
0x22: {  	[simem:s7], [sflag:s8] =	dma.local @!p0 [hbm:s6], $0xF7A  }
0x23: {  	s9 =	sor.u32 $0xD0000000, s2;
	s6 =	simm.s32 $0x108;
	_ =	swait.ge @!p0 [sflag:s8], $0x0  }
0x24: {  	s3 =	sadd.s32 $0x88, s3;
	s6 =	simm.s32 @!p1 $0x1082;
	[sflag:s4] =	ssyncset.s32 $0xFFFFF086  }
0x25: {  	[simem:s6], [sflag:s4] =	dma.local [hbm:s3], $0xF7A  }
0x26: {  	[smem:$0x3F9F] =	sst s1;
	(tag) =	ssettag s2;
	_ =	strace s9  }
0x27: {  	s1 =	sld [smem:$0x3FAF]  }
0x28: {  	s2 =	sld [smem:$0x3FB0]  }
0x29: {  	s4 =	sld [smem:$0x3FB2]  }
0x2a: {  	p0 =	seq.s32 s5, $0x0;
	s5 =	sld [smem:$0x3FB3]  }
0x2b: {  	s6 =	sld [smem:$0x3FB4]  }
0x2c: {  	s7 =	sld [smem:$0x3FB5]  }
0x2d: {  	s3 =	simm.s32 $0x108;
	s8 =	sld [smem:$0x3FB6]  }
0x2e: {  	s3 =	simm.s32 @!p0 $0x1082;
	s9 =	sld [smem:$0x3FB7]  }
0x2f: {  	lr =	sadd.s32 s0, s3;
	s0 =	sld [smem:$0x3FAE]  }
0x30: {  	s3 =	sld [smem:$0x3FB1]  }
0x31: {  	[smem:$0x3FBA] =	sst s10  }
0x32: {  	s10 =	sld [smem:$0x3FB8];
	_ =	sdelay $0x3  }
0x33: {  	p0 =	seq.s32 s10, $0x1;
	s10 =	sld [smem:$0x3FBA];
	_ =	sdelay $0x3  }
0x34: {  	[smem:$0x3FBA] =	sst s10  }
0x35: {  	s10 =	sld [smem:$0x3FB9];
	_ =	sdelay $0x3  }
0x36: {  	p1 =	seq.s32 s10, $0x1;
	s10 =	sld [smem:$0x3FBA];
	_ =	sdelay $0x3  }
0x37: {  	[smem:$0x3FBA] =	sst s10  }
0x38: {  	s10 =	sld [smem:$0x3FBB]  }
0x39: {  	_ = 	snop;
	(pc) =	sbr.ind lr, $3  }
0x3a: {  	_ = 	snop  }
0x3b: {  	_ = 	snop  }
0x3c: {  	p2 =	seq.s32 s10, $0x1;
	s10 =	sld [smem:$0x3FBA]  }
0x3d: {  	_ =	shalt  }
0x3e: {  	_ =	shalt  }
0x3f: {  	_ =	shalt  }
0x40: {  	_ =	shalt  }
0x41: {  	_ =	shalt  }
0x42: {  	_ =	shalt  }
0x43: {  	_ =	shalt  }
0x44: {  	_ =	shalt  }
0x45: {  	_ =	shalt  }
0x46: {  	_ =	shalt  }
0x47: {  	_ =	shalt  }
0x48: {  	_ =	shalt  }
0x49: {  	_ =	shalt  }
0x4a: {  	_ =	shalt  }
0x4b: {  	_ =	shalt  }
0x4c: {  	_ =	shalt  }
0x4d: {  	_ =	shalt  }
0x4e: {  	_ =	shalt  }
0x4f: {  	_ =	shalt  }
0x50: {  	_ =	shalt  }
0x51: {  	_ =	shalt  }
0x52: {  	_ =	shalt  }
0x53: {  	_ =	shalt  }
0x54: {  	_ =	shalt  }
0x55: {  	_ =	shalt  }
0x56: {  	_ =	shalt  }
0x57: {  	_ =	shalt  }
0x58: {  	_ =	shalt  }
0x59: {  	_ =	shalt  }
0x5a: {  	_ =	shalt  }
0x5b: {  	_ =	shalt  }
0x5c: {  	_ =	shalt  }
0x5d: {  	_ =	shalt  }
0x5e: {  	_ =	shalt  }
0x5f: {  	_ =	shalt  }
0x60: {  	_ =	shalt  }
0x61: {  	_ =	shalt  }
0x62: {  	_ =	shalt  }
0x63: {  	_ =	shalt  }
0x64: {  	_ =	shalt  }
0x65: {  	_ =	shalt  }
0x66: {  	_ =	shalt  }
0x67: {  	_ =	shalt  }
0x68: {  	_ =	shalt  }
0x69: {  	_ =	shalt  }
0x6a: {  	_ =	shalt  }
0x6b: {  	_ =	shalt  }
0x6c: {  	_ =	shalt  }
0x6d: {  	_ =	shalt  }
0x6e: {  	_ =	shalt  }
0x6f: {  	_ =	shalt  }
0x70: {  	_ =	shalt  }
0x71: {  	_ =	shalt  }
0x72: {  	_ =	shalt  }
0x73: {  	_ =	shalt  }
0x74: {  	_ =	shalt  }
0x75: {  	_ =	shalt  }
0x76: {  	_ =	shalt  }
0x77: {  	_ =	shalt  }
0x78: {  	_ =	shalt  }
0x79: {  	_ =	shalt  }
0x7a: {  	_ =	shalt  }
0x7b: {  	_ =	shalt  }
0x7c: {  	_ =	shalt  }
0x7d: {  	_ =	shalt  }
0x7e: {  	_ =	shalt  }
0x7f: {  	_ =	shalt  }
0x80: {  	_ =	shalt  }
0x81: {  	_ =	shalt  }
0x82: {  	_ =	shalt  }
0x83: {  	_ =	shalt  }
0x84: {  	_ =	shalt  }
0x85: {  	_ =	shalt  }
0x86: {  	_ =	shalt  }
0x87: {  	_ =	shalt  }
.Lfunc_end0:
.L_simem_size_0:
called_computation.1_lowered:
.L_overlay_start_0:
0x88: {  	s2 =	sld [smem:$0x3FD9]  }
0x89: {  	s3 =	sld [smem:$0x3FFE];
	_ =	sdelay $0x1  }
0x8a: {  	s1 =	srdreg.scid  }
0x8b: {  	s0 =	sand.u32 $0x1, s1  }
0x8c: {  	s17 =	sshll.u32 s0, $0xA;
	s2 =	sadd.s32 s3, s2  }
0x8d: {  	s2 =	sadd.s32 s2, s17  }
0x8e: {  	[smem:$0x3FC6] =	sst s2  }
0x8f: {  	_ = 	snop  }
0x90: {  	s2 =	sld [smem:$0x3FD0];
	(tm) =	ssettm $0x1  }
0x91: {  	s18 =	sld [smem:$0x3FFB];
	_ =	sdelay $0x3  }
0x92: {  	_ =	strace s18  }
0x93: {  	s3 =	sld [smem:$0x3FFC];
	_ =	sdelay $0x3  }
0x94: {  	_ =	strace s3  }
0x95: {  	s3 =	sld [smem:$0x3FFD];
	_ =	sdelay $0x3  }
0x96: {  	_ =	strace s3  }
0x97: {  	_ =	strace $0x8FFFFFFF  }
0x98: {  	s19 =	sld [smem:$0x3FDB];
	_ =	sdelay $0x1  }
0x99: {  	s4 =	simm.s32 $_scs_section_size  }
0x9a: {  	s5 =	simm.s32 $_size__tile_overlayer_lowered;
	s6 =	simm.s32 $_tile_overlayer_lowered  }
0x9b: {  	s22 =	simm.s32 $0x1BFF;
	s21 =	sshll.u32 s6, $0x1;
	s3 =	sadd.s32 s4, s19  }
0x9c: {  	s7 =	simm.s32 $0x0;
	s20 =	sshll.u32 s5, $0x1;
	s5 =	sadd.s32 s21, s3  }
0x9d: {  	[timem:s7], [sflag:s22] =	dma.local [hbm:s5], s20  }
0x9e: {  	_ =	swait.ge [sflag:s22], s20  }
0x9f: {  	s4 =	ssub.s32 $0x0, s20;
	[sflag:s22] =	ssyncset.done $0x0  }
0xa0: {  	[sflag:s22] =	ssyncadd.s32 s4;
	_ =	sdelay $0x1  }
0xa1: {  	s23 =	simm.s32 $0x1B8B  }
0xa2: {  	_ =	swait.ge [sflag:s23], $0x1  }
0xa3: {  	[sflag:s23] =	ssyncset.done $0x0  }
0xa4: {  	s25 =	simm.s32 $0x1B8E;
	s24 =	sld [smem:$0x3FFE];
	[sflag:s23] =	ssyncadd.s32 $0xFFFFFFFF  }
0xa5: {  	s26 =	simm.s32 $execute0_lowered;
	[smem:$0x3FD2] =	sst s25  }
0xa6: {  	s5 =	sshll.u32 s26, $0x1;
	_ =	strace $0x80000049;
	[dreg:$0x1] =	wrdreg $0xFFFFFFFF  }
0xa7: {  	s28 =	simm.s32 $_size_execute0_lowered;
	s3 =	sadd.s32 s3, s5;
	[dreg:$0x0] =	wrdreg $0x0  }
0xa8: {  	s5 =	sshll.u32 s28, $0x1;
	[dreg:$0x2] =	wrdreg s3  }
0xa9: {  	[dreg:$0x3] =	wrdreg s5  }
0xaa: {  	[dreg:$0x4] =	wrdreg $0xC0  }
0xab: {  	_ =	task [dreg:s7], $0x5FFFF  }
0xac: {  	[dreg:$0x1] =	wrdreg $0xFFFFFFFF  }
0xad: {  	[dreg:$0x0] =	wrdreg $0x60  }
0xae: {  	[dreg:$0x2] =	wrdreg s24  }
0xaf: {  	[dreg:$0x3] =	wrdreg s2  }
0xb0: {  	[dreg:$0x4] =	wrdreg $0x9  }
0xb1: {  	_ =	task.clear_ibuf [dreg:s7], $0x5FFFF;
	_ =	strace $0x90000049  }
0xb2: {  	s29 =	simm.s32 $0x9;
	_ =	strace $0x8000004B  }
0xb3: {  	_ =	swait.ge [sflag:s29], $0x1  }
0xb4: {  	[sflag:s29] =	ssyncadd.s32 $0xFFFFFFFF  }
0xb5: {  	_ =	strace $0x9000004B  }
0xb6: {  	_ =	sfence  }
0xb7: {  	s30 =	sld [smem:$0x0];
	_ =	sdelay $0x2  }
0xb8: {  	s31 =	sshll.u32 s1, $0xD;
	s1 =	sshrl.u32 s1, $0x2  }
0xb9: {  	s3 =	sand.u32 $0x4000, s31;
	s1 =	sadd.s32 s1, s30  }
0xba: {  	s0 =	sor.u32 s3, s0;
	s1 =	sshll.u32 s1, $0x11  }
0xbb: {  	s0 =	sor.u32 s1, s0  }
0xbc: {  	s0 =	sadd.s32 $0x8F2B, s0  }
0xbd: {  	[sflag:s0] =	ssyncadd.remote.s32 $0x1  }
0xbe: {  	_ =	sfence.sel $0xFFFF  }
0xbf: {  	[dreg:$0x0] =	wrdreg $0xFFFFFFFF;
	(pc) =	sbr.abs _section_cstart, $3  }
0xc0: {  	[dreg:$0x1] =	wrdreg $0xFFFFFFFF  }
0xc1: {  	_ =	task.clear_ibuf [dreg:s7], $0x2FFFF;
	_ =	strace $0x9FFFFFFF  }
0xc2: {  	(tm) =	ssettm $0x7FFFFFFF  }
0xc3: {  	_ =	shalt  }
tec
execute0_lowered:
.L_overlay_start_1:
0x0: {  	(tag) =	ssettag $0x1  }
0x1: {  	v0 =	vimm.s32 $0x18F8  }
0x2: {  	vm0 =	vcmask $0x300;
	vm1 =	vcmask $0x704;
	v1 =	vimm.s32 $0x4378  }
0x3: {  	vm2 =	vcmask $0xB08;
	v0 =	vsel vm0, $0x0, v0;
	v1 =	vsel vm0, $0x2A80, v1  }
0x4: {  	vm3 =	vcmask $0xF0C;
	v0 =	vsel vm1, $0x88, v0;
	v1 =	vsel vm1, $0x2B08, v1  }
0x5: {  	s0 =	rddreg [dreg:$0x0];
	vm15 =	vcmask $0x1310;
	v0 =	vsel vm2, $0x110, v0;
	v1 =	vsel vm2, $0x2B90, v1  }
0x6: {  	s1 =	rddreg [dreg:$0x1];
	vm6 =	vcmask $0x1714;
	v0 =	vsel vm3, $0x198, v0;
	v1 =	vsel vm3, $0x2C18, v1  }
0x7: {  	s3 =	simm.s32 $0x0;
	s4 =	srdreg.scid;
	s2 =	stileid.u32;
	vm7 =	vcmask $0x1B18;
	v0 =	vsel vm15, $0x220, v0;
	v1 =	vsel vm15, $0x2CA0, v1  }
0x8: {  	vm8 =	vcmask $0x1F1C;
	s11 =	simm.s32 $0x200;
	s13 =	simm.s32 $0x5;
	s14 =	simm.s32 $0x6400;
	v0 =	vsel vm6, $0x2A8, v0;
	v1 =	vsel vm6, $0x2D28, v1  }
0x9: {  	vm9 =	vcmask $0x2320;
	s15 =	simm.s32 $0xA400;
	s16 =	simm.s32 $0x1;
	s17 =	simm.s32 $0xE400;
	v0 =	vsel vm7, $0x330, v0;
	v1 =	vsel vm7, $0x2DB0, v1  }
0xa: {  	vm10 =	vcmask $0x2724;
	s18 =	simm.s32 $0x2;
	s19 =	simm.s32 $0x13900;
	s20 =	simm.s32 $0x3;
	v0 =	vsel vm8, $0x3B8, v0;
	v1 =	vsel vm8, $0x2E38, v1  }
0xb: {  	vm11 =	vcmask $0x2B28;
	s21 =	simm.s32 $0x4;
	s22 =	simm.s32 $0x0;
	[smem:$0x7FF] =	sst s3;
	v0 =	vsel vm9, $0x1540, v0;
	v1 =	vsel vm9, $0x3FC0, v1  }
0xc: {  	vm12 =	vcmask $0x2F2C;
	s4 =	sand.u32 $0x1, s4;
	s5 =	sshll.u32 s2, $0x1;
	_ =	strace $0x8000004A;
	v0 =	vsel vm10, $0x15C8, v0;
	v1 =	vsel vm10, $0x4048, v1  }
0xd: {  	vm13 =	vcmask $0x3330;
	s5 =	sor.u32 s4, s5;
	s6 =	ssub.s32 $0x2, s4;
	s4 =	sadd.s32 $0x3D1400, s0;
	v0 =	vsel vm11, $0x1650, v0;
	v1 =	vsel vm11, $0x40D0, v1  }
0xe: {  	vm14 =	vcmask $0x3734;
	s7 =	sshll.u32 s5, $0x6;
	s8 =	sshrl.u32 s6, $0x1;
	s5 =	sshll.u32 s5, $0x9;
	v0 =	vsel vm12, $0x16D8, v0;
	v1 =	vsel vm12, $0x4158, v1  }
0xf: {  	v2 =	vimm.s32 $0x0;
	s0 =	sadd.s32 s7, s0;
	s7 =	sadd.s32 $0x10000, s1;
	s31 =	sadd.s32 s5, s1;
	v0 =	vsel vm13, $0x1760, v0;
	v1 =	vsel vm13, $0x41E0, v1  }
0x10: {  	s10 =	ssub.s32 s6, s8;
	s0 =	sadd.s32 $0x7A1E00, s0;
	s8 =	sadd.s32 $0x300000, s31;
	vm15 =	vcmask $0x3B38;
	v0 =	vsel vm14, $0x17E8, v0;
	v3 =	vsel vm14, $0x4268, v1  }
0x11: {  	s9 =	sadd.s32 $0x310000, s31;
	s10 =	smax.u32 s10, $0x1;
	[dreg:$0x3] =	wrdreg s0;
	v1 =	vsel vm0, $0x3, v2;
	v0 =	vsel vm15, $0x1870, v0;
	v2 =	vsel vm15, $0x42F0, v3  }
.LBB2_1:
0x12: {  	s0 =	rddreg [dreg:$0x3];
	s2 =	simm.s32 $0x4000  }
0x13: {  	[tilespmem:s3], [sflag:$0x5] =	stream.strided.gather [hbm4b:s0+s11], $0x6400, s2, s11, $0x38;
	[tilespmem:$0x18E00] =	vst v63  }
0x14: {  	_ =	swait.ge [sflag:s13], $0x6400  }
0x15: {  	[sflag:s13] =	ssyncset.done $0x0  }
0x16: {  	[sflag:s13] =	ssyncadd.s32 $0xFFFF9C00  }
0x17: {  	[tilespmem:s14], [sflag:$0x1] =	stream.indirect.gather [hbm4b:s4+s11], $0x20, s3, s11, $0xb8;
	[tilespmem:$0x18E00] =	vst v63  }
0x18: {  	s23 =	simm.s32 $0x0  }
0x19: {  	[tilespmem:s15], [sflag:$0x2] =	stream.indirect.gather [hbm4b:s4+s11], $0x20, s11, s11, $0xb8;
	[tilespmem:$0x18E00] =	vst v63  }
.LBB2_2:
0x1a: {  	s24 =	simm.s32 $0x0;
	_ =	swait.ge [sflag:s16], $0x4000;
	s0 =	simm.s32 $0x0  }
0x1b: {  	s26 =	simm.s32 $0x1;
	s28 =	simm.s32 $0x7;
	s31 =	simm.s32 $0x6  }
0x1c: {  	s2 =	simm.s32 $0x3;
	s25 =	sand.u32 $0x78, s24;
	v3 =	vmov s0;
	s30 =	sand.u32 $0x78, s28  }
0x1d: {  	s29 =	sand.u32 $0x78, s26;
	s6 =	sand.u32 $0x78, s31;
	s12 =	sand.u32 $0x78, s2;
	v4 =	vmov s25;
	v3 =	vmul.u32 $0x440, v3;
	v5 =	vmov s30  }
0x1e: {  	[sflag:s16] =	ssyncset.done $0x0;
	v6 =	vmov s29;
	v8 =	vmov s12;
	v9 =	vmov s6  }
0x1f: {  	p0 =	seq.s32 s23, $0x0;
	s25 =	simm.s32 $0x4;
	[sflag:s16] =	ssyncadd.s32 $0xFFFFC000;
	v4 =	vshrl.u32 v4, $0x3;
	v6 =	vshrl.u32 v6, $0x3;
	v5 =	vshrl.u32 v5, $0x3  }
0x20: {  	s29 =	simm.s32 $0x2;
	s0 =	sand.u32 $0x78, s25;
	s25 =	simm.s32 @!p0 $0x3;
	v9 =	vshrl.u32 v9, $0x3;
	v8 =	vshrl.u32 v8, $0x3;
	v4 =	vshll.u32 v4, v1  }
0x21: {  	s30 =	sand.u32 $0x78, s29;
	v7 =	vmov s0;
	v3 =	vbroadcast v3, $0x0;
	_ =	swait.ge @!p0 [sflag:s25], $0x4000;
	v6 =	vshll.u32 v6, v1  }
0x22: {  	v11 =	vmov s30;
	v5 =	vshll.u32 v5, v1;
	v4 =	vbroadcast v4, $0x0;
	[sflag:s25] =	ssyncset.done @!p0 $0x0  }
0x23: {  	v8 =	vshll.u32 v8, v1;
	v19 =	vbroadcast v6, $0x0;
	v10 =	vadd.s32 v0, v3;
	[sflag:s25] =	ssyncadd.s32 @!p0 $0xFFFFC000;
	s25 =	simm.s32 $0x6480  }
0x24: {  	v6 =	vshrl.u32 v7, $0x3;
	v3 =	vadd.s32 v2, v3;
	v12 =	vld [tilespmem:s25+$0xFFFFFF80];
	v13 =	vadd.s32 v4, v10  }
0x25: {  	s31 =	simm.s32 $0x5;
	v16 =	vadd.s32 v4, v3;
	v4 =	vshll.u32 v6, v1;
	v6 =	vshll.u32 v9, v1  }
0x26: {  	s0 =	sand.u32 $0x78, s31;
	v11 =	vshrl.u32 v11, $0x3;
	v7 =	vadd.s32 v10, v19;
	v6 =	vbroadcast v6, $0x0  }
0x27: {  	v9 =	vmov s0;
	v14 =	vld [tilespmem:s25+$0xFFFFFFA0];
	v15 =	vor.u32 $0x1, v7;
	v17 =	vbroadcast v4, $0x0  }
0x28: {  	v18 =	vld [tilespmem:s25+$0x40];
	v7 =	vbroadcast v5, $0x0;
	v5 =	vshll.u32 v11, v1;
	v11 =	vadd.s32 v10, v6  }
0x29: {  	v23 =	vbroadcast v8, $0x0;
	v24 =	vld [tilespmem:s25+$0x0];
	v9 =	vshrl.u32 v9, $0x3;
	v11 =	vor.u32 $0x6, v11;
	[tilespmem:v13+s17+$0x0] =	vst.idx.msk $0xffff, v12  }
0x2a: {  	v9 =	vshll.u32 v9, v1;
	v25 =	vbroadcast v5, $0x0;
	v12 =	vadd.s32 v10, v17;
	v20 =	vld [tilespmem:s25+$0xFFFFFF90]  }
0x2b: {  	v4 =	vld [tilespmem:s25+$0xFFFFFFC0];
	v22 =	vadd.s32 v3, v17;
	v8 =	vadd.s32 v3, v6;
	v21 =	vor.u32 $0x4, v12  }
0x2c: {  	v5 =	vor.u32 $0x6, v8;
	v8 =	vadd.s32 v10, v7;
	v13 =	vld [tilespmem:s25+$0xFFFFFFE0];
	v12 =	vbroadcast v9, $0x0  }
0x2d: {  	v17 =	vor.u32 $0x7, v8;
	v8 =	vadd.s32 v10, v25;
	[tilespmem:v15+s17+$0x0] =	vst.idx.msk $0xffff, v14;
	v14 =	vadd.s32 v10, v23;
	v15 =	vld [tilespmem:s25+$0x60]  }
0x2e: {  	v6 =	vld [tilespmem:s25+$0xFFFFFFB0];
	v14 =	vor.u32 $0x3, v14;
	v9 =	vadd.s32 v3, v12;
	v12 =	vadd.s32 v10, v12;
	[tilespmem:v11+s17+$0x0] =	vst.idx.msk $0xffff, v18  }
0x2f: {  	v12 =	vor.u32 $0x5, v12;
	v11 =	vor.u32 $0x2, v8;
	v18 =	vadd.s32 v3, v25;
	v10 =	vld [tilespmem:s25+$0x50];
	[tilespmem:v16+s17+$0x0] =	vst.idx.msk $0xffff, v20  }
0x30: {  	s26 =	simm.s32 $0x6580;
	v8 =	vor.u32 $0x4, v22;
	v16 =	vld [tilespmem:s25+$0x20];
	v20 =	vadd.s32 v3, v19;
	v19 =	vadd.s32 v3, v23;
	[tilespmem:v21+s17+$0x0] =	vst.idx.msk $0xffff, v24  }
.LBB2_3:
0x31: {  	s0 =	sadd.s32 $0x9, s24  }
0x32: {  	s28 =	sadd.s32 $0xF, s24;
	v20 =	vor.u32 $0x1, v20;
	v21 =	vld [tilespmem:s25+$0x10];
	v3 =	vadd.s32 v3, v7;
	s29 =	smov.u32 s24;
	s24 =	sadd.s32 $0x8, s24  }
0x33: {  	v7 =	vor.u32 $0x2, v18;
	v18 =	vor.u32 $0x3, v19;
	s30 =	sshrl.u32 s24, $0x7;
	s31 =	sand.u32 $0x78, s24;
	s2 =	sadd.s32 $0xC, s29;
	[tilespmem:v17+s17+$0x0] =	vst.idx.msk $0xffff, v15;
	v15 =	vor.u32 $0x7, v3  }
0x34: {  	v9 =	vor.u32 $0x5, v9;
	s0 =	sand.u32 $0x78, s0;
	s28 =	sand.u32 $0x78, s28;
	v3 =	vmov s30;
	v17 =	vmov s31;
	s30 =	sadd.s32 $0xE, s29;
	[tilespmem:v14+s17+$0x0] =	vst.idx.msk $0xffff, v13  }
0x35: {  	s2 =	sand.u32 $0x78, s2;
	s31 =	sadd.s32 $0xD, s29;
	v14 =	vmov s28;
	v13 =	vshrl.u32 v17, $0x3;
	v3 =	vmul.u32 $0x440, v3;
	s30 =	sand.u32 $0x78, s30;
	[tilespmem:v12+s17+$0x0] =	vst.idx.msk $0xffff, v16;
	v12 =	vld [tilespmem:s25+$0x70]  }
0x36: {  	s28 =	sadd.s32 $0xB, s29;
	v16 =	vmov s0;
	s0 =	sadd.s32 $0xA, s29;
	v17 =	vmov s2;
	s2 =	sand.u32 $0x78, s31;
	v13 =	vshll.u32 v13, v1;
	[tilespmem:v11+s17+$0x0] =	vst.idx.msk $0xffff, v4;
	v4 =	vld [tilespmem:s25+$0x30]  }
0x37: {  	p1 =	slt.u32 s24, $0x1F8;
	s28 =	sand.u32 $0x78, s28;
	s0 =	sand.u32 $0x78, s0;
	v3 =	vbroadcast v3, $0x0;
	v11 =	vbroadcast v13, $0x0;
	v13 =	vshrl.u32 v16, $0x3;
	[tilespmem:v20+s17+$0x0] =	vst.idx.msk $0xffff, v6;
	v6 =	vld [tilespmem:s25+$0xFFFFFFD0]  }
0x38: {  	v14 =	vshrl.u32 v14, $0x3;
	v19 =	vmov s30;
	v16 =	vmov s28;
	v20 =	vld [tilespmem:s25+$0xFFFFFFF0];
	[tilespmem:v5+s17+$0x0] =	vst.idx.msk $0xffff, v10;
	s25 =	smov.u32 s26  }
0x39: {  	v5 =	vshrl.u32 v19, $0x3;
	v10 =	vadd.s32 v0, v3;
	v3 =	vadd.s32 v2, v3;
	[tilespmem:v8+s17+$0x0] =	vst.idx.msk $0xffff, v21  }
0x3a: {  	v14 =	vshll.u32 v14, v1;
	v8 =	vshll.u32 v13, v1;
	v13 =	vmov s0;
	[tilespmem:v15+s17+$0x0] =	vst.idx.msk $0xffff, v12  }
0x3b: {  	v19 =	vadd.s32 v11, v3;
	v21 =	vbroadcast v8, $0x0;
	v8 =	vshrl.u32 v17, $0x3;
	[tilespmem:v9+s17+$0x0] =	vst.idx.msk $0xffff, v4  }
0x3c: {  	v5 =	vshll.u32 v5, v1;
	v11 =	vadd.s32 v11, v10;
	v4 =	vshll.u32 v8, v1;
	v9 =	vld [tilespmem:s26+$0xFFFFFF80]  }
0x3d: {  	v12 =	vshrl.u32 v16, $0x3;
	v15 =	vmov s2;
	v8 =	vadd.s32 v10, v21;
	[tilespmem:v18+s17+$0x0] =	vst.idx.msk $0xffff, v20  }
0x3e: {  	v5 =	vbroadcast v5, $0x0;
	v15 =	vshrl.u32 v15, $0x3;
	v8 =	vor.u32 $0x1, v8;
	v16 =	vld [tilespmem:s26+$0xFFFFFFA0];
	[tilespmem:v7+s17+$0x0] =	vst.idx.msk $0xffff, v6  }
0x3f: {  	v6 =	vshrl.u32 v13, $0x3;
	v13 =	vbroadcast v4, $0x0;
	v7 =	vbroadcast v14, $0x0  }
0x40: {  	v14 =	vshll.u32 v15, v1;
	v15 =	vadd.s32 v10, v5;
	v6 =	vshll.u32 v6, v1;
	v4 =	vld [tilespmem:s26+$0xFFFFFFC0]  }
0x41: {  	v20 =	vor.u32 $0x6, v15;
	[tilespmem:v11+s17+$0x0] =	vst.idx.msk $0xffff, v9;
	v9 =	vshll.u32 v12, v1;
	v11 =	vadd.s32 v10, v13;
	v18 =	vld [tilespmem:s26+$0x40]  }
0x42: {  	v24 =	vadd.s32 v3, v13;
	v22 =	vld [tilespmem:s26+$0xFFFFFF90];
	v23 =	vor.u32 $0x4, v11;
	v11 =	vbroadcast v14, $0x0  }
0x43: {  	v5 =	vadd.s32 v3, v5;
	v25 =	vbroadcast v9, $0x0;
	[tilespmem:v8+s17+$0x0] =	vst.idx.msk $0xffff, v16;
	v8 =	vbroadcast v6, $0x0;
	v26 =	vld [tilespmem:s26+$0x0]  }
.Ltmp0:
0x44: {  	v5 =	vor.u32 $0x6, v5;
	v12 =	vadd.s32 v10, v7;
	v6 =	vld [tilespmem:s26+$0xFFFFFFB0];
	v9 =	vadd.s32 v3, v11;
	(pc) =	sbr.rel @p1 .LBB2_3-.Ltmp0, $4  }
0x45: {  	v17 =	vor.u32 $0x7, v12;
	v14 =	vadd.s32 v10, v25;
	v11 =	vadd.s32 v10, v11;
	v15 =	vld [tilespmem:s26+$0x60]  }
0x46: {  	v10 =	vadd.s32 v10, v8;
	v14 =	vor.u32 $0x3, v14;
	v12 =	vor.u32 $0x5, v11;
	v13 =	vld [tilespmem:s26+$0xFFFFFFE0];
	[tilespmem:v20+s17+$0x0] =	vst.idx.msk $0xffff, v18  }
0x47: {  	v11 =	vor.u32 $0x2, v10;
	v18 =	vadd.s32 v3, v8;
	v8 =	vor.u32 $0x4, v24;
	[tilespmem:v19+s17+$0x0] =	vst.idx.msk $0xffff, v22;
	v16 =	vld [tilespmem:s26+$0x20]  }
0x48: {  	v20 =	vadd.s32 v3, v21;
	v19 =	vadd.s32 v3, v25;
	s26 =	sadd.s32 $0x100, s26;
	[tilespmem:v23+s17+$0x0] =	vst.idx.msk $0xffff, v26;
	v10 =	vld [tilespmem:s25+$0x50]  }
0x49: {  	_ =	sdelay $0x3  }
0x4a: {  	v20 =	vor.u32 $0x1, v20;
	[tilespmem:v11+s17+$0x0] =	vst.idx.msk $0xffff, v4  }
0x4b: {  	v57 =	vld [tilespmem:s25+$0x10];
	[tilespmem:v17+s17+$0x0] =	vst.idx.msk $0xffff, v15  }
0x4c: {  	v3 =	vadd.s32 v3, v7;
	v62 =	vor.u32 $0x2, v18;
	v63 =	vld [tilespmem:s25+$0xFFFFFFD0];
	[tilespmem:v14+s17+$0x0] =	vst.idx.msk $0xffff, v13  }
0x4d: {  	v3 =	vor.u32 $0x7, v3;
	v58 =	vld [tilespmem:s25+$0x70];
	[tilespmem:v12+s17+$0x0] =	vst.idx.msk $0xffff, v16  }
0x4e: {  	v60 =	vor.u32 $0x3, v19;
	v61 =	vld [tilespmem:s25+$0xFFFFFFF0];
	[tilespmem:v5+s17+$0x0] =	vst.idx.msk $0xffff, v10  }
0x4f: {  	v9 =	vor.u32 $0x5, v9;
	v59 =	vld [tilespmem:s25+$0x30];
	[tilespmem:v20+s17+$0x0] =	vst.idx.msk $0xffff, v6  }
0x50: {  	[tilespmem:v8+s17+$0x0] =	vst.idx.msk $0xffff, v57  }
0x51: {  	s26 =	sshll.u32 s23, $0x11;
	[tilespmem:v62+s17+$0x0] =	vst.idx.msk $0xffff, v63  }
0x52: {  	s0 =	sshll.u32 s23, $0xA;
	s28 =	simm.s32 $0xE400;
	s25 =	sor.u32 s5, s26;
	[tilespmem:v3+s17+$0x0] =	vst.idx.msk $0xffff, v58  }
0x53: {  	s29 =	simm.s32 $0x10;
	s24 =	sand.u32 $0x3FFFFC00, s0;
	s26 =	sadd.s32 s1, s25;
	[tilespmem:v60+s17+$0x0] =	vst.idx.msk $0xffff, v61  }
0x54: {  	s30 =	simm.s32 $0xE488;
	s0 =	sadd.s32 $0x400, s24;
	s31 =	sadd.s32 $0x0, s26;
	[tilespmem:v9+s17+$0x0] =	vst.idx.msk $0xffff, v59  }
0x55: {  	[tilespmem:s14], [sflag:$0x1] =	stream.indirect.gather [hbm4b:s4+s11], $0x20, s0, s11, $0xb8;
	[tilespmem:$0x18E00] =	vst v63  }
.LBB2_5:
0x56: {  	[hbm4b:s31+s3] =	stream.linear.scatter [tilespmem:s28], [sflag:$0x3], $0x80, $0x38;
	[tilespmem:$0x18E00] =	vst v63  }
0x57: {  	s0 =	smov.u32 s29;
	s28 =	smov.u32 s30;
	p1 =	sne.s32 s29, $0x1F0  }
.Ltmp1:
0x58: {  	s29 =	sadd.s32 $0x10, s29;
	(pc) =	sbr.rel @p1 .LBB2_5-.Ltmp1, $2  }
0x59: {  	_ =	sdelay $0x2  }
0x5a: {  	s30 =	sadd.s32 $0x88, s30;
	s31 =	sadd.s32 s0, s26  }
0x5b: {  	[hbm4b:s31+s3] =	stream.linear.scatter [tilespmem:s28], [sflag:$0x3], $0x80, $0x38;
	[tilespmem:$0x18E00] =	vst v63  }
0x5c: {  	s28 =	sadd.s32 $0x4000, s26;
	s29 =	simm.s32 $0xF940  }
0x5d: {  	s30 =	simm.s32 $0x10;
	s31 =	simm.s32 $0xF9C8;
	s0 =	sadd.s32 $0x0, s28  }
.LBB2_7:
0x5e: {  	[hbm4b:s0+s3] =	stream.linear.scatter [tilespmem:s29], [sflag:$0x3], $0x80, $0x38;
	[tilespmem:$0x18E00] =	vst v63  }
0x5f: {  	s0 =	smov.u32 s30;
	s29 =	smov.u32 s31;
	p1 =	sne.s32 s30, $0x1F0  }
.Ltmp2:
0x60: {  	s30 =	sadd.s32 $0x10, s30;
	(pc) =	sbr.rel @p1 .LBB2_7-.Ltmp2, $2  }
0x61: {  	_ =	sdelay $0x2  }
0x62: {  	s31 =	sadd.s32 $0x88, s31;
	s0 =	sadd.s32 s0, s28  }
0x63: {  	[hbm4b:s0+s3] =	stream.linear.scatter [tilespmem:s29], [sflag:$0x3], $0x80, $0x38;
	[tilespmem:$0x18E00] =	vst v63  }
0x64: {  	s28 =	sadd.s32 $0x8000, s26;
	s29 =	simm.s32 $0x10E80  }
0x65: {  	s30 =	simm.s32 $0x10;
	s31 =	simm.s32 $0x10F08;
	s0 =	sadd.s32 $0x0, s28  }
.LBB2_9:
0x66: {  	[hbm4b:s0+s3] =	stream.linear.scatter [tilespmem:s29], [sflag:$0x3], $0x80, $0x38;
	[tilespmem:$0x18E00] =	vst v63  }
0x67: {  	s0 =	smov.u32 s30;
	s29 =	smov.u32 s31;
	p1 =	sne.s32 s30, $0x1F0  }
.Ltmp3:
0x68: {  	s30 =	sadd.s32 $0x10, s30;
	(pc) =	sbr.rel @p1 .LBB2_9-.Ltmp3, $2  }
0x69: {  	_ =	sdelay $0x2  }
0x6a: {  	s31 =	sadd.s32 $0x88, s31;
	s0 =	sadd.s32 s0, s28  }
0x6b: {  	[hbm4b:s0+s3] =	stream.linear.scatter [tilespmem:s29], [sflag:$0x3], $0x80, $0x38;
	[tilespmem:$0x18E00] =	vst v63  }
0x6c: {  	s26 =	sadd.s32 $0xC000, s26;
	s28 =	simm.s32 $0x123C0  }
0x6d: {  	s29 =	simm.s32 $0x10;
	s30 =	simm.s32 $0x12448;
	s0 =	sadd.s32 $0x0, s26  }
.LBB2_11:
0x6e: {  	[hbm4b:s0+s3] =	stream.linear.scatter [tilespmem:s28], [sflag:$0x3], $0x80, $0x38;
	[tilespmem:$0x18E00] =	vst v63  }
0x6f: {  	s0 =	smov.u32 s29;
	s28 =	smov.u32 s30;
	p1 =	sne.s32 s29, $0x1F0  }
.Ltmp4:
0x70: {  	s29 =	sadd.s32 $0x10, s29;
	(pc) =	sbr.rel @p1 .LBB2_11-.Ltmp4, $2  }
0x71: {  	_ =	sdelay $0x2  }
0x72: {  	s30 =	sadd.s32 $0x88, s30;
	s0 =	sadd.s32 s0, s26  }
0x73: {  	[hbm4b:s0+s3] =	stream.linear.scatter [tilespmem:s28], [sflag:$0x3], $0x80, $0x38;
	[tilespmem:$0x18E00] =	vst v63  }
0x74: {  	s26 =	simm.s32 $0x0;
	s12 =	simm.s32 $0x0;
	s28 =	simm.s32 $0x1  }
0x75: {  	s29 =	simm.s32 $0x7;
	s30 =	simm.s32 $0x4;
	s6 =	simm.s32 $0x3  }
0x76: {  	s2 =	sand.u32 $0x78, s26;
	v3 =	vmov s12;
	s31 =	sand.u32 $0x78, s28;
	s28 =	sand.u32 $0x78, s29  }
0x77: {  	s29 =	simm.s32 $0x6;
	s0 =	sand.u32 $0x78, s30;
	s12 =	sand.u32 $0x78, s6;
	v4 =	vmov s2;
	v3 =	vmul.u32 $0x440, v3;
	v5 =	vmov s28  }
0x78: {  	_ =	swait.ge [sflag:s18], $0x4000;
	v6 =	vmov s31;
	s28 =	sand.u32 $0x78, s29;
	v7 =	vmov s0;
	v8 =	vmov s12  }
0x79: {  	[sflag:s18] =	ssyncset.done $0x0;
	v4 =	vshrl.u32 v4, $0x3;
	v6 =	vshrl.u32 v6, $0x3;
	v9 =	vmov s28  }
0x7a: {  	s2 =	simm.s32 @!p0 $0x4;
	s29 =	simm.s32 $0x2;
	[sflag:s18] =	ssyncadd.s32 $0xFFFFC000;
	v5 =	vshrl.u32 v5, $0x3;
	v8 =	vshrl.u32 v8, $0x3;
	v4 =	vshll.u32 v4, v1  }
0x7b: {  	s30 =	sand.u32 $0x78, s29;
	v3 =	vbroadcast v3, $0x0;
	_ =	swait.ge @!p0 [sflag:s2], $0x4000;
	v9 =	vshrl.u32 v9, $0x3;
	v6 =	vshll.u32 v6, v1  }
0x7c: {  	v11 =	vmov s30;
	v5 =	vshll.u32 v5, v1;
	v4 =	vbroadcast v4, $0x0;
	[sflag:s2] =	ssyncset.done @!p0 $0x0  }
0x7d: {  	s28 =	simm.s32 $0xA4F0;
	v8 =	vshll.u32 v8, v1;
	v19 =	vbroadcast v6, $0x0;
	v10 =	vadd.s32 v0, v3;
	[sflag:s2] =	ssyncadd.s32 @!p0 $0xFFFFC000  }
0x7e: {  	v6 =	vshrl.u32 v7, $0x3;
	v3 =	vadd.s32 v2, v3;
	v12 =	vld [tilespmem:s28+$0xFFFFFF10];
	v13 =	vadd.s32 v4, v10  }
0x7f: {  	s31 =	simm.s32 $0x5;
	v16 =	vadd.s32 v4, v3;
	v4 =	vshll.u32 v6, v1;
	v6 =	vshll.u32 v9, v1  }
0x80: {  	s0 =	sand.u32 $0x78, s31;
	v11 =	vshrl.u32 v11, $0x3;
	v7 =	vadd.s32 v10, v19;
	v6 =	vbroadcast v6, $0x0  }
0x81: {  	v9 =	vmov s0;
	v14 =	vld [tilespmem:s28+$0xFFFFFF30];
	v15 =	vor.u32 $0x1, v7;
	v17 =	vbroadcast v4, $0x0  }
0x82: {  	v18 =	vld [tilespmem:s28+$0xFFFFFFD0];
	v7 =	vbroadcast v5, $0x0;
	v5 =	vshll.u32 v11, v1;
	v11 =	vadd.s32 v10, v6  }
0x83: {  	v23 =	vbroadcast v8, $0x0;
	v24 =	vld [tilespmem:s28+$0xFFFFFF90];
	v9 =	vshrl.u32 v9, $0x3;
	v11 =	vor.u32 $0x6, v11;
	[tilespmem:v13+s19+$0x0] =	vst.idx.msk $0xffff, v12  }
0x84: {  	v9 =	vshll.u32 v9, v1;
	v25 =	vbroadcast v5, $0x0;
	v12 =	vadd.s32 v10, v17;
	v20 =	vld [tilespmem:s28+$0xFFFFFF20]  }
0x85: {  	v4 =	vld [tilespmem:s28+$0xFFFFFF50];
	v22 =	vadd.s32 v3, v17;
	v8 =	vadd.s32 v3, v6;
	v21 =	vor.u32 $0x4, v12  }
0x86: {  	v5 =	vor.u32 $0x6, v8;
	v8 =	vadd.s32 v10, v7;
	v13 =	vld [tilespmem:s28+$0xFFFFFF70];
	v12 =	vbroadcast v9, $0x0  }
0x87: {  	v17 =	vor.u32 $0x7, v8;
	v8 =	vadd.s32 v10, v25;
	[tilespmem:v15+s19+$0x0] =	vst.idx.msk $0xffff, v14;
	v14 =	vadd.s32 v10, v23;
	v15 =	vld [tilespmem:s28+$0xFFFFFFF0]  }
0x88: {  	v6 =	vld [tilespmem:s28+$0xFFFFFF40];
	v14 =	vor.u32 $0x3, v14;
	v9 =	vadd.s32 v3, v12;
	v12 =	vadd.s32 v10, v12;
	[tilespmem:v11+s19+$0x0] =	vst.idx.msk $0xffff, v18  }
0x89: {  	v12 =	vor.u32 $0x5, v12;
	v11 =	vor.u32 $0x2, v8;
	v18 =	vadd.s32 v3, v25;
	v10 =	vld [tilespmem:s28+$0xFFFFFFE0];
	[tilespmem:v16+s19+$0x0] =	vst.idx.msk $0xffff, v20  }
0x8a: {  	s29 =	simm.s32 $0xA5F0;
	v8 =	vor.u32 $0x4, v22;
	v16 =	vld [tilespmem:s28+$0xFFFFFFB0];
	v20 =	vadd.s32 v3, v19;
	v19 =	vadd.s32 v3, v23;
	[tilespmem:v21+s19+$0x0] =	vst.idx.msk $0xffff, v24  }
.LBB2_13:
0x8b: {  	s0 =	sadd.s32 $0x9, s26  }
0x8c: {  	s2 =	sadd.s32 $0xF, s26;
	v20 =	vor.u32 $0x1, v20;
	v21 =	vld [tilespmem:s28+$0xFFFFFFA0];
	v3 =	vadd.s32 v3, v7;
	s30 =	smov.u32 s26;
	s26 =	sadd.s32 $0x8, s26  }
0x8d: {  	v7 =	vor.u32 $0x2, v18;
	v18 =	vor.u32 $0x3, v19;
	s31 =	sshrl.u32 s26, $0x7;
	s12 =	sand.u32 $0x78, s26;
	s6 =	sadd.s32 $0xC, s30;
	[tilespmem:v17+s19+$0x0] =	vst.idx.msk $0xffff, v15;
	v15 =	vor.u32 $0x7, v3  }
0x8e: {  	v9 =	vor.u32 $0x5, v9;
	s0 =	sand.u32 $0x78, s0;
	s2 =	sand.u32 $0x78, s2;
	v3 =	vmov s31;
	v17 =	vmov s12;
	s12 =	sadd.s32 $0xE, s30;
	[tilespmem:v14+s19+$0x0] =	vst.idx.msk $0xffff, v13  }
0x8f: {  	s6 =	sand.u32 $0x78, s6;
	s31 =	sadd.s32 $0xD, s30;
	v14 =	vmov s2;
	v13 =	vshrl.u32 v17, $0x3;
	v3 =	vmul.u32 $0x440, v3;
	s12 =	sand.u32 $0x78, s12;
	[tilespmem:v12+s19+$0x0] =	vst.idx.msk $0xffff, v16;
	v12 =	vld [tilespmem:s28+$0x0]  }
0x90: {  	s2 =	sadd.s32 $0xB, s30;
	v16 =	vmov s0;
	s0 =	sadd.s32 $0xA, s30;
	v17 =	vmov s6;
	s6 =	sand.u32 $0x78, s31;
	v13 =	vshll.u32 v13, v1;
	[tilespmem:v11+s19+$0x0] =	vst.idx.msk $0xffff, v4;
	v4 =	vld [tilespmem:s28+$0xFFFFFFC0]  }
0x91: {  	p0 =	slt.u32 s26, $0x1F8;
	s2 =	sand.u32 $0x78, s2;
	s0 =	sand.u32 $0x78, s0;
	v3 =	vbroadcast v3, $0x0;
	v11 =	vbroadcast v13, $0x0;
	v13 =	vshrl.u32 v16, $0x3;
	[tilespmem:v20+s19+$0x0] =	vst.idx.msk $0xffff, v6;
	v6 =	vld [tilespmem:s28+$0xFFFFFF60]  }
0x92: {  	v14 =	vshrl.u32 v14, $0x3;
	v19 =	vmov s12;
	v16 =	vmov s2;
	v20 =	vld [tilespmem:s28+$0xFFFFFF80];
	[tilespmem:v5+s19+$0x0] =	vst.idx.msk $0xffff, v10;
	s28 =	smov.u32 s29  }
0x93: {  	v5 =	vshrl.u32 v19, $0x3;
	v10 =	vadd.s32 v0, v3;
	v3 =	vadd.s32 v2, v3;
	[tilespmem:v8+s19+$0x0] =	vst.idx.msk $0xffff, v21  }
0x94: {  	v14 =	vshll.u32 v14, v1;
	v8 =	vshll.u32 v13, v1;
	v13 =	vmov s0;
	[tilespmem:v15+s19+$0x0] =	vst.idx.msk $0xffff, v12  }
0x95: {  	v19 =	vadd.s32 v11, v3;
	v21 =	vbroadcast v8, $0x0;
	v8 =	vshrl.u32 v17, $0x3;
	[tilespmem:v9+s19+$0x0] =	vst.idx.msk $0xffff, v4  }
0x96: {  	v5 =	vshll.u32 v5, v1;
	v11 =	vadd.s32 v11, v10;
	v4 =	vshll.u32 v8, v1;
	v9 =	vld [tilespmem:s29+$0xFFFFFF10]  }
0x97: {  	v12 =	vshrl.u32 v16, $0x3;
	v15 =	vmov s6;
	v8 =	vadd.s32 v10, v21;
	[tilespmem:v18+s19+$0x0] =	vst.idx.msk $0xffff, v20  }
0x98: {  	v5 =	vbroadcast v5, $0x0;
	v15 =	vshrl.u32 v15, $0x3;
	v8 =	vor.u32 $0x1, v8;
	v16 =	vld [tilespmem:s29+$0xFFFFFF30];
	[tilespmem:v7+s19+$0x0] =	vst.idx.msk $0xffff, v6  }
0x99: {  	v6 =	vshrl.u32 v13, $0x3;
	v13 =	vbroadcast v4, $0x0;
	v7 =	vbroadcast v14, $0x0  }
0x9a: {  	v14 =	vshll.u32 v15, v1;
	v15 =	vadd.s32 v10, v5;
	v6 =	vshll.u32 v6, v1;
	v4 =	vld [tilespmem:s29+$0xFFFFFF50]  }
0x9b: {  	v20 =	vor.u32 $0x6, v15;
	[tilespmem:v11+s19+$0x0] =	vst.idx.msk $0xffff, v9;
	v9 =	vshll.u32 v12, v1;
	v11 =	vadd.s32 v10, v13;
	v18 =	vld [tilespmem:s29+$0xFFFFFFD0]  }
0x9c: {  	v24 =	vadd.s32 v3, v13;
	v22 =	vld [tilespmem:s29+$0xFFFFFF20];
	v23 =	vor.u32 $0x4, v11;
	v11 =	vbroadcast v14, $0x0  }
0x9d: {  	v5 =	vadd.s32 v3, v5;
	v25 =	vbroadcast v9, $0x0;
	[tilespmem:v8+s19+$0x0] =	vst.idx.msk $0xffff, v16;
	v8 =	vbroadcast v6, $0x0;
	v26 =	vld [tilespmem:s29+$0xFFFFFF90]  }
.Ltmp5:
0x9e: {  	v5 =	vor.u32 $0x6, v5;
	v12 =	vadd.s32 v10, v7;
	v6 =	vld [tilespmem:s29+$0xFFFFFF40];
	v9 =	vadd.s32 v3, v11;
	(pc) =	sbr.rel @p0 .LBB2_13-.Ltmp5, $4  }
0x9f: {  	v17 =	vor.u32 $0x7, v12;
	v14 =	vadd.s32 v10, v25;
	v11 =	vadd.s32 v10, v11;
	v15 =	vld [tilespmem:s29+$0xFFFFFFF0]  }
0xa0: {  	v10 =	vadd.s32 v10, v8;
	v14 =	vor.u32 $0x3, v14;
	v12 =	vor.u32 $0x5, v11;
	v13 =	vld [tilespmem:s29+$0xFFFFFF70];
	[tilespmem:v20+s19+$0x0] =	vst.idx.msk $0xffff, v18  }
0xa1: {  	v11 =	vor.u32 $0x2, v10;
	v18 =	vadd.s32 v3, v8;
	v8 =	vor.u32 $0x4, v24;
	[tilespmem:v19+s19+$0x0] =	vst.idx.msk $0xffff, v22;
	v16 =	vld [tilespmem:s29+$0xFFFFFFB0]  }
0xa2: {  	v20 =	vadd.s32 v3, v21;
	v19 =	vadd.s32 v3, v25;
	s29 =	sadd.s32 $0x100, s29;
	[tilespmem:v23+s19+$0x0] =	vst.idx.msk $0xffff, v26;
	v10 =	vld [tilespmem:s28+$0xFFFFFFE0]  }
0xa3: {  	_ =	sdelay $0x3  }
0xa4: {  	v20 =	vor.u32 $0x1, v20;
	[tilespmem:v11+s19+$0x0] =	vst.idx.msk $0xffff, v4  }
0xa5: {  	v57 =	vld [tilespmem:s28+$0xFFFFFFA0];
	[tilespmem:v17+s19+$0x0] =	vst.idx.msk $0xffff, v15  }
0xa6: {  	v3 =	vadd.s32 v3, v7;
	v62 =	vor.u32 $0x2, v18;
	v63 =	vld [tilespmem:s28+$0xFFFFFF60];
	[tilespmem:v14+s19+$0x0] =	vst.idx.msk $0xffff, v13  }
0xa7: {  	v3 =	vor.u32 $0x7, v3;
	v58 =	vld [tilespmem:s28+$0x0];
	[tilespmem:v12+s19+$0x0] =	vst.idx.msk $0xffff, v16  }
0xa8: {  	v60 =	vor.u32 $0x3, v19;
	v61 =	vld [tilespmem:s28+$0xFFFFFF80];
	[tilespmem:v5+s19+$0x0] =	vst.idx.msk $0xffff, v10  }
0xa9: {  	v9 =	vor.u32 $0x5, v9;
	v59 =	vld [tilespmem:s28+$0xFFFFFFC0];
	[tilespmem:v20+s19+$0x0] =	vst.idx.msk $0xffff, v6  }
0xaa: {  	[tilespmem:v8+s19+$0x0] =	vst.idx.msk $0xffff, v57  }
0xab: {  	[tilespmem:v62+s19+$0x0] =	vst.idx.msk $0xffff, v63  }
0xac: {  	[tilespmem:v3+s19+$0x0] =	vst.idx.msk $0xffff, v58  }
0xad: {  	[tilespmem:v60+s19+$0x0] =	vst.idx.msk $0xffff, v61  }
0xae: {  	s0 =	sadd.s32 $0x600, s24;
	s24 =	sadd.s32 s25, s7;
	s25 =	simm.s32 $0x13900;
	[tilespmem:v9+s19+$0x0] =	vst.idx.msk $0xffff, v59  }
0xaf: {  	[tilespmem:s15], [sflag:$0x2] =	stream.indirect.gather [hbm4b:s4+s11], $0x20, s0, s11, $0xb8;
	[tilespmem:$0x18E00] =	vst v63  }
0xb0: {  	s26 =	simm.s32 $0x10;
	s28 =	simm.s32 $0x13988;
	s0 =	sadd.s32 $0x0, s24  }
.LBB2_15:
0xb1: {  	[hbm4b:s0+s3] =	stream.linear.scatter [tilespmem:s25], [sflag:$0x4], $0x80, $0x38;
	[tilespmem:$0x18E00] =	vst v63  }
0xb2: {  	s0 =	smov.u32 s26;
	s25 =	smov.u32 s28;
	p0 =	sne.s32 s26, $0x1F0  }
.Ltmp6:
0xb3: {  	s26 =	sadd.s32 $0x10, s26;
	(pc) =	sbr.rel @p0 .LBB2_15-.Ltmp6, $2  }
0xb4: {  	_ =	sdelay $0x2  }
0xb5: {  	s28 =	sadd.s32 $0x88, s28;
	s0 =	sadd.s32 s0, s24  }
0xb6: {  	[hbm4b:s0+s3] =	stream.linear.scatter [tilespmem:s25], [sflag:$0x4], $0x80, $0x38;
	[tilespmem:$0x18E00] =	vst v63  }
0xb7: {  	s25 =	sadd.s32 $0x4000, s24;
	s26 =	simm.s32 $0x14E40  }
0xb8: {  	s28 =	simm.s32 $0x10;
	s29 =	simm.s32 $0x14EC8;
	s0 =	sadd.s32 $0x0, s25  }
.LBB2_17:
0xb9: {  	[hbm4b:s0+s3] =	stream.linear.scatter [tilespmem:s26], [sflag:$0x4], $0x80, $0x38;
	[tilespmem:$0x18E00] =	vst v63  }
0xba: {  	s0 =	smov.u32 s28;
	s26 =	smov.u32 s29;
	p0 =	sne.s32 s28, $0x1F0  }
.Ltmp7:
0xbb: {  	s28 =	sadd.s32 $0x10, s28;
	(pc) =	sbr.rel @p0 .LBB2_17-.Ltmp7, $2  }
0xbc: {  	_ =	sdelay $0x2  }
0xbd: {  	s29 =	sadd.s32 $0x88, s29;
	s0 =	sadd.s32 s0, s25  }
0xbe: {  	[hbm4b:s0+s3] =	stream.linear.scatter [tilespmem:s26], [sflag:$0x4], $0x80, $0x38;
	[tilespmem:$0x18E00] =	vst v63  }
0xbf: {  	s25 =	sadd.s32 $0x8000, s24;
	s26 =	simm.s32 $0x16380  }
0xc0: {  	s28 =	simm.s32 $0x10;
	s29 =	simm.s32 $0x16408;
	s0 =	sadd.s32 $0x0, s25  }
.LBB2_19:
0xc1: {  	[hbm4b:s0+s3] =	stream.linear.scatter [tilespmem:s26], [sflag:$0x4], $0x80, $0x38;
	[tilespmem:$0x18E00] =	vst v63  }
0xc2: {  	s0 =	smov.u32 s28;
	s26 =	smov.u32 s29;
	p0 =	sne.s32 s28, $0x1F0  }
.Ltmp8:
0xc3: {  	s28 =	sadd.s32 $0x10, s28;
	(pc) =	sbr.rel @p0 .LBB2_19-.Ltmp8, $2  }
0xc4: {  	_ =	sdelay $0x2  }
0xc5: {  	s29 =	sadd.s32 $0x88, s29;
	s0 =	sadd.s32 s0, s25  }
0xc6: {  	[hbm4b:s0+s3] =	stream.linear.scatter [tilespmem:s26], [sflag:$0x4], $0x80, $0x38;
	[tilespmem:$0x18E00] =	vst v63  }
0xc7: {  	s24 =	sadd.s32 $0xC000, s24;
	s25 =	simm.s32 $0x178C0  }
0xc8: {  	s26 =	simm.s32 $0x10;
	s28 =	simm.s32 $0x17948;
	s0 =	sadd.s32 $0x0, s24  }
.LBB2_21:
0xc9: {  	[hbm4b:s0+s3] =	stream.linear.scatter [tilespmem:s25], [sflag:$0x4], $0x80, $0x38;
	[tilespmem:$0x18E00] =	vst v63  }
0xca: {  	s0 =	smov.u32 s26;
	s25 =	smov.u32 s28;
	p0 =	sne.s32 s26, $0x1F0  }
.Ltmp9:
0xcb: {  	s26 =	sadd.s32 $0x10, s26;
	(pc) =	sbr.rel @p0 .LBB2_21-.Ltmp9, $2  }
0xcc: {  	_ =	sdelay $0x2  }
0xcd: {  	s28 =	sadd.s32 $0x88, s28;
	s0 =	sadd.s32 s0, s24  }
0xce: {  	s23 =	sadd.s32 $0x1, s23  }
0xcf: {  	p0 =	sne.s32 s23, $0x18  }
.Ltmp10:
0xd0: {  	_ = 	snop;
	(pc) =	sbr.rel @p0 .LBB2_2-.Ltmp10, $2  }
0xd1: {  	_ =	sdelay $0x2  }
0xd2: {  	[hbm4b:s0+s3] =	stream.linear.scatter [tilespmem:s25], [sflag:$0x4], $0x80, $0x38;
	[tilespmem:$0x18E00] =	vst v63  }
0xd3: {  	s24 =	simm.s32 $0x0;
	s0 =	simm.s32 $0x0;
	s6 =	simm.s32 $0x1  }
0xd4: {  	s12 =	simm.s32 $0x7;
	s28 =	simm.s32 $0x4;
	s31 =	simm.s32 $0x6  }
0xd5: {  	s25 =	simm.s32 $0x3;
	s2 =	sand.u32 $0x78, s24;
	v3 =	vmov s0;
	s30 =	sand.u32 $0x78, s12  }
0xd6: {  	s29 =	sand.u32 $0x78, s6;
	s0 =	sand.u32 $0x78, s28;
	s28 =	sand.u32 $0x78, s25;
	v4 =	vmov s2;
	v3 =	vmul.u32 $0x440, v3;
	v5 =	vmov s30  }
0xd7: {  	_ =	swait.ge [sflag:s16], $0x4000;
	s26 =	sand.u32 $0x78, s31;
	v6 =	vmov s29;
	v7 =	vmov s0;
	v8 =	vmov s28  }
0xd8: {  	[sflag:s16] =	ssyncset.done $0x0;
	v9 =	vmov s26;
	v4 =	vshrl.u32 v4, $0x3;
	v6 =	vshrl.u32 v6, $0x3  }
0xd9: {  	[sflag:s16] =	ssyncadd.s32 $0xFFFFC000;
	s29 =	simm.s32 $0x2;
	v5 =	vshrl.u32 v5, $0x3;
	v9 =	vshrl.u32 v9, $0x3;
	v8 =	vshrl.u32 v8, $0x3  }
0xda: {  	_ =	swait.ge [sflag:s20], $0x4000;
	s30 =	sand.u32 $0x78, s29;
	v4 =	vshll.u32 v4, v1;
	v3 =	vbroadcast v3, $0x0;
	v6 =	vshll.u32 v6, v1  }
0xdb: {  	[sflag:s20] =	ssyncset.done $0x0;
	v11 =	vmov s30;
	v5 =	vshll.u32 v5, v1;
	v4 =	vbroadcast v4, $0x0  }
0xdc: {  	s23 =	simm.s32 $0x6480;
	v8 =	vshll.u32 v8, v1;
	[sflag:s20] =	ssyncadd.s32 $0xFFFFC000;
	v19 =	vbroadcast v6, $0x0;
	v10 =	vadd.s32 v0, v3  }
0xdd: {  	v6 =	vshrl.u32 v7, $0x3;
	v3 =	vadd.s32 v2, v3;
	v12 =	vld [tilespmem:s23+$0xFFFFFF80];
	v13 =	vadd.s32 v4, v10  }
0xde: {  	s31 =	simm.s32 $0x5;
	v16 =	vadd.s32 v4, v3;
	v4 =	vshll.u32 v6, v1;
	v6 =	vshll.u32 v9, v1  }
0xdf: {  	s0 =	sand.u32 $0x78, s31;
	v11 =	vshrl.u32 v11, $0x3;
	v7 =	vadd.s32 v10, v19;
	v6 =	vbroadcast v6, $0x0  }
0xe0: {  	v14 =	vld [tilespmem:s23+$0xFFFFFFA0];
	v9 =	vmov s0;
	v15 =	vor.u32 $0x1, v7;
	v17 =	vbroadcast v4, $0x0  }
0xe1: {  	v18 =	vld [tilespmem:s23+$0x40];
	v7 =	vbroadcast v5, $0x0;
	v5 =	vshll.u32 v11, v1;
	v11 =	vadd.s32 v10, v6  }
0xe2: {  	v23 =	vbroadcast v8, $0x0;
	v24 =	vld [tilespmem:s23+$0x0];
	v9 =	vshrl.u32 v9, $0x3;
	v11 =	vor.u32 $0x6, v11;
	[tilespmem:v13+s17+$0x0] =	vst.idx.msk $0xffff, v12  }
0xe3: {  	v9 =	vshll.u32 v9, v1;
	v25 =	vbroadcast v5, $0x0;
	v12 =	vadd.s32 v10, v17;
	v20 =	vld [tilespmem:s23+$0xFFFFFF90]  }
0xe4: {  	v4 =	vld [tilespmem:s23+$0xFFFFFFC0];
	v22 =	vadd.s32 v3, v17;
	v8 =	vadd.s32 v3, v6;
	v21 =	vor.u32 $0x4, v12  }
0xe5: {  	v5 =	vor.u32 $0x6, v8;
	v8 =	vadd.s32 v10, v7;
	v13 =	vld [tilespmem:s23+$0xFFFFFFE0];
	v12 =	vbroadcast v9, $0x0  }
0xe6: {  	v17 =	vor.u32 $0x7, v8;
	v8 =	vadd.s32 v10, v25;
	[tilespmem:v15+s17+$0x0] =	vst.idx.msk $0xffff, v14;
	v14 =	vadd.s32 v10, v23;
	v15 =	vld [tilespmem:s23+$0x60]  }
0xe7: {  	v6 =	vld [tilespmem:s23+$0xFFFFFFB0];
	v14 =	vor.u32 $0x3, v14;
	v9 =	vadd.s32 v3, v12;
	v12 =	vadd.s32 v10, v12;
	[tilespmem:v11+s17+$0x0] =	vst.idx.msk $0xffff, v18  }
0xe8: {  	v12 =	vor.u32 $0x5, v12;
	v11 =	vor.u32 $0x2, v8;
	v18 =	vadd.s32 v3, v25;
	v10 =	vld [tilespmem:s23+$0x50];
	[tilespmem:v16+s17+$0x0] =	vst.idx.msk $0xffff, v20  }
0xe9: {  	s25 =	simm.s32 $0x6580;
	v8 =	vor.u32 $0x4, v22;
	v16 =	vld [tilespmem:s23+$0x20];
	v20 =	vadd.s32 v3, v19;
	v19 =	vadd.s32 v3, v23;
	[tilespmem:v21+s17+$0x0] =	vst.idx.msk $0xffff, v24  }
.LBB2_24:
0xea: {  	s0 =	sadd.s32 $0x9, s24  }
0xeb: {  	s2 =	sadd.s32 $0xF, s24;
	v20 =	vor.u32 $0x1, v20;
	v21 =	vld [tilespmem:s23+$0x10];
	v3 =	vadd.s32 v3, v7;
	s6 =	smov.u32 s24;
	s24 =	sadd.s32 $0x8, s24  }
0xec: {  	v7 =	vor.u32 $0x2, v18;
	v18 =	vor.u32 $0x3, v19;
	s12 =	sshrl.u32 s24, $0x7;
	s26 =	sand.u32 $0x78, s24;
	s28 =	sadd.s32 $0xC, s6;
	[tilespmem:v17+s17+$0x0] =	vst.idx.msk $0xffff, v15;
	v15 =	vor.u32 $0x7, v3  }
0xed: {  	v9 =	vor.u32 $0x5, v9;
	s0 =	sand.u32 $0x78, s0;
	s2 =	sand.u32 $0x78, s2;
	v3 =	vmov s12;
	v17 =	vmov s26;
	s12 =	sadd.s32 $0xE, s6;
	[tilespmem:v14+s17+$0x0] =	vst.idx.msk $0xffff, v13  }
0xee: {  	s26 =	sand.u32 $0x78, s28;
	s28 =	sadd.s32 $0xD, s6;
	v14 =	vmov s2;
	v13 =	vshrl.u32 v17, $0x3;
	v3 =	vmul.u32 $0x440, v3;
	s12 =	sand.u32 $0x78, s12;
	[tilespmem:v12+s17+$0x0] =	vst.idx.msk $0xffff, v16;
	v12 =	vld [tilespmem:s23+$0x70]  }
0xef: {  	s2 =	sadd.s32 $0xB, s6;
	v16 =	vmov s0;
	s0 =	sadd.s32 $0xA, s6;
	v17 =	vmov s26;
	s6 =	sand.u32 $0x78, s28;
	v13 =	vshll.u32 v13, v1;
	[tilespmem:v11+s17+$0x0] =	vst.idx.msk $0xffff, v4;
	v4 =	vld [tilespmem:s23+$0x30]  }
0xf0: {  	p0 =	slt.u32 s24, $0x1F8;
	s2 =	sand.u32 $0x78, s2;
	s0 =	sand.u32 $0x78, s0;
	v3 =	vbroadcast v3, $0x0;
	v11 =	vbroadcast v13, $0x0;
	v13 =	vshrl.u32 v16, $0x3;
	[tilespmem:v20+s17+$0x0] =	vst.idx.msk $0xffff, v6;
	v6 =	vld [tilespmem:s23+$0xFFFFFFD0]  }
0xf1: {  	v14 =	vshrl.u32 v14, $0x3;
	v19 =	vmov s12;
	v16 =	vmov s2;
	v20 =	vld [tilespmem:s23+$0xFFFFFFF0];
	[tilespmem:v5+s17+$0x0] =	vst.idx.msk $0xffff, v10;
	s23 =	smov.u32 s25  }
0xf2: {  	v5 =	vshrl.u32 v19, $0x3;
	v10 =	vadd.s32 v0, v3;
	v3 =	vadd.s32 v2, v3;
	[tilespmem:v8+s17+$0x0] =	vst.idx.msk $0xffff, v21  }
0xf3: {  	v14 =	vshll.u32 v14, v1;
	v8 =	vshll.u32 v13, v1;
	v13 =	vmov s0;
	[tilespmem:v15+s17+$0x0] =	vst.idx.msk $0xffff, v12  }
0xf4: {  	v19 =	vadd.s32 v11, v3;
	v21 =	vbroadcast v8, $0x0;
	v8 =	vshrl.u32 v17, $0x3;
	[tilespmem:v9+s17+$0x0] =	vst.idx.msk $0xffff, v4  }
0xf5: {  	v5 =	vshll.u32 v5, v1;
	v11 =	vadd.s32 v11, v10;
	v4 =	vshll.u32 v8, v1;
	v9 =	vld [tilespmem:s25+$0xFFFFFF80]  }
0xf6: {  	v12 =	vshrl.u32 v16, $0x3;
	v15 =	vmov s6;
	v8 =	vadd.s32 v10, v21;
	[tilespmem:v18+s17+$0x0] =	vst.idx.msk $0xffff, v20  }
0xf7: {  	v5 =	vbroadcast v5, $0x0;
	v15 =	vshrl.u32 v15, $0x3;
	v8 =	vor.u32 $0x1, v8;
	v16 =	vld [tilespmem:s25+$0xFFFFFFA0];
	[tilespmem:v7+s17+$0x0] =	vst.idx.msk $0xffff, v6  }
0xf8: {  	v6 =	vshrl.u32 v13, $0x3;
	v13 =	vbroadcast v4, $0x0;
	v7 =	vbroadcast v14, $0x0  }
0xf9: {  	v14 =	vshll.u32 v15, v1;
	v15 =	vadd.s32 v10, v5;
	v6 =	vshll.u32 v6, v1;
	v4 =	vld [tilespmem:s25+$0xFFFFFFC0]  }
0xfa: {  	v20 =	vor.u32 $0x6, v15;
	[tilespmem:v11+s17+$0x0] =	vst.idx.msk $0xffff, v9;
	v9 =	vshll.u32 v12, v1;
	v11 =	vadd.s32 v10, v13;
	v18 =	vld [tilespmem:s25+$0x40]  }
0xfb: {  	v24 =	vadd.s32 v3, v13;
	v22 =	vld [tilespmem:s25+$0xFFFFFF90];
	v23 =	vor.u32 $0x4, v11;
	v11 =	vbroadcast v14, $0x0  }
0xfc: {  	v5 =	vadd.s32 v3, v5;
	v25 =	vbroadcast v9, $0x0;
	[tilespmem:v8+s17+$0x0] =	vst.idx.msk $0xffff, v16;
	v8 =	vbroadcast v6, $0x0;
	v26 =	vld [tilespmem:s25+$0x0]  }
.Ltmp11:
0xfd: {  	v5 =	vor.u32 $0x6, v5;
	v12 =	vadd.s32 v10, v7;
	v6 =	vld [tilespmem:s25+$0xFFFFFFB0];
	v9 =	vadd.s32 v3, v11;
	(pc) =	sbr.rel @p0 .LBB2_24-.Ltmp11, $4  }
0xfe: {  	v17 =	vor.u32 $0x7, v12;
	v14 =	vadd.s32 v10, v25;
	v11 =	vadd.s32 v10, v11;
	v15 =	vld [tilespmem:s25+$0x60]  }
0xff: {  	v10 =	vadd.s32 v10, v8;
	v14 =	vor.u32 $0x3, v14;
	v12 =	vor.u32 $0x5, v11;
	v13 =	vld [tilespmem:s25+$0xFFFFFFE0];
	[tilespmem:v20+s17+$0x0] =	vst.idx.msk $0xffff, v18  }
0x100: {  	v11 =	vor.u32 $0x2, v10;
	v18 =	vadd.s32 v3, v8;
	v8 =	vor.u32 $0x4, v24;
	[tilespmem:v19+s17+$0x0] =	vst.idx.msk $0xffff, v22;
	v16 =	vld [tilespmem:s25+$0x20]  }
0x101: {  	v20 =	vadd.s32 v3, v21;
	v19 =	vadd.s32 v3, v25;
	s25 =	sadd.s32 $0x100, s25;
	[tilespmem:v23+s17+$0x0] =	vst.idx.msk $0xffff, v26;
	v10 =	vld [tilespmem:s23+$0x50]  }
0x102: {  	_ =	sdelay $0x3  }
0x103: {  	v20 =	vor.u32 $0x1, v20;
	[tilespmem:v11+s17+$0x0] =	vst.idx.msk $0xffff, v4  }
0x104: {  	v57 =	vld [tilespmem:s23+$0x10];
	[tilespmem:v17+s17+$0x0] =	vst.idx.msk $0xffff, v15  }
0x105: {  	v3 =	vadd.s32 v3, v7;
	v62 =	vor.u32 $0x2, v18;
	v63 =	vld [tilespmem:s23+$0xFFFFFFD0];
	[tilespmem:v14+s17+$0x0] =	vst.idx.msk $0xffff, v13  }
0x106: {  	v3 =	vor.u32 $0x7, v3;
	v58 =	vld [tilespmem:s23+$0x70];
	[tilespmem:v12+s17+$0x0] =	vst.idx.msk $0xffff, v16  }
0x107: {  	v60 =	vor.u32 $0x3, v19;
	v61 =	vld [tilespmem:s23+$0xFFFFFFF0];
	[tilespmem:v5+s17+$0x0] =	vst.idx.msk $0xffff, v10  }
0x108: {  	v9 =	vor.u32 $0x5, v9;
	v59 =	vld [tilespmem:s23+$0x30];
	[tilespmem:v20+s17+$0x0] =	vst.idx.msk $0xffff, v6  }
0x109: {  	[tilespmem:v8+s17+$0x0] =	vst.idx.msk $0xffff, v57  }
0x10a: {  	[tilespmem:v62+s17+$0x0] =	vst.idx.msk $0xffff, v63  }
0x10b: {  	[tilespmem:v3+s17+$0x0] =	vst.idx.msk $0xffff, v58  }
0x10c: {  	s24 =	simm.s32 $0x10;
	[tilespmem:v60+s17+$0x0] =	vst.idx.msk $0xffff, v61  }
0x10d: {  	s0 =	sadd.s32 $0x0, s8;
	s25 =	simm.s32 $0xE488;
	s23 =	simm.s32 $0xE400;
	[tilespmem:v9+s17+$0x0] =	vst.idx.msk $0xffff, v59  }
.LBB2_26:
0x10e: {  	[hbm4b:s0+s3] =	stream.linear.scatter [tilespmem:s23], [sflag:$0x3], $0x80, $0x38;
	[tilespmem:$0x18E00] =	vst v63  }
0x10f: {  	s0 =	smov.u32 s24;
	s23 =	smov.u32 s25;
	p0 =	sne.s32 s24, $0x1F0  }
.Ltmp12:
0x110: {  	s24 =	sadd.s32 $0x10, s24;
	(pc) =	sbr.rel @p0 .LBB2_26-.Ltmp12, $2  }
0x111: {  	_ =	sdelay $0x2  }
0x112: {  	s25 =	sadd.s32 $0x88, s25;
	s0 =	sadd.s32 s0, s8  }
0x113: {  	[hbm4b:s0+s3] =	stream.linear.scatter [tilespmem:s23], [sflag:$0x3], $0x80, $0x38;
	[tilespmem:$0x18E00] =	vst v63  }
0x114: {  	s23 =	sadd.s32 $0x4000, s8;
	s24 =	simm.s32 $0xF940  }
0x115: {  	s25 =	simm.s32 $0x10;
	s26 =	simm.s32 $0xF9C8;
	s0 =	sadd.s32 $0x0, s23  }
.LBB2_28:
0x116: {  	[hbm4b:s0+s3] =	stream.linear.scatter [tilespmem:s24], [sflag:$0x3], $0x80, $0x38;
	[tilespmem:$0x18E00] =	vst v63  }
0x117: {  	s0 =	smov.u32 s25;
	s24 =	smov.u32 s26;
	p0 =	sne.s32 s25, $0x1F0  }
.Ltmp13:
0x118: {  	s25 =	sadd.s32 $0x10, s25;
	(pc) =	sbr.rel @p0 .LBB2_28-.Ltmp13, $2  }
0x119: {  	_ =	sdelay $0x2  }
0x11a: {  	s26 =	sadd.s32 $0x88, s26;
	s0 =	sadd.s32 s0, s23  }
0x11b: {  	[hbm4b:s0+s3] =	stream.linear.scatter [tilespmem:s24], [sflag:$0x3], $0x80, $0x38;
	[tilespmem:$0x18E00] =	vst v63  }
0x11c: {  	s23 =	sadd.s32 $0x8000, s8;
	s24 =	simm.s32 $0x10E80  }
0x11d: {  	s25 =	simm.s32 $0x10;
	s26 =	simm.s32 $0x10F08;
	s0 =	sadd.s32 $0x0, s23  }
.LBB2_30:
0x11e: {  	[hbm4b:s0+s3] =	stream.linear.scatter [tilespmem:s24], [sflag:$0x3], $0x80, $0x38;
	[tilespmem:$0x18E00] =	vst v63  }
0x11f: {  	s0 =	smov.u32 s25;
	s24 =	smov.u32 s26;
	p0 =	sne.s32 s25, $0x1F0  }
.Ltmp14:
0x120: {  	s25 =	sadd.s32 $0x10, s25;
	(pc) =	sbr.rel @p0 .LBB2_30-.Ltmp14, $2  }
0x121: {  	_ =	sdelay $0x2  }
0x122: {  	s26 =	sadd.s32 $0x88, s26;
	s0 =	sadd.s32 s0, s23  }
0x123: {  	[hbm4b:s0+s3] =	stream.linear.scatter [tilespmem:s24], [sflag:$0x3], $0x80, $0x38;
	[tilespmem:$0x18E00] =	vst v63  }
0x124: {  	s23 =	sadd.s32 $0xC000, s8;
	s24 =	simm.s32 $0x123C0  }
0x125: {  	s25 =	simm.s32 $0x10;
	s26 =	simm.s32 $0x12448;
	s0 =	sadd.s32 $0x0, s23  }
.LBB2_32:
0x126: {  	[hbm4b:s0+s3] =	stream.linear.scatter [tilespmem:s24], [sflag:$0x3], $0x80, $0x38;
	[tilespmem:$0x18E00] =	vst v63  }
0x127: {  	s0 =	smov.u32 s25;
	s24 =	smov.u32 s26;
	p0 =	sne.s32 s25, $0x1F0  }
.Ltmp15:
0x128: {  	s25 =	sadd.s32 $0x10, s25;
	(pc) =	sbr.rel @p0 .LBB2_32-.Ltmp15, $2  }
0x129: {  	_ =	sdelay $0x2  }
0x12a: {  	s26 =	sadd.s32 $0x88, s26;
	s0 =	sadd.s32 s0, s23  }
0x12b: {  	[hbm4b:s0+s3] =	stream.linear.scatter [tilespmem:s24], [sflag:$0x3], $0x80, $0x38;
	[tilespmem:$0x18E00] =	vst v63  }
0x12c: {  	s24 =	simm.s32 $0x0;
	s26 =	simm.s32 $0x0;
	s6 =	simm.s32 $0x1  }
0x12d: {  	s12 =	simm.s32 $0x7;
	s28 =	simm.s32 $0x4;
	s31 =	simm.s32 $0x6  }
0x12e: {  	s25 =	simm.s32 $0x3;
	s2 =	sand.u32 $0x78, s24;
	v3 =	vmov s26;
	s30 =	sand.u32 $0x78, s12  }
0x12f: {  	s29 =	sand.u32 $0x78, s6;
	s0 =	sand.u32 $0x78, s28;
	s28 =	sand.u32 $0x78, s25;
	v4 =	vmov s2;
	v3 =	vmul.u32 $0x440, v3;
	v5 =	vmov s30  }
0x130: {  	_ =	swait.ge [sflag:s18], $0x4000;
	s26 =	sand.u32 $0x78, s31;
	v6 =	vmov s29;
	v7 =	vmov s0;
	v8 =	vmov s28  }
0x131: {  	[sflag:s18] =	ssyncset.done $0x0;
	v9 =	vmov s26;
	v4 =	vshrl.u32 v4, $0x3;
	v6 =	vshrl.u32 v6, $0x3  }
0x132: {  	s29 =	simm.s32 $0x2;
	[sflag:s18] =	ssyncadd.s32 $0xFFFFC000;
	v5 =	vshrl.u32 v5, $0x3;
	v9 =	vshrl.u32 v9, $0x3;
	v8 =	vshrl.u32 v8, $0x3  }
0x133: {  	s30 =	sand.u32 $0x78, s29;
	_ =	swait.ge [sflag:s21], $0x4000;
	v4 =	vshll.u32 v4, v1;
	v3 =	vbroadcast v3, $0x0;
	v6 =	vshll.u32 v6, v1  }
0x134: {  	v11 =	vmov s30;
	v5 =	vshll.u32 v5, v1;
	[sflag:s21] =	ssyncset.done $0x0;
	v4 =	vbroadcast v4, $0x0  }
0x135: {  	s23 =	simm.s32 $0xA4F0;
	v8 =	vshll.u32 v8, v1;
	v19 =	vbroadcast v6, $0x0;
	[sflag:s21] =	ssyncadd.s32 $0xFFFFC000;
	v10 =	vadd.s32 v0, v3  }
0x136: {  	v6 =	vshrl.u32 v7, $0x3;
	v3 =	vadd.s32 v2, v3;
	v12 =	vld [tilespmem:s23+$0xFFFFFF10];
	v13 =	vadd.s32 v4, v10  }
0x137: {  	s31 =	simm.s32 $0x5;
	v16 =	vadd.s32 v4, v3;
	v4 =	vshll.u32 v6, v1;
	v6 =	vshll.u32 v9, v1  }
0x138: {  	s0 =	sand.u32 $0x78, s31;
	v11 =	vshrl.u32 v11, $0x3;
	v7 =	vadd.s32 v10, v19;
	v6 =	vbroadcast v6, $0x0  }
0x139: {  	v9 =	vmov s0;
	v14 =	vld [tilespmem:s23+$0xFFFFFF30];
	v15 =	vor.u32 $0x1, v7;
	v17 =	vbroadcast v4, $0x0  }
0x13a: {  	v18 =	vld [tilespmem:s23+$0xFFFFFFD0];
	v7 =	vbroadcast v5, $0x0;
	v5 =	vshll.u32 v11, v1;
	v11 =	vadd.s32 v10, v6  }
0x13b: {  	v23 =	vbroadcast v8, $0x0;
	v24 =	vld [tilespmem:s23+$0xFFFFFF90];
	v9 =	vshrl.u32 v9, $0x3;
	v11 =	vor.u32 $0x6, v11;
	[tilespmem:v13+s19+$0x0] =	vst.idx.msk $0xffff, v12  }
0x13c: {  	v9 =	vshll.u32 v9, v1;
	v25 =	vbroadcast v5, $0x0;
	v12 =	vadd.s32 v10, v17;
	v20 =	vld [tilespmem:s23+$0xFFFFFF20]  }
0x13d: {  	v4 =	vld [tilespmem:s23+$0xFFFFFF50];
	v22 =	vadd.s32 v3, v17;
	v8 =	vadd.s32 v3, v6;
	v21 =	vor.u32 $0x4, v12  }
0x13e: {  	v5 =	vor.u32 $0x6, v8;
	v8 =	vadd.s32 v10, v7;
	v13 =	vld [tilespmem:s23+$0xFFFFFF70];
	v12 =	vbroadcast v9, $0x0  }
0x13f: {  	v17 =	vor.u32 $0x7, v8;
	v8 =	vadd.s32 v10, v25;
	[tilespmem:v15+s19+$0x0] =	vst.idx.msk $0xffff, v14;
	v14 =	vadd.s32 v10, v23;
	v15 =	vld [tilespmem:s23+$0xFFFFFFF0]  }
0x140: {  	v6 =	vld [tilespmem:s23+$0xFFFFFF40];
	v14 =	vor.u32 $0x3, v14;
	v9 =	vadd.s32 v3, v12;
	v12 =	vadd.s32 v10, v12;
	[tilespmem:v11+s19+$0x0] =	vst.idx.msk $0xffff, v18  }
0x141: {  	v12 =	vor.u32 $0x5, v12;
	v11 =	vor.u32 $0x2, v8;
	v18 =	vadd.s32 v3, v25;
	v10 =	vld [tilespmem:s23+$0xFFFFFFE0];
	[tilespmem:v16+s19+$0x0] =	vst.idx.msk $0xffff, v20  }
0x142: {  	s25 =	simm.s32 $0xA5F0;
	v8 =	vor.u32 $0x4, v22;
	v16 =	vld [tilespmem:s23+$0xFFFFFFB0];
	v20 =	vadd.s32 v3, v19;
	v19 =	vadd.s32 v3, v23;
	[tilespmem:v21+s19+$0x0] =	vst.idx.msk $0xffff, v24  }
.LBB2_34:
0x143: {  	s0 =	sadd.s32 $0x9, s24  }
0x144: {  	s2 =	sadd.s32 $0xF, s24;
	v20 =	vor.u32 $0x1, v20;
	v21 =	vld [tilespmem:s23+$0xFFFFFFA0];
	v3 =	vadd.s32 v3, v7;
	s6 =	smov.u32 s24;
	s24 =	sadd.s32 $0x8, s24  }
0x145: {  	v7 =	vor.u32 $0x2, v18;
	v18 =	vor.u32 $0x3, v19;
	s12 =	sshrl.u32 s24, $0x7;
	s26 =	sand.u32 $0x78, s24;
	s28 =	sadd.s32 $0xC, s6;
	[tilespmem:v17+s19+$0x0] =	vst.idx.msk $0xffff, v15;
	v15 =	vor.u32 $0x7, v3  }
0x146: {  	v9 =	vor.u32 $0x5, v9;
	s0 =	sand.u32 $0x78, s0;
	s2 =	sand.u32 $0x78, s2;
	v3 =	vmov s12;
	v17 =	vmov s26;
	s12 =	sadd.s32 $0xE, s6;
	[tilespmem:v14+s19+$0x0] =	vst.idx.msk $0xffff, v13  }
0x147: {  	s26 =	sand.u32 $0x78, s28;
	s28 =	sadd.s32 $0xD, s6;
	v14 =	vmov s2;
	v13 =	vshrl.u32 v17, $0x3;
	v3 =	vmul.u32 $0x440, v3;
	s12 =	sand.u32 $0x78, s12;
	[tilespmem:v12+s19+$0x0] =	vst.idx.msk $0xffff, v16;
	v12 =	vld [tilespmem:s23+$0x0]  }
0x148: {  	s2 =	sadd.s32 $0xB, s6;
	v16 =	vmov s0;
	s0 =	sadd.s32 $0xA, s6;
	v17 =	vmov s26;
	s6 =	sand.u32 $0x78, s28;
	v13 =	vshll.u32 v13, v1;
	[tilespmem:v11+s19+$0x0] =	vst.idx.msk $0xffff, v4;
	v4 =	vld [tilespmem:s23+$0xFFFFFFC0]  }
0x149: {  	p0 =	slt.u32 s24, $0x1F8;
	s2 =	sand.u32 $0x78, s2;
	s0 =	sand.u32 $0x78, s0;
	v3 =	vbroadcast v3, $0x0;
	v11 =	vbroadcast v13, $0x0;
	v13 =	vshrl.u32 v16, $0x3;
	[tilespmem:v20+s19+$0x0] =	vst.idx.msk $0xffff, v6;
	v6 =	vld [tilespmem:s23+$0xFFFFFF60]  }
0x14a: {  	v14 =	vshrl.u32 v14, $0x3;
	v19 =	vmov s12;
	v16 =	vmov s2;
	v20 =	vld [tilespmem:s23+$0xFFFFFF80];
	[tilespmem:v5+s19+$0x0] =	vst.idx.msk $0xffff, v10;
	s23 =	smov.u32 s25  }
0x14b: {  	v5 =	vshrl.u32 v19, $0x3;
	v10 =	vadd.s32 v0, v3;
	v3 =	vadd.s32 v2, v3;
	[tilespmem:v8+s19+$0x0] =	vst.idx.msk $0xffff, v21  }
0x14c: {  	v14 =	vshll.u32 v14, v1;
	v8 =	vshll.u32 v13, v1;
	v13 =	vmov s0;
	[tilespmem:v15+s19+$0x0] =	vst.idx.msk $0xffff, v12  }
0x14d: {  	v19 =	vadd.s32 v11, v3;
	v21 =	vbroadcast v8, $0x0;
	v8 =	vshrl.u32 v17, $0x3;
	[tilespmem:v9+s19+$0x0] =	vst.idx.msk $0xffff, v4  }
0x14e: {  	v5 =	vshll.u32 v5, v1;
	v11 =	vadd.s32 v11, v10;
	v4 =	vshll.u32 v8, v1;
	v9 =	vld [tilespmem:s25+$0xFFFFFF10]  }
0x14f: {  	v12 =	vshrl.u32 v16, $0x3;
	v15 =	vmov s6;
	v8 =	vadd.s32 v10, v21;
	[tilespmem:v18+s19+$0x0] =	vst.idx.msk $0xffff, v20  }
0x150: {  	v5 =	vbroadcast v5, $0x0;
	v15 =	vshrl.u32 v15, $0x3;
	v8 =	vor.u32 $0x1, v8;
	v16 =	vld [tilespmem:s25+$0xFFFFFF30];
	[tilespmem:v7+s19+$0x0] =	vst.idx.msk $0xffff, v6  }
0x151: {  	v6 =	vshrl.u32 v13, $0x3;
	v13 =	vbroadcast v4, $0x0;
	v7 =	vbroadcast v14, $0x0  }
0x152: {  	v14 =	vshll.u32 v15, v1;
	v15 =	vadd.s32 v10, v5;
	v6 =	vshll.u32 v6, v1;
	v4 =	vld [tilespmem:s25+$0xFFFFFF50]  }
0x153: {  	v20 =	vor.u32 $0x6, v15;
	[tilespmem:v11+s19+$0x0] =	vst.idx.msk $0xffff, v9;
	v9 =	vshll.u32 v12, v1;
	v11 =	vadd.s32 v10, v13;
	v18 =	vld [tilespmem:s25+$0xFFFFFFD0]  }
0x154: {  	v24 =	vadd.s32 v3, v13;
	v22 =	vld [tilespmem:s25+$0xFFFFFF20];
	v23 =	vor.u32 $0x4, v11;
	v11 =	vbroadcast v14, $0x0  }
0x155: {  	v5 =	vadd.s32 v3, v5;
	v25 =	vbroadcast v9, $0x0;
	[tilespmem:v8+s19+$0x0] =	vst.idx.msk $0xffff, v16;
	v8 =	vbroadcast v6, $0x0;
	v26 =	vld [tilespmem:s25+$0xFFFFFF90]  }
.Ltmp16:
0x156: {  	v5 =	vor.u32 $0x6, v5;
	v12 =	vadd.s32 v10, v7;
	v6 =	vld [tilespmem:s25+$0xFFFFFF40];
	v9 =	vadd.s32 v3, v11;
	(pc) =	sbr.rel @p0 .LBB2_34-.Ltmp16, $4  }
0x157: {  	v17 =	vor.u32 $0x7, v12;
	v14 =	vadd.s32 v10, v25;
	v11 =	vadd.s32 v10, v11;
	v15 =	vld [tilespmem:s25+$0xFFFFFFF0]  }
0x158: {  	v10 =	vadd.s32 v10, v8;
	v14 =	vor.u32 $0x3, v14;
	v12 =	vor.u32 $0x5, v11;
	v13 =	vld [tilespmem:s25+$0xFFFFFF70];
	[tilespmem:v20+s19+$0x0] =	vst.idx.msk $0xffff, v18  }
0x159: {  	v11 =	vor.u32 $0x2, v10;
	v18 =	vadd.s32 v3, v8;
	v8 =	vor.u32 $0x4, v24;
	[tilespmem:v19+s19+$0x0] =	vst.idx.msk $0xffff, v22;
	v16 =	vld [tilespmem:s25+$0xFFFFFFB0]  }
0x15a: {  	v20 =	vadd.s32 v3, v21;
	v19 =	vadd.s32 v3, v25;
	s25 =	sadd.s32 $0x100, s25;
	[tilespmem:v23+s19+$0x0] =	vst.idx.msk $0xffff, v26;
	v10 =	vld [tilespmem:s23+$0xFFFFFFE0]  }
0x15b: {  	_ =	sdelay $0x3  }
0x15c: {  	v20 =	vor.u32 $0x1, v20;
	[tilespmem:v11+s19+$0x0] =	vst.idx.msk $0xffff, v4  }
0x15d: {  	v57 =	vld [tilespmem:s23+$0xFFFFFFA0];
	[tilespmem:v17+s19+$0x0] =	vst.idx.msk $0xffff, v15  }
0x15e: {  	v3 =	vadd.s32 v3, v7;
	v62 =	vor.u32 $0x2, v18;
	v63 =	vld [tilespmem:s23+$0xFFFFFF60];
	[tilespmem:v14+s19+$0x0] =	vst.idx.msk $0xffff, v13  }
0x15f: {  	v3 =	vor.u32 $0x7, v3;
	v58 =	vld [tilespmem:s23+$0x0];
	[tilespmem:v12+s19+$0x0] =	vst.idx.msk $0xffff, v16  }
0x160: {  	v60 =	vor.u32 $0x3, v19;
	v61 =	vld [tilespmem:s23+$0xFFFFFF80];
	[tilespmem:v5+s19+$0x0] =	vst.idx.msk $0xffff, v10  }
0x161: {  	v9 =	vor.u32 $0x5, v9;
	v59 =	vld [tilespmem:s23+$0xFFFFFFC0];
	[tilespmem:v20+s19+$0x0] =	vst.idx.msk $0xffff, v6  }
0x162: {  	[tilespmem:v8+s19+$0x0] =	vst.idx.msk $0xffff, v57  }
0x163: {  	[tilespmem:v62+s19+$0x0] =	vst.idx.msk $0xffff, v63  }
0x164: {  	[tilespmem:v3+s19+$0x0] =	vst.idx.msk $0xffff, v58  }
0x165: {  	s24 =	simm.s32 $0x10;
	[tilespmem:v60+s19+$0x0] =	vst.idx.msk $0xffff, v61  }
0x166: {  	s0 =	sadd.s32 $0x0, s9;
	s25 =	simm.s32 $0x13988;
	s23 =	simm.s32 $0x13900;
	[tilespmem:v9+s19+$0x0] =	vst.idx.msk $0xffff, v59  }
.LBB2_36:
0x167: {  	[hbm4b:s0+s3] =	stream.linear.scatter [tilespmem:s23], [sflag:$0x4], $0x80, $0x38;
	[tilespmem:$0x18E00] =	vst v63  }
0x168: {  	s0 =	smov.u32 s24;
	s23 =	smov.u32 s25;
	p0 =	sne.s32 s24, $0x1F0  }
.Ltmp17:
0x169: {  	s24 =	sadd.s32 $0x10, s24;
	(pc) =	sbr.rel @p0 .LBB2_36-.Ltmp17, $2  }
0x16a: {  	_ =	sdelay $0x2  }
0x16b: {  	s25 =	sadd.s32 $0x88, s25;
	s0 =	sadd.s32 s0, s9  }
0x16c: {  	[hbm4b:s0+s3] =	stream.linear.scatter [tilespmem:s23], [sflag:$0x4], $0x80, $0x38;
	[tilespmem:$0x18E00] =	vst v63  }
0x16d: {  	s23 =	sadd.s32 $0x4000, s9;
	s24 =	simm.s32 $0x14E40  }
0x16e: {  	s25 =	simm.s32 $0x10;
	s26 =	simm.s32 $0x14EC8;
	s0 =	sadd.s32 $0x0, s23  }
.LBB2_38:
0x16f: {  	[hbm4b:s0+s3] =	stream.linear.scatter [tilespmem:s24], [sflag:$0x4], $0x80, $0x38;
	[tilespmem:$0x18E00] =	vst v63  }
0x170: {  	s0 =	smov.u32 s25;
	s24 =	smov.u32 s26;
	p0 =	sne.s32 s25, $0x1F0  }
.Ltmp18:
0x171: {  	s25 =	sadd.s32 $0x10, s25;
	(pc) =	sbr.rel @p0 .LBB2_38-.Ltmp18, $2  }
0x172: {  	_ =	sdelay $0x2  }
0x173: {  	s26 =	sadd.s32 $0x88, s26;
	s0 =	sadd.s32 s0, s23  }
0x174: {  	[hbm4b:s0+s3] =	stream.linear.scatter [tilespmem:s24], [sflag:$0x4], $0x80, $0x38;
	[tilespmem:$0x18E00] =	vst v63  }
0x175: {  	s23 =	sadd.s32 $0x8000, s9;
	s24 =	simm.s32 $0x16380  }
0x176: {  	s25 =	simm.s32 $0x10;
	s26 =	simm.s32 $0x16408;
	s0 =	sadd.s32 $0x0, s23  }
.LBB2_40:
0x177: {  	[hbm4b:s0+s3] =	stream.linear.scatter [tilespmem:s24], [sflag:$0x4], $0x80, $0x38;
	[tilespmem:$0x18E00] =	vst v63  }
0x178: {  	s0 =	smov.u32 s25;
	s24 =	smov.u32 s26;
	p0 =	sne.s32 s25, $0x1F0  }
.Ltmp19:
0x179: {  	s25 =	sadd.s32 $0x10, s25;
	(pc) =	sbr.rel @p0 .LBB2_40-.Ltmp19, $2  }
0x17a: {  	_ =	sdelay $0x2  }
0x17b: {  	s26 =	sadd.s32 $0x88, s26;
	s0 =	sadd.s32 s0, s23  }
0x17c: {  	[hbm4b:s0+s3] =	stream.linear.scatter [tilespmem:s24], [sflag:$0x4], $0x80, $0x38;
	[tilespmem:$0x18E00] =	vst v63  }
0x17d: {  	s23 =	sadd.s32 $0xC000, s9;
	s24 =	simm.s32 $0x178C0  }
0x17e: {  	s25 =	simm.s32 $0x10;
	s26 =	simm.s32 $0x17948;
	s0 =	sadd.s32 $0x0, s23  }
.LBB2_42:
0x17f: {  	[hbm4b:s0+s3] =	stream.linear.scatter [tilespmem:s24], [sflag:$0x4], $0x80, $0x38;
	[tilespmem:$0x18E00] =	vst v63  }
0x180: {  	s0 =	smov.u32 s25;
	s24 =	smov.u32 s26;
	p0 =	sne.s32 s25, $0x1F0  }
.Ltmp20:
0x181: {  	s25 =	sadd.s32 $0x10, s25;
	(pc) =	sbr.rel @p0 .LBB2_42-.Ltmp20, $2  }
0x182: {  	_ =	sdelay $0x2  }
0x183: {  	s26 =	sadd.s32 $0x88, s26;
	s0 =	sadd.s32 s0, s23  }
0x184: {  	[hbm4b:s0+s3] =	stream.linear.scatter [tilespmem:s24], [sflag:$0x4], $0x80, $0x38;
	[tilespmem:$0x18E00] =	vst v63  }
0x185: {  	s22 =	sadd.s32 $0x1, s22  }
0x186: {  	_ =	swait.ge [sflag:s20], $0x4000;
	p0 =	sne.s32 s22, s10  }
.Ltmp21:
0x187: {  	[sflag:s20] =	ssyncset.done $0x0;
	(pc) =	sbr.rel @p0 .LBB2_1-.Ltmp21, $4  }
0x188: {  	[sflag:s20] =	ssyncadd.s32 $0xFFFFC000  }
0x189: {  	_ =	swait.ge [sflag:s21], $0x4000  }
0x18a: {  	[sflag:s21] =	ssyncset.done $0x0  }
0x18b: {  	[sflag:s21] =	ssyncadd.s32 $0xFFFFC000  }
0x18c: {  	_ =	sfence.sel $0x180000  }
0x18d: {  	[bflag:$0x0] =	sbarrier.arrive $0xFFFF  }
0x18e: {  	_ =	strace $0x9000004A  }
0x18f: {  	s0 =	stileid.u32;
	[bflag:$0x2] =	sbarrier.arrive $0xFFFF  }
0x190: {  	p0 =	sne.s32 s0, $0x0;
	s0 =	rddreg [dreg:$0x2]  }
0x191: {  	s0 =	sadd.s32 @!p0 $0x100000, s0  }
0x192: {  	[sflag:s0] =	ssyncadd.tile.s32 @!p0 $0x1;
	_ =	shalt  }
.Lfunc_end2:
_tile_overlayer_lowered:
.L_overlay_start_2:
0x193: {  	(tag) =	ssettag $0x2  }
0x194: {  	s0 =	rddreg [dreg:$0x0];
	s2 =	stileid.u32  }
0x195: {  	s1 =	rddreg [dreg:$0x1];
	p0 =	sne.s32 s2, $0x0  }
0x196: {  	s3 =	rddreg [dreg:$0x2];
	[bflag:$0x3] =	sbarrier.arrive $0xFFFF;
	s2 =	simm.s32 @!p0 $0x1C05  }
0x197: {  	[timem:s3], [sflag:s2] =	dma.local @!p0 [hbm:s0], s1  }
0x198: {  	s0 =	simm.s32 @!p0 $0x5  }
0x199: {  	_ =	swait.ge @!p0 [sflag:s0], s1  }
0x19a: {  	s1 =	ssub.s32 @!p0 $0x0, s1;
	[sflag:s0] =	ssyncset.done @!p0 $0x0  }
0x19b: {  	[sflag:s0] =	ssyncadd.s32 @!p0 s1  }
0x19c: {  	[bflag:$0x3] =	sbarrier.arrive $0xFFFF  }
0x19d: {  	_ =	shalt  }

</sc_bundles>
